<compile_context>
chip_gen: v7x
topology: tpu7x:2x2x1
jax: 0.10.2.dev20260603
libtpu: 0.0.44.dev20260713+nightly
codegen_flags: <defaults>
</compile_context>

<pallas_src>
import functools
import math

import jax
import jax.numpy as jnp
from jax import lax
from jax.experimental import pallas as pl
from jax.experimental.pallas import tpu as pltpu
from jax.experimental.pallas import tpu_sc as plsc

B, L, D = 1, 8192, 1024
H = 16
DH = D // H
INNER = 1024
NUM_PROJS = 7
BLOCK = 256
SAMPLE = 256
NB = L // BLOCK
NCH = 32
CH = L // NCH
SCALE = DH ** -0.5
ROW = 2 * DH

_BF = jnp.bfloat16
_F32 = jnp.float32

_NC = 2
_LN = 16
GCH = 128


def _dot_bf16(a, b):
    return jnp.dot(a.astype(_BF), b.astype(_BF), preferred_element_type=_F32)


def _dotg_bf16(a, b):
    return lax.dot_general(a.astype(_BF), b.astype(_BF),
                           (((1,), (1,)), ((), ())),
                           preferred_element_type=_F32)



def _bins_from(s):
    lane = lax.broadcasted_iota(jnp.int32, (1, 128), 1)
    enc = jnp.where(lane < NUM_PROJS,
                    jnp.left_shift(1, jnp.where(lane < NUM_PROJS, lane, 0)), 0)
    bins = jnp.sum(jnp.where(s > 0, enc, 0), axis=1)
    return jnp.bitwise_xor(bins, jnp.right_shift(bins, 1))


def _qkv_kernel(x_ref, wq_ref, wkv_ref, bq_ref, bkv_ref, lsh_ref,
                oq_ref, okv_ref, obq_ref, obk_ref):
    h = pl.program_id(1)
    x = x_ref[...]
    oq = _dot_bf16(x, wq_ref[pl.ds(h, 1)][0]) + bq_ref[pl.ds(h, 1)][0]
    okv = _dot_bf16(x, wkv_ref[pl.ds(h, 1)][0]) + bkv_ref[pl.ds(h, 1)][0]
    oq_ref[0] = oq
    okv_ref[0] = okv
    obq_ref[0, 0, :] = _bins_from(_dot_bf16(oq, lsh_ref[...]))
    obk_ref[0, 0, :] = _bins_from(_dot_bf16(okv, lsh_ref[...]))


def _qkv_tables(x2d, wq, wkv, bq, bkv, lsh_pad):
    BM = 2048
    hb = pl.BlockSpec((H, D, ROW), lambda i, h: (0, 0, 0))
    bb = pl.BlockSpec((H, 1, ROW), lambda i, h: (0, 0, 0))
    ob = pl.BlockSpec((1, BM, ROW), lambda i, h: (h, i, 0))
    bins_b = pl.BlockSpec((1, 1, BM), lambda i, h: (h * (L // BM) + i, 0, 0))
    return pl.pallas_call(
        _qkv_kernel,
        grid=(L // BM, H),
        in_specs=[pl.BlockSpec((BM, D), lambda i, h: (i, 0)), hb, hb, bb, bb,
                  pl.BlockSpec((ROW, 128), lambda i, h: (0, 0))],
        out_specs=[ob, ob, bins_b, bins_b],
        out_shape=[jax.ShapeDtypeStruct((H, L, ROW), _F32),
                   jax.ShapeDtypeStruct((H, L, ROW), _F32),
                   jax.ShapeDtypeStruct((H * L // BM, 1, BM), jnp.int32),
                   jax.ShapeDtypeStruct((H * L // BM, 1, BM), jnp.int32)],
    )(x2d, wq, wkv, bq, bkv, lsh_pad)



_T = NCH * 128


def _sortpos_kernel(keys_ref, tri256_ref, e_ref, r_ref, v_ref, v2_ref,
                    triu32_ref, tri128_ref, vpat_ref, o_ref):
    keysf = keys_ref[0].astype(_F32)
    krep = jnp.dot(keysf.astype(_BF), e_ref[...],
                   preferred_element_type=_F32)
    oh = (krep == vpat_ref[...]).astype(_F32)
    ohb = oh.astype(_BF)
    rank_m = jnp.dot(tri256_ref[...], ohb, preferred_element_type=_F32)
    rank = jnp.dot((oh * rank_m).astype(_BF), r_ref[...],
                   preferred_element_type=_F32)
    hist_t = jnp.sum(oh, axis=0, keepdims=True)
    hist_vc = jnp.dot((v2_ref[...] * hist_t).astype(_BF), r_ref[...],
                      preferred_element_type=_F32)
    excl_vc = jnp.dot(hist_vc.astype(_BF), triu32_ref[...],
                      preferred_element_type=_F32)
    totalv = jnp.sum(hist_vc, axis=1, keepdims=True)
    key_off = jnp.dot(tri128_ref[...], totalv,
                      precision=lax.Precision.HIGHEST,
                      preferred_element_type=_F32)
    base_vc = key_off + excl_vc
    hi = jnp.floor(base_vc * (1.0 / 32.0))
    lo = base_vc - hi * 32.0
    bhi = jnp.dot(v_ref[...], hi.astype(_BF), preferred_element_type=_F32)
    blo = jnp.dot(v_ref[...], lo.astype(_BF), preferred_element_type=_F32)
    r_f = r_ref[...].astype(_F32)
    ph = jnp.dot(ohb, (bhi * r_f).astype(_BF), preferred_element_type=_F32)
    pll = jnp.dot(ohb, (blo * r_f).astype(_BF), preferred_element_type=_F32)
    pos = ph * 32.0 + pll + rank
    o_ref[0] = pos.astype(jnp.int32)


def _sort_positions(keysT):
    t_row = lax.broadcasted_iota(jnp.int32, (1, _T), 1)
    c_of_t = t_row >> 7
    v_of_t = t_row & 127
    e_m = ((t_row >> 7) == lax.broadcasted_iota(jnp.int32, (NCH, 1), 0)).astype(_BF)
    t_col = lax.broadcasted_iota(jnp.int32, (_T, 1), 0)
    r_m = ((t_col >> 7) == lax.broadcasted_iota(jnp.int32, (1, NCH), 1)).astype(_BF)
    v_m = ((t_col & 127) == lax.broadcasted_iota(jnp.int32, (1, 128), 1)).astype(_BF)
    v2_m = ((t_row & 127) == lax.broadcasted_iota(jnp.int32, (128, 1), 0)).astype(_F32)
    i256 = lax.broadcasted_iota(jnp.int32, (CH, CH), 0)
    j256 = lax.broadcasted_iota(jnp.int32, (CH, CH), 1)
    tri256 = (j256 < i256).astype(_BF)
    i32m = lax.broadcasted_iota(jnp.int32, (NCH, NCH), 0)
    j32m = lax.broadcasted_iota(jnp.int32, (NCH, NCH), 1)
    triu32 = (i32m < j32m).astype(_BF)
    i128 = lax.broadcasted_iota(jnp.int32, (128, 128), 0)
    j128 = lax.broadcasted_iota(jnp.int32, (128, 128), 1)
    tri128 = (j128 < i128).astype(_F32)
    vpat = v_of_t.astype(_F32)

    full = lambda shape: pl.BlockSpec(shape, lambda i: tuple(0 for _ in shape))
    return pl.pallas_call(
        _sortpos_kernel,
        grid=(2 * H,),
        in_specs=[pl.BlockSpec((1, CH, NCH), lambda i: (i, 0, 0)),
                  full((CH, CH)), full((NCH, _T)), full((_T, NCH)),
                  full((_T, 128)), full((128, _T)), full((NCH, NCH)),
                  full((128, 128)), full((1, _T))],
        out_specs=pl.BlockSpec((1, CH, NCH), lambda i: (i, 0, 0)),
        out_shape=jax.ShapeDtypeStruct((2 * H, CH, NCH), jnp.int32),
    )(keysT, tri256, e_m, r_m, v_m, v2_m, triu32, tri128, vpat)



def _sc_gather_sorted(table_q, table_kv, pos_flat, samp_flat):
    mesh = plsc.VectorSubcoreMesh(core_axis_name="c", subcore_axis_name="s")

    @functools.partial(
        pl.kernel, mesh=mesh,
        out_type=[jax.ShapeDtypeStruct((H, L, ROW), _F32),
                  jax.ShapeDtypeStruct((H, L, ROW), _F32),
                  jax.ShapeDtypeStruct((H, SAMPLE, ROW), _F32)],
        scratch_types=[pltpu.VMEM((L,), jnp.int32),
                       pltpu.VMEM((GCH,), jnp.int32),
                       pltpu.VMEM((GCH,), jnp.int32),
                       pltpu.VMEM((GCH, ROW), _F32),
                       pltpu.VMEM((GCH, ROW), _F32),
                       pltpu.VMEM((SAMPLE,), jnp.int32),
                       pltpu.SemaphoreType.DMA,
                       pltpu.SemaphoreType.DMA,
                       pltpu.SemaphoreType.DMA,
                       pltpu.SemaphoreType.DMA],
    )
    def k(tq_hbm, tkv_hbm, pos_hbm, samp_hbm, qs_hbm, kvs_hbm, sub_hbm,
          posbuf, idx_c0, idx_c1, rowbuf0, rowbuf1, sampbuf,
          semr0, semr1, semw0, semw1):
        wid = lax.axis_index("s") * _NC + lax.axis_index("c")
        h = lax.rem(wid, H)

        pltpu.sync_copy(pos_hbm.at[pl.ds(wid * L, L)], posbuf)

        def scatter_pair(table, out, j):
            c0, c1 = 2 * j, 2 * j + 1
            r0 = pltpu.async_copy(table.at[h].at[pl.ds(c0 * GCH, GCH)],
                                  rowbuf0, semr0)
            r1 = pltpu.async_copy(table.at[h].at[pl.ds(c1 * GCH, GCH)],
                                  rowbuf1, semr1)
            for r in range(GCH // _LN):
                idx_c0[pl.ds(r * _LN, _LN)] = \
                    posbuf[pl.ds(c0 * GCH + r * _LN, _LN)]
                idx_c1[pl.ds(r * _LN, _LN)] = \
                    posbuf[pl.ds(c1 * GCH + r * _LN, _LN)]
            r0.wait()
            w0 = pltpu.async_copy(rowbuf0, out.at[h].at[idx_c0], semw0)
            r1.wait()
            w1 = pltpu.async_copy(rowbuf1, out.at[h].at[idx_c1], semw1)
            w0.wait()
            w1.wait()

        @pl.when(wid < H)
        def _():
            lax.fori_loop(0, L // GCH // 2,
                          lambda j, _: (scatter_pair(tq_hbm, qs_hbm, j), 0)[1],
                          0)

        @pl.when(wid >= H)
        def _():
            lax.fori_loop(0, L // GCH // 2,
                          lambda j, _: (scatter_pair(tkv_hbm, kvs_hbm, j), 0)[1],
                          0)
            pltpu.sync_copy(samp_hbm.at[pl.ds(h * SAMPLE, SAMPLE)], sampbuf)
            for cc in range(SAMPLE // GCH):
                for r in range(GCH // _LN):
                    idx_c0[pl.ds(r * _LN, _LN)] = \
                        sampbuf[pl.ds(cc * GCH + r * _LN, _LN)]
                pltpu.async_copy(kvs_hbm.at[h].at[idx_c0], rowbuf0, semr0).wait()
                pltpu.sync_copy(rowbuf0, sub_hbm.at[h].at[pl.ds(cc * GCH, GCH)])

    return k(table_q, table_kv, pos_flat, samp_flat)



def _sc_unsort(attn, pos_flat):
    mesh = plsc.VectorSubcoreMesh(core_axis_name="c", subcore_axis_name="s")
    HALF = L // 2

    @functools.partial(
        pl.kernel, mesh=mesh,
        out_type=jax.ShapeDtypeStruct((H, L, ROW), _F32),
        scratch_types=[pltpu.VMEM((HALF,), jnp.int32),
                       pltpu.VMEM((GCH,), jnp.int32),
                       pltpu.VMEM((GCH,), jnp.int32),
                       pltpu.VMEM((GCH, ROW), _F32),
                       pltpu.VMEM((GCH, ROW), _F32),
                       pltpu.SemaphoreType.DMA,
                       pltpu.SemaphoreType.DMA,
                       pltpu.SemaphoreType.DMA,
                       pltpu.SemaphoreType.DMA],
    )
    def k(attn_hbm, pos_hbm, out_hbm, posbuf, idx_c0, idx_c1,
          rowbuf0, rowbuf1, semr0, semr1, semw0, semw1):
        wid = lax.axis_index("s") * _NC + lax.axis_index("c")
        h = lax.rem(wid, H)
        half = wid // H
        base = h * L + half * HALF
        pltpu.sync_copy(pos_hbm.at[pl.ds(base, HALF)], posbuf)

        def body(j, _):
            c0, c1 = 2 * j, 2 * j + 1
            for r in range(GCH // _LN):
                idx_c0[pl.ds(r * _LN, _LN)] = \
                    posbuf[pl.ds(c0 * GCH + r * _LN, _LN)]
                idx_c1[pl.ds(r * _LN, _LN)] = \
                    posbuf[pl.ds(c1 * GCH + r * _LN, _LN)]
            r0 = pltpu.async_copy(attn_hbm.at[h].at[idx_c0], rowbuf0, semr0)
            r1 = pltpu.async_copy(attn_hbm.at[h].at[idx_c1], rowbuf1, semr1)
            r0.wait()
            w0 = pltpu.async_copy(
                rowbuf0, out_hbm.at[h].at[pl.ds(half * HALF + c0 * GCH, GCH)],
                semw0)
            r1.wait()
            w1 = pltpu.async_copy(
                rowbuf1, out_hbm.at[h].at[pl.ds(half * HALF + c1 * GCH, GCH)],
                semw1)
            w0.wait()
            w1.wait()
            return 0
        lax.fori_loop(0, HALF // GCH // 2, body, 0)

    return k(attn, pos_flat)



_AB = 8


def _attn_kernel(q_ref, kv_ref, sub_ref, samp_ref, o_ref):
    sub = sub_ref[0]
    samp = samp_ref[0]
    sampb = samp // BLOCK
    for b in range(_AB):
        nb = pl.program_id(1) * _AB + b
        sl = pl.ds(b * BLOCK, BLOCK)
        qb = q_ref[0, sl, :DH]
        kv = kv_ref[0, sl, :]
        kb, vb = kv[:, :DH], kv[:, DH:]

        s1 = _dotg_bf16(qb, kb) * SCALE
        m1 = jnp.max(s1, axis=1, keepdims=True)
        e1 = jnp.exp(s1 - m1)
        l1 = jnp.log(jnp.sum(e1, axis=1, keepdims=True)) + m1
        a1 = jnp.exp(s1 - l1)
        o1 = _dot_bf16(a1, vb)

        bias = (sampb == nb).astype(_F32) * jnp.finfo(_F32).min
        s2 = _dotg_bf16(qb, sub[:, :DH]) * SCALE + bias
        m2 = jnp.max(s2, axis=1, keepdims=True)
        e2 = jnp.exp(s2 - m2)
        l2 = jnp.log(jnp.sum(e2, axis=1, keepdims=True)) + m2
        a2 = jnp.exp(s2 - l2)
        o2 = _dot_bf16(a2, sub[:, DH:])

        lse_res = l2 + math.log(L / SAMPLE)
        c = 1.0 / (1.0 + jnp.exp(lse_res - l1))
        o_ref[0, sl, :DH] = c * o1 + (1.0 - c) * o2
        o_ref[0, sl, DH:] = jnp.zeros((BLOCK, DH), _F32)


def _fused_attention(q_s, kv_s, kv_sub, samp):
    blk = pl.BlockSpec((1, _AB * BLOCK, ROW), lambda h, n: (h, n, 0))
    head = pl.BlockSpec((1, SAMPLE, ROW), lambda h, n: (h, 0, 0))
    return pl.pallas_call(
        _attn_kernel,
        grid=(H, NB // _AB),
        in_specs=[blk, blk, head,
                  pl.BlockSpec((1, 1, SAMPLE), lambda h, n: (h, 0, 0))],
        out_specs=blk,
        out_shape=jax.ShapeDtypeStruct((H, L, ROW), _F32),
    )(q_s, kv_s, kv_sub, samp)



def _proj_kernel(a_ref, w_ref, b_ref, o_ref):
    acc = _dot_bf16(a_ref[0], w_ref[0])
    for h in range(1, H):
        acc = acc + _dot_bf16(a_ref[h], w_ref[h])
    o_ref[...] = acc + b_ref[...]


def _proj_matmul(attn_u, w2, pb):
    BM = 1024
    return pl.pallas_call(
        _proj_kernel,
        grid=(L // BM,),
        in_specs=[pl.BlockSpec((H, BM, ROW), lambda i: (0, i, 0)),
                  pl.BlockSpec((H, ROW, D), lambda i: (0, 0, 0)),
                  pl.BlockSpec((1, D), lambda i: (0, 0))],
        out_specs=pl.BlockSpec((BM, D), lambda i: (i, 0)),
        out_shape=jax.ShapeDtypeStruct((L, D), _F32),
    )(attn_u, w2, pb)



def kernel(x, qkv_w, qkv_b, proj_w, proj_b, lsh_proj, sampled_set):
    x2d = x.reshape(L, D)

    zq = jnp.zeros((H, D, DH), _F32)
    wq = jnp.concatenate(
        [qkv_w[:INNER].reshape(H, DH, D).transpose(0, 2, 1), zq], axis=2)
    wkv = jnp.concatenate(
        [qkv_w[INNER:2 * INNER].reshape(H, DH, D).transpose(0, 2, 1),
         qkv_w[2 * INNER:].reshape(H, DH, D).transpose(0, 2, 1)], axis=2)
    bq = jnp.concatenate(
        [qkv_b[:INNER].reshape(H, 1, DH), jnp.zeros((H, 1, DH), _F32)], axis=2)
    bkv = jnp.concatenate(
        [qkv_b[INNER:2 * INNER].reshape(H, 1, DH),
         qkv_b[2 * INNER:].reshape(H, 1, DH)], axis=2)
    lsh_pad = jnp.concatenate(
        [jnp.concatenate([lsh_proj, jnp.zeros((DH, NUM_PROJS), _F32)], axis=0),
         jnp.zeros((ROW, 128 - NUM_PROJS), _F32)], axis=1)
    w2 = jnp.concatenate(
        [proj_w.T.reshape(H, DH, D), jnp.zeros((H, DH, D), _F32)],
        axis=1).astype(_BF)

    table_q, table_kv, bins_q, bins_k = _qkv_tables(x2d, wq, wkv, bq, bkv,
                                                    lsh_pad)
    bins = jnp.concatenate([bins_q, bins_k], axis=0)
    keysT = bins.reshape(2 * H, NCH, CH).transpose(0, 2, 1)
    posT = _sort_positions(keysT)
    pos_flat = posT.transpose(0, 2, 1).reshape(2 * H * L)

    samp = sampled_set[0].astype(jnp.int32)
    samp_flat = samp.reshape(H * SAMPLE)

    q_s, kv_s, kv_sub = _sc_gather_sorted(table_q, table_kv,
                                          pos_flat, samp_flat)

    attn = _fused_attention(q_s, kv_s, kv_sub, samp.reshape(H, 1, SAMPLE))

    attn_u = _sc_unsort(attn, pos_flat)

    out = _proj_matmul(attn_u, w2, proj_b.reshape(1, D))
    return out.reshape(B, L, D)

# --- scband reference (transcript-rebuilt; emitter-appended) ---
"""Pipeline reference for scband-llmattention-71579924955323 (READ-ONLY COPY).

The authoritative reference and input builder live on the scoring server;
editing this copy changes nothing except your own understanding.
"""

import jax, jax.numpy as jnp
import numpy as np
import math

B, L, D = 1, 8192, 1024
H = 16
DH = D // H
INNER = 1024
NUM_PROJS = 7
BLOCK = 256
SAMPLE = 256

def _unit_hamming(n):
    if n == 1:
        return np.array([0, 1], dtype=np.int32)
    a = _unit_hamming(n - 1)
    return np.concatenate([a, a[::-1] + a.shape[0]], 0)

PERM = jnp.asarray(_unit_hamming(NUM_PROJS))
ENC = (2 ** jnp.arange(NUM_PROJS, dtype=jnp.int32)).reshape(1, 1, 1, -1)


def setup_inputs(seed: int = 0):
    key = jax.random.key(seed)
    ks = jax.random.split(key, 6)
    x = jax.random.normal(ks[0], (B, L, D), dtype=jnp.float32)
    qkv_w = jax.random.normal(ks[1], (3 * INNER, D), dtype=jnp.float32) * (D ** -0.5)
    qkv_b = jnp.zeros((3 * INNER,), dtype=jnp.float32)
    proj_w = jax.random.normal(ks[2], (D, INNER), dtype=jnp.float32) * (INNER ** -0.5)
    proj_b = jnp.zeros((D,), dtype=jnp.float32)
    lsh_proj = jax.random.normal(ks[3], (DH, NUM_PROJS), dtype=jnp.float32)
    sampled_set = jax.random.randint(ks[4], (B, H, SAMPLE), 0, L)
    return {"x": x, "qkv_w": qkv_w, "qkv_b": qkv_b, "proj_w": proj_w, "proj_b": proj_b, "lsh_proj": lsh_proj, "sampled_set": sampled_set}


def _lsh_hash(mat, proj):
    mask = (jnp.einsum('bhnd,dr->bhnr', mat, proj) > 0).astype(jnp.int32)
    bin_ids = (mask * ENC).sum(-1)
    return PERM[bin_ids]


def _exact_attention(q, k, v, scale, bias=None):
    s = jnp.einsum('bhqd,bhkd->bhqk', q, k) * scale
    if bias is not None:
        s = s + bias
    lse = jax.nn.logsumexp(s, axis=-1, keepdims=True)
    a = jnp.exp(s - lse)
    return jnp.einsum('bhqk,bhkd->bhqd', a, v), lse


def _gather(x, idx):
    return jnp.take_along_axis(x, idx[..., None], axis=2)


def _hyper_attention(q, k, v, lsh_proj, sampled_set, scale):
    # 1) sortLSH block-diagonal attention
    q_idx = jnp.argsort(_lsh_hash(q, lsh_proj), axis=2)
    k_idx = jnp.argsort(_lsh_hash(k, lsh_proj), axis=2)
    q_idx_inv = jnp.argsort(q_idx, axis=2)
    q_s = _gather(q, q_idx)
    k_s = _gather(k, k_idx)
    v_s = _gather(v, k_idx)
    nb = L // BLOCK
    qb = q_s.reshape(B * H * nb, 1, BLOCK, DH)
    kb = k_s.reshape(B * H * nb, 1, BLOCK, DH)
    vb = v_s.reshape(B * H * nb, 1, BLOCK, DH)
    attn_block, lse_block = _exact_attention(qb, kb, vb, scale)
    attn_block = attn_block.reshape(B, H, L, DH)
    lse_block = lse_block.reshape(B, H, L, 1)
    # 2) residual low-rank part via uniform column sampling
    k_sub = _gather(k_s, sampled_set)
    v_sub = _gather(v_s, sampled_set)
    offset_n = jnp.arange(L).reshape(1, 1, L, 1)
    block_mask = (offset_n // BLOCK) == (sampled_set // BLOCK).reshape(B, H, 1, SAMPLE)
    bias = block_mask.astype(q.dtype) * jnp.finfo(q.dtype).min
    attn_res, lse_res = _exact_attention(q_s, k_sub, v_sub, scale, bias=bias)
    lse_res = lse_res + math.log(L / SAMPLE)
    # add the two attentions
    c = 1.0 / (1.0 + jnp.exp(lse_res - lse_block))
    attn = c * attn_block + (1.0 - c) * attn_res
    # undo query sort
    return _gather(attn, q_idx_inv)


def reference(x, qkv_w, qkv_b, proj_w, proj_b, lsh_proj, sampled_set):
    qkv = x @ qkv_w.T + qkv_b
    qkv = qkv.reshape(B, L, 3, H, DH).transpose(2, 0, 3, 1, 4)
    q, k, v = qkv[0], qkv[1], qkv[2]
    attn = _hyper_attention(q, k, v, lsh_proj, sampled_set, DH ** -0.5)
    attn = attn.transpose(0, 2, 1, 3).reshape(B, L, INNER)
    return attn @ proj_w.T + proj_b

if __name__ == "__main__":
    import jax
    _d = setup_inputs()
    print(jax.jit(kernel)(*tuple(_d.values())))

</pallas_src>

<mosaic_0001>
#map = affine_map<(d0, d1) -> (0, 0, 0)>
#map1 = affine_map<(d0, d1) -> (0)>
module attributes {stable_mosaic.version = 14 : i64} {
  func.func @k(%arg0: i32, %arg1: i32, %arg2: memref<16x8192x128xf32, #tpu.memory_space<hbm>>, %arg3: memref<262144xi32, #tpu.memory_space<hbm>>, %arg4: memref<16x8192x128xf32, #tpu.memory_space<hbm>>, %arg5: memref<4096xi32, #tpu.memory_space<vmem>>, %arg6: memref<128xi32, #tpu.memory_space<vmem>>, %arg7: memref<128xi32, #tpu.memory_space<vmem>>, %arg8: memref<128x128xf32, #tpu.memory_space<vmem>>, %arg9: memref<128x128xf32, #tpu.memory_space<vmem>>, %arg10: memref<!tpu.dma_semaphore, #tpu.memory_space<semaphore_mem>>, %arg11: memref<!tpu.dma_semaphore, #tpu.memory_space<semaphore_mem>>, %arg12: memref<!tpu.dma_semaphore, #tpu.memory_space<semaphore_mem>>, %arg13: memref<!tpu.dma_semaphore, #tpu.memory_space<semaphore_mem>>) attributes {dimension_semantics = [#tpu.dimension_semantics<core_parallel>, #tpu.dimension_semantics<subcore_parallel>], iteration_bounds = array<i64: 2, 16>, scalar_prefetch = 0 : i64, scratch_operands = 9 : i64, tpu.core_type = #tpu.core_type<sc_vector_subcore>, window_params = [{transform_indices = #map}, {transform_indices = #map1}, {transform_indices = #map}]} {
    %mul3A = arith.constant 2 : i32
    %mul3A_0 = arith.muli %arg1, %mul3A : i32
    %add3A = arith.addi %mul3A_0, %arg0 : i32
    %rem3A = arith.constant 16 : i32
    %rem3A_1 = arith.remsi %add3A, %rem3A : i32
    %jit3A = arith.constant 16 : i32
    %div3A = arith.divsi %add3A, %jit3A : i32
    %sign3A = arith.constant 0 : i32
    %sign3A_2 = arith.cmpi sgt, %add3A, %sign3A : i32
    %sign3A_3 = arith.extui %sign3A_2 : i1 to i32
    %sign3A_4 = arith.constant 0 : i32
    %sign3A_5 = arith.cmpi slt, %add3A, %sign3A_4 : i32
    %sign3A_6 = arith.extui %sign3A_5 : i1 to i32
    %sign3A_7 = arith.subi %sign3A_3, %sign3A_6 : i32
    %sign3A_8 = arith.constant 0 : i32
    %sign3A_9 = arith.cmpi sgt, %jit3A, %sign3A_8 : i32
    %sign3A_10 = arith.extui %sign3A_9 : i1 to i32
    %sign3A_11 = arith.constant 0 : i32
    %sign3A_12 = arith.cmpi slt, %jit3A, %sign3A_11 : i32
    %sign3A_13 = arith.extui %sign3A_12 : i1 to i32
    %sign3A_14 = arith.subi %sign3A_10, %sign3A_13 : i32
    %ne3A = arith.cmpi ne, %sign3A_7, %sign3A_14 : i32
    %rem3A_15 = arith.remsi %add3A, %jit3A : i32
    %ne3A_16 = arith.constant 0 : i32
    %ne3A_17 = arith.cmpi ne, %rem3A_15, %ne3A_16 : i32
    %and3A = arith.andi %ne3A, %ne3A_17 : i1
    %sub3A = arith.constant 1 : i32
    %sub3A_18 = arith.subi %div3A, %sub3A : i32
    %select_n3A = arith.select %and3A, %sub3A_18, %div3A : i32
    %mul3A_19 = arith.constant 8192 : i32
    %mul3A_20 = arith.muli %rem3A_1, %mul3A_19 : i32
    %mul3A_21 = arith.constant 4096 : i32
    %mul3A_22 = arith.muli %select_n3A, %mul3A_21 : i32
    %add3A_23 = arith.addi %mul3A_20, %mul3A_22 : i32
    "tpu.region"() ({
      %run_scoped3A = tpu.sem_alloc : memref<!tpu.dma_semaphore, #tpu.memory_space<semaphore_mem>>
      %dma_start3A = tpu.memref_slice %arg3[%add3A_23] : memref<262144xi32, #tpu.memory_space<hbm>> -> memref<4096xi32, #tpu.memory_space<hbm>>
      %dma_start3A_30 = tpu.memref_slice %arg3[%add3A_23] : memref<262144xi32, #tpu.memory_space<hbm>> -> memref<4096xi32, #tpu.memory_space<hbm>>
      tpu.enqueue_dma source(%dma_start3A_30 : memref<4096xi32, #tpu.memory_space<hbm>>) target(%arg5 : memref<4096xi32, #tpu.memory_space<vmem>>) target_semaphore(%run_scoped3A : memref<!tpu.dma_semaphore, #tpu.memory_space<semaphore_mem>>)
      %dma_wait3A = tpu.memref_slice %arg3[%add3A_23] : memref<262144xi32, #tpu.memory_space<hbm>> -> memref<4096xi32, #tpu.memory_space<hbm>>
      %dma_wait3A_31 = tpu.memref_slice %arg3[%add3A_23] : memref<262144xi32, #tpu.memory_space<hbm>> -> memref<4096xi32, #tpu.memory_space<hbm>>
      tpu.wait_dma2 semaphore(%run_scoped3A : memref<!tpu.dma_semaphore, #tpu.memory_space<semaphore_mem>>) src(%dma_wait3A_31 : memref<4096xi32, #tpu.memory_space<hbm>>) dst(%arg5 : memref<4096xi32, #tpu.memory_space<vmem>>)
      tpu.yield
    }) : () -> ()
    %scan3A = arith.constant 0 : i32
    %scan3A_24 = arith.constant 0 : i32
    %scan3A_25 = arith.constant 16 : i32
    %scan3A_26 = arith.addi %scan3A_24, %scan3A_25 : i32
    %scan3A_27 = arith.constant 1 : i32
    %scan3A_28 = scf.for %scan3A_30 = %scan3A_24 to %scan3A_26 step %scan3A_27 iter_args(%scan3A_31 = %scan3A) -> (i32)  : i32 {
      %mul3A_32 = arith.constant 2 : i32
      %mul3A_33 = arith.muli %mul3A_32, %scan3A_30 : i32
      %mul3A_34 = arith.constant 2 : i32
      %mul3A_35 = arith.muli %mul3A_34, %scan3A_30 : i32
      %add3A_36 = arith.constant 1 : i32
      %add3A_37 = arith.addi %mul3A_35, %add3A_36 : i32
      %mul3A_38 = arith.constant 128 : i32
      %mul3A_39 = arith.muli %mul3A_33, %mul3A_38 : i32
      %add3A_40 = arith.constant 0 : i32
      %add3A_41 = arith.addi %mul3A_39, %add3A_40 : i32
      %get3A = arith.index_cast %add3A_41 : i32 to index
      %get3A_42 = tpu.vector_load %arg5[%get3A] {strides = array<i32>} : memref<4096xi32, #tpu.memory_space<vmem>>, vector<16xi32>,
      %get3A_43 = vector.shape_cast %get3A_42 : vector<16xi32> to vector<16xi32>
      %swap3A = arith.constant 0 : index
      %swap3A_44 = tpu.vector_load %arg6[%swap3A] {strides = array<i32>} : memref<128xi32, #tpu.memory_space<vmem>>, vector<16xi32>,
      %swap3A_45 = vector.shape_cast %swap3A_44 : vector<16xi32> to vector<16xi32>
      %swap3A_46 = vector.shape_cast %get3A_43 : vector<16xi32> to vector<16xi32>
      tpu.vector_store %arg6[%swap3A], %swap3A_46 {strides = array<i32>} : memref<128xi32, #tpu.memory_space<vmem>>, vector<16xi32>,
      %mul3A_47 = arith.constant 128 : i32
      %mul3A_48 = arith.muli %add3A_37, %mul3A_47 : i32
      %add3A_49 = arith.constant 0 : i32
      %add3A_50 = arith.addi %mul3A_48, %add3A_49 : i32
      %get3A_51 = arith.index_cast %add3A_50 : i32 to index
      %get3A_52 = tpu.vector_load %arg5[%get3A_51] {strides = array<i32>} : memref<4096xi32, #tpu.memory_space<vmem>>, vector<16xi32>,
      %get3A_53 = vector.shape_cast %get3A_52 : vector<16xi32> to vector<16xi32>
      %swap3A_54 = arith.constant 0 : index
      %swap3A_55 = tpu.vector_load %arg7[%swap3A_54] {strides = array<i32>} : memref<128xi32, #tpu.memory_space<vmem>>, vector<16xi32>,
      %swap3A_56 = vector.shape_cast %swap3A_55 : vector<16xi32> to vector<16xi32>
      %swap3A_57 = vector.shape_cast %get3A_53 : vector<16xi32> to vector<16xi32>
      tpu.vector_store %arg7[%swap3A_54], %swap3A_57 {strides = array<i32>} : memref<128xi32, #tpu.memory_space<vmem>>, vector<16xi32>,
      %mul3A_58 = arith.constant 128 : i32
      %mul3A_59 = arith.muli %mul3A_33, %mul3A_58 : i32
      %add3A_60 = arith.constant 16 : i32
      %add3A_61 = arith.addi %mul3A_59, %add3A_60 : i32
      %get3A_62 = arith.index_cast %add3A_61 : i32 to index
      %get3A_63 = tpu.vector_load %arg5[%get3A_62] {strides = array<i32>} : memref<4096xi32, #tpu.memory_space<vmem>>, vector<16xi32>,
      %get3A_64 = vector.shape_cast %get3A_63 : vector<16xi32> to vector<16xi32>
      %swap3A_65 = arith.constant 16 : index
      %swap3A_66 = tpu.vector_load %arg6[%swap3A_65] {strides = array<i32>} : memref<128xi32, #tpu.memory_space<vmem>>, vector<16xi32>,
      %swap3A_67 = vector.shape_cast %swap3A_66 : vector<16xi32> to vector<16xi32>
      %swap3A_68 = vector.shape_cast %get3A_64 : vector<16xi32> to vector<16xi32>
      tpu.vector_store %arg6[%swap3A_65], %swap3A_68 {strides = array<i32>} : memref<128xi32, #tpu.memory_space<vmem>>, vector<16xi32>,
      %mul3A_69 = arith.constant 128 : i32
      %mul3A_70 = arith.muli %add3A_37, %mul3A_69 : i32
      %add3A_71 = arith.constant 16 : i32
      %add3A_72 = arith.addi %mul3A_70, %add3A_71 : i32
      %get3A_73 = arith.index_cast %add3A_72 : i32 to index
      %get3A_74 = tpu.vector_load %arg5[%get3A_73] {strides = array<i32>} : memref<4096xi32, #tpu.memory_space<vmem>>, vector<16xi32>,
      %get3A_75 = vector.shape_cast %get3A_74 : vector<16xi32> to vector<16xi32>
      %swap3A_76 = arith.constant 16 : index
      %swap3A_77 = tpu.vector_load %arg7[%swap3A_76] {strides = array<i32>} : memref<128xi32, #tpu.memory_space<vmem>>, vector<16xi32>,
      %swap3A_78 = vector.shape_cast %swap3A_77 : vector<16xi32> to vector<16xi32>
      %swap3A_79 = vector.shape_cast %get3A_75 : vector<16xi32> to vector<16xi32>
      tpu.vector_store %arg7[%swap3A_76], %swap3A_79 {strides = array<i32>} : memref<128xi32, #tpu.memory_space<vmem>>, vector<16xi32>,
      %mul3A_80 = arith.constant 128 : i32
      %mul3A_81 = arith.muli %mul3A_33, %mul3A_80 : i32
      %add3A_82 = arith.constant 32 : i32
      %add3A_83 = arith.addi %mul3A_81, %add3A_82 : i32
      %get3A_84 = arith.index_cast %add3A_83 : i32 to index
      %get3A_85 = tpu.vector_load %arg5[%get3A_84] {strides = array<i32>} : memref<4096xi32, #tpu.memory_space<vmem>>, vector<16xi32>,
      %get3A_86 = vector.shape_cast %get3A_85 : vector<16xi32> to vector<16xi32>
      %swap3A_87 = arith.constant 32 : index
      %swap3A_88 = tpu.vector_load %arg6[%swap3A_87] {strides = array<i32>} : memref<128xi32, #tpu.memory_space<vmem>>, vector<16xi32>,
      %swap3A_89 = vector.shape_cast %swap3A_88 : vector<16xi32> to vector<16xi32>
      %swap3A_90 = vector.shape_cast %get3A_86 : vector<16xi32> to vector<16xi32>
      tpu.vector_store %arg6[%swap3A_87], %swap3A_90 {strides = array<i32>} : memref<128xi32, #tpu.memory_space<vmem>>, vector<16xi32>,
      %mul3A_91 = arith.constant 128 : i32
      %mul3A_92 = arith.muli %add3A_37, %mul3A_91 : i32
      %add3A_93 = arith.constant 32 : i32
      %add3A_94 = arith.addi %mul3A_92, %add3A_93 : i32
      %get3A_95 = arith.index_cast %add3A_94 : i32 to index
      %get3A_96 = tpu.vector_load %arg5[%get3A_95] {strides = array<i32>} : memref<4096xi32, #tpu.memory_space<vmem>>, vector<16xi32>,
      %get3A_97 = vector.shape_cast %get3A_96 : vector<16xi32> to vector<16xi32>
      %swap3A_98 = arith.constant 32 : index
      %swap3A_99 = tpu.vector_load %arg7[%swap3A_98] {strides = array<i32>} : memref<128xi32, #tpu.memory_space<vmem>>, vector<16xi32>,
      %swap3A_100 = vector.shape_cast %swap3A_99 : vector<16xi32> to vector<16xi32>
      %swap3A_101 = vector.shape_cast %get3A_97 : vector<16xi32> to vector<16xi32>
      tpu.vector_store %arg7[%swap3A_98], %swap3A_101 {strides = array<i32>} : memref<128xi32, #tpu.memory_space<vmem>>, vector<16xi32>,
      %mul3A_102 = arith.constant 128 : i32
      %mul3A_103 = arith.muli %mul3A_33, %mul3A_102 : i32
      %add3A_104 = arith.constant 48 : i32
      %add3A_105 = arith.addi %mul3A_103, %add3A_104 : i32
      %get3A_106 = arith.index_cast %add3A_105 : i32 to index
      %get3A_107 = tpu.vector_load %arg5[%get3A_106] {strides = array<i32>} : memref<4096xi32, #tpu.memory_space<vmem>>, vector<16xi32>,
      %get3A_108 = vector.shape_cast %get3A_107 : vector<16xi32> to vector<16xi32>
      %swap3A_109 = arith.constant 48 : index
      %swap3A_110 = tpu.vector_load %arg6[%swap3A_109] {strides = array<i32>} : memref<128xi32, #tpu.memory_space<vmem>>, vector<16xi32>,
      %swap3A_111 = vector.shape_cast %swap3A_110 : vector<16xi32> to vector<16xi32>
      %swap3A_112 = vector.shape_cast %get3A_108 : vector<16xi32> to vector<16xi32>
      tpu.vector_store %arg6[%swap3A_109], %swap3A_112 {strides = array<i32>} : memref<128xi32, #tpu.memory_space<vmem>>, vector<16xi32>,
      %mul3A_113 = arith.constant 128 : i32
      %mul3A_114 = arith.muli %add3A_37, %mul3A_113 : i32
      %add3A_115 = arith.constant 48 : i32
      %add3A_116 = arith.addi %mul3A_114, %add3A_115 : i32
      %get3A_117 = arith.index_cast %add3A_116 : i32 to index
      %get3A_118 = tpu.vector_load %arg5[%get3A_117] {strides = array<i32>} : memref<4096xi32, #tpu.memory_space<vmem>>, vector<16xi32>,
      %get3A_119 = vector.shape_cast %get3A_118 : vector<16xi32> to vector<16xi32>
      %swap3A_120 = arith.constant 48 : index
      %swap3A_121 = tpu.vector_load %arg7[%swap3A_120] {strides = array<i32>} : memref<128xi32, #tpu.memory_space<vmem>>, vector<16xi32>,
      %swap3A_122 = vector.shape_cast %swap3A_121 : vector<16xi32> to vector<16xi32>
      %swap3A_123 = vector.shape_cast %get3A_119 : vector<16xi32> to vector<16xi32>
      tpu.vector_store %arg7[%swap3A_120], %swap3A_123 {strides = array<i32>} : memref<128xi32, #tpu.memory_space<vmem>>, vector<16xi32>,
      %mul3A_124 = arith.constant 128 : i32
      %mul3A_125 = arith.muli %mul3A_33, %mul3A_124 : i32
      %add3A_126 = arith.constant 64 : i32
      %add3A_127 = arith.addi %mul3A_125, %add3A_126 : i32
      %get3A_128 = arith.index_cast %add3A_127 : i32 to index
      %get3A_129 = tpu.vector_load %arg5[%get3A_128] {strides = array<i32>} : memref<4096xi32, #tpu.memory_space<vmem>>, vector<16xi32>,
      %get3A_130 = vector.shape_cast %get3A_129 : vector<16xi32> to vector<16xi32>
      %swap3A_131 = arith.constant 64 : index
      %swap3A_132 = tpu.vector_load %arg6[%swap3A_131] {strides = array<i32>} : memref<128xi32, #tpu.memory_space<vmem>>, vector<16xi32>,
      %swap3A_133 = vector.shape_cast %swap3A_132 : vector<16xi32> to vector<16xi32>
      %swap3A_134 = vector.shape_cast %get3A_130 : vector<16xi32> to vector<16xi32>
      tpu.vector_store %arg6[%swap3A_131], %swap3A_134 {strides = array<i32>} : memref<128xi32, #tpu.memory_space<vmem>>, vector<16xi32>,
      %mul3A_135 = arith.constant 128 : i32
      %mul3A_136 = arith.muli %add3A_37, %mul3A_135 : i32
      %add3A_137 = arith.constant 64 : i32
      %add3A_138 = arith.addi %mul3A_136, %add3A_137 : i32
      %get3A_139 = arith.index_cast %add3A_138 : i32 to index
      %get3A_140 = tpu.vector_load %arg5[%get3A_139] {strides = array<i32>} : memref<4096xi32, #tpu.memory_space<vmem>>, vector<16xi32>,
      %get3A_141 = vector.shape_cast %get3A_140 : vector<16xi32> to vector<16xi32>
      %swap3A_142 = arith.constant 64 : index
      %swap3A_143 = tpu.vector_load %arg7[%swap3A_142] {strides = array<i32>} : memref<128xi32, #tpu.memory_space<vmem>>, vector<16xi32>,
      %swap3A_144 = vector.shape_cast %swap3A_143 : vector<16xi32> to vector<16xi32>
      %swap3A_145 = vector.shape_cast %get3A_141 : vector<16xi32> to vector<16xi32>
      tpu.vector_store %arg7[%swap3A_142], %swap3A_145 {strides = array<i32>} : memref<128xi32, #tpu.memory_space<vmem>>, vector<16xi32>,
      %mul3A_146 = arith.constant 128 : i32
      %mul3A_147 = arith.muli %mul3A_33, %mul3A_146 : i32
      %add3A_148 = arith.constant 80 : i32
      %add3A_149 = arith.addi %mul3A_147, %add3A_148 : i32
      %get3A_150 = arith.index_cast %add3A_149 : i32 to index
      %get3A_151 = tpu.vector_load %arg5[%get3A_150] {strides = array<i32>} : memref<4096xi32, #tpu.memory_space<vmem>>, vector<16xi32>,
      %get3A_152 = vector.shape_cast %get3A_151 : vector<16xi32> to vector<16xi32>
      %swap3A_153 = arith.constant 80 : index
      %swap3A_154 = tpu.vector_load %arg6[%swap3A_153] {strides = array<i32>} : memref<128xi32, #tpu.memory_space<vmem>>, vector<16xi32>,
      %swap3A_155 = vector.shape_cast %swap3A_154 : vector<16xi32> to vector<16xi32>
      %swap3A_156 = vector.shape_cast %get3A_152 : vector<16xi32> to vector<16xi32>
      tpu.vector_store %arg6[%swap3A_153], %swap3A_156 {strides = array<i32>} : memref<128xi32, #tpu.memory_space<vmem>>, vector<16xi32>,
      %mul3A_157 = arith.constant 128 : i32
      %mul3A_158 = arith.muli %add3A_37, %mul3A_157 : i32
      %add3A_159 = arith.constant 80 : i32
      %add3A_160 = arith.addi %mul3A_158, %add3A_159 : i32
      %get3A_161 = arith.index_cast %add3A_160 : i32 to index
      %get3A_162 = tpu.vector_load %arg5[%get3A_161] {strides = array<i32>} : memref<4096xi32, #tpu.memory_space<vmem>>, vector<16xi32>,
      %get3A_163 = vector.shape_cast %get3A_162 : vector<16xi32> to vector<16xi32>
      %swap3A_164 = arith.constant 80 : index
      %swap3A_165 = tpu.vector_load %arg7[%swap3A_164] {strides = array<i32>} : memref<128xi32, #tpu.memory_space<vmem>>, vector<16xi32>,
      %swap3A_166 = vector.shape_cast %swap3A_165 : vector<16xi32> to vector<16xi32>
      %swap3A_167 = vector.shape_cast %get3A_163 : vector<16xi32> to vector<16xi32>
      tpu.vector_store %arg7[%swap3A_164], %swap3A_167 {strides = array<i32>} : memref<128xi32, #tpu.memory_space<vmem>>, vector<16xi32>,
      %mul3A_168 = arith.constant 128 : i32
      %mul3A_169 = arith.muli %mul3A_33, %mul3A_168 : i32
      %add3A_170 = arith.constant 96 : i32
      %add3A_171 = arith.addi %mul3A_169, %add3A_170 : i32
      %get3A_172 = arith.index_cast %add3A_171 : i32 to index
      %get3A_173 = tpu.vector_load %arg5[%get3A_172] {strides = array<i32>} : memref<4096xi32, #tpu.memory_space<vmem>>, vector<16xi32>,
      %get3A_174 = vector.shape_cast %get3A_173 : vector<16xi32> to vector<16xi32>
      %swap3A_175 = arith.constant 96 : index
      %swap3A_176 = tpu.vector_load %arg6[%swap3A_175] {strides = array<i32>} : memref<128xi32, #tpu.memory_space<vmem>>, vector<16xi32>,
      %swap3A_177 = vector.shape_cast %swap3A_176 : vector<16xi32> to vector<16xi32>
      %swap3A_178 = vector.shape_cast %get3A_174 : vector<16xi32> to vector<16xi32>
      tpu.vector_store %arg6[%swap3A_175], %swap3A_178 {strides = array<i32>} : memref<128xi32, #tpu.memory_space<vmem>>, vector<16xi32>,
      %mul3A_179 = arith.constant 128 : i32
      %mul3A_180 = arith.muli %add3A_37, %mul3A_179 : i32
      %add3A_181 = arith.constant 96 : i32
      %add3A_182 = arith.addi %mul3A_180, %add3A_181 : i32
      %get3A_183 = arith.index_cast %add3A_182 : i32 to index
      %get3A_184 = tpu.vector_load %arg5[%get3A_183] {strides = array<i32>} : memref<4096xi32, #tpu.memory_space<vmem>>, vector<16xi32>,
      %get3A_185 = vector.shape_cast %get3A_184 : vector<16xi32> to vector<16xi32>
      %swap3A_186 = arith.constant 96 : index
      %swap3A_187 = tpu.vector_load %arg7[%swap3A_186] {strides = array<i32>} : memref<128xi32, #tpu.memory_space<vmem>>, vector<16xi32>,
      %swap3A_188 = vector.shape_cast %swap3A_187 : vector<16xi32> to vector<16xi32>
      %swap3A_189 = vector.shape_cast %get3A_185 : vector<16xi32> to vector<16xi32>
      tpu.vector_store %arg7[%swap3A_186], %swap3A_189 {strides = array<i32>} : memref<128xi32, #tpu.memory_space<vmem>>, vector<16xi32>,
      %mul3A_190 = arith.constant 128 : i32
      %mul3A_191 = arith.muli %mul3A_33, %mul3A_190 : i32
      %add3A_192 = arith.constant 112 : i32
      %add3A_193 = arith.addi %mul3A_191, %add3A_192 : i32
      %get3A_194 = arith.index_cast %add3A_193 : i32 to index
      %get3A_195 = tpu.vector_load %arg5[%get3A_194] {strides = array<i32>} : memref<4096xi32, #tpu.memory_space<vmem>>, vector<16xi32>,
      %get3A_196 = vector.shape_cast %get3A_195 : vector<16xi32> to vector<16xi32>
      %swap3A_197 = arith.constant 112 : index
      %swap3A_198 = tpu.vector_load %arg6[%swap3A_197] {strides = array<i32>} : memref<128xi32, #tpu.memory_space<vmem>>, vector<16xi32>,
      %swap3A_199 = vector.shape_cast %swap3A_198 : vector<16xi32> to vector<16xi32>
      %swap3A_200 = vector.shape_cast %get3A_196 : vector<16xi32> to vector<16xi32>
      tpu.vector_store %arg6[%swap3A_197], %swap3A_200 {strides = array<i32>} : memref<128xi32, #tpu.memory_space<vmem>>, vector<16xi32>,
      %mul3A_201 = arith.constant 128 : i32
      %mul3A_202 = arith.muli %add3A_37, %mul3A_201 : i32
      %add3A_203 = arith.constant 112 : i32
      %add3A_204 = arith.addi %mul3A_202, %add3A_203 : i32
      %get3A_205 = arith.index_cast %add3A_204 : i32 to index
      %get3A_206 = tpu.vector_load %arg5[%get3A_205] {strides = array<i32>} : memref<4096xi32, #tpu.memory_space<vmem>>, vector<16xi32>,
      %get3A_207 = vector.shape_cast %get3A_206 : vector<16xi32> to vector<16xi32>
      %swap3A_208 = arith.constant 112 : index
      %swap3A_209 = tpu.vector_load %arg7[%swap3A_208] {strides = array<i32>} : memref<128xi32, #tpu.memory_space<vmem>>, vector<16xi32>,
      %swap3A_210 = vector.shape_cast %swap3A_209 : vector<16xi32> to vector<16xi32>
      %swap3A_211 = vector.shape_cast %get3A_207 : vector<16xi32> to vector<16xi32>
      tpu.vector_store %arg7[%swap3A_208], %swap3A_211 {strides = array<i32>} : memref<128xi32, #tpu.memory_space<vmem>>, vector<16xi32>,
      %dma_start3A = arith.constant 0 : i32
      %dma_start3A_212 = arith.constant 0 : i32
      %dma_start3A_213 = tpu.memref_slice %arg2[%rem3A_1, %dma_start3A, %dma_start3A_212] : memref<16x8192x128xf32, #tpu.memory_space<hbm>> -> memref<1x8192x128xf32, #tpu.memory_space<hbm>>
      %dma_start3A_214 = tpu.memref_squeeze %dma_start3A_213 : memref<1x8192x128xf32, #tpu.memory_space<hbm>> -> memref<8192x128xf32, #tpu.memory_space<hbm>>
      %dma_start3A_215 = arith.constant 0 : i32
      %dma_start3A_216 = arith.constant 0 : i32
      %dma_start3A_217 = tpu.memref_slice %dma_start3A_214[%dma_start3A_215, %dma_start3A_216] : memref<8192x128xf32, #tpu.memory_space<hbm>> -> memref<8192x128xf32, #tpu.memory_space<hbm>>
      tpu.enqueue_indirect_dma source(%dma_start3A_217 : memref<8192x128xf32, #tpu.memory_space<hbm>>) target(%arg8 : memref<128x128xf32, #tpu.memory_space<vmem>>) offsets(%arg6 : memref<128xi32, #tpu.memory_space<vmem>>) semaphore(%arg10 : memref<!tpu.dma_semaphore, #tpu.memory_space<semaphore_mem>>)
      %dma_start3A_218 = arith.constant 0 : i32
      %dma_start3A_219 = arith.constant 0 : i32
      %dma_start3A_220 = tpu.memref_slice %arg2[%rem3A_1, %dma_start3A_218, %dma_start3A_219] : memref<16x8192x128xf32, #tpu.memory_space<hbm>> -> memref<1x8192x128xf32, #tpu.memory_space<hbm>>
      %dma_start3A_221 = tpu.memref_squeeze %dma_start3A_220 : memref<1x8192x128xf32, #tpu.memory_space<hbm>> -> memref<8192x128xf32, #tpu.memory_space<hbm>>
      %dma_start3A_222 = arith.constant 0 : i32
      %dma_start3A_223 = arith.constant 0 : i32
      %dma_start3A_224 = tpu.memref_slice %dma_start3A_221[%dma_start3A_222, %dma_start3A_223] : memref<8192x128xf32, #tpu.memory_space<hbm>> -> memref<8192x128xf32, #tpu.memory_space<hbm>>
      tpu.enqueue_indirect_dma source(%dma_start3A_224 : memref<8192x128xf32, #tpu.memory_space<hbm>>) target(%arg9 : memref<128x128xf32, #tpu.memory_space<vmem>>) offsets(%arg7 : memref<128xi32, #tpu.memory_space<vmem>>) semaphore(%arg11 : memref<!tpu.dma_semaphore, #tpu.memory_space<semaphore_mem>>)
      %dma_wait3A = arith.constant 0 : i32
      %dma_wait3A_225 = arith.constant 0 : i32
      %dma_wait3A_226 = tpu.memref_slice %arg2[%rem3A_1, %dma_wait3A, %dma_wait3A_225] : memref<16x8192x128xf32, #tpu.memory_space<hbm>> -> memref<1x8192x128xf32, #tpu.memory_space<hbm>>
      %dma_wait3A_227 = tpu.memref_squeeze %dma_wait3A_226 : memref<1x8192x128xf32, #tpu.memory_space<hbm>> -> memref<8192x128xf32, #tpu.memory_space<hbm>>
      %dma_wait3A_228 = arith.constant 0 : i32
      %dma_wait3A_229 = arith.constant 0 : i32
      %dma_wait3A_230 = tpu.memref_slice %dma_wait3A_227[%dma_wait3A_228, %dma_wait3A_229] : memref<8192x128xf32, #tpu.memory_space<hbm>> -> memref<8192x128xf32, #tpu.memory_space<hbm>>
      tpu.wait_indirect_dma semaphore(%arg10 : memref<!tpu.dma_semaphore, #tpu.memory_space<semaphore_mem>>) src(%dma_wait3A_230 : memref<8192x128xf32, #tpu.memory_space<hbm>>) dst(%arg8 : memref<128x128xf32, #tpu.memory_space<vmem>>)
      %mul3A_231 = arith.constant 4096 : i32
      %mul3A_232 = arith.muli %select_n3A, %mul3A_231 : i32
      %mul3A_233 = arith.constant 128 : i32
      %mul3A_234 = arith.muli %mul3A_33, %mul3A_233 : i32
      %add3A_235 = arith.addi %mul3A_232, %mul3A_234 : i32
      %dma_start3A_236 = arith.constant 0 : i32
      %dma_start3A_237 = arith.constant 0 : i32
      %dma_start3A_238 = tpu.memref_slice %arg4[%rem3A_1, %dma_start3A_236, %dma_start3A_237] : memref<16x8192x128xf32, #tpu.memory_space<hbm>> -> memref<1x8192x128xf32, #tpu.memory_space<hbm>>
      %dma_start3A_239 = tpu.memref_squeeze %dma_start3A_238 : memref<1x8192x128xf32, #tpu.memory_space<hbm>> -> memref<8192x128xf32, #tpu.memory_space<hbm>>
      %dma_start3A_240 = arith.constant 0 : i32
      %dma_start3A_241 = tpu.memref_slice %dma_start3A_239[%add3A_235, %dma_start3A_240] : memref<8192x128xf32, #tpu.memory_space<hbm>> -> memref<128x128xf32, #tpu.memory_space<hbm>>
      %dma_start3A_242 = arith.constant 0 : i32
      %dma_start3A_243 = arith.constant 0 : i32
      %dma_start3A_244 = tpu.memref_slice %arg4[%rem3A_1, %dma_start3A_242, %dma_start3A_243] : memref<16x8192x128xf32, #tpu.memory_space<hbm>> -> memref<1x8192x128xf32, #tpu.memory_space<hbm>>
      %dma_start3A_245 = tpu.memref_squeeze %dma_start3A_244 : memref<1x8192x128xf32, #tpu.memory_space<hbm>> -> memref<8192x128xf32, #tpu.memory_space<hbm>>
      %dma_start3A_246 = arith.constant 0 : i32
      %dma_start3A_247 = tpu.memref_slice %dma_start3A_245[%add3A_235, %dma_start3A_246] : memref<8192x128xf32, #tpu.memory_space<hbm>> -> memref<128x128xf32, #tpu.memory_space<hbm>>
      tpu.enqueue_dma source(%arg8 : memref<128x128xf32, #tpu.memory_space<vmem>>) target(%dma_start3A_247 : memref<128x128xf32, #tpu.memory_space<hbm>>) target_semaphore(%arg12 : memref<!tpu.dma_semaphore, #tpu.memory_space<semaphore_mem>>)
      %dma_wait3A_248 = arith.constant 0 : i32
      %dma_wait3A_249 = arith.constant 0 : i32
      %dma_wait3A_250 = tpu.memref_slice %arg2[%rem3A_1, %dma_wait3A_248, %dma_wait3A_249] : memref<16x8192x128xf32, #tpu.memory_space<hbm>> -> memref<1x8192x128xf32, #tpu.memory_space<hbm>>
      %dma_wait3A_251 = tpu.memref_squeeze %dma_wait3A_250 : memref<1x8192x128xf32, #tpu.memory_space<hbm>> -> memref<8192x128xf32, #tpu.memory_space<hbm>>
      %dma_wait3A_252 = arith.constant 0 : i32
      %dma_wait3A_253 = arith.constant 0 : i32
      %dma_wait3A_254 = tpu.memref_slice %dma_wait3A_251[%dma_wait3A_252, %dma_wait3A_253] : memref<8192x128xf32, #tpu.memory_space<hbm>> -> memref<8192x128xf32, #tpu.memory_space<hbm>>
      tpu.wait_indirect_dma semaphore(%arg11 : memref<!tpu.dma_semaphore, #tpu.memory_space<semaphore_mem>>) src(%dma_wait3A_254 : memref<8192x128xf32, #tpu.memory_space<hbm>>) dst(%arg9 : memref<128x128xf32, #tpu.memory_space<vmem>>)
      %mul3A_255 = arith.constant 4096 : i32
      %mul3A_256 = arith.muli %select_n3A, %mul3A_255 : i32
      %mul3A_257 = arith.constant 128 : i32
      %mul3A_258 = arith.muli %add3A_37, %mul3A_257 : i32
      %add3A_259 = arith.addi %mul3A_256, %mul3A_258 : i32
      %dma_start3A_260 = arith.constant 0 : i32
      %dma_start3A_261 = arith.constant 0 : i32
      %dma_start3A_262 = tpu.memref_slice %arg4[%rem3A_1, %dma_start3A_260, %dma_start3A_261] : memref<16x8192x128xf32, #tpu.memory_space<hbm>> -> memref<1x8192x128xf32, #tpu.memory_space<hbm>>
      %dma_start3A_263 = tpu.memref_squeeze %dma_start3A_262 : memref<1x8192x128xf32, #tpu.memory_space<hbm>> -> memref<8192x128xf32, #tpu.memory_space<hbm>>
      %dma_start3A_264 = arith.constant 0 : i32
      %dma_start3A_265 = tpu.memref_slice %dma_start3A_263[%add3A_259, %dma_start3A_264] : memref<8192x128xf32, #tpu.memory_space<hbm>> -> memref<128x128xf32, #tpu.memory_space<hbm>>
      %dma_start3A_266 = arith.constant 0 : i32
      %dma_start3A_267 = arith.constant 0 : i32
      %dma_start3A_268 = tpu.memref_slice %arg4[%rem3A_1, %dma_start3A_266, %dma_start3A_267] : memref<16x8192x128xf32, #tpu.memory_space<hbm>> -> memref<1x8192x128xf32, #tpu.memory_space<hbm>>
      %dma_start3A_269 = tpu.memref_squeeze %dma_start3A_268 : memref<1x8192x128xf32, #tpu.memory_space<hbm>> -> memref<8192x128xf32, #tpu.memory_space<hbm>>
      %dma_start3A_270 = arith.constant 0 : i32
      %dma_start3A_271 = tpu.memref_slice %dma_start3A_269[%add3A_259, %dma_start3A_270] : memref<8192x128xf32, #tpu.memory_space<hbm>> -> memref<128x128xf32, #tpu.memory_space<hbm>>
      tpu.enqueue_dma source(%arg9 : memref<128x128xf32, #tpu.memory_space<vmem>>) target(%dma_start3A_271 : memref<128x128xf32, #tpu.memory_space<hbm>>) target_semaphore(%arg13 : memref<!tpu.dma_semaphore, #tpu.memory_space<semaphore_mem>>)
      %dma_wait3A_272 = arith.constant 0 : i32
      %dma_wait3A_273 = arith.constant 0 : i32
      %dma_wait3A_274 = tpu.memref_slice %arg4[%rem3A_1, %dma_wait3A_272, %dma_wait3A_273] : memref<16x8192x128xf32, #tpu.memory_space<hbm>> -> memref<1x8192x128xf32, #tpu.memory_space<hbm>>
      %dma_wait3A_275 = tpu.memref_squeeze %dma_wait3A_274 : memref<1x8192x128xf32, #tpu.memory_space<hbm>> -> memref<8192x128xf32, #tpu.memory_space<hbm>>
      %dma_wait3A_276 = arith.constant 0 : i32
      %dma_wait3A_277 = tpu.memref_slice %dma_wait3A_275[%add3A_235, %dma_wait3A_276] : memref<8192x128xf32, #tpu.memory_space<hbm>> -> memref<128x128xf32, #tpu.memory_space<hbm>>
      %dma_wait3A_278 = arith.constant 0 : i32
      %dma_wait3A_279 = arith.constant 0 : i32
      %dma_wait3A_280 = tpu.memref_slice %arg4[%rem3A_1, %dma_wait3A_278, %dma_wait3A_279] : memref<16x8192x128xf32, #tpu.memory_space<hbm>> -> memref<1x8192x128xf32, #tpu.memory_space<hbm>>
      %dma_wait3A_281 = tpu.memref_squeeze %dma_wait3A_280 : memref<1x8192x128xf32, #tpu.memory_space<hbm>> -> memref<8192x128xf32, #tpu.memory_space<hbm>>
      %dma_wait3A_282 = arith.constant 0 : i32
      %dma_wait3A_283 = tpu.memref_slice %dma_wait3A_281[%add3A_235, %dma_wait3A_282] : memref<8192x128xf32, #tpu.memory_space<hbm>> -> memref<128x128xf32, #tpu.memory_space<hbm>>
      tpu.wait_dma2 semaphore(%arg12 : memref<!tpu.dma_semaphore, #tpu.memory_space<semaphore_mem>>) src(%arg8 : memref<128x128xf32, #tpu.memory_space<vmem>>) dst(%dma_wait3A_283 : memref<128x128xf32, #tpu.memory_space<hbm>>)
      %dma_wait3A_284 = arith.constant 0 : i32
      %dma_wait3A_285 = arith.constant 0 : i32
      %dma_wait3A_286 = tpu.memref_slice %arg4[%rem3A_1, %dma_wait3A_284, %dma_wait3A_285] : memref<16x8192x128xf32, #tpu.memory_space<hbm>> -> memref<1x8192x128xf32, #tpu.memory_space<hbm>>
      %dma_wait3A_287 = tpu.memref_squeeze %dma_wait3A_286 : memref<1x8192x128xf32, #tpu.memory_space<hbm>> -> memref<8192x128xf32, #tpu.memory_space<hbm>>
      %dma_wait3A_288 = arith.constant 0 : i32
      %dma_wait3A_289 = tpu.memref_slice %dma_wait3A_287[%add3A_259, %dma_wait3A_288] : memref<8192x128xf32, #tpu.memory_space<hbm>> -> memref<128x128xf32, #tpu.memory_space<hbm>>
      %dma_wait3A_290 = arith.constant 0 : i32
      %dma_wait3A_291 = arith.constant 0 : i32
      %dma_wait3A_292 = tpu.memref_slice %arg4[%rem3A_1, %dma_wait3A_290, %dma_wait3A_291] : memref<16x8192x128xf32, #tpu.memory_space<hbm>> -> memref<1x8192x128xf32, #tpu.memory_space<hbm>>
      %dma_wait3A_293 = tpu.memref_squeeze %dma_wait3A_292 : memref<1x8192x128xf32, #tpu.memory_space<hbm>> -> memref<8192x128xf32, #tpu.memory_space<hbm>>
      %dma_wait3A_294 = arith.constant 0 : i32
      %dma_wait3A_295 = tpu.memref_slice %dma_wait3A_293[%add3A_259, %dma_wait3A_294] : memref<8192x128xf32, #tpu.memory_space<hbm>> -> memref<128x128xf32, #tpu.memory_space<hbm>>
      tpu.wait_dma2 semaphore(%arg13 : memref<!tpu.dma_semaphore, #tpu.memory_space<semaphore_mem>>) src(%arg9 : memref<128x128xf32, #tpu.memory_space<vmem>>) dst(%dma_wait3A_295 : memref<128x128xf32, #tpu.memory_space<hbm>>)
      %scan3A_296 = arith.constant 0 : i32
      scf.yield %scan3A_296 : i32
    }
    %scan3A_29 = arith.constant 16 : i32
    return
  }
}

#map = affine_map<(d0, d1) -> (0, 0, 0)>
#map1 = affine_map<(d0, d1) -> (0)>
module attributes {stable_mosaic.version = 14 : i64} {
  func.func @k(%arg0: i32, %arg1: i32, %arg2: memref<16x8192x128xf32, #tpu.memory_space<hbm>>, %arg3: memref<16x8192x128xf32, #tpu.memory_space<hbm>>, %arg4: memref<262144xi32, #tpu.memory_space<hbm>>, %arg5: memref<4096xi32, #tpu.memory_space<hbm>>, %arg6: memref<16x8192x128xf32, #tpu.memory_space<hbm>>, %arg7: memref<16x8192x128xf32, #tpu.memory_space<hbm>>, %arg8: memref<16x256x128xf32, #tpu.memory_space<hbm>>, %arg9: memref<8192xi32, #tpu.memory_space<vmem>>, %arg10: memref<128xi32, #tpu.memory_space<vmem>>, %arg11: memref<128xi32, #tpu.memory_space<vmem>>, %arg12: memref<128x128xf32, #tpu.memory_space<vmem>>, %arg13: memref<128x128xf32, #tpu.memory_space<vmem>>, %arg14: memref<256xi32, #tpu.memory_space<vmem>>, %arg15: memref<!tpu.dma_semaphore, #tpu.memory_space<semaphore_mem>>, %arg16: memref<!tpu.dma_semaphore, #tpu.memory_space<semaphore_mem>>, %arg17: memref<!tpu.dma_semaphore, #tpu.memory_space<semaphore_mem>>, %arg18: memref<!tpu.dma_semaphore, #tpu.memory_space<semaphore_mem>>) attributes {dimension_semantics = [#tpu.dimension_semantics<core_parallel>, #tpu.dimension_semantics<subcore_parallel>], iteration_bounds = array<i64: 2, 16>, scalar_prefetch = 0 : i64, scratch_operands = 10 : i64, tpu.core_type = #tpu.core_type<sc_vector_subcore>, window_params = [{transform_indices = #map}, {transform_indices = #map}, {transform_indices = #map1}, {transform_indices = #map1}, {transform_indices = #map}, {transform_indices = #map}, {transform_indices = #map}]} {
    %mul3A = arith.constant 2 : i32
    %mul3A_0 = arith.muli %arg1, %mul3A : i32
    %add3A = arith.addi %mul3A_0, %arg0 : i32
    %rem3A = arith.constant 16 : i32
    %rem3A_1 = arith.remsi %add3A, %rem3A : i32
    %mul3A_2 = arith.constant 8192 : i32
    %mul3A_3 = arith.muli %add3A, %mul3A_2 : i32
    "tpu.region"() ({
      %run_scoped3A = tpu.sem_alloc : memref<!tpu.dma_semaphore, #tpu.memory_space<semaphore_mem>>
      %dma_start3A = tpu.memref_slice %arg4[%mul3A_3] : memref<262144xi32, #tpu.memory_space<hbm>> -> memref<8192xi32, #tpu.memory_space<hbm>>
      %dma_start3A_10 = tpu.memref_slice %arg4[%mul3A_3] : memref<262144xi32, #tpu.memory_space<hbm>> -> memref<8192xi32, #tpu.memory_space<hbm>>
      tpu.enqueue_dma source(%dma_start3A_10 : memref<8192xi32, #tpu.memory_space<hbm>>) target(%arg9 : memref<8192xi32, #tpu.memory_space<vmem>>) target_semaphore(%run_scoped3A : memref<!tpu.dma_semaphore, #tpu.memory_space<semaphore_mem>>)
      %dma_wait3A = tpu.memref_slice %arg4[%mul3A_3] : memref<262144xi32, #tpu.memory_space<hbm>> -> memref<8192xi32, #tpu.memory_space<hbm>>
      %dma_wait3A_11 = tpu.memref_slice %arg4[%mul3A_3] : memref<262144xi32, #tpu.memory_space<hbm>> -> memref<8192xi32, #tpu.memory_space<hbm>>
      tpu.wait_dma2 semaphore(%run_scoped3A : memref<!tpu.dma_semaphore, #tpu.memory_space<semaphore_mem>>) src(%dma_wait3A_11 : memref<8192xi32, #tpu.memory_space<hbm>>) dst(%arg9 : memref<8192xi32, #tpu.memory_space<vmem>>)
      tpu.yield
    }) : () -> ()
    %lt3A = arith.constant 16 : i32
    %lt3A_4 = arith.cmpi slt, %add3A, %lt3A : i32
    %convert_element_type3A = arith.extui %lt3A_4 : i1 to i32
    %cond3A = arith.constant 0 : i32
    %cond3A_5 = arith.cmpi ne, %convert_element_type3A, %cond3A : i32
    scf.if %cond3A_5 {
      %scan3A = arith.constant 0 : i32
      %scan3A_10 = arith.constant 0 : i32
      %scan3A_11 = arith.constant 32 : i32
      %scan3A_12 = arith.addi %scan3A_10, %scan3A_11 : i32
      %scan3A_13 = arith.constant 1 : i32
      %scan3A_14 = scf.for %scan3A_16 = %scan3A_10 to %scan3A_12 step %scan3A_13 iter_args(%scan3A_17 = %scan3A) -> (i32)  : i32 {
        %mul3A_18 = arith.constant 2 : i32
        %mul3A_19 = arith.muli %mul3A_18, %scan3A_16 : i32
        %mul3A_20 = arith.constant 2 : i32
        %mul3A_21 = arith.muli %mul3A_20, %scan3A_16 : i32
        %add3A_22 = arith.constant 1 : i32
        %add3A_23 = arith.addi %mul3A_21, %add3A_22 : i32
        %mul3A_24 = arith.constant 128 : i32
        %mul3A_25 = arith.muli %mul3A_19, %mul3A_24 : i32
        %dma_start3A = arith.constant 0 : i32
        %dma_start3A_26 = arith.constant 0 : i32
        %dma_start3A_27 = tpu.memref_slice %arg2[%rem3A_1, %dma_start3A, %dma_start3A_26] : memref<16x8192x128xf32, #tpu.memory_space<hbm>> -> memref<1x8192x128xf32, #tpu.memory_space<hbm>>
        %dma_start3A_28 = tpu.memref_squeeze %dma_start3A_27 : memref<1x8192x128xf32, #tpu.memory_space<hbm>> -> memref<8192x128xf32, #tpu.memory_space<hbm>>
        %dma_start3A_29 = arith.constant 0 : i32
        %dma_start3A_30 = tpu.memref_slice %dma_start3A_28[%mul3A_25, %dma_start3A_29] : memref<8192x128xf32, #tpu.memory_space<hbm>> -> memref<128x128xf32, #tpu.memory_space<hbm>>
        %dma_start3A_31 = arith.constant 0 : i32
        %dma_start3A_32 = arith.constant 0 : i32
        %dma_start3A_33 = tpu.memref_slice %arg2[%rem3A_1, %dma_start3A_31, %dma_start3A_32] : memref<16x8192x128xf32, #tpu.memory_space<hbm>> -> memref<1x8192x128xf32, #tpu.memory_space<hbm>>
        %dma_start3A_34 = tpu.memref_squeeze %dma_start3A_33 : memref<1x8192x128xf32, #tpu.memory_space<hbm>> -> memref<8192x128xf32, #tpu.memory_space<hbm>>
        %dma_start3A_35 = arith.constant 0 : i32
        %dma_start3A_36 = tpu.memref_slice %dma_start3A_34[%mul3A_25, %dma_start3A_35] : memref<8192x128xf32, #tpu.memory_space<hbm>> -> memref<128x128xf32, #tpu.memory_space<hbm>>
        tpu.enqueue_dma source(%dma_start3A_36 : memref<128x128xf32, #tpu.memory_space<hbm>>) target(%arg12 : memref<128x128xf32, #tpu.memory_space<vmem>>) target_semaphore(%arg15 : memref<!tpu.dma_semaphore, #tpu.memory_space<semaphore_mem>>)
        %mul3A_37 = arith.constant 128 : i32
        %mul3A_38 = arith.muli %add3A_23, %mul3A_37 : i32
        %dma_start3A_39 = arith.constant 0 : i32
        %dma_start3A_40 = arith.constant 0 : i32
        %dma_start3A_41 = tpu.memref_slice %arg2[%rem3A_1, %dma_start3A_39, %dma_start3A_40] : memref<16x8192x128xf32, #tpu.memory_space<hbm>> -> memref<1x8192x128xf32, #tpu.memory_space<hbm>>
        %dma_start3A_42 = tpu.memref_squeeze %dma_start3A_41 : memref<1x8192x128xf32, #tpu.memory_space<hbm>> -> memref<8192x128xf32, #tpu.memory_space<hbm>>
        %dma_start3A_43 = arith.constant 0 : i32
        %dma_start3A_44 = tpu.memref_slice %dma_start3A_42[%mul3A_38, %dma_start3A_43] : memref<8192x128xf32, #tpu.memory_space<hbm>> -> memref<128x128xf32, #tpu.memory_space<hbm>>
        %dma_start3A_45 = arith.constant 0 : i32
        %dma_start3A_46 = arith.constant 0 : i32
        %dma_start3A_47 = tpu.memref_slice %arg2[%rem3A_1, %dma_start3A_45, %dma_start3A_46] : memref<16x8192x128xf32, #tpu.memory_space<hbm>> -> memref<1x8192x128xf32, #tpu.memory_space<hbm>>
        %dma_start3A_48 = tpu.memref_squeeze %dma_start3A_47 : memref<1x8192x128xf32, #tpu.memory_space<hbm>> -> memref<8192x128xf32, #tpu.memory_space<hbm>>
        %dma_start3A_49 = arith.constant 0 : i32
        %dma_start3A_50 = tpu.memref_slice %dma_start3A_48[%mul3A_38, %dma_start3A_49] : memref<8192x128xf32, #tpu.memory_space<hbm>> -> memref<128x128xf32, #tpu.memory_space<hbm>>
        tpu.enqueue_dma source(%dma_start3A_50 : memref<128x128xf32, #tpu.memory_space<hbm>>) target(%arg13 : memref<128x128xf32, #tpu.memory_space<vmem>>) target_semaphore(%arg16 : memref<!tpu.dma_semaphore, #tpu.memory_space<semaphore_mem>>)
        %mul3A_51 = arith.constant 128 : i32
        %mul3A_52 = arith.muli %mul3A_19, %mul3A_51 : i32
        %add3A_53 = arith.constant 0 : i32
        %add3A_54 = arith.addi %mul3A_52, %add3A_53 : i32
        %get3A = arith.index_cast %add3A_54 : i32 to index
        %get3A_55 = tpu.vector_load %arg9[%get3A] {strides = array<i32>} : memref<8192xi32, #tpu.memory_space<vmem>>, vector<16xi32>,
        %get3A_56 = vector.shape_cast %get3A_55 : vector<16xi32> to vector<16xi32>
        %swap3A = arith.constant 0 : index
        %swap3A_57 = tpu.vector_load %arg10[%swap3A] {strides = array<i32>} : memref<128xi32, #tpu.memory_space<vmem>>, vector<16xi32>,
        %swap3A_58 = vector.shape_cast %swap3A_57 : vector<16xi32> to vector<16xi32>
        %swap3A_59 = vector.shape_cast %get3A_56 : vector<16xi32> to vector<16xi32>
        tpu.vector_store %arg10[%swap3A], %swap3A_59 {strides = array<i32>} : memref<128xi32, #tpu.memory_space<vmem>>, vector<16xi32>,
        %mul3A_60 = arith.constant 128 : i32
        %mul3A_61 = arith.muli %add3A_23, %mul3A_60 : i32
        %add3A_62 = arith.constant 0 : i32
        %add3A_63 = arith.addi %mul3A_61, %add3A_62 : i32
        %get3A_64 = arith.index_cast %add3A_63 : i32 to index
        %get3A_65 = tpu.vector_load %arg9[%get3A_64] {strides = array<i32>} : memref<8192xi32, #tpu.memory_space<vmem>>, vector<16xi32>,
        %get3A_66 = vector.shape_cast %get3A_65 : vector<16xi32> to vector<16xi32>
        %swap3A_67 = arith.constant 0 : index
        %swap3A_68 = tpu.vector_load %arg11[%swap3A_67] {strides = array<i32>} : memref<128xi32, #tpu.memory_space<vmem>>, vector<16xi32>,
        %swap3A_69 = vector.shape_cast %swap3A_68 : vector<16xi32> to vector<16xi32>
        %swap3A_70 = vector.shape_cast %get3A_66 : vector<16xi32> to vector<16xi32>
        tpu.vector_store %arg11[%swap3A_67], %swap3A_70 {strides = array<i32>} : memref<128xi32, #tpu.memory_space<vmem>>, vector<16xi32>,
        %mul3A_71 = arith.constant 128 : i32
        %mul3A_72 = arith.muli %mul3A_19, %mul3A_71 : i32
        %add3A_73 = arith.constant 16 : i32
        %add3A_74 = arith.addi %mul3A_72, %add3A_73 : i32
        %get3A_75 = arith.index_cast %add3A_74 : i32 to index
        %get3A_76 = tpu.vector_load %arg9[%get3A_75] {strides = array<i32>} : memref<8192xi32, #tpu.memory_space<vmem>>, vector<16xi32>,
        %get3A_77 = vector.shape_cast %get3A_76 : vector<16xi32> to vector<16xi32>
        %swap3A_78 = arith.constant 16 : index
        %swap3A_79 = tpu.vector_load %arg10[%swap3A_78] {strides = array<i32>} : memref<128xi32, #tpu.memory_space<vmem>>, vector<16xi32>,
        %swap3A_80 = vector.shape_cast %swap3A_79 : vector<16xi32> to vector<16xi32>
        %swap3A_81 = vector.shape_cast %get3A_77 : vector<16xi32> to vector<16xi32>
        tpu.vector_store %arg10[%swap3A_78], %swap3A_81 {strides = array<i32>} : memref<128xi32, #tpu.memory_space<vmem>>, vector<16xi32>,
        %mul3A_82 = arith.constant 128 : i32
        %mul3A_83 = arith.muli %add3A_23, %mul3A_82 : i32
        %add3A_84 = arith.constant 16 : i32
        %add3A_85 = arith.addi %mul3A_83, %add3A_84 : i32
        %get3A_86 = arith.index_cast %add3A_85 : i32 to index
        %get3A_87 = tpu.vector_load %arg9[%get3A_86] {strides = array<i32>} : memref<8192xi32, #tpu.memory_space<vmem>>, vector<16xi32>,
        %get3A_88 = vector.shape_cast %get3A_87 : vector<16xi32> to vector<16xi32>
        %swap3A_89 = arith.constant 16 : index
        %swap3A_90 = tpu.vector_load %arg11[%swap3A_89] {strides = array<i32>} : memref<128xi32, #tpu.memory_space<vmem>>, vector<16xi32>,
        %swap3A_91 = vector.shape_cast %swap3A_90 : vector<16xi32> to vector<16xi32>
        %swap3A_92 = vector.shape_cast %get3A_88 : vector<16xi32> to vector<16xi32>
        tpu.vector_store %arg11[%swap3A_89], %swap3A_92 {strides = array<i32>} : memref<128xi32, #tpu.memory_space<vmem>>, vector<16xi32>,
        %mul3A_93 = arith.constant 128 : i32
        %mul3A_94 = arith.muli %mul3A_19, %mul3A_93 : i32
        %add3A_95 = arith.constant 32 : i32
        %add3A_96 = arith.addi %mul3A_94, %add3A_95 : i32
        %get3A_97 = arith.index_cast %add3A_96 : i32 to index
        %get3A_98 = tpu.vector_load %arg9[%get3A_97] {strides = array<i32>} : memref<8192xi32, #tpu.memory_space<vmem>>, vector<16xi32>,
        %get3A_99 = vector.shape_cast %get3A_98 : vector<16xi32> to vector<16xi32>
        %swap3A_100 = arith.constant 32 : index
        %swap3A_101 = tpu.vector_load %arg10[%swap3A_100] {strides = array<i32>} : memref<128xi32, #tpu.memory_space<vmem>>, vector<16xi32>,
        %swap3A_102 = vector.shape_cast %swap3A_101 : vector<16xi32> to vector<16xi32>
        %swap3A_103 = vector.shape_cast %get3A_99 : vector<16xi32> to vector<16xi32>
        tpu.vector_store %arg10[%swap3A_100], %swap3A_103 {strides = array<i32>} : memref<128xi32, #tpu.memory_space<vmem>>, vector<16xi32>,
        %mul3A_104 = arith.constant 128 : i32
        %mul3A_105 = arith.muli %add3A_23, %mul3A_104 : i32
        %add3A_106 = arith.constant 32 : i32
        %add3A_107 = arith.addi %mul3A_105, %add3A_106 : i32
        %get3A_108 = arith.index_cast %add3A_107 : i32 to index
        %get3A_109 = tpu.vector_load %arg9[%get3A_108] {strides = array<i32>} : memref<8192xi32, #tpu.memory_space<vmem>>, vector<16xi32>,
        %get3A_110 = vector.shape_cast %get3A_109 : vector<16xi32> to vector<16xi32>
        %swap3A_111 = arith.constant 32 : index
        %swap3A_112 = tpu.vector_load %arg11[%swap3A_111] {strides = array<i32>} : memref<128xi32, #tpu.memory_space<vmem>>, vector<16xi32>,
        %swap3A_113 = vector.shape_cast %swap3A_112 : vector<16xi32> to vector<16xi32>
        %swap3A_114 = vector.shape_cast %get3A_110 : vector<16xi32> to vector<16xi32>
        tpu.vector_store %arg11[%swap3A_111], %swap3A_114 {strides = array<i32>} : memref<128xi32, #tpu.memory_space<vmem>>, vector<16xi32>,
        %mul3A_115 = arith.constant 128 : i32
        %mul3A_116 = arith.muli %mul3A_19, %mul3A_115 : i32
        %add3A_117 = arith.constant 48 : i32
        %add3A_118 = arith.addi %mul3A_116, %add3A_117 : i32
        %get3A_119 = arith.index_cast %add3A_118 : i32 to index
        %get3A_120 = tpu.vector_load %arg9[%get3A_119] {strides = array<i32>} : memref<8192xi32, #tpu.memory_space<vmem>>, vector<16xi32>,
        %get3A_121 = vector.shape_cast %get3A_120 : vector<16xi32> to vector<16xi32>
        %swap3A_122 = arith.constant 48 : index
        %swap3A_123 = tpu.vector_load %arg10[%swap3A_122] {strides = array<i32>} : memref<128xi32, #tpu.memory_space<vmem>>, vector<16xi32>,
        %swap3A_124 = vector.shape_cast %swap3A_123 : vector<16xi32> to vector<16xi32>
        %swap3A_125 = vector.shape_cast %get3A_121 : vector<16xi32> to vector<16xi32>
        tpu.vector_store %arg10[%swap3A_122], %swap3A_125 {strides = array<i32>} : memref<128xi32, #tpu.memory_space<vmem>>, vector<16xi32>,
        %mul3A_126 = arith.constant 128 : i32
        %mul3A_127 = arith.muli %add3A_23, %mul3A_126 : i32
        %add3A_128 = arith.constant 48 : i32
        %add3A_129 = arith.addi %mul3A_127, %add3A_128 : i32
        %get3A_130 = arith.index_cast %add3A_129 : i32 to index
        %get3A_131 = tpu.vector_load %arg9[%get3A_130] {strides = array<i32>} : memref<8192xi32, #tpu.memory_space<vmem>>, vector<16xi32>,
        %get3A_132 = vector.shape_cast %get3A_131 : vector<16xi32> to vector<16xi32>
        %swap3A_133 = arith.constant 48 : index
        %swap3A_134 = tpu.vector_load %arg11[%swap3A_133] {strides = array<i32>} : memref<128xi32, #tpu.memory_space<vmem>>, vector<16xi32>,
        %swap3A_135 = vector.shape_cast %swap3A_134 : vector<16xi32> to vector<16xi32>
        %swap3A_136 = vector.shape_cast %get3A_132 : vector<16xi32> to vector<16xi32>
        tpu.vector_store %arg11[%swap3A_133], %swap3A_136 {strides = array<i32>} : memref<128xi32, #tpu.memory_space<vmem>>, vector<16xi32>,
        %mul3A_137 = arith.constant 128 : i32
        %mul3A_138 = arith.muli %mul3A_19, %mul3A_137 : i32
        %add3A_139 = arith.constant 64 : i32
        %add3A_140 = arith.addi %mul3A_138, %add3A_139 : i32
        %get3A_141 = arith.index_cast %add3A_140 : i32 to index
        %get3A_142 = tpu.vector_load %arg9[%get3A_141] {strides = array<i32>} : memref<8192xi32, #tpu.memory_space<vmem>>, vector<16xi32>,
        %get3A_143 = vector.shape_cast %get3A_142 : vector<16xi32> to vector<16xi32>
        %swap3A_144 = arith.constant 64 : index
        %swap3A_145 = tpu.vector_load %arg10[%swap3A_144] {strides = array<i32>} : memref<128xi32, #tpu.memory_space<vmem>>, vector<16xi32>,
        %swap3A_146 = vector.shape_cast %swap3A_145 : vector<16xi32> to vector<16xi32>
        %swap3A_147 = vector.shape_cast %get3A_143 : vector<16xi32> to vector<16xi32>
        tpu.vector_store %arg10[%swap3A_144], %swap3A_147 {strides = array<i32>} : memref<128xi32, #tpu.memory_space<vmem>>, vector<16xi32>,
        %mul3A_148 = arith.constant 128 : i32
        %mul3A_149 = arith.muli %add3A_23, %mul3A_148 : i32
        %add3A_150 = arith.constant 64 : i32
        %add3A_151 = arith.addi %mul3A_149, %add3A_150 : i32
        %get3A_152 = arith.index_cast %add3A_151 : i32 to index
        %get3A_153 = tpu.vector_load %arg9[%get3A_152] {strides = array<i32>} : memref<8192xi32, #tpu.memory_space<vmem>>, vector<16xi32>,
        %get3A_154 = vector.shape_cast %get3A_153 : vector<16xi32> to vector<16xi32>
        %swap3A_155 = arith.constant 64 : index
        %swap3A_156 = tpu.vector_load %arg11[%swap3A_155] {strides = array<i32>} : memref<128xi32, #tpu.memory_space<vmem>>, vector<16xi32>,
        %swap3A_157 = vector.shape_cast %swap3A_156 : vector<16xi32> to vector<16xi32>
        %swap3A_158 = vector.shape_cast %get3A_154 : vector<16xi32> to vector<16xi32>
        tpu.vector_store %arg11[%swap3A_155], %swap3A_158 {strides = array<i32>} : memref<128xi32, #tpu.memory_space<vmem>>, vector<16xi32>,
        %mul3A_159 = arith.constant 128 : i32
        %mul3A_160 = arith.muli %mul3A_19, %mul3A_159 : i32
        %add3A_161 = arith.constant 80 : i32
        %add3A_162 = arith.addi %mul3A_160, %add3A_161 : i32
        %get3A_163 = arith.index_cast %add3A_162 : i32 to index
        %get3A_164 = tpu.vector_load %arg9[%get3A_163] {strides = array<i32>} : memref<8192xi32, #tpu.memory_space<vmem>>, vector<16xi32>,
        %get3A_165 = vector.shape_cast %get3A_164 : vector<16xi32> to vector<16xi32>
        %swap3A_166 = arith.constant 80 : index
        %swap3A_167 = tpu.vector_load %arg10[%swap3A_166] {strides = array<i32>} : memref<128xi32, #tpu.memory_space<vmem>>, vector<16xi32>,
        %swap3A_168 = vector.shape_cast %swap3A_167 : vector<16xi32> to vector<16xi32>
        %swap3A_169 = vector.shape_cast %get3A_165 : vector<16xi32> to vector<16xi32>
        tpu.vector_store %arg10[%swap3A_166], %swap3A_169 {strides = array<i32>} : memref<128xi32, #tpu.memory_space<vmem>>, vector<16xi32>,
        %mul3A_170 = arith.constant 128 : i32
        %mul3A_171 = arith.muli %add3A_23, %mul3A_170 : i32
        %add3A_172 = arith.constant 80 : i32
        %add3A_173 = arith.addi %mul3A_171, %add3A_172 : i32
        %get3A_174 = arith.index_cast %add3A_173 : i32 to index
        %get3A_175 = tpu.vector_load %arg9[%get3A_174] {strides = array<i32>} : memref<8192xi32, #tpu.memory_space<vmem>>, vector<16xi32>,
        %get3A_176 = vector.shape_cast %get3A_175 : vector<16xi32> to vector<16xi32>
        %swap3A_177 = arith.constant 80 : index
        %swap3A_178 = tpu.vector_load %arg11[%swap3A_177] {strides = array<i32>} : memref<128xi32, #tpu.memory_space<vmem>>, vector<16xi32>,
        %swap3A_179 = vector.shape_cast %swap3A_178 : vector<16xi32> to vector<16xi32>
        %swap3A_180 = vector.shape_cast %get3A_176 : vector<16xi32> to vector<16xi32>
        tpu.vector_store %arg11[%swap3A_177], %swap3A_180 {strides = array<i32>} : memref<128xi32, #tpu.memory_space<vmem>>, vector<16xi32>,
        %mul3A_181 = arith.constant 128 : i32
        %mul3A_182 = arith.muli %mul3A_19, %mul3A_181 : i32
        %add3A_183 = arith.constant 96 : i32
        %add3A_184 = arith.addi %mul3A_182, %add3A_183 : i32
        %get3A_185 = arith.index_cast %add3A_184 : i32 to index
        %get3A_186 = tpu.vector_load %arg9[%get3A_185] {strides = array<i32>} : memref<8192xi32, #tpu.memory_space<vmem>>, vector<16xi32>,
        %get3A_187 = vector.shape_cast %get3A_186 : vector<16xi32> to vector<16xi32>
        %swap3A_188 = arith.constant 96 : index
        %swap3A_189 = tpu.vector_load %arg10[%swap3A_188] {strides = array<i32>} : memref<128xi32, #tpu.memory_space<vmem>>, vector<16xi32>,
        %swap3A_190 = vector.shape_cast %swap3A_189 : vector<16xi32> to vector<16xi32>
        %swap3A_191 = vector.shape_cast %get3A_187 : vector<16xi32> to vector<16xi32>
        tpu.vector_store %arg10[%swap3A_188], %swap3A_191 {strides = array<i32>} : memref<128xi32, #tpu.memory_space<vmem>>, vector<16xi32>,
        %mul3A_192 = arith.constant 128 : i32
        %mul3A_193 = arith.muli %add3A_23, %mul3A_192 : i32
        %add3A_194 = arith.constant 96 : i32
        %add3A_195 = arith.addi %mul3A_193, %add3A_194 : i32
        %get3A_196 = arith.index_cast %add3A_195 : i32 to index
        %get3A_197 = tpu.vector_load %arg9[%get3A_196] {strides = array<i32>} : memref<8192xi32, #tpu.memory_space<vmem>>, vector<16xi32>,
        %get3A_198 = vector.shape_cast %get3A_197 : vector<16xi32> to vector<16xi32>
        %swap3A_199 = arith.constant 96 : index
        %swap3A_200 = tpu.vector_load %arg11[%swap3A_199] {strides = array<i32>} : memref<128xi32, #tpu.memory_space<vmem>>, vector<16xi32>,
        %swap3A_201 = vector.shape_cast %swap3A_200 : vector<16xi32> to vector<16xi32>
        %swap3A_202 = vector.shape_cast %get3A_198 : vector<16xi32> to vector<16xi32>
        tpu.vector_store %arg11[%swap3A_199], %swap3A_202 {strides = array<i32>} : memref<128xi32, #tpu.memory_space<vmem>>, vector<16xi32>,
        %mul3A_203 = arith.constant 128 : i32
        %mul3A_204 = arith.muli %mul3A_19, %mul3A_203 : i32
        %add3A_205 = arith.constant 112 : i32
        %add3A_206 = arith.addi %mul3A_204, %add3A_205 : i32
        %get3A_207 = arith.index_cast %add3A_206 : i32 to index
        %get3A_208 = tpu.vector_load %arg9[%get3A_207] {strides = array<i32>} : memref<8192xi32, #tpu.memory_space<vmem>>, vector<16xi32>,
        %get3A_209 = vector.shape_cast %get3A_208 : vector<16xi32> to vector<16xi32>
        %swap3A_210 = arith.constant 112 : index
        %swap3A_211 = tpu.vector_load %arg10[%swap3A_210] {strides = array<i32>} : memref<128xi32, #tpu.memory_space<vmem>>, vector<16xi32>,
        %swap3A_212 = vector.shape_cast %swap3A_211 : vector<16xi32> to vector<16xi32>
        %swap3A_213 = vector.shape_cast %get3A_209 : vector<16xi32> to vector<16xi32>
        tpu.vector_store %arg10[%swap3A_210], %swap3A_213 {strides = array<i32>} : memref<128xi32, #tpu.memory_space<vmem>>, vector<16xi32>,
        %mul3A_214 = arith.constant 128 : i32
        %mul3A_215 = arith.muli %add3A_23, %mul3A_214 : i32
        %add3A_216 = arith.constant 112 : i32
        %add3A_217 = arith.addi %mul3A_215, %add3A_216 : i32
        %get3A_218 = arith.index_cast %add3A_217 : i32 to index
        %get3A_219 = tpu.vector_load %arg9[%get3A_218] {strides = array<i32>} : memref<8192xi32, #tpu.memory_space<vmem>>, vector<16xi32>,
        %get3A_220 = vector.shape_cast %get3A_219 : vector<16xi32> to vector<16xi32>
        %swap3A_221 = arith.constant 112 : index
        %swap3A_222 = tpu.vector_load %arg11[%swap3A_221] {strides = array<i32>} : memref<128xi32, #tpu.memory_space<vmem>>, vector<16xi32>,
        %swap3A_223 = vector.shape_cast %swap3A_222 : vector<16xi32> to vector<16xi32>
        %swap3A_224 = vector.shape_cast %get3A_220 : vector<16xi32> to vector<16xi32>
        tpu.vector_store %arg11[%swap3A_221], %swap3A_224 {strides = array<i32>} : memref<128xi32, #tpu.memory_space<vmem>>, vector<16xi32>,
        %dma_wait3A = arith.constant 0 : i32
        %dma_wait3A_225 = arith.constant 0 : i32
        %dma_wait3A_226 = tpu.memref_slice %arg2[%rem3A_1, %dma_wait3A, %dma_wait3A_225] : memref<16x8192x128xf32, #tpu.memory_space<hbm>> -> memref<1x8192x128xf32, #tpu.memory_space<hbm>>
        %dma_wait3A_227 = tpu.memref_squeeze %dma_wait3A_226 : memref<1x8192x128xf32, #tpu.memory_space<hbm>> -> memref<8192x128xf32, #tpu.memory_space<hbm>>
        %dma_wait3A_228 = arith.constant 0 : i32
        %dma_wait3A_229 = tpu.memref_slice %dma_wait3A_227[%mul3A_25, %dma_wait3A_228] : memref<8192x128xf32, #tpu.memory_space<hbm>> -> memref<128x128xf32, #tpu.memory_space<hbm>>
        %dma_wait3A_230 = arith.constant 0 : i32
        %dma_wait3A_231 = arith.constant 0 : i32
        %dma_wait3A_232 = tpu.memref_slice %arg2[%rem3A_1, %dma_wait3A_230, %dma_wait3A_231] : memref<16x8192x128xf32, #tpu.memory_space<hbm>> -> memref<1x8192x128xf32, #tpu.memory_space<hbm>>
        %dma_wait3A_233 = tpu.memref_squeeze %dma_wait3A_232 : memref<1x8192x128xf32, #tpu.memory_space<hbm>> -> memref<8192x128xf32, #tpu.memory_space<hbm>>
        %dma_wait3A_234 = arith.constant 0 : i32
        %dma_wait3A_235 = tpu.memref_slice %dma_wait3A_233[%mul3A_25, %dma_wait3A_234] : memref<8192x128xf32, #tpu.memory_space<hbm>> -> memref<128x128xf32, #tpu.memory_space<hbm>>
        tpu.wait_dma2 semaphore(%arg15 : memref<!tpu.dma_semaphore, #tpu.memory_space<semaphore_mem>>) src(%dma_wait3A_235 : memref<128x128xf32, #tpu.memory_space<hbm>>) dst(%arg12 : memref<128x128xf32, #tpu.memory_space<vmem>>)
        %dma_start3A_236 = arith.constant 0 : i32
        %dma_start3A_237 = arith.constant 0 : i32
        %dma_start3A_238 = tpu.memref_slice %arg6[%rem3A_1, %dma_start3A_236, %dma_start3A_237] : memref<16x8192x128xf32, #tpu.memory_space<hbm>> -> memref<1x8192x128xf32, #tpu.memory_space<hbm>>
        %dma_start3A_239 = tpu.memref_squeeze %dma_start3A_238 : memref<1x8192x128xf32, #tpu.memory_space<hbm>> -> memref<8192x128xf32, #tpu.memory_space<hbm>>
        %dma_start3A_240 = arith.constant 0 : i32
        %dma_start3A_241 = arith.constant 0 : i32
        %dma_start3A_242 = tpu.memref_slice %dma_start3A_239[%dma_start3A_240, %dma_start3A_241] : memref<8192x128xf32, #tpu.memory_space<hbm>> -> memref<8192x128xf32, #tpu.memory_space<hbm>>
        tpu.enqueue_indirect_dma source(%arg12 : memref<128x128xf32, #tpu.memory_space<vmem>>) target(%dma_start3A_242 : memref<8192x128xf32, #tpu.memory_space<hbm>>) offsets(%arg10 : memref<128xi32, #tpu.memory_space<vmem>>) semaphore(%arg17 : memref<!tpu.dma_semaphore, #tpu.memory_space<semaphore_mem>>)
        %dma_wait3A_243 = arith.constant 0 : i32
        %dma_wait3A_244 = arith.constant 0 : i32
        %dma_wait3A_245 = tpu.memref_slice %arg2[%rem3A_1, %dma_wait3A_243, %dma_wait3A_244] : memref<16x8192x128xf32, #tpu.memory_space<hbm>> -> memref<1x8192x128xf32, #tpu.memory_space<hbm>>
        %dma_wait3A_246 = tpu.memref_squeeze %dma_wait3A_245 : memref<1x8192x128xf32, #tpu.memory_space<hbm>> -> memref<8192x128xf32, #tpu.memory_space<hbm>>
        %dma_wait3A_247 = arith.constant 0 : i32
        %dma_wait3A_248 = tpu.memref_slice %dma_wait3A_246[%mul3A_38, %dma_wait3A_247] : memref<8192x128xf32, #tpu.memory_space<hbm>> -> memref<128x128xf32, #tpu.memory_space<hbm>>
        %dma_wait3A_249 = arith.constant 0 : i32
        %dma_wait3A_250 = arith.constant 0 : i32
        %dma_wait3A_251 = tpu.memref_slice %arg2[%rem3A_1, %dma_wait3A_249, %dma_wait3A_250] : memref<16x8192x128xf32, #tpu.memory_space<hbm>> -> memref<1x8192x128xf32, #tpu.memory_space<hbm>>
        %dma_wait3A_252 = tpu.memref_squeeze %dma_wait3A_251 : memref<1x8192x128xf32, #tpu.memory_space<hbm>> -> memref<8192x128xf32, #tpu.memory_space<hbm>>
        %dma_wait3A_253 = arith.constant 0 : i32
        %dma_wait3A_254 = tpu.memref_slice %dma_wait3A_252[%mul3A_38, %dma_wait3A_253] : memref<8192x128xf32, #tpu.memory_space<hbm>> -> memref<128x128xf32, #tpu.memory_space<hbm>>
        tpu.wait_dma2 semaphore(%arg16 : memref<!tpu.dma_semaphore, #tpu.memory_space<semaphore_mem>>) src(%dma_wait3A_254 : memref<128x128xf32, #tpu.memory_space<hbm>>) dst(%arg13 : memref<128x128xf32, #tpu.memory_space<vmem>>)
        %dma_start3A_255 = arith.constant 0 : i32
        %dma_start3A_256 = arith.constant 0 : i32
        %dma_start3A_257 = tpu.memref_slice %arg6[%rem3A_1, %dma_start3A_255, %dma_start3A_256] : memref<16x8192x128xf32, #tpu.memory_space<hbm>> -> memref<1x8192x128xf32, #tpu.memory_space<hbm>>
        %dma_start3A_258 = tpu.memref_squeeze %dma_start3A_257 : memref<1x8192x128xf32, #tpu.memory_space<hbm>> -> memref<8192x128xf32, #tpu.memory_space<hbm>>
        %dma_start3A_259 = arith.constant 0 : i32
        %dma_start3A_260 = arith.constant 0 : i32
        %dma_start3A_261 = tpu.memref_slice %dma_start3A_258[%dma_start3A_259, %dma_start3A_260] : memref<8192x128xf32, #tpu.memory_space<hbm>> -> memref<8192x128xf32, #tpu.memory_space<hbm>>
        tpu.enqueue_indirect_dma source(%arg13 : memref<128x128xf32, #tpu.memory_space<vmem>>) target(%dma_start3A_261 : memref<8192x128xf32, #tpu.memory_space<hbm>>) offsets(%arg11 : memref<128xi32, #tpu.memory_space<vmem>>) semaphore(%arg18 : memref<!tpu.dma_semaphore, #tpu.memory_space<semaphore_mem>>)
        %dma_wait3A_262 = arith.constant 0 : i32
        %dma_wait3A_263 = arith.constant 0 : i32
        %dma_wait3A_264 = tpu.memref_slice %arg6[%rem3A_1, %dma_wait3A_262, %dma_wait3A_263] : memref<16x8192x128xf32, #tpu.memory_space<hbm>> -> memref<1x8192x128xf32, #tpu.memory_space<hbm>>
        %dma_wait3A_265 = tpu.memref_squeeze %dma_wait3A_264 : memref<1x8192x128xf32, #tpu.memory_space<hbm>> -> memref<8192x128xf32, #tpu.memory_space<hbm>>
        %dma_wait3A_266 = arith.constant 0 : i32
        %dma_wait3A_267 = arith.constant 0 : i32
        %dma_wait3A_268 = tpu.memref_slice %dma_wait3A_265[%dma_wait3A_266, %dma_wait3A_267] : memref<8192x128xf32, #tpu.memory_space<hbm>> -> memref<8192x128xf32, #tpu.memory_space<hbm>>
        tpu.wait_indirect_dma semaphore(%arg17 : memref<!tpu.dma_semaphore, #tpu.memory_space<semaphore_mem>>) src(%arg12 : memref<128x128xf32, #tpu.memory_space<vmem>>) dst(%dma_wait3A_268 : memref<8192x128xf32, #tpu.memory_space<hbm>>)
        %dma_wait3A_269 = arith.constant 0 : i32
        %dma_wait3A_270 = arith.constant 0 : i32
        %dma_wait3A_271 = tpu.memref_slice %arg6[%rem3A_1, %dma_wait3A_269, %dma_wait3A_270] : memref<16x8192x128xf32, #tpu.memory_space<hbm>> -> memref<1x8192x128xf32, #tpu.memory_space<hbm>>
        %dma_wait3A_272 = tpu.memref_squeeze %dma_wait3A_271 : memref<1x8192x128xf32, #tpu.memory_space<hbm>> -> memref<8192x128xf32, #tpu.memory_space<hbm>>
        %dma_wait3A_273 = arith.constant 0 : i32
        %dma_wait3A_274 = arith.constant 0 : i32
        %dma_wait3A_275 = tpu.memref_slice %dma_wait3A_272[%dma_wait3A_273, %dma_wait3A_274] : memref<8192x128xf32, #tpu.memory_space<hbm>> -> memref<8192x128xf32, #tpu.memory_space<hbm>>
        tpu.wait_indirect_dma semaphore(%arg18 : memref<!tpu.dma_semaphore, #tpu.memory_space<semaphore_mem>>) src(%arg13 : memref<128x128xf32, #tpu.memory_space<vmem>>) dst(%dma_wait3A_275 : memref<8192x128xf32, #tpu.memory_space<hbm>>)
        %scan3A_276 = arith.constant 0 : i32
        scf.yield %scan3A_276 : i32
      }
      %scan3A_15 = arith.constant 32 : i32
    } else {
    }
    %ge3A = arith.constant 16 : i32
    %ge3A_6 = arith.cmpi sge, %add3A, %ge3A : i32
    %convert_element_type3A_7 = arith.extui %ge3A_6 : i1 to i32
    %cond3A_8 = arith.constant 0 : i32
    %cond3A_9 = arith.cmpi ne, %convert_element_type3A_7, %cond3A_8 : i32
    scf.if %cond3A_9 {
      %scan3A = arith.constant 0 : i32
      %scan3A_10 = arith.constant 0 : i32
      %scan3A_11 = arith.constant 32 : i32
      %scan3A_12 = arith.addi %scan3A_10, %scan3A_11 : i32
      %scan3A_13 = arith.constant 1 : i32
      %scan3A_14 = scf.for %scan3A_154 = %scan3A_10 to %scan3A_12 step %scan3A_13 iter_args(%scan3A_155 = %scan3A) -> (i32)  : i32 {
        %mul3A_156 = arith.constant 2 : i32
        %mul3A_157 = arith.muli %mul3A_156, %scan3A_154 : i32
        %mul3A_158 = arith.constant 2 : i32
        %mul3A_159 = arith.muli %mul3A_158, %scan3A_154 : i32
        %add3A_160 = arith.constant 1 : i32
        %add3A_161 = arith.addi %mul3A_159, %add3A_160 : i32
        %mul3A_162 = arith.constant 128 : i32
        %mul3A_163 = arith.muli %mul3A_157, %mul3A_162 : i32
        %dma_start3A_164 = arith.constant 0 : i32
        %dma_start3A_165 = arith.constant 0 : i32
        %dma_start3A_166 = tpu.memref_slice %arg3[%rem3A_1, %dma_start3A_164, %dma_start3A_165] : memref<16x8192x128xf32, #tpu.memory_space<hbm>> -> memref<1x8192x128xf32, #tpu.memory_space<hbm>>
        %dma_start3A_167 = tpu.memref_squeeze %dma_start3A_166 : memref<1x8192x128xf32, #tpu.memory_space<hbm>> -> memref<8192x128xf32, #tpu.memory_space<hbm>>
        %dma_start3A_168 = arith.constant 0 : i32
        %dma_start3A_169 = tpu.memref_slice %dma_start3A_167[%mul3A_163, %dma_start3A_168] : memref<8192x128xf32, #tpu.memory_space<hbm>> -> memref<128x128xf32, #tpu.memory_space<hbm>>
        %dma_start3A_170 = arith.constant 0 : i32
        %dma_start3A_171 = arith.constant 0 : i32
        %dma_start3A_172 = tpu.memref_slice %arg3[%rem3A_1, %dma_start3A_170, %dma_start3A_171] : memref<16x8192x128xf32, #tpu.memory_space<hbm>> -> memref<1x8192x128xf32, #tpu.memory_space<hbm>>
        %dma_start3A_173 = tpu.memref_squeeze %dma_start3A_172 : memref<1x8192x128xf32, #tpu.memory_space<hbm>> -> memref<8192x128xf32, #tpu.memory_space<hbm>>
        %dma_start3A_174 = arith.constant 0 : i32
        %dma_start3A_175 = tpu.memref_slice %dma_start3A_173[%mul3A_163, %dma_start3A_174] : memref<8192x128xf32, #tpu.memory_space<hbm>> -> memref<128x128xf32, #tpu.memory_space<hbm>>
        tpu.enqueue_dma source(%dma_start3A_175 : memref<128x128xf32, #tpu.memory_space<hbm>>) target(%arg12 : memref<128x128xf32, #tpu.memory_space<vmem>>) target_semaphore(%arg15 : memref<!tpu.dma_semaphore, #tpu.memory_space<semaphore_mem>>)
        %mul3A_176 = arith.constant 128 : i32
        %mul3A_177 = arith.muli %add3A_161, %mul3A_176 : i32
        %dma_start3A_178 = arith.constant 0 : i32
        %dma_start3A_179 = arith.constant 0 : i32
        %dma_start3A_180 = tpu.memref_slice %arg3[%rem3A_1, %dma_start3A_178, %dma_start3A_179] : memref<16x8192x128xf32, #tpu.memory_space<hbm>> -> memref<1x8192x128xf32, #tpu.memory_space<hbm>>
        %dma_start3A_181 = tpu.memref_squeeze %dma_start3A_180 : memref<1x8192x128xf32, #tpu.memory_space<hbm>> -> memref<8192x128xf32, #tpu.memory_space<hbm>>
        %dma_start3A_182 = arith.constant 0 : i32
        %dma_start3A_183 = tpu.memref_slice %dma_start3A_181[%mul3A_177, %dma_start3A_182] : memref<8192x128xf32, #tpu.memory_space<hbm>> -> memref<128x128xf32, #tpu.memory_space<hbm>>
        %dma_start3A_184 = arith.constant 0 : i32
        %dma_start3A_185 = arith.constant 0 : i32
        %dma_start3A_186 = tpu.memref_slice %arg3[%rem3A_1, %dma_start3A_184, %dma_start3A_185] : memref<16x8192x128xf32, #tpu.memory_space<hbm>> -> memref<1x8192x128xf32, #tpu.memory_space<hbm>>
        %dma_start3A_187 = tpu.memref_squeeze %dma_start3A_186 : memref<1x8192x128xf32, #tpu.memory_space<hbm>> -> memref<8192x128xf32, #tpu.memory_space<hbm>>
        %dma_start3A_188 = arith.constant 0 : i32
        %dma_start3A_189 = tpu.memref_slice %dma_start3A_187[%mul3A_177, %dma_start3A_188] : memref<8192x128xf32, #tpu.memory_space<hbm>> -> memref<128x128xf32, #tpu.memory_space<hbm>>
        tpu.enqueue_dma source(%dma_start3A_189 : memref<128x128xf32, #tpu.memory_space<hbm>>) target(%arg13 : memref<128x128xf32, #tpu.memory_space<vmem>>) target_semaphore(%arg16 : memref<!tpu.dma_semaphore, #tpu.memory_space<semaphore_mem>>)
        %mul3A_190 = arith.constant 128 : i32
        %mul3A_191 = arith.muli %mul3A_157, %mul3A_190 : i32
        %add3A_192 = arith.constant 0 : i32
        %add3A_193 = arith.addi %mul3A_191, %add3A_192 : i32
        %get3A_194 = arith.index_cast %add3A_193 : i32 to index
        %get3A_195 = tpu.vector_load %arg9[%get3A_194] {strides = array<i32>} : memref<8192xi32, #tpu.memory_space<vmem>>, vector<16xi32>,
        %get3A_196 = vector.shape_cast %get3A_195 : vector<16xi32> to vector<16xi32>
        %swap3A_197 = arith.constant 0 : index
        %swap3A_198 = tpu.vector_load %arg10[%swap3A_197] {strides = array<i32>} : memref<128xi32, #tpu.memory_space<vmem>>, vector<16xi32>,
        %swap3A_199 = vector.shape_cast %swap3A_198 : vector<16xi32> to vector<16xi32>
        %swap3A_200 = vector.shape_cast %get3A_196 : vector<16xi32> to vector<16xi32>
        tpu.vector_store %arg10[%swap3A_197], %swap3A_200 {strides = array<i32>} : memref<128xi32, #tpu.memory_space<vmem>>, vector<16xi32>,
        %mul3A_201 = arith.constant 128 : i32
        %mul3A_202 = arith.muli %add3A_161, %mul3A_201 : i32
        %add3A_203 = arith.constant 0 : i32
        %add3A_204 = arith.addi %mul3A_202, %add3A_203 : i32
        %get3A_205 = arith.index_cast %add3A_204 : i32 to index
        %get3A_206 = tpu.vector_load %arg9[%get3A_205] {strides = array<i32>} : memref<8192xi32, #tpu.memory_space<vmem>>, vector<16xi32>,
        %get3A_207 = vector.shape_cast %get3A_206 : vector<16xi32> to vector<16xi32>
        %swap3A_208 = arith.constant 0 : index
        %swap3A_209 = tpu.vector_load %arg11[%swap3A_208] {strides = array<i32>} : memref<128xi32, #tpu.memory_space<vmem>>, vector<16xi32>,
        %swap3A_210 = vector.shape_cast %swap3A_209 : vector<16xi32> to vector<16xi32>
        %swap3A_211 = vector.shape_cast %get3A_207 : vector<16xi32> to vector<16xi32>
        tpu.vector_store %arg11[%swap3A_208], %swap3A_211 {strides = array<i32>} : memref<128xi32, #tpu.memory_space<vmem>>, vector<16xi32>,
        %mul3A_212 = arith.constant 128 : i32
        %mul3A_213 = arith.muli %mul3A_157, %mul3A_212 : i32
        %add3A_214 = arith.constant 16 : i32
        %add3A_215 = arith.addi %mul3A_213, %add3A_214 : i32
        %get3A_216 = arith.index_cast %add3A_215 : i32 to index
        %get3A_217 = tpu.vector_load %arg9[%get3A_216] {strides = array<i32>} : memref<8192xi32, #tpu.memory_space<vmem>>, vector<16xi32>,
        %get3A_218 = vector.shape_cast %get3A_217 : vector<16xi32> to vector<16xi32>
        %swap3A_219 = arith.constant 16 : index
        %swap3A_220 = tpu.vector_load %arg10[%swap3A_219] {strides = array<i32>} : memref<128xi32, #tpu.memory_space<vmem>>, vector<16xi32>,
        %swap3A_221 = vector.shape_cast %swap3A_220 : vector<16xi32> to vector<16xi32>
        %swap3A_222 = vector.shape_cast %get3A_218 : vector<16xi32> to vector<16xi32>
        tpu.vector_store %arg10[%swap3A_219], %swap3A_222 {strides = array<i32>} : memref<128xi32, #tpu.memory_space<vmem>>, vector<16xi32>,
        %mul3A_223 = arith.constant 128 : i32
        %mul3A_224 = arith.muli %add3A_161, %mul3A_223 : i32
        %add3A_225 = arith.constant 16 : i32
        %add3A_226 = arith.addi %mul3A_224, %add3A_225 : i32
        %get3A_227 = arith.index_cast %add3A_226 : i32 to index
        %get3A_228 = tpu.vector_load %arg9[%get3A_227] {strides = array<i32>} : memref<8192xi32, #tpu.memory_space<vmem>>, vector<16xi32>,
        %get3A_229 = vector.shape_cast %get3A_228 : vector<16xi32> to vector<16xi32>
        %swap3A_230 = arith.constant 16 : index
        %swap3A_231 = tpu.vector_load %arg11[%swap3A_230] {strides = array<i32>} : memref<128xi32, #tpu.memory_space<vmem>>, vector<16xi32>,
        %swap3A_232 = vector.shape_cast %swap3A_231 : vector<16xi32> to vector<16xi32>
        %swap3A_233 = vector.shape_cast %get3A_229 : vector<16xi32> to vector<16xi32>
        tpu.vector_store %arg11[%swap3A_230], %swap3A_233 {strides = array<i32>} : memref<128xi32, #tpu.memory_space<vmem>>, vector<16xi32>,
        %mul3A_234 = arith.constant 128 : i32
        %mul3A_235 = arith.muli %mul3A_157, %mul3A_234 : i32
        %add3A_236 = arith.constant 32 : i32
        %add3A_237 = arith.addi %mul3A_235, %add3A_236 : i32
        %get3A_238 = arith.index_cast %add3A_237 : i32 to index
        %get3A_239 = tpu.vector_load %arg9[%get3A_238] {strides = array<i32>} : memref<8192xi32, #tpu.memory_space<vmem>>, vector<16xi32>,
        %get3A_240 = vector.shape_cast %get3A_239 : vector<16xi32> to vector<16xi32>
        %swap3A_241 = arith.constant 32 : index
        %swap3A_242 = tpu.vector_load %arg10[%swap3A_241] {strides = array<i32>} : memref<128xi32, #tpu.memory_space<vmem>>, vector<16xi32>,
        %swap3A_243 = vector.shape_cast %swap3A_242 : vector<16xi32> to vector<16xi32>
        %swap3A_244 = vector.shape_cast %get3A_240 : vector<16xi32> to vector<16xi32>
        tpu.vector_store %arg10[%swap3A_241], %swap3A_244 {strides = array<i32>} : memref<128xi32, #tpu.memory_space<vmem>>, vector<16xi32>,
        %mul3A_245 = arith.constant 128 : i32
        %mul3A_246 = arith.muli %add3A_161, %mul3A_245 : i32
        %add3A_247 = arith.constant 32 : i32
        %add3A_248 = arith.addi %mul3A_246, %add3A_247 : i32
        %get3A_249 = arith.index_cast %add3A_248 : i32 to index
        %get3A_250 = tpu.vector_load %arg9[%get3A_249] {strides = array<i32>} : memref<8192xi32, #tpu.memory_space<vmem>>, vector<16xi32>,
        %get3A_251 = vector.shape_cast %get3A_250 : vector<16xi32> to vector<16xi32>
        %swap3A_252 = arith.constant 32 : index
        %swap3A_253 = tpu.vector_load %arg11[%swap3A_252] {strides = array<i32>} : memref<128xi32, #tpu.memory_space<vmem>>, vector<16xi32>,
        %swap3A_254 = vector.shape_cast %swap3A_253 : vector<16xi32> to vector<16xi32>
        %swap3A_255 = vector.shape_cast %get3A_251 : vector<16xi32> to vector<16xi32>
        tpu.vector_store %arg11[%swap3A_252], %swap3A_255 {strides = array<i32>} : memref<128xi32, #tpu.memory_space<vmem>>, vector<16xi32>,
        %mul3A_256 = arith.constant 128 : i32
        %mul3A_257 = arith.muli %mul3A_157, %mul3A_256 : i32
        %add3A_258 = arith.constant 48 : i32
        %add3A_259 = arith.addi %mul3A_257, %add3A_258 : i32
        %get3A_260 = arith.index_cast %add3A_259 : i32 to index
        %get3A_261 = tpu.vector_load %arg9[%get3A_260] {strides = array<i32>} : memref<8192xi32, #tpu.memory_space<vmem>>, vector<16xi32>,
        %get3A_262 = vector.shape_cast %get3A_261 : vector<16xi32> to vector<16xi32>
        %swap3A_263 = arith.constant 48 : index
        %swap3A_264 = tpu.vector_load %arg10[%swap3A_263] {strides = array<i32>} : memref<128xi32, #tpu.memory_space<vmem>>, vector<16xi32>,
        %swap3A_265 = vector.shape_cast %swap3A_264 : vector<16xi32> to vector<16xi32>
        %swap3A_266 = vector.shape_cast %get3A_262 : vector<16xi32> to vector<16xi32>
        tpu.vector_store %arg10[%swap3A_263], %swap3A_266 {strides = array<i32>} : memref<128xi32, #tpu.memory_space<vmem>>, vector<16xi32>,
        %mul3A_267 = arith.constant 128 : i32
        %mul3A_268 = arith.muli %add3A_161, %mul3A_267 : i32
        %add3A_269 = arith.constant 48 : i32
        %add3A_270 = arith.addi %mul3A_268, %add3A_269 : i32
        %get3A_271 = arith.index_cast %add3A_270 : i32 to index
        %get3A_272 = tpu.vector_load %arg9[%get3A_271] {strides = array<i32>} : memref<8192xi32, #tpu.memory_space<vmem>>, vector<16xi32>,
        %get3A_273 = vector.shape_cast %get3A_272 : vector<16xi32> to vector<16xi32>
        %swap3A_274 = arith.constant 48 : index
        %swap3A_275 = tpu.vector_load %arg11[%swap3A_274] {strides = array<i32>} : memref<128xi32, #tpu.memory_space<vmem>>, vector<16xi32>,
        %swap3A_276 = vector.shape_cast %swap3A_275 : vector<16xi32> to vector<16xi32>
        %swap3A_277 = vector.shape_cast %get3A_273 : vector<16xi32> to vector<16xi32>
        tpu.vector_store %arg11[%swap3A_274], %swap3A_277 {strides = array<i32>} : memref<128xi32, #tpu.memory_space<vmem>>, vector<16xi32>,
        %mul3A_278 = arith.constant 128 : i32
        %mul3A_279 = arith.muli %mul3A_157, %mul3A_278 : i32
        %add3A_280 = arith.constant 64 : i32
        %add3A_281 = arith.addi %mul3A_279, %add3A_280 : i32
        %get3A_282 = arith.index_cast %add3A_281 : i32 to index
        %get3A_283 = tpu.vector_load %arg9[%get3A_282] {strides = array<i32>} : memref<8192xi32, #tpu.memory_space<vmem>>, vector<16xi32>,
        %get3A_284 = vector.shape_cast %get3A_283 : vector<16xi32> to vector<16xi32>
        %swap3A_285 = arith.constant 64 : index
        %swap3A_286 = tpu.vector_load %arg10[%swap3A_285] {strides = array<i32>} : memref<128xi32, #tpu.memory_space<vmem>>, vector<16xi32>,
        %swap3A_287 = vector.shape_cast %swap3A_286 : vector<16xi32> to vector<16xi32>
        %swap3A_288 = vector.shape_cast %get3A_284 : vector<16xi32> to vector<16xi32>
        tpu.vector_store %arg10[%swap3A_285], %swap3A_288 {strides = array<i32>} : memref<128xi32, #tpu.memory_space<vmem>>, vector<16xi32>,
        %mul3A_289 = arith.constant 128 : i32
        %mul3A_290 = arith.muli %add3A_161, %mul3A_289 : i32
        %add3A_291 = arith.constant 64 : i32
        %add3A_292 = arith.addi %mul3A_290, %add3A_291 : i32
        %get3A_293 = arith.index_cast %add3A_292 : i32 to index
        %get3A_294 = tpu.vector_load %arg9[%get3A_293] {strides = array<i32>} : memref<8192xi32, #tpu.memory_space<vmem>>, vector<16xi32>,
        %get3A_295 = vector.shape_cast %get3A_294 : vector<16xi32> to vector<16xi32>
        %swap3A_296 = arith.constant 64 : index
        %swap3A_297 = tpu.vector_load %arg11[%swap3A_296] {strides = array<i32>} : memref<128xi32, #tpu.memory_space<vmem>>, vector<16xi32>,
        %swap3A_298 = vector.shape_cast %swap3A_297 : vector<16xi32> to vector<16xi32>
        %swap3A_299 = vector.shape_cast %get3A_295 : vector<16xi32> to vector<16xi32>
        tpu.vector_store %arg11[%swap3A_296], %swap3A_299 {strides = array<i32>} : memref<128xi32, #tpu.memory_space<vmem>>, vector<16xi32>,
        %mul3A_300 = arith.constant 128 : i32
        %mul3A_301 = arith.muli %mul3A_157, %mul3A_300 : i32
        %add3A_302 = arith.constant 80 : i32
        %add3A_303 = arith.addi %mul3A_301, %add3A_302 : i32
        %get3A_304 = arith.index_cast %add3A_303 : i32 to index
        %get3A_305 = tpu.vector_load %arg9[%get3A_304] {strides = array<i32>} : memref<8192xi32, #tpu.memory_space<vmem>>, vector<16xi32>,
        %get3A_306 = vector.shape_cast %get3A_305 : vector<16xi32> to vector<16xi32>
        %swap3A_307 = arith.constant 80 : index
        %swap3A_308 = tpu.vector_load %arg10[%swap3A_307] {strides = array<i32>} : memref<128xi32, #tpu.memory_space<vmem>>, vector<16xi32>,
        %swap3A_309 = vector.shape_cast %swap3A_308 : vector<16xi32> to vector<16xi32>
        %swap3A_310 = vector.shape_cast %get3A_306 : vector<16xi32> to vector<16xi32>
        tpu.vector_store %arg10[%swap3A_307], %swap3A_310 {strides = array<i32>} : memref<128xi32, #tpu.memory_space<vmem>>, vector<16xi32>,
        %mul3A_311 = arith.constant 128 : i32
        %mul3A_312 = arith.muli %add3A_161, %mul3A_311 : i32
        %add3A_313 = arith.constant 80 : i32
        %add3A_314 = arith.addi %mul3A_312, %add3A_313 : i32
        %get3A_315 = arith.index_cast %add3A_314 : i32 to index
        %get3A_316 = tpu.vector_load %arg9[%get3A_315] {strides = array<i32>} : memref<8192xi32, #tpu.memory_space<vmem>>, vector<16xi32>,
        %get3A_317 = vector.shape_cast %get3A_316 : vector<16xi32> to vector<16xi32>
        %swap3A_318 = arith.constant 80 : index
        %swap3A_319 = tpu.vector_load %arg11[%swap3A_318] {strides = array<i32>} : memref<128xi32, #tpu.memory_space<vmem>>, vector<16xi32>,
        %swap3A_320 = vector.shape_cast %swap3A_319 : vector<16xi32> to vector<16xi32>
        %swap3A_321 = vector.shape_cast %get3A_317 : vector<16xi32> to vector<16xi32>
        tpu.vector_store %arg11[%swap3A_318], %swap3A_321 {strides = array<i32>} : memref<128xi32, #tpu.memory_space<vmem>>, vector<16xi32>,
        %mul3A_322 = arith.constant 128 : i32
        %mul3A_323 = arith.muli %mul3A_157, %mul3A_322 : i32
        %add3A_324 = arith.constant 96 : i32
        %add3A_325 = arith.addi %mul3A_323, %add3A_324 : i32
        %get3A_326 = arith.index_cast %add3A_325 : i32 to index
        %get3A_327 = tpu.vector_load %arg9[%get3A_326] {strides = array<i32>} : memref<8192xi32, #tpu.memory_space<vmem>>, vector<16xi32>,
        %get3A_328 = vector.shape_cast %get3A_327 : vector<16xi32> to vector<16xi32>
        %swap3A_329 = arith.constant 96 : index
        %swap3A_330 = tpu.vector_load %arg10[%swap3A_329] {strides = array<i32>} : memref<128xi32, #tpu.memory_space<vmem>>, vector<16xi32>,
        %swap3A_331 = vector.shape_cast %swap3A_330 : vector<16xi32> to vector<16xi32>
        %swap3A_332 = vector.shape_cast %get3A_328 : vector<16xi32> to vector<16xi32>
        tpu.vector_store %arg10[%swap3A_329], %swap3A_332 {strides = array<i32>} : memref<128xi32, #tpu.memory_space<vmem>>, vector<16xi32>,
        %mul3A_333 = arith.constant 128 : i32
        %mul3A_334 = arith.muli %add3A_161, %mul3A_333 : i32
        %add3A_335 = arith.constant 96 : i32
        %add3A_336 = arith.addi %mul3A_334, %add3A_335 : i32
        %get3A_337 = arith.index_cast %add3A_336 : i32 to index
        %get3A_338 = tpu.vector_load %arg9[%get3A_337] {strides = array<i32>} : memref<8192xi32, #tpu.memory_space<vmem>>, vector<16xi32>,
        %get3A_339 = vector.shape_cast %get3A_338 : vector<16xi32> to vector<16xi32>
        %swap3A_340 = arith.constant 96 : index
        %swap3A_341 = tpu.vector_load %arg11[%swap3A_340] {strides = array<i32>} : memref<128xi32, #tpu.memory_space<vmem>>, vector<16xi32>,
        %swap3A_342 = vector.shape_cast %swap3A_341 : vector<16xi32> to vector<16xi32>
        %swap3A_343 = vector.shape_cast %get3A_339 : vector<16xi32> to vector<16xi32>
        tpu.vector_store %arg11[%swap3A_340], %swap3A_343 {strides = array<i32>} : memref<128xi32, #tpu.memory_space<vmem>>, vector<16xi32>,
        %mul3A_344 = arith.constant 128 : i32
        %mul3A_345 = arith.muli %mul3A_157, %mul3A_344 : i32
        %add3A_346 = arith.constant 112 : i32
        %add3A_347 = arith.addi %mul3A_345, %add3A_346 : i32
        %get3A_348 = arith.index_cast %add3A_347 : i32 to index
        %get3A_349 = tpu.vector_load %arg9[%get3A_348] {strides = array<i32>} : memref<8192xi32, #tpu.memory_space<vmem>>, vector<16xi32>,
        %get3A_350 = vector.shape_cast %get3A_349 : vector<16xi32> to vector<16xi32>
        %swap3A_351 = arith.constant 112 : index
        %swap3A_352 = tpu.vector_load %arg10[%swap3A_351] {strides = array<i32>} : memref<128xi32, #tpu.memory_space<vmem>>, vector<16xi32>,
        %swap3A_353 = vector.shape_cast %swap3A_352 : vector<16xi32> to vector<16xi32>
        %swap3A_354 = vector.shape_cast %get3A_350 : vector<16xi32> to vector<16xi32>
        tpu.vector_store %arg10[%swap3A_351], %swap3A_354 {strides = array<i32>} : memref<128xi32, #tpu.memory_space<vmem>>, vector<16xi32>,
        %mul3A_355 = arith.constant 128 : i32
        %mul3A_356 = arith.muli %add3A_161, %mul3A_355 : i32
        %add3A_357 = arith.constant 112 : i32
        %add3A_358 = arith.addi %mul3A_356, %add3A_357 : i32
        %get3A_359 = arith.index_cast %add3A_358 : i32 to index
        %get3A_360 = tpu.vector_load %arg9[%get3A_359] {strides = array<i32>} : memref<8192xi32, #tpu.memory_space<vmem>>, vector<16xi32>,
        %get3A_361 = vector.shape_cast %get3A_360 : vector<16xi32> to vector<16xi32>
        %swap3A_362 = arith.constant 112 : index
        %swap3A_363 = tpu.vector_load %arg11[%swap3A_362] {strides = array<i32>} : memref<128xi32, #tpu.memory_space<vmem>>, vector<16xi32>,
        %swap3A_364 = vector.shape_cast %swap3A_363 : vector<16xi32> to vector<16xi32>
        %swap3A_365 = vector.shape_cast %get3A_361 : vector<16xi32> to vector<16xi32>
        tpu.vector_store %arg11[%swap3A_362], %swap3A_365 {strides = array<i32>} : memref<128xi32, #tpu.memory_space<vmem>>, vector<16xi32>,
        %dma_wait3A_366 = arith.constant 0 : i32
        %dma_wait3A_367 = arith.constant 0 : i32
        %dma_wait3A_368 = tpu.memref_slice %arg3[%rem3A_1, %dma_wait3A_366, %dma_wait3A_367] : memref<16x8192x128xf32, #tpu.memory_space<hbm>> -> memref<1x8192x128xf32, #tpu.memory_space<hbm>>
        %dma_wait3A_369 = tpu.memref_squeeze %dma_wait3A_368 : memref<1x8192x128xf32, #tpu.memory_space<hbm>> -> memref<8192x128xf32, #tpu.memory_space<hbm>>
        %dma_wait3A_370 = arith.constant 0 : i32
        %dma_wait3A_371 = tpu.memref_slice %dma_wait3A_369[%mul3A_163, %dma_wait3A_370] : memref<8192x128xf32, #tpu.memory_space<hbm>> -> memref<128x128xf32, #tpu.memory_space<hbm>>
        %dma_wait3A_372 = arith.constant 0 : i32
        %dma_wait3A_373 = arith.constant 0 : i32
        %dma_wait3A_374 = tpu.memref_slice %arg3[%rem3A_1, %dma_wait3A_372, %dma_wait3A_373] : memref<16x8192x128xf32, #tpu.memory_space<hbm>> -> memref<1x8192x128xf32, #tpu.memory_space<hbm>>
        %dma_wait3A_375 = tpu.memref_squeeze %dma_wait3A_374 : memref<1x8192x128xf32, #tpu.memory_space<hbm>> -> memref<8192x128xf32, #tpu.memory_space<hbm>>
        %dma_wait3A_376 = arith.constant 0 : i32
        %dma_wait3A_377 = tpu.memref_slice %dma_wait3A_375[%mul3A_163, %dma_wait3A_376] : memref<8192x128xf32, #tpu.memory_space<hbm>> -> memref<128x128xf32, #tpu.memory_space<hbm>>
        tpu.wait_dma2 semaphore(%arg15 : memref<!tpu.dma_semaphore, #tpu.memory_space<semaphore_mem>>) src(%dma_wait3A_377 : memref<128x128xf32, #tpu.memory_space<hbm>>) dst(%arg12 : memref<128x128xf32, #tpu.memory_space<vmem>>)
        %dma_start3A_378 = arith.constant 0 : i32
        %dma_start3A_379 = arith.constant 0 : i32
        %dma_start3A_380 = tpu.memref_slice %arg7[%rem3A_1, %dma_start3A_378, %dma_start3A_379] : memref<16x8192x128xf32, #tpu.memory_space<hbm>> -> memref<1x8192x128xf32, #tpu.memory_space<hbm>>
        %dma_start3A_381 = tpu.memref_squeeze %dma_start3A_380 : memref<1x8192x128xf32, #tpu.memory_space<hbm>> -> memref<8192x128xf32, #tpu.memory_space<hbm>>
        %dma_start3A_382 = arith.constant 0 : i32
        %dma_start3A_383 = arith.constant 0 : i32
        %dma_start3A_384 = tpu.memref_slice %dma_start3A_381[%dma_start3A_382, %dma_start3A_383] : memref<8192x128xf32, #tpu.memory_space<hbm>> -> memref<8192x128xf32, #tpu.memory_space<hbm>>
        tpu.enqueue_indirect_dma source(%arg12 : memref<128x128xf32, #tpu.memory_space<vmem>>) target(%dma_start3A_384 : memref<8192x128xf32, #tpu.memory_space<hbm>>) offsets(%arg10 : memref<128xi32, #tpu.memory_space<vmem>>) semaphore(%arg17 : memref<!tpu.dma_semaphore, #tpu.memory_space<semaphore_mem>>)
        %dma_wait3A_385 = arith.constant 0 : i32
        %dma_wait3A_386 = arith.constant 0 : i32
        %dma_wait3A_387 = tpu.memref_slice %arg3[%rem3A_1, %dma_wait3A_385, %dma_wait3A_386] : memref<16x8192x128xf32, #tpu.memory_space<hbm>> -> memref<1x8192x128xf32, #tpu.memory_space<hbm>>
        %dma_wait3A_388 = tpu.memref_squeeze %dma_wait3A_387 : memref<1x8192x128xf32, #tpu.memory_space<hbm>> -> memref<8192x128xf32, #tpu.memory_space<hbm>>
        %dma_wait3A_389 = arith.constant 0 : i32
        %dma_wait3A_390 = tpu.memref_slice %dma_wait3A_388[%mul3A_177, %dma_wait3A_389] : memref<8192x128xf32, #tpu.memory_space<hbm>> -> memref<128x128xf32, #tpu.memory_space<hbm>>
        %dma_wait3A_391 = arith.constant 0 : i32
        %dma_wait3A_392 = arith.constant 0 : i32
        %dma_wait3A_393 = tpu.memref_slice %arg3[%rem3A_1, %dma_wait3A_391, %dma_wait3A_392] : memref<16x8192x128xf32, #tpu.memory_space<hbm>> -> memref<1x8192x128xf32, #tpu.memory_space<hbm>>
        %dma_wait3A_394 = tpu.memref_squeeze %dma_wait3A_393 : memref<1x8192x128xf32, #tpu.memory_space<hbm>> -> memref<8192x128xf32, #tpu.memory_space<hbm>>
        %dma_wait3A_395 = arith.constant 0 : i32
        %dma_wait3A_396 = tpu.memref_slice %dma_wait3A_394[%mul3A_177, %dma_wait3A_395] : memref<8192x128xf32, #tpu.memory_space<hbm>> -> memref<128x128xf32, #tpu.memory_space<hbm>>
        tpu.wait_dma2 semaphore(%arg16 : memref<!tpu.dma_semaphore, #tpu.memory_space<semaphore_mem>>) src(%dma_wait3A_396 : memref<128x128xf32, #tpu.memory_space<hbm>>) dst(%arg13 : memref<128x128xf32, #tpu.memory_space<vmem>>)
        %dma_start3A_397 = arith.constant 0 : i32
        %dma_start3A_398 = arith.constant 0 : i32
        %dma_start3A_399 = tpu.memref_slice %arg7[%rem3A_1, %dma_start3A_397, %dma_start3A_398] : memref<16x8192x128xf32, #tpu.memory_space<hbm>> -> memref<1x8192x128xf32, #tpu.memory_space<hbm>>
        %dma_start3A_400 = tpu.memref_squeeze %dma_start3A_399 : memref<1x8192x128xf32, #tpu.memory_space<hbm>> -> memref<8192x128xf32, #tpu.memory_space<hbm>>
        %dma_start3A_401 = arith.constant 0 : i32
        %dma_start3A_402 = arith.constant 0 : i32
        %dma_start3A_403 = tpu.memref_slice %dma_start3A_400[%dma_start3A_401, %dma_start3A_402] : memref<8192x128xf32, #tpu.memory_space<hbm>> -> memref<8192x128xf32, #tpu.memory_space<hbm>>
        tpu.enqueue_indirect_dma source(%arg13 : memref<128x128xf32, #tpu.memory_space<vmem>>) target(%dma_start3A_403 : memref<8192x128xf32, #tpu.memory_space<hbm>>) offsets(%arg11 : memref<128xi32, #tpu.memory_space<vmem>>) semaphore(%arg18 : memref<!tpu.dma_semaphore, #tpu.memory_space<semaphore_mem>>)
        %dma_wait3A_404 = arith.constant 0 : i32
        %dma_wait3A_405 = arith.constant 0 : i32
        %dma_wait3A_406 = tpu.memref_slice %arg7[%rem3A_1, %dma_wait3A_404, %dma_wait3A_405] : memref<16x8192x128xf32, #tpu.memory_space<hbm>> -> memref<1x8192x128xf32, #tpu.memory_space<hbm>>
        %dma_wait3A_407 = tpu.memref_squeeze %dma_wait3A_406 : memref<1x8192x128xf32, #tpu.memory_space<hbm>> -> memref<8192x128xf32, #tpu.memory_space<hbm>>
        %dma_wait3A_408 = arith.constant 0 : i32
        %dma_wait3A_409 = arith.constant 0 : i32
        %dma_wait3A_410 = tpu.memref_slice %dma_wait3A_407[%dma_wait3A_408, %dma_wait3A_409] : memref<8192x128xf32, #tpu.memory_space<hbm>> -> memref<8192x128xf32, #tpu.memory_space<hbm>>
        tpu.wait_indirect_dma semaphore(%arg17 : memref<!tpu.dma_semaphore, #tpu.memory_space<semaphore_mem>>) src(%arg12 : memref<128x128xf32, #tpu.memory_space<vmem>>) dst(%dma_wait3A_410 : memref<8192x128xf32, #tpu.memory_space<hbm>>)
        %dma_wait3A_411 = arith.constant 0 : i32
        %dma_wait3A_412 = arith.constant 0 : i32
        %dma_wait3A_413 = tpu.memref_slice %arg7[%rem3A_1, %dma_wait3A_411, %dma_wait3A_412] : memref<16x8192x128xf32, #tpu.memory_space<hbm>> -> memref<1x8192x128xf32, #tpu.memory_space<hbm>>
        %dma_wait3A_414 = tpu.memref_squeeze %dma_wait3A_413 : memref<1x8192x128xf32, #tpu.memory_space<hbm>> -> memref<8192x128xf32, #tpu.memory_space<hbm>>
        %dma_wait3A_415 = arith.constant 0 : i32
        %dma_wait3A_416 = arith.constant 0 : i32
        %dma_wait3A_417 = tpu.memref_slice %dma_wait3A_414[%dma_wait3A_415, %dma_wait3A_416] : memref<8192x128xf32, #tpu.memory_space<hbm>> -> memref<8192x128xf32, #tpu.memory_space<hbm>>
        tpu.wait_indirect_dma semaphore(%arg18 : memref<!tpu.dma_semaphore, #tpu.memory_space<semaphore_mem>>) src(%arg13 : memref<128x128xf32, #tpu.memory_space<vmem>>) dst(%dma_wait3A_417 : memref<8192x128xf32, #tpu.memory_space<hbm>>)
        %scan3A_418 = arith.constant 0 : i32
        scf.yield %scan3A_418 : i32
      }
      %scan3A_15 = arith.constant 32 : i32
      %mul3A_16 = arith.constant 256 : i32
      %mul3A_17 = arith.muli %rem3A_1, %mul3A_16 : i32
      "tpu.region"() ({
        %run_scoped3A = tpu.sem_alloc : memref<!tpu.dma_semaphore, #tpu.memory_space<semaphore_mem>>
        %dma_start3A_154 = tpu.memref_slice %arg5[%mul3A_17] : memref<4096xi32, #tpu.memory_space<hbm>> -> memref<256xi32, #tpu.memory_space<hbm>>
        %dma_start3A_155 = tpu.memref_slice %arg5[%mul3A_17] : memref<4096xi32, #tpu.memory_space<hbm>> -> memref<256xi32, #tpu.memory_space<hbm>>
        tpu.enqueue_dma source(%dma_start3A_155 : memref<256xi32, #tpu.memory_space<hbm>>) target(%arg14 : memref<256xi32, #tpu.memory_space<vmem>>) target_semaphore(%run_scoped3A : memref<!tpu.dma_semaphore, #tpu.memory_space<semaphore_mem>>)
        %dma_wait3A_156 = tpu.memref_slice %arg5[%mul3A_17] : memref<4096xi32, #tpu.memory_space<hbm>> -> memref<256xi32, #tpu.memory_space<hbm>>
        %dma_wait3A_157 = tpu.memref_slice %arg5[%mul3A_17] : memref<4096xi32, #tpu.memory_space<hbm>> -> memref<256xi32, #tpu.memory_space<hbm>>
        tpu.wait_dma2 semaphore(%run_scoped3A : memref<!tpu.dma_semaphore, #tpu.memory_space<semaphore_mem>>) src(%dma_wait3A_157 : memref<256xi32, #tpu.memory_space<hbm>>) dst(%arg14 : memref<256xi32, #tpu.memory_space<vmem>>)
        tpu.yield
      }) : () -> ()
      %get3A = arith.constant 0 : index
      %get3A_18 = tpu.vector_load %arg14[%get3A] {strides = array<i32>} : memref<256xi32, #tpu.memory_space<vmem>>, vector<16xi32>,
      %get3A_19 = vector.shape_cast %get3A_18 : vector<16xi32> to vector<16xi32>
      %swap3A = arith.constant 0 : index
      %swap3A_20 = tpu.vector_load %arg10[%swap3A] {strides = array<i32>} : memref<128xi32, #tpu.memory_space<vmem>>, vector<16xi32>,
      %swap3A_21 = vector.shape_cast %swap3A_20 : vector<16xi32> to vector<16xi32>
      %swap3A_22 = vector.shape_cast %get3A_19 : vector<16xi32> to vector<16xi32>
      tpu.vector_store %arg10[%swap3A], %swap3A_22 {strides = array<i32>} : memref<128xi32, #tpu.memory_space<vmem>>, vector<16xi32>,
      %get3A_23 = arith.constant 16 : index
      %get3A_24 = tpu.vector_load %arg14[%get3A_23] {strides = array<i32>} : memref<256xi32, #tpu.memory_space<vmem>>, vector<16xi32>,
      %get3A_25 = vector.shape_cast %get3A_24 : vector<16xi32> to vector<16xi32>
      %swap3A_26 = arith.constant 16 : index
      %swap3A_27 = tpu.vector_load %arg10[%swap3A_26] {strides = array<i32>} : memref<128xi32, #tpu.memory_space<vmem>>, vector<16xi32>,
      %swap3A_28 = vector.shape_cast %swap3A_27 : vector<16xi32> to vector<16xi32>
      %swap3A_29 = vector.shape_cast %get3A_25 : vector<16xi32> to vector<16xi32>
      tpu.vector_store %arg10[%swap3A_26], %swap3A_29 {strides = array<i32>} : memref<128xi32, #tpu.memory_space<vmem>>, vector<16xi32>,
      %get3A_30 = arith.constant 32 : index
      %get3A_31 = tpu.vector_load %arg14[%get3A_30] {strides = array<i32>} : memref<256xi32, #tpu.memory_space<vmem>>, vector<16xi32>,
      %get3A_32 = vector.shape_cast %get3A_31 : vector<16xi32> to vector<16xi32>
      %swap3A_33 = arith.constant 32 : index
      %swap3A_34 = tpu.vector_load %arg10[%swap3A_33] {strides = array<i32>} : memref<128xi32, #tpu.memory_space<vmem>>, vector<16xi32>,
      %swap3A_35 = vector.shape_cast %swap3A_34 : vector<16xi32> to vector<16xi32>
      %swap3A_36 = vector.shape_cast %get3A_32 : vector<16xi32> to vector<16xi32>
      tpu.vector_store %arg10[%swap3A_33], %swap3A_36 {strides = array<i32>} : memref<128xi32, #tpu.memory_space<vmem>>, vector<16xi32>,
      %get3A_37 = arith.constant 48 : index
      %get3A_38 = tpu.vector_load %arg14[%get3A_37] {strides = array<i32>} : memref<256xi32, #tpu.memory_space<vmem>>, vector<16xi32>,
      %get3A_39 = vector.shape_cast %get3A_38 : vector<16xi32> to vector<16xi32>
      %swap3A_40 = arith.constant 48 : index
      %swap3A_41 = tpu.vector_load %arg10[%swap3A_40] {strides = array<i32>} : memref<128xi32, #tpu.memory_space<vmem>>, vector<16xi32>,
      %swap3A_42 = vector.shape_cast %swap3A_41 : vector<16xi32> to vector<16xi32>
      %swap3A_43 = vector.shape_cast %get3A_39 : vector<16xi32> to vector<16xi32>
      tpu.vector_store %arg10[%swap3A_40], %swap3A_43 {strides = array<i32>} : memref<128xi32, #tpu.memory_space<vmem>>, vector<16xi32>,
      %get3A_44 = arith.constant 64 : index
      %get3A_45 = tpu.vector_load %arg14[%get3A_44] {strides = array<i32>} : memref<256xi32, #tpu.memory_space<vmem>>, vector<16xi32>,
      %get3A_46 = vector.shape_cast %get3A_45 : vector<16xi32> to vector<16xi32>
      %swap3A_47 = arith.constant 64 : index
      %swap3A_48 = tpu.vector_load %arg10[%swap3A_47] {strides = array<i32>} : memref<128xi32, #tpu.memory_space<vmem>>, vector<16xi32>,
      %swap3A_49 = vector.shape_cast %swap3A_48 : vector<16xi32> to vector<16xi32>
      %swap3A_50 = vector.shape_cast %get3A_46 : vector<16xi32> to vector<16xi32>
      tpu.vector_store %arg10[%swap3A_47], %swap3A_50 {strides = array<i32>} : memref<128xi32, #tpu.memory_space<vmem>>, vector<16xi32>,
      %get3A_51 = arith.constant 80 : index
      %get3A_52 = tpu.vector_load %arg14[%get3A_51] {strides = array<i32>} : memref<256xi32, #tpu.memory_space<vmem>>, vector<16xi32>,
      %get3A_53 = vector.shape_cast %get3A_52 : vector<16xi32> to vector<16xi32>
      %swap3A_54 = arith.constant 80 : index
      %swap3A_55 = tpu.vector_load %arg10[%swap3A_54] {strides = array<i32>} : memref<128xi32, #tpu.memory_space<vmem>>, vector<16xi32>,
      %swap3A_56 = vector.shape_cast %swap3A_55 : vector<16xi32> to vector<16xi32>
      %swap3A_57 = vector.shape_cast %get3A_53 : vector<16xi32> to vector<16xi32>
      tpu.vector_store %arg10[%swap3A_54], %swap3A_57 {strides = array<i32>} : memref<128xi32, #tpu.memory_space<vmem>>, vector<16xi32>,
      %get3A_58 = arith.constant 96 : index
      %get3A_59 = tpu.vector_load %arg14[%get3A_58] {strides = array<i32>} : memref<256xi32, #tpu.memory_space<vmem>>, vector<16xi32>,
      %get3A_60 = vector.shape_cast %get3A_59 : vector<16xi32> to vector<16xi32>
      %swap3A_61 = arith.constant 96 : index
      %swap3A_62 = tpu.vector_load %arg10[%swap3A_61] {strides = array<i32>} : memref<128xi32, #tpu.memory_space<vmem>>, vector<16xi32>,
      %swap3A_63 = vector.shape_cast %swap3A_62 : vector<16xi32> to vector<16xi32>
      %swap3A_64 = vector.shape_cast %get3A_60 : vector<16xi32> to vector<16xi32>
      tpu.vector_store %arg10[%swap3A_61], %swap3A_64 {strides = array<i32>} : memref<128xi32, #tpu.memory_space<vmem>>, vector<16xi32>,
      %get3A_65 = arith.constant 112 : index
      %get3A_66 = tpu.vector_load %arg14[%get3A_65] {strides = array<i32>} : memref<256xi32, #tpu.memory_space<vmem>>, vector<16xi32>,
      %get3A_67 = vector.shape_cast %get3A_66 : vector<16xi32> to vector<16xi32>
      %swap3A_68 = arith.constant 112 : index
      %swap3A_69 = tpu.vector_load %arg10[%swap3A_68] {strides = array<i32>} : memref<128xi32, #tpu.memory_space<vmem>>, vector<16xi32>,
      %swap3A_70 = vector.shape_cast %swap3A_69 : vector<16xi32> to vector<16xi32>
      %swap3A_71 = vector.shape_cast %get3A_67 : vector<16xi32> to vector<16xi32>
      tpu.vector_store %arg10[%swap3A_68], %swap3A_71 {strides = array<i32>} : memref<128xi32, #tpu.memory_space<vmem>>, vector<16xi32>,
      %dma_start3A = arith.constant 0 : i32
      %dma_start3A_72 = arith.constant 0 : i32
      %dma_start3A_73 = tpu.memref_slice %arg7[%rem3A_1, %dma_start3A, %dma_start3A_72] : memref<16x8192x128xf32, #tpu.memory_space<hbm>> -> memref<1x8192x128xf32, #tpu.memory_space<hbm>>
      %dma_start3A_74 = tpu.memref_squeeze %dma_start3A_73 : memref<1x8192x128xf32, #tpu.memory_space<hbm>> -> memref<8192x128xf32, #tpu.memory_space<hbm>>
      %dma_start3A_75 = arith.constant 0 : i32
      %dma_start3A_76 = arith.constant 0 : i32
      %dma_start3A_77 = tpu.memref_slice %dma_start3A_74[%dma_start3A_75, %dma_start3A_76] : memref<8192x128xf32, #tpu.memory_space<hbm>> -> memref<8192x128xf32, #tpu.memory_space<hbm>>
      tpu.enqueue_indirect_dma source(%dma_start3A_77 : memref<8192x128xf32, #tpu.memory_space<hbm>>) target(%arg12 : memref<128x128xf32, #tpu.memory_space<vmem>>) offsets(%arg10 : memref<128xi32, #tpu.memory_space<vmem>>) semaphore(%arg15 : memref<!tpu.dma_semaphore, #tpu.memory_space<semaphore_mem>>)
      %dma_wait3A = arith.constant 0 : i32
      %dma_wait3A_78 = arith.constant 0 : i32
      %dma_wait3A_79 = tpu.memref_slice %arg7[%rem3A_1, %dma_wait3A, %dma_wait3A_78] : memref<16x8192x128xf32, #tpu.memory_space<hbm>> -> memref<1x8192x128xf32, #tpu.memory_space<hbm>>
      %dma_wait3A_80 = tpu.memref_squeeze %dma_wait3A_79 : memref<1x8192x128xf32, #tpu.memory_space<hbm>> -> memref<8192x128xf32, #tpu.memory_space<hbm>>
      %dma_wait3A_81 = arith.constant 0 : i32
      %dma_wait3A_82 = arith.constant 0 : i32
      %dma_wait3A_83 = tpu.memref_slice %dma_wait3A_80[%dma_wait3A_81, %dma_wait3A_82] : memref<8192x128xf32, #tpu.memory_space<hbm>> -> memref<8192x128xf32, #tpu.memory_space<hbm>>
      tpu.wait_indirect_dma semaphore(%arg15 : memref<!tpu.dma_semaphore, #tpu.memory_space<semaphore_mem>>) src(%dma_wait3A_83 : memref<8192x128xf32, #tpu.memory_space<hbm>>) dst(%arg12 : memref<128x128xf32, #tpu.memory_space<vmem>>)
      "tpu.region"() ({
        %run_scoped3A = tpu.sem_alloc : memref<!tpu.dma_semaphore, #tpu.memory_space<semaphore_mem>>
        %dma_start3A_154 = arith.constant 0 : i32
        %dma_start3A_155 = arith.constant 0 : i32
        %dma_start3A_156 = tpu.memref_slice %arg8[%rem3A_1, %dma_start3A_154, %dma_start3A_155] : memref<16x256x128xf32, #tpu.memory_space<hbm>> -> memref<1x256x128xf32, #tpu.memory_space<hbm>>
        %dma_start3A_157 = tpu.memref_squeeze %dma_start3A_156 : memref<1x256x128xf32, #tpu.memory_space<hbm>> -> memref<256x128xf32, #tpu.memory_space<hbm>>
        %dma_start3A_158 = arith.constant 0 : i32
        %dma_start3A_159 = arith.constant 0 : i32
        %dma_start3A_160 = tpu.memref_slice %dma_start3A_157[%dma_start3A_158, %dma_start3A_159] : memref<256x128xf32, #tpu.memory_space<hbm>> -> memref<128x128xf32, #tpu.memory_space<hbm>>
        %dma_start3A_161 = arith.constant 0 : i32
        %dma_start3A_162 = arith.constant 0 : i32
        %dma_start3A_163 = tpu.memref_slice %arg8[%rem3A_1, %dma_start3A_161, %dma_start3A_162] : memref<16x256x128xf32, #tpu.memory_space<hbm>> -> memref<1x256x128xf32, #tpu.memory_space<hbm>>
        %dma_start3A_164 = tpu.memref_squeeze %dma_start3A_163 : memref<1x256x128xf32, #tpu.memory_space<hbm>> -> memref<256x128xf32, #tpu.memory_space<hbm>>
        %dma_start3A_165 = arith.constant 0 : i32
        %dma_start3A_166 = arith.constant 0 : i32
        %dma_start3A_167 = tpu.memref_slice %dma_start3A_164[%dma_start3A_165, %dma_start3A_166] : memref<256x128xf32, #tpu.memory_space<hbm>> -> memref<128x128xf32, #tpu.memory_space<hbm>>
        tpu.enqueue_dma source(%arg12 : memref<128x128xf32, #tpu.memory_space<vmem>>) target(%dma_start3A_167 : memref<128x128xf32, #tpu.memory_space<hbm>>) target_semaphore(%run_scoped3A : memref<!tpu.dma_semaphore, #tpu.memory_space<semaphore_mem>>)
        %dma_wait3A_168 = arith.constant 0 : i32
        %dma_wait3A_169 = arith.constant 0 : i32
        %dma_wait3A_170 = tpu.memref_slice %arg8[%rem3A_1, %dma_wait3A_168, %dma_wait3A_169] : memref<16x256x128xf32, #tpu.memory_space<hbm>> -> memref<1x256x128xf32, #tpu.memory_space<hbm>>
        %dma_wait3A_171 = tpu.memref_squeeze %dma_wait3A_170 : memref<1x256x128xf32, #tpu.memory_space<hbm>> -> memref<256x128xf32, #tpu.memory_space<hbm>>
        %dma_wait3A_172 = arith.constant 0 : i32
        %dma_wait3A_173 = arith.constant 0 : i32
        %dma_wait3A_174 = tpu.memref_slice %dma_wait3A_171[%dma_wait3A_172, %dma_wait3A_173] : memref<256x128xf32, #tpu.memory_space<hbm>> -> memref<128x128xf32, #tpu.memory_space<hbm>>
        %dma_wait3A_175 = arith.constant 0 : i32
        %dma_wait3A_176 = arith.constant 0 : i32
        %dma_wait3A_177 = tpu.memref_slice %arg8[%rem3A_1, %dma_wait3A_175, %dma_wait3A_176] : memref<16x256x128xf32, #tpu.memory_space<hbm>> -> memref<1x256x128xf32, #tpu.memory_space<hbm>>
        %dma_wait3A_178 = tpu.memref_squeeze %dma_wait3A_177 : memref<1x256x128xf32, #tpu.memory_space<hbm>> -> memref<256x128xf32, #tpu.memory_space<hbm>>
        %dma_wait3A_179 = arith.constant 0 : i32
        %dma_wait3A_180 = arith.constant 0 : i32
        %dma_wait3A_181 = tpu.memref_slice %dma_wait3A_178[%dma_wait3A_179, %dma_wait3A_180] : memref<256x128xf32, #tpu.memory_space<hbm>> -> memref<128x128xf32, #tpu.memory_space<hbm>>
        tpu.wait_dma2 semaphore(%run_scoped3A : memref<!tpu.dma_semaphore, #tpu.memory_space<semaphore_mem>>) src(%arg12 : memref<128x128xf32, #tpu.memory_space<vmem>>) dst(%dma_wait3A_181 : memref<128x128xf32, #tpu.memory_space<hbm>>)
        tpu.yield
      }) : () -> ()
      %get3A_84 = arith.constant 128 : index
      %get3A_85 = tpu.vector_load %arg14[%get3A_84] {strides = array<i32>} : memref<256xi32, #tpu.memory_space<vmem>>, vector<16xi32>,
      %get3A_86 = vector.shape_cast %get3A_85 : vector<16xi32> to vector<16xi32>
      %swap3A_87 = arith.constant 0 : index
      %swap3A_88 = tpu.vector_load %arg10[%swap3A_87] {strides = array<i32>} : memref<128xi32, #tpu.memory_space<vmem>>, vector<16xi32>,
      %swap3A_89 = vector.shape_cast %swap3A_88 : vector<16xi32> to vector<16xi32>
      %swap3A_90 = vector.shape_cast %get3A_86 : vector<16xi32> to vector<16xi32>
      tpu.vector_store %arg10[%swap3A_87], %swap3A_90 {strides = array<i32>} : memref<128xi32, #tpu.memory_space<vmem>>, vector<16xi32>,
      %get3A_91 = arith.constant 144 : index
      %get3A_92 = tpu.vector_load %arg14[%get3A_91] {strides = array<i32>} : memref<256xi32, #tpu.memory_space<vmem>>, vector<16xi32>,
      %get3A_93 = vector.shape_cast %get3A_92 : vector<16xi32> to vector<16xi32>
      %swap3A_94 = arith.constant 16 : index
      %swap3A_95 = tpu.vector_load %arg10[%swap3A_94] {strides = array<i32>} : memref<128xi32, #tpu.memory_space<vmem>>, vector<16xi32>,
      %swap3A_96 = vector.shape_cast %swap3A_95 : vector<16xi32> to vector<16xi32>
      %swap3A_97 = vector.shape_cast %get3A_93 : vector<16xi32> to vector<16xi32>
      tpu.vector_store %arg10[%swap3A_94], %swap3A_97 {strides = array<i32>} : memref<128xi32, #tpu.memory_space<vmem>>, vector<16xi32>,
      %get3A_98 = arith.constant 160 : index
      %get3A_99 = tpu.vector_load %arg14[%get3A_98] {strides = array<i32>} : memref<256xi32, #tpu.memory_space<vmem>>, vector<16xi32>,
      %get3A_100 = vector.shape_cast %get3A_99 : vector<16xi32> to vector<16xi32>
      %swap3A_101 = arith.constant 32 : index
      %swap3A_102 = tpu.vector_load %arg10[%swap3A_101] {strides = array<i32>} : memref<128xi32, #tpu.memory_space<vmem>>, vector<16xi32>,
      %swap3A_103 = vector.shape_cast %swap3A_102 : vector<16xi32> to vector<16xi32>
      %swap3A_104 = vector.shape_cast %get3A_100 : vector<16xi32> to vector<16xi32>
      tpu.vector_store %arg10[%swap3A_101], %swap3A_104 {strides = array<i32>} : memref<128xi32, #tpu.memory_space<vmem>>, vector<16xi32>,
      %get3A_105 = arith.constant 176 : index
      %get3A_106 = tpu.vector_load %arg14[%get3A_105] {strides = array<i32>} : memref<256xi32, #tpu.memory_space<vmem>>, vector<16xi32>,
      %get3A_107 = vector.shape_cast %get3A_106 : vector<16xi32> to vector<16xi32>
      %swap3A_108 = arith.constant 48 : index
      %swap3A_109 = tpu.vector_load %arg10[%swap3A_108] {strides = array<i32>} : memref<128xi32, #tpu.memory_space<vmem>>, vector<16xi32>,
      %swap3A_110 = vector.shape_cast %swap3A_109 : vector<16xi32> to vector<16xi32>
      %swap3A_111 = vector.shape_cast %get3A_107 : vector<16xi32> to vector<16xi32>
      tpu.vector_store %arg10[%swap3A_108], %swap3A_111 {strides = array<i32>} : memref<128xi32, #tpu.memory_space<vmem>>, vector<16xi32>,
      %get3A_112 = arith.constant 192 : index
      %get3A_113 = tpu.vector_load %arg14[%get3A_112] {strides = array<i32>} : memref<256xi32, #tpu.memory_space<vmem>>, vector<16xi32>,
      %get3A_114 = vector.shape_cast %get3A_113 : vector<16xi32> to vector<16xi32>
      %swap3A_115 = arith.constant 64 : index
      %swap3A_116 = tpu.vector_load %arg10[%swap3A_115] {strides = array<i32>} : memref<128xi32, #tpu.memory_space<vmem>>, vector<16xi32>,
      %swap3A_117 = vector.shape_cast %swap3A_116 : vector<16xi32> to vector<16xi32>
      %swap3A_118 = vector.shape_cast %get3A_114 : vector<16xi32> to vector<16xi32>
      tpu.vector_store %arg10[%swap3A_115], %swap3A_118 {strides = array<i32>} : memref<128xi32, #tpu.memory_space<vmem>>, vector<16xi32>,
      %get3A_119 = arith.constant 208 : index
      %get3A_120 = tpu.vector_load %arg14[%get3A_119] {strides = array<i32>} : memref<256xi32, #tpu.memory_space<vmem>>, vector<16xi32>,
      %get3A_121 = vector.shape_cast %get3A_120 : vector<16xi32> to vector<16xi32>
      %swap3A_122 = arith.constant 80 : index
      %swap3A_123 = tpu.vector_load %arg10[%swap3A_122] {strides = array<i32>} : memref<128xi32, #tpu.memory_space<vmem>>, vector<16xi32>,
      %swap3A_124 = vector.shape_cast %swap3A_123 : vector<16xi32> to vector<16xi32>
      %swap3A_125 = vector.shape_cast %get3A_121 : vector<16xi32> to vector<16xi32>
      tpu.vector_store %arg10[%swap3A_122], %swap3A_125 {strides = array<i32>} : memref<128xi32, #tpu.memory_space<vmem>>, vector<16xi32>,
      %get3A_126 = arith.constant 224 : index
      %get3A_127 = tpu.vector_load %arg14[%get3A_126] {strides = array<i32>} : memref<256xi32, #tpu.memory_space<vmem>>, vector<16xi32>,
      %get3A_128 = vector.shape_cast %get3A_127 : vector<16xi32> to vector<16xi32>
      %swap3A_129 = arith.constant 96 : index
      %swap3A_130 = tpu.vector_load %arg10[%swap3A_129] {strides = array<i32>} : memref<128xi32, #tpu.memory_space<vmem>>, vector<16xi32>,
      %swap3A_131 = vector.shape_cast %swap3A_130 : vector<16xi32> to vector<16xi32>
      %swap3A_132 = vector.shape_cast %get3A_128 : vector<16xi32> to vector<16xi32>
      tpu.vector_store %arg10[%swap3A_129], %swap3A_132 {strides = array<i32>} : memref<128xi32, #tpu.memory_space<vmem>>, vector<16xi32>,
      %get3A_133 = arith.constant 240 : index
      %get3A_134 = tpu.vector_load %arg14[%get3A_133] {strides = array<i32>} : memref<256xi32, #tpu.memory_space<vmem>>, vector<16xi32>,
      %get3A_135 = vector.shape_cast %get3A_134 : vector<16xi32> to vector<16xi32>
      %swap3A_136 = arith.constant 112 : index
      %swap3A_137 = tpu.vector_load %arg10[%swap3A_136] {strides = array<i32>} : memref<128xi32, #tpu.memory_space<vmem>>, vector<16xi32>,
      %swap3A_138 = vector.shape_cast %swap3A_137 : vector<16xi32> to vector<16xi32>
      %swap3A_139 = vector.shape_cast %get3A_135 : vector<16xi32> to vector<16xi32>
      tpu.vector_store %arg10[%swap3A_136], %swap3A_139 {strides = array<i32>} : memref<128xi32, #tpu.memory_space<vmem>>, vector<16xi32>,
      %dma_start3A_140 = arith.constant 0 : i32
      %dma_start3A_141 = arith.constant 0 : i32
      %dma_start3A_142 = tpu.memref_slice %arg7[%rem3A_1, %dma_start3A_140, %dma_start3A_141] : memref<16x8192x128xf32, #tpu.memory_space<hbm>> -> memref<1x8192x128xf32, #tpu.memory_space<hbm>>
      %dma_start3A_143 = tpu.memref_squeeze %dma_start3A_142 : memref<1x8192x128xf32, #tpu.memory_space<hbm>> -> memref<8192x128xf32, #tpu.memory_space<hbm>>
      %dma_start3A_144 = arith.constant 0 : i32
      %dma_start3A_145 = arith.constant 0 : i32
      %dma_start3A_146 = tpu.memref_slice %dma_start3A_143[%dma_start3A_144, %dma_start3A_145] : memref<8192x128xf32, #tpu.memory_space<hbm>> -> memref<8192x128xf32, #tpu.memory_space<hbm>>
      tpu.enqueue_indirect_dma source(%dma_start3A_146 : memref<8192x128xf32, #tpu.memory_space<hbm>>) target(%arg12 : memref<128x128xf32, #tpu.memory_space<vmem>>) offsets(%arg10 : memref<128xi32, #tpu.memory_space<vmem>>) semaphore(%arg15 : memref<!tpu.dma_semaphore, #tpu.memory_space<semaphore_mem>>)
      %dma_wait3A_147 = arith.constant 0 : i32
      %dma_wait3A_148 = arith.constant 0 : i32
      %dma_wait3A_149 = tpu.memref_slice %arg7[%rem3A_1, %dma_wait3A_147, %dma_wait3A_148] : memref<16x8192x128xf32, #tpu.memory_space<hbm>> -> memref<1x8192x128xf32, #tpu.memory_space<hbm>>
      %dma_wait3A_150 = tpu.memref_squeeze %dma_wait3A_149 : memref<1x8192x128xf32, #tpu.memory_space<hbm>> -> memref<8192x128xf32, #tpu.memory_space<hbm>>
      %dma_wait3A_151 = arith.constant 0 : i32
      %dma_wait3A_152 = arith.constant 0 : i32
      %dma_wait3A_153 = tpu.memref_slice %dma_wait3A_150[%dma_wait3A_151, %dma_wait3A_152] : memref<8192x128xf32, #tpu.memory_space<hbm>> -> memref<8192x128xf32, #tpu.memory_space<hbm>>
      tpu.wait_indirect_dma semaphore(%arg15 : memref<!tpu.dma_semaphore, #tpu.memory_space<semaphore_mem>>) src(%dma_wait3A_153 : memref<8192x128xf32, #tpu.memory_space<hbm>>) dst(%arg12 : memref<128x128xf32, #tpu.memory_space<vmem>>)
      "tpu.region"() ({
        %run_scoped3A = tpu.sem_alloc : memref<!tpu.dma_semaphore, #tpu.memory_space<semaphore_mem>>
        %dma_start3A_154 = arith.constant 0 : i32
        %dma_start3A_155 = arith.constant 0 : i32
        %dma_start3A_156 = tpu.memref_slice %arg8[%rem3A_1, %dma_start3A_154, %dma_start3A_155] : memref<16x256x128xf32, #tpu.memory_space<hbm>> -> memref<1x256x128xf32, #tpu.memory_space<hbm>>
        %dma_start3A_157 = tpu.memref_squeeze %dma_start3A_156 : memref<1x256x128xf32, #tpu.memory_space<hbm>> -> memref<256x128xf32, #tpu.memory_space<hbm>>
        %dma_start3A_158 = arith.constant 128 : i32
        %dma_start3A_159 = arith.constant 0 : i32
        %dma_start3A_160 = tpu.memref_slice %dma_start3A_157[%dma_start3A_158, %dma_start3A_159] : memref<256x128xf32, #tpu.memory_space<hbm>> -> memref<128x128xf32, #tpu.memory_space<hbm>>
        %dma_start3A_161 = arith.constant 0 : i32
        %dma_start3A_162 = arith.constant 0 : i32
        %dma_start3A_163 = tpu.memref_slice %arg8[%rem3A_1, %dma_start3A_161, %dma_start3A_162] : memref<16x256x128xf32, #tpu.memory_space<hbm>> -> memref<1x256x128xf32, #tpu.memory_space<hbm>>
        %dma_start3A_164 = tpu.memref_squeeze %dma_start3A_163 : memref<1x256x128xf32, #tpu.memory_space<hbm>> -> memref<256x128xf32, #tpu.memory_space<hbm>>
        %dma_start3A_165 = arith.constant 128 : i32
        %dma_start3A_166 = arith.constant 0 : i32
        %dma_start3A_167 = tpu.memref_slice %dma_start3A_164[%dma_start3A_165, %dma_start3A_166] : memref<256x128xf32, #tpu.memory_space<hbm>> -> memref<128x128xf32, #tpu.memory_space<hbm>>
        tpu.enqueue_dma source(%arg12 : memref<128x128xf32, #tpu.memory_space<vmem>>) target(%dma_start3A_167 : memref<128x128xf32, #tpu.memory_space<hbm>>) target_semaphore(%run_scoped3A : memref<!tpu.dma_semaphore, #tpu.memory_space<semaphore_mem>>)
        %dma_wait3A_168 = arith.constant 0 : i32
        %dma_wait3A_169 = arith.constant 0 : i32
        %dma_wait3A_170 = tpu.memref_slice %arg8[%rem3A_1, %dma_wait3A_168, %dma_wait3A_169] : memref<16x256x128xf32, #tpu.memory_space<hbm>> -> memref<1x256x128xf32, #tpu.memory_space<hbm>>
        %dma_wait3A_171 = tpu.memref_squeeze %dma_wait3A_170 : memref<1x256x128xf32, #tpu.memory_space<hbm>> -> memref<256x128xf32, #tpu.memory_space<hbm>>
        %dma_wait3A_172 = arith.constant 128 : i32
        %dma_wait3A_173 = arith.constant 0 : i32
        %dma_wait3A_174 = tpu.memref_slice %dma_wait3A_171[%dma_wait3A_172, %dma_wait3A_173] : memref<256x128xf32, #tpu.memory_space<hbm>> -> memref<128x128xf32, #tpu.memory_space<hbm>>
        %dma_wait3A_175 = arith.constant 0 : i32
        %dma_wait3A_176 = arith.constant 0 : i32
        %dma_wait3A_177 = tpu.memref_slice %arg8[%rem3A_1, %dma_wait3A_175, %dma_wait3A_176] : memref<16x256x128xf32, #tpu.memory_space<hbm>> -> memref<1x256x128xf32, #tpu.memory_space<hbm>>
        %dma_wait3A_178 = tpu.memref_squeeze %dma_wait3A_177 : memref<1x256x128xf32, #tpu.memory_space<hbm>> -> memref<256x128xf32, #tpu.memory_space<hbm>>
        %dma_wait3A_179 = arith.constant 128 : i32
        %dma_wait3A_180 = arith.constant 0 : i32
        %dma_wait3A_181 = tpu.memref_slice %dma_wait3A_178[%dma_wait3A_179, %dma_wait3A_180] : memref<256x128xf32, #tpu.memory_space<hbm>> -> memref<128x128xf32, #tpu.memory_space<hbm>>
        tpu.wait_dma2 semaphore(%run_scoped3A : memref<!tpu.dma_semaphore, #tpu.memory_space<semaphore_mem>>) src(%arg12 : memref<128x128xf32, #tpu.memory_space<vmem>>) dst(%dma_wait3A_181 : memref<128x128xf32, #tpu.memory_space<hbm>>)
        tpu.yield
      }) : () -> ()
    } else {
    }
    return
  }
}

module attributes {stable_mosaic.version = 14 : i64} {
  func.func @_qkv_kernel(%arg0: i32, %arg1: i32, %arg2: memref<2048x1024xf32, #tpu.memory_space<vmem>>, %arg3: memref<16x1024x128xf32, #tpu.memory_space<vmem>>, %arg4: memref<16x1024x128xf32, #tpu.memory_space<vmem>>, %arg5: memref<16x1x128xf32, #tpu.memory_space<vmem>>, %arg6: memref<16x1x128xf32, #tpu.memory_space<vmem>>, %arg7: memref<128x128xf32, #tpu.memory_space<vmem>>, %arg8: memref<1x2048x128xf32, #tpu.memory_space<vmem>>, %arg9: memref<1x2048x128xf32, #tpu.memory_space<vmem>>, %arg10: memref<1x1x2048xi32, #tpu.memory_space<vmem>>, %arg11: memref<1x1x2048xi32, #tpu.memory_space<vmem>>) attributes {dimension_semantics = [#tpu.dimension_semantics<arbitrary>, #tpu.dimension_semantics<arbitrary>], iteration_bounds = array<i64: 4, 16>, scalar_prefetch = 0 : i64, scratch_operands = 0 : i64, tpu.core_type = #tpu.core_type<tc>, window_params = [{transform_indices = @transform_0, window_bounds = array<i64: 2048, 1024>}, {pipeline_mode = #tpu.pipeline_mode<synchronous>, transform_indices = @transform_1, window_bounds = array<i64: 16, 1024, 128>}, {pipeline_mode = #tpu.pipeline_mode<synchronous>, transform_indices = @transform_2, window_bounds = array<i64: 16, 1024, 128>}, {pipeline_mode = #tpu.pipeline_mode<synchronous>, transform_indices = @transform_3, window_bounds = array<i64: 16, 1, 128>}, {pipeline_mode = #tpu.pipeline_mode<synchronous>, transform_indices = @transform_4, window_bounds = array<i64: 16, 1, 128>}, {pipeline_mode = #tpu.pipeline_mode<synchronous>, transform_indices = @transform_5, window_bounds = array<i64: 128, 128>}, {transform_indices = @transform_6, window_bounds = array<i64: 1, 2048, 128>}, {transform_indices = @transform_7, window_bounds = array<i64: 1, 2048, 128>}, {transform_indices = @transform_8, window_bounds = array<i64: 1, 1, 2048>}, {transform_indices = @transform_9, window_bounds = array<i64: 1, 1, 2048>}]} {
    %get3A = arith.constant 0 : index
    %get3A_0 = arith.constant 0 : index
    %get3A_1 = vector.load %arg2[%get3A, %get3A_0] : memref<2048x1024xf32, #tpu.memory_space<vmem>>, vector<2048x1024xf32>
    %get3A_2 = arith.index_cast %arg1 : i32 to index
    %get3A_3 = arith.constant 0 : index
    %get3A_4 = arith.constant 0 : index
    %get3A_5 = vector.load %arg3[%get3A_2, %get3A_3, %get3A_4] : memref<16x1024x128xf32, #tpu.memory_space<vmem>>, vector<1x1024x128xf32>
    %squeeze3A = vector.shape_cast %get3A_5 : vector<1x1024x128xf32> to vector<1024x128xf32>
    %convert_element_type3A = arith.truncf %get3A_1 : vector<2048x1024xf32> to vector<2048x1024xbf16>
    %convert_element_type3A_6 = arith.truncf %squeeze3A : vector<1024x128xf32> to vector<1024x128xbf16>
    %dot_general3A = arith.constant dense<0.000000e+00> : vector<2048x128xf32>
    %dot_general3A_7 = tpu.matmul %convert_element_type3A, %convert_element_type3A_6, %dot_general3A {dimension_numbers = #tpu.dot_dimension_numbers<[1], [0], [0], [1], [0, 0, 1, 1], [], []>, transpose_lhs_hint = false} : vector<2048x1024xbf16>, vector<1024x128xbf16>, vector<2048x128xf32> -> vector<2048x128xf32>
    %get3A_8 = arith.index_cast %arg1 : i32 to index
    %get3A_9 = arith.constant 0 : index
    %get3A_10 = arith.constant 0 : index
    %get3A_11 = vector.load %arg5[%get3A_8, %get3A_9, %get3A_10] : memref<16x1x128xf32, #tpu.memory_space<vmem>>, vector<1x1x128xf32>
    %squeeze3A_12 = vector.shape_cast %get3A_11 : vector<1x1x128xf32> to vector<1x128xf32>
    %add3A = vector.broadcast %squeeze3A_12 : vector<1x128xf32> to vector<2048x128xf32>
    %add3A_13 = arith.addf %dot_general3A_7, %add3A : vector<2048x128xf32>
    %get3A_14 = arith.index_cast %arg1 : i32 to index
    %get3A_15 = arith.constant 0 : index
    %get3A_16 = arith.constant 0 : index
    %get3A_17 = vector.load %arg4[%get3A_14, %get3A_15, %get3A_16] : memref<16x1024x128xf32, #tpu.memory_space<vmem>>, vector<1x1024x128xf32>
    %squeeze3A_18 = vector.shape_cast %get3A_17 : vector<1x1024x128xf32> to vector<1024x128xf32>
    %convert_element_type3A_19 = arith.truncf %get3A_1 : vector<2048x1024xf32> to vector<2048x1024xbf16>
    %convert_element_type3A_20 = arith.truncf %squeeze3A_18 : vector<1024x128xf32> to vector<1024x128xbf16>
    %dot_general3A_21 = arith.constant dense<0.000000e+00> : vector<2048x128xf32>
    %dot_general3A_22 = tpu.matmul %convert_element_type3A_19, %convert_element_type3A_20, %dot_general3A_21 {dimension_numbers = #tpu.dot_dimension_numbers<[1], [0], [0], [1], [0, 0, 1, 1], [], []>, transpose_lhs_hint = false} : vector<2048x1024xbf16>, vector<1024x128xbf16>, vector<2048x128xf32> -> vector<2048x128xf32>
    %get3A_23 = arith.index_cast %arg1 : i32 to index
    %get3A_24 = arith.constant 0 : index
    %get3A_25 = arith.constant 0 : index
    %get3A_26 = vector.load %arg6[%get3A_23, %get3A_24, %get3A_25] : memref<16x1x128xf32, #tpu.memory_space<vmem>>, vector<1x1x128xf32>
    %squeeze3A_27 = vector.shape_cast %get3A_26 : vector<1x1x128xf32> to vector<1x128xf32>
    %add3A_28 = vector.broadcast %squeeze3A_27 : vector<1x128xf32> to vector<2048x128xf32>
    %add3A_29 = arith.addf %dot_general3A_22, %add3A_28 : vector<2048x128xf32>
    %swap3A = arith.constant 0 : index
    %swap3A_30 = arith.constant 0 : index
    %swap3A_31 = arith.constant 0 : index
    %swap3A_32 = vector.load %arg8[%swap3A, %swap3A_30, %swap3A_31] : memref<1x2048x128xf32, #tpu.memory_space<vmem>>, vector<1x2048x128xf32>
    %swap3A_33 = vector.shape_cast %swap3A_32 : vector<1x2048x128xf32> to vector<2048x128xf32>
    %swap3A_34 = vector.shape_cast %add3A_13 : vector<2048x128xf32> to vector<1x2048x128xf32>
    tpu.vector_store %arg8[%swap3A, %swap3A_30, %swap3A_31], %swap3A_34 {strides = array<i32>} : memref<1x2048x128xf32, #tpu.memory_space<vmem>>, vector<1x2048x128xf32>,
    %swap3A_35 = arith.constant 0 : index
    %swap3A_36 = arith.constant 0 : index
    %swap3A_37 = arith.constant 0 : index
    %swap3A_38 = vector.load %arg9[%swap3A_35, %swap3A_36, %swap3A_37] : memref<1x2048x128xf32, #tpu.memory_space<vmem>>, vector<1x2048x128xf32>
    %swap3A_39 = vector.shape_cast %swap3A_38 : vector<1x2048x128xf32> to vector<2048x128xf32>
    %swap3A_40 = vector.shape_cast %add3A_29 : vector<2048x128xf32> to vector<1x2048x128xf32>
    tpu.vector_store %arg9[%swap3A_35, %swap3A_36, %swap3A_37], %swap3A_40 {strides = array<i32>} : memref<1x2048x128xf32, #tpu.memory_space<vmem>>, vector<1x2048x128xf32>,
    %get3A_41 = arith.constant 0 : index
    %get3A_42 = arith.constant 0 : index
    %get3A_43 = vector.load %arg7[%get3A_41, %get3A_42] : memref<128x128xf32, #tpu.memory_space<vmem>>, vector<128x128xf32>
    %convert_element_type3A_44 = arith.truncf %add3A_13 : vector<2048x128xf32> to vector<2048x128xbf16>
    %convert_element_type3A_45 = arith.truncf %get3A_43 : vector<128x128xf32> to vector<128x128xbf16>
    %dot_general3A_46 = arith.constant dense<0.000000e+00> : vector<2048x128xf32>
    %dot_general3A_47 = tpu.matmul %convert_element_type3A_44, %convert_element_type3A_45, %dot_general3A_46 {dimension_numbers = #tpu.dot_dimension_numbers<[1], [0], [0], [1], [0, 0, 1, 1], [], []>, transpose_lhs_hint = false} : vector<2048x128xbf16>, vector<128x128xbf16>, vector<2048x128xf32> -> vector<2048x128xf32>
    %iota3A = tpu.iota {dimensions = array<i32: 1>} : vector<1x128xi32>
    %lt3A = arith.constant 7 : i32
    %lt3A_48 = vector.broadcast %lt3A : i32 to vector<1x128xi32>
    %lt3A_49 = arith.cmpi slt, %iota3A, %lt3A_48 : vector<1x128xi32>
    %lt3A_50 = arith.constant 7 : i32
    %lt3A_51 = vector.broadcast %lt3A_50 : i32 to vector<1x128xi32>
    %lt3A_52 = arith.cmpi slt, %iota3A, %lt3A_51 : vector<1x128xi32>
    %jit3A = arith.constant 0 : i32
    %broadcast_in_dim3A = vector.broadcast %jit3A : i32 to vector<1x128xi32>
    %select_n3A = arith.select %lt3A_52, %iota3A, %broadcast_in_dim3A : vector<1x128xi1>, vector<1x128xi32>
    %shift_left3A = arith.constant 1 : i32
    %shift_left3A_53 = vector.broadcast %shift_left3A : i32 to vector<1x128xi32>
    %shift_left3A_54 = arith.shli %shift_left3A_53, %select_n3A : vector<1x128xi32>
    %jit3A_55 = arith.constant 0 : i32
    %broadcast_in_dim3A_56 = vector.broadcast %jit3A_55 : i32 to vector<1x128xi32>
    %select_n3A_57 = arith.select %lt3A_49, %shift_left3A_54, %broadcast_in_dim3A_56 : vector<1x128xi1>, vector<1x128xi32>
    %gt3A = arith.constant 0.000000e+00 : f32
    %gt3A_58 = vector.broadcast %gt3A : f32 to vector<2048x128xf32>
    %gt3A_59 = arith.cmpf ogt, %dot_general3A_47, %gt3A_58 : vector<2048x128xf32>
    %jit3A_60 = arith.constant 0 : i32
    %broadcast_in_dim3A_61 = vector.shape_cast %select_n3A_57 : vector<1x128xi32> to vector<1x128xi32>
    %broadcast_in_dim3A_62 = vector.broadcast %broadcast_in_dim3A_61 : vector<1x128xi32> to vector<2048x128xi32>
    %broadcast_in_dim3A_63 = vector.broadcast %jit3A_60 : i32 to vector<2048x128xi32>
    %select_n3A_64 = arith.select %gt3A_59, %broadcast_in_dim3A_62, %broadcast_in_dim3A_63 : vector<2048x128xi1>, vector<2048x128xi32>
    %reduce_sum3A = arith.constant dense<0> : vector<2048xi32>
    %reduce_sum3A_65 = vector.multi_reduction <add>, %select_n3A_64, %reduce_sum3A [1] : vector<2048x128xi32> to vector<2048xi32>
    %shift_right_arithmetic3A = arith.constant 1 : i32
    %shift_right_arithmetic3A_66 = vector.broadcast %shift_right_arithmetic3A : i32 to vector<2048xi32>
    %shift_right_arithmetic3A_67 = arith.shrsi %reduce_sum3A_65, %shift_right_arithmetic3A_66 : vector<2048xi32>
    %xor3A = arith.xori %reduce_sum3A_65, %shift_right_arithmetic3A_67 : vector<2048xi32>
    %swap3A_68 = arith.constant 0 : index
    %swap3A_69 = arith.constant 0 : index
    %swap3A_70 = arith.constant 0 : index
    %swap3A_71 = vector.load %arg10[%swap3A_68, %swap3A_69, %swap3A_70] : memref<1x1x2048xi32, #tpu.memory_space<vmem>>, vector<1x1x2048xi32>
    %swap3A_72 = vector.shape_cast %swap3A_71 : vector<1x1x2048xi32> to vector<2048xi32>
    %swap3A_73 = vector.shape_cast %xor3A : vector<2048xi32> to vector<1x1x2048xi32>
    tpu.vector_store %arg10[%swap3A_68, %swap3A_69, %swap3A_70], %swap3A_73 {strides = array<i32>} : memref<1x1x2048xi32, #tpu.memory_space<vmem>>, vector<1x1x2048xi32>,
    %get3A_74 = arith.constant 0 : index
    %get3A_75 = arith.constant 0 : index
    %get3A_76 = vector.load %arg7[%get3A_74, %get3A_75] : memref<128x128xf32, #tpu.memory_space<vmem>>, vector<128x128xf32>
    %convert_element_type3A_77 = arith.truncf %add3A_29 : vector<2048x128xf32> to vector<2048x128xbf16>
    %convert_element_type3A_78 = arith.truncf %get3A_76 : vector<128x128xf32> to vector<128x128xbf16>
    %dot_general3A_79 = arith.constant dense<0.000000e+00> : vector<2048x128xf32>
    %dot_general3A_80 = tpu.matmul %convert_element_type3A_77, %convert_element_type3A_78, %dot_general3A_79 {dimension_numbers = #tpu.dot_dimension_numbers<[1], [0], [0], [1], [0, 0, 1, 1], [], []>, transpose_lhs_hint = false} : vector<2048x128xbf16>, vector<128x128xbf16>, vector<2048x128xf32> -> vector<2048x128xf32>
    %iota3A_81 = tpu.iota {dimensions = array<i32: 1>} : vector<1x128xi32>
    %lt3A_82 = arith.constant 7 : i32
    %lt3A_83 = vector.broadcast %lt3A_82 : i32 to vector<1x128xi32>
    %lt3A_84 = arith.cmpi slt, %iota3A_81, %lt3A_83 : vector<1x128xi32>
    %lt3A_85 = arith.constant 7 : i32
    %lt3A_86 = vector.broadcast %lt3A_85 : i32 to vector<1x128xi32>
    %lt3A_87 = arith.cmpi slt, %iota3A_81, %lt3A_86 : vector<1x128xi32>
    %jit3A_88 = arith.constant 0 : i32
    %broadcast_in_dim3A_89 = vector.broadcast %jit3A_88 : i32 to vector<1x128xi32>
    %select_n3A_90 = arith.select %lt3A_87, %iota3A_81, %broadcast_in_dim3A_89 : vector<1x128xi1>, vector<1x128xi32>
    %shift_left3A_91 = arith.constant 1 : i32
    %shift_left3A_92 = vector.broadcast %shift_left3A_91 : i32 to vector<1x128xi32>
    %shift_left3A_93 = arith.shli %shift_left3A_92, %select_n3A_90 : vector<1x128xi32>
    %jit3A_94 = arith.constant 0 : i32
    %broadcast_in_dim3A_95 = vector.broadcast %jit3A_94 : i32 to vector<1x128xi32>
    %select_n3A_96 = arith.select %lt3A_84, %shift_left3A_93, %broadcast_in_dim3A_95 : vector<1x128xi1>, vector<1x128xi32>
    %gt3A_97 = arith.constant 0.000000e+00 : f32
    %gt3A_98 = vector.broadcast %gt3A_97 : f32 to vector<2048x128xf32>
    %gt3A_99 = arith.cmpf ogt, %dot_general3A_80, %gt3A_98 : vector<2048x128xf32>
    %jit3A_100 = arith.constant 0 : i32
    %broadcast_in_dim3A_101 = vector.shape_cast %select_n3A_96 : vector<1x128xi32> to vector<1x128xi32>
    %broadcast_in_dim3A_102 = vector.broadcast %broadcast_in_dim3A_101 : vector<1x128xi32> to vector<2048x128xi32>
    %broadcast_in_dim3A_103 = vector.broadcast %jit3A_100 : i32 to vector<2048x128xi32>
    %select_n3A_104 = arith.select %gt3A_99, %broadcast_in_dim3A_102, %broadcast_in_dim3A_103 : vector<2048x128xi1>, vector<2048x128xi32>
    %reduce_sum3A_105 = arith.constant dense<0> : vector<2048xi32>
    %reduce_sum3A_106 = vector.multi_reduction <add>, %select_n3A_104, %reduce_sum3A_105 [1] : vector<2048x128xi32> to vector<2048xi32>
    %shift_right_arithmetic3A_107 = arith.constant 1 : i32
    %shift_right_arithmetic3A_108 = vector.broadcast %shift_right_arithmetic3A_107 : i32 to vector<2048xi32>
    %shift_right_arithmetic3A_109 = arith.shrsi %reduce_sum3A_106, %shift_right_arithmetic3A_108 : vector<2048xi32>
    %xor3A_110 = arith.xori %reduce_sum3A_106, %shift_right_arithmetic3A_109 : vector<2048xi32>
    %swap3A_111 = arith.constant 0 : index
    %swap3A_112 = arith.constant 0 : index
    %swap3A_113 = arith.constant 0 : index
    %swap3A_114 = vector.load %arg11[%swap3A_111, %swap3A_112, %swap3A_113] : memref<1x1x2048xi32, #tpu.memory_space<vmem>>, vector<1x1x2048xi32>
    %swap3A_115 = vector.shape_cast %swap3A_114 : vector<1x1x2048xi32> to vector<2048xi32>
    %swap3A_116 = vector.shape_cast %xor3A_110 : vector<2048xi32> to vector<1x1x2048xi32>
    tpu.vector_store %arg11[%swap3A_111, %swap3A_112, %swap3A_113], %swap3A_116 {strides = array<i32>} : memref<1x1x2048xi32, #tpu.memory_space<vmem>>, vector<1x1x2048xi32>,
    return
  }
  func.func @transform_0(%arg0: i32, %arg1: i32) -> (i32, i32) {
    %c0_i32 = arith.constant 0 : i32
    %c0_i32_0 = arith.constant 0 : i32
    return %arg0, %c0_i32 : i32, i32
  }
  func.func @transform_1(%arg0: i32, %arg1: i32) -> (i32, i32, i32) {
    %c0_i32 = arith.constant 0 : i32
    %c0_i32_0 = arith.constant 0 : i32
    %c0_i32_1 = arith.constant 0 : i32
    %c0_i32_2 = arith.constant 0 : i32
    return %c0_i32, %c0_i32_0, %c0_i32_1 : i32, i32, i32
  }
  func.func @transform_2(%arg0: i32, %arg1: i32) -> (i32, i32, i32) {
    %c0_i32 = arith.constant 0 : i32
    %c0_i32_0 = arith.constant 0 : i32
    %c0_i32_1 = arith.constant 0 : i32
    %c0_i32_2 = arith.constant 0 : i32
    return %c0_i32, %c0_i32_0, %c0_i32_1 : i32, i32, i32
  }
  func.func @transform_3(%arg0: i32, %arg1: i32) -> (i32, i32, i32) {
    %c0_i32 = arith.constant 0 : i32
    %c0_i32_0 = arith.constant 0 : i32
    %c0_i32_1 = arith.constant 0 : i32
    %c0_i32_2 = arith.constant 0 : i32
    return %c0_i32, %c0_i32_0, %c0_i32_1 : i32, i32, i32
  }
  func.func @transform_4(%arg0: i32, %arg1: i32) -> (i32, i32, i32) {
    %c0_i32 = arith.constant 0 : i32
    %c0_i32_0 = arith.constant 0 : i32
    %c0_i32_1 = arith.constant 0 : i32
    %c0_i32_2 = arith.constant 0 : i32
    return %c0_i32, %c0_i32_0, %c0_i32_1 : i32, i32, i32
  }
  func.func @transform_5(%arg0: i32, %arg1: i32) -> (i32, i32) {
    %c0_i32 = arith.constant 0 : i32
    %c0_i32_0 = arith.constant 0 : i32
    %c0_i32_1 = arith.constant 0 : i32
    return %c0_i32, %c0_i32_0 : i32, i32
  }
  func.func @transform_6(%arg0: i32, %arg1: i32) -> (i32, i32, i32) {
    %c0_i32 = arith.constant 0 : i32
    %c0_i32_0 = arith.constant 0 : i32
    return %arg1, %arg0, %c0_i32 : i32, i32, i32
  }
  func.func @transform_7(%arg0: i32, %arg1: i32) -> (i32, i32, i32) {
    %c0_i32 = arith.constant 0 : i32
    %c0_i32_0 = arith.constant 0 : i32
    return %arg1, %arg0, %c0_i32 : i32, i32, i32
  }
  func.func @transform_8(%arg0: i32, %arg1: i32) -> (i32, i32, i32) {
    %mul3A = arith.constant 4 : i32
    %mul3A_0 = arith.muli %arg1, %mul3A : i32
    %add3A = arith.addi %mul3A_0, %arg0 : i32
    %c0_i32 = arith.constant 0 : i32
    %c0_i32_1 = arith.constant 0 : i32
    %c0_i32_2 = arith.constant 0 : i32
    return %add3A, %c0_i32, %c0_i32_1 : i32, i32, i32
  }
  func.func @transform_9(%arg0: i32, %arg1: i32) -> (i32, i32, i32) {
    %mul3A = arith.constant 4 : i32
    %mul3A_0 = arith.muli %arg1, %mul3A : i32
    %add3A = arith.addi %mul3A_0, %arg0 : i32
    %c0_i32 = arith.constant 0 : i32
    %c0_i32_1 = arith.constant 0 : i32
    %c0_i32_2 = arith.constant 0 : i32
    return %add3A, %c0_i32, %c0_i32_1 : i32, i32, i32
  }
}

module attributes {stable_mosaic.version = 14 : i64} {
  func.func @_sortpos_kernel(%arg0: i32, %arg1: memref<1x256x32xi32, #tpu.memory_space<vmem>>, %arg2: memref<256x256xbf16, #tpu.memory_space<vmem>>, %arg3: memref<32x4096xbf16, #tpu.memory_space<vmem>>, %arg4: memref<4096x32xbf16, #tpu.memory_space<vmem>>, %arg5: memref<4096x128xbf16, #tpu.memory_space<vmem>>, %arg6: memref<128x4096xf32, #tpu.memory_space<vmem>>, %arg7: memref<32x32xbf16, #tpu.memory_space<vmem>>, %arg8: memref<128x128xf32, #tpu.memory_space<vmem>>, %arg9: memref<1x4096xf32, #tpu.memory_space<vmem>>, %arg10: memref<1x256x32xi32, #tpu.memory_space<vmem>>) attributes {dimension_semantics = [#tpu.dimension_semantics<arbitrary>], iteration_bounds = array<i64: 32>, scalar_prefetch = 0 : i64, scratch_operands = 0 : i64, tpu.core_type = #tpu.core_type<tc>, window_params = [{transform_indices = @transform_0, window_bounds = array<i64: 1, 256, 32>}, {pipeline_mode = #tpu.pipeline_mode<synchronous>, transform_indices = @transform_1, window_bounds = array<i64: 256, 256>}, {pipeline_mode = #tpu.pipeline_mode<synchronous>, transform_indices = @transform_2, window_bounds = array<i64: 32, 4096>}, {pipeline_mode = #tpu.pipeline_mode<synchronous>, transform_indices = @transform_3, window_bounds = array<i64: 4096, 32>}, {pipeline_mode = #tpu.pipeline_mode<synchronous>, transform_indices = @transform_4, window_bounds = array<i64: 4096, 128>}, {pipeline_mode = #tpu.pipeline_mode<synchronous>, transform_indices = @transform_5, window_bounds = array<i64: 128, 4096>}, {pipeline_mode = #tpu.pipeline_mode<synchronous>, transform_indices = @transform_6, window_bounds = array<i64: 32, 32>}, {pipeline_mode = #tpu.pipeline_mode<synchronous>, transform_indices = @transform_7, window_bounds = array<i64: 128, 128>}, {pipeline_mode = #tpu.pipeline_mode<synchronous>, transform_indices = @transform_8, window_bounds = array<i64: 1, 4096>}, {transform_indices = @transform_9, window_bounds = array<i64: 1, 256, 32>}]} {
    %get3A = arith.constant 0 : index
    %get3A_0 = arith.constant 0 : index
    %get3A_1 = arith.constant 0 : index
    %get3A_2 = vector.load %arg1[%get3A, %get3A_0, %get3A_1] : memref<1x256x32xi32, #tpu.memory_space<vmem>>, vector<1x256x32xi32>
    %get3A_3 = vector.shape_cast %get3A_2 : vector<1x256x32xi32> to vector<256x32xi32>
    %convert_element_type3A = arith.sitofp %get3A_3 : vector<256x32xi32> to vector<256x32xf32>
    %convert_element_type3A_4 = arith.truncf %convert_element_type3A : vector<256x32xf32> to vector<256x32xbf16>
    %get3A_5 = arith.constant 0 : index
    %get3A_6 = arith.constant 0 : index
    %get3A_7 = vector.load %arg3[%get3A_5, %get3A_6] : memref<32x4096xbf16, #tpu.memory_space<vmem>>, vector<32x4096xbf16>
    %dot_general3A = arith.constant dense<0.000000e+00> : vector<256x4096xf32>
    %dot_general3A_8 = tpu.matmul %convert_element_type3A_4, %get3A_7, %dot_general3A {dimension_numbers = #tpu.dot_dimension_numbers<[1], [0], [0], [1], [0, 0, 1, 1], [], []>, transpose_lhs_hint = false} : vector<256x32xbf16>, vector<32x4096xbf16>, vector<256x4096xf32> -> vector<256x4096xf32>
    %get3A_9 = arith.constant 0 : index
    %get3A_10 = arith.constant 0 : index
    %get3A_11 = vector.load %arg9[%get3A_9, %get3A_10] : memref<1x4096xf32, #tpu.memory_space<vmem>>, vector<1x4096xf32>
    %eq3A = vector.broadcast %get3A_11 : vector<1x4096xf32> to vector<256x4096xf32>
    %eq3A_12 = arith.cmpf oeq, %dot_general3A_8, %eq3A : vector<256x4096xf32>
    %convert_element_type3A_13 = arith.extui %eq3A_12 : vector<256x4096xi1> to vector<256x4096xi32>
    %convert_element_type3A_14 = arith.sitofp %convert_element_type3A_13 : vector<256x4096xi32> to vector<256x4096xf32>
    %convert_element_type3A_15 = arith.truncf %convert_element_type3A_14 : vector<256x4096xf32> to vector<256x4096xbf16>
    %get3A_16 = arith.constant 0 : index
    %get3A_17 = arith.constant 0 : index
    %get3A_18 = vector.load %arg2[%get3A_16, %get3A_17] : memref<256x256xbf16, #tpu.memory_space<vmem>>, vector<256x256xbf16>
    %dot_general3A_19 = arith.constant dense<0.000000e+00> : vector<256x4096xf32>
    %dot_general3A_20 = tpu.matmul %get3A_18, %convert_element_type3A_15, %dot_general3A_19 {dimension_numbers = #tpu.dot_dimension_numbers<[1], [0], [0], [1], [0, 0, 1, 1], [], []>, transpose_lhs_hint = false} : vector<256x256xbf16>, vector<256x4096xbf16>, vector<256x4096xf32> -> vector<256x4096xf32>
    %mul3A = arith.mulf %convert_element_type3A_14, %dot_general3A_20 : vector<256x4096xf32>
    %convert_element_type3A_21 = arith.truncf %mul3A : vector<256x4096xf32> to vector<256x4096xbf16>
    %get3A_22 = arith.constant 0 : index
    %get3A_23 = arith.constant 0 : index
    %get3A_24 = vector.load %arg4[%get3A_22, %get3A_23] : memref<4096x32xbf16, #tpu.memory_space<vmem>>, vector<4096x32xbf16>
    %dot_general3A_25 = arith.constant dense<0.000000e+00> : vector<256x32xf32>
    %dot_general3A_26 = tpu.matmul %convert_element_type3A_21, %get3A_24, %dot_general3A_25 {dimension_numbers = #tpu.dot_dimension_numbers<[1], [0], [0], [1], [0, 0, 1, 1], [], []>, transpose_lhs_hint = false} : vector<256x4096xbf16>, vector<4096x32xbf16>, vector<256x32xf32> -> vector<256x32xf32>
    %reduce_sum3A = arith.constant dense<0.000000e+00> : vector<4096xf32>
    %reduce_sum3A_27 = vector.multi_reduction <add>, %convert_element_type3A_14, %reduce_sum3A [0] : vector<256x4096xf32> to vector<4096xf32>
    %broadcast_in_dim3A = vector.shape_cast %reduce_sum3A_27 : vector<4096xf32> to vector<1x4096xf32>
    %get3A_28 = arith.constant 0 : index
    %get3A_29 = arith.constant 0 : index
    %get3A_30 = vector.load %arg6[%get3A_28, %get3A_29] : memref<128x4096xf32, #tpu.memory_space<vmem>>, vector<128x4096xf32>
    %mul3A_31 = vector.broadcast %broadcast_in_dim3A : vector<1x4096xf32> to vector<128x4096xf32>
    %mul3A_32 = arith.mulf %get3A_30, %mul3A_31 : vector<128x4096xf32>
    %convert_element_type3A_33 = arith.truncf %mul3A_32 : vector<128x4096xf32> to vector<128x4096xbf16>
    %get3A_34 = arith.constant 0 : index
    %get3A_35 = arith.constant 0 : index
    %get3A_36 = vector.load %arg4[%get3A_34, %get3A_35] : memref<4096x32xbf16, #tpu.memory_space<vmem>>, vector<4096x32xbf16>
    %dot_general3A_37 = arith.constant dense<0.000000e+00> : vector<128x32xf32>
    %dot_general3A_38 = tpu.matmul %convert_element_type3A_33, %get3A_36, %dot_general3A_37 {dimension_numbers = #tpu.dot_dimension_numbers<[1], [0], [0], [1], [0, 0, 1, 1], [], []>, transpose_lhs_hint = false} : vector<128x4096xbf16>, vector<4096x32xbf16>, vector<128x32xf32> -> vector<128x32xf32>
    %convert_element_type3A_39 = arith.truncf %dot_general3A_38 : vector<128x32xf32> to vector<128x32xbf16>
    %get3A_40 = arith.constant 0 : index
    %get3A_41 = arith.constant 0 : index
    %get3A_42 = vector.load %arg7[%get3A_40, %get3A_41] : memref<32x32xbf16, #tpu.memory_space<vmem>>, vector<32x32xbf16>
    %dot_general3A_43 = arith.constant dense<0.000000e+00> : vector<128x32xf32>
    %dot_general3A_44 = tpu.matmul %convert_element_type3A_39, %get3A_42, %dot_general3A_43 {dimension_numbers = #tpu.dot_dimension_numbers<[1], [0], [0], [1], [0, 0, 1, 1], [], []>, transpose_lhs_hint = false} : vector<128x32xbf16>, vector<32x32xbf16>, vector<128x32xf32> -> vector<128x32xf32>
    %reduce_sum3A_45 = arith.constant dense<0.000000e+00> : vector<128xf32>
    %reduce_sum3A_46 = vector.multi_reduction <add>, %dot_general3A_38, %reduce_sum3A_45 [1] : vector<128x32xf32> to vector<128xf32>
    %broadcast_in_dim3A_47 = vector.shape_cast %reduce_sum3A_46 : vector<128xf32> to vector<128x1xf32>
    %get3A_48 = arith.constant 0 : index
    %get3A_49 = arith.constant 0 : index
    %get3A_50 = vector.load %arg8[%get3A_48, %get3A_49] : memref<128x128xf32, #tpu.memory_space<vmem>>, vector<128x128xf32>
    %dot_general3A_51 = arith.constant dense<0.000000e+00> : vector<128x1xf32>
    %dot_general3A_52 = tpu.matmul %get3A_50, %broadcast_in_dim3A_47, %dot_general3A_51 {dimension_numbers = #tpu.dot_dimension_numbers<[1], [0], [0], [1], [0, 0, 1, 1], [], []>, precision = #tpu.contract_precision<fp32>, transpose_lhs_hint = false} : vector<128x128xf32>, vector<128x1xf32>, vector<128x1xf32> -> vector<128x1xf32>
    %add3A = vector.broadcast %dot_general3A_52 : vector<128x1xf32> to vector<128x32xf32>
    %add3A_53 = arith.addf %add3A, %dot_general3A_44 : vector<128x32xf32>
    %mul3A_54 = arith.constant 3.125000e-02 : f32
    %mul3A_55 = vector.broadcast %mul3A_54 : f32 to vector<128x32xf32>
    %mul3A_56 = arith.mulf %add3A_53, %mul3A_55 : vector<128x32xf32>
    %floor3A = math.floor %mul3A_56 : vector<128x32xf32>
    %mul3A_57 = arith.constant 3.200000e+01 : f32
    %mul3A_58 = vector.broadcast %mul3A_57 : f32 to vector<128x32xf32>
    %mul3A_59 = arith.mulf %floor3A, %mul3A_58 : vector<128x32xf32>
    %sub3A = arith.subf %add3A_53, %mul3A_59 : vector<128x32xf32>
    %get3A_60 = arith.constant 0 : index
    %get3A_61 = arith.constant 0 : index
    %get3A_62 = vector.load %arg5[%get3A_60, %get3A_61] : memref<4096x128xbf16, #tpu.memory_space<vmem>>, vector<4096x128xbf16>
    %convert_element_type3A_63 = arith.truncf %floor3A : vector<128x32xf32> to vector<128x32xbf16>
    %dot_general3A_64 = arith.constant dense<0.000000e+00> : vector<4096x32xf32>
    %dot_general3A_65 = tpu.matmul %get3A_62, %convert_element_type3A_63, %dot_general3A_64 {dimension_numbers = #tpu.dot_dimension_numbers<[1], [0], [0], [1], [0, 0, 1, 1], [], []>, transpose_lhs_hint = false} : vector<4096x128xbf16>, vector<128x32xbf16>, vector<4096x32xf32> -> vector<4096x32xf32>
    %get3A_66 = arith.constant 0 : index
    %get3A_67 = arith.constant 0 : index
    %get3A_68 = vector.load %arg5[%get3A_66, %get3A_67] : memref<4096x128xbf16, #tpu.memory_space<vmem>>, vector<4096x128xbf16>
    %convert_element_type3A_69 = arith.truncf %sub3A : vector<128x32xf32> to vector<128x32xbf16>
    %dot_general3A_70 = arith.constant dense<0.000000e+00> : vector<4096x32xf32>
    %dot_general3A_71 = tpu.matmul %get3A_68, %convert_element_type3A_69, %dot_general3A_70 {dimension_numbers = #tpu.dot_dimension_numbers<[1], [0], [0], [1], [0, 0, 1, 1], [], []>, transpose_lhs_hint = false} : vector<4096x128xbf16>, vector<128x32xbf16>, vector<4096x32xf32> -> vector<4096x32xf32>
    %get3A_72 = arith.constant 0 : index
    %get3A_73 = arith.constant 0 : index
    %get3A_74 = vector.load %arg4[%get3A_72, %get3A_73] : memref<4096x32xbf16, #tpu.memory_space<vmem>>, vector<4096x32xbf16>
    %convert_element_type3A_75 = arith.extf %get3A_74 : vector<4096x32xbf16> to vector<4096x32xf32>
    %mul3A_76 = arith.mulf %dot_general3A_65, %convert_element_type3A_75 : vector<4096x32xf32>
    %convert_element_type3A_77 = arith.truncf %mul3A_76 : vector<4096x32xf32> to vector<4096x32xbf16>
    %dot_general3A_78 = arith.constant dense<0.000000e+00> : vector<256x32xf32>
    %dot_general3A_79 = tpu.matmul %convert_element_type3A_15, %convert_element_type3A_77, %dot_general3A_78 {dimension_numbers = #tpu.dot_dimension_numbers<[1], [0], [0], [1], [0, 0, 1, 1], [], []>, transpose_lhs_hint = false} : vector<256x4096xbf16>, vector<4096x32xbf16>, vector<256x32xf32> -> vector<256x32xf32>
    %mul3A_80 = arith.mulf %dot_general3A_71, %convert_element_type3A_75 : vector<4096x32xf32>
    %convert_element_type3A_81 = arith.truncf %mul3A_80 : vector<4096x32xf32> to vector<4096x32xbf16>
    %dot_general3A_82 = arith.constant dense<0.000000e+00> : vector<256x32xf32>
    %dot_general3A_83 = tpu.matmul %convert_element_type3A_15, %convert_element_type3A_81, %dot_general3A_82 {dimension_numbers = #tpu.dot_dimension_numbers<[1], [0], [0], [1], [0, 0, 1, 1], [], []>, transpose_lhs_hint = false} : vector<256x4096xbf16>, vector<4096x32xbf16>, vector<256x32xf32> -> vector<256x32xf32>
    %mul3A_84 = arith.constant 3.200000e+01 : f32
    %mul3A_85 = vector.broadcast %mul3A_84 : f32 to vector<256x32xf32>
    %mul3A_86 = arith.mulf %dot_general3A_79, %mul3A_85 : vector<256x32xf32>
    %add3A_87 = arith.addf %mul3A_86, %dot_general3A_83 : vector<256x32xf32>
    %add3A_88 = arith.addf %add3A_87, %dot_general3A_26 : vector<256x32xf32>
    %convert_element_type3A_89 = arith.fptosi %add3A_88 : vector<256x32xf32> to vector<256x32xi32>
    %swap3A = arith.constant 0 : index
    %swap3A_90 = arith.constant 0 : index
    %swap3A_91 = arith.constant 0 : index
    %swap3A_92 = vector.load %arg10[%swap3A, %swap3A_90, %swap3A_91] : memref<1x256x32xi32, #tpu.memory_space<vmem>>, vector<1x256x32xi32>
    %swap3A_93 = vector.shape_cast %swap3A_92 : vector<1x256x32xi32> to vector<256x32xi32>
    %swap3A_94 = vector.shape_cast %convert_element_type3A_89 : vector<256x32xi32> to vector<1x256x32xi32>
    tpu.vector_store %arg10[%swap3A, %swap3A_90, %swap3A_91], %swap3A_94 {strides = array<i32>} : memref<1x256x32xi32, #tpu.memory_space<vmem>>, vector<1x256x32xi32>,
    return
  }
  func.func @transform_0(%arg0: i32) -> (i32, i32, i32) {
    %c0_i32 = arith.constant 0 : i32
    %c0_i32_0 = arith.constant 0 : i32
    %c0_i32_1 = arith.constant 0 : i32
    return %arg0, %c0_i32, %c0_i32_0 : i32, i32, i32
  }
  func.func @transform_1(%arg0: i32) -> (i32, i32) {
    %c0_i32 = arith.constant 0 : i32
    %c0_i32_0 = arith.constant 0 : i32
    %c0_i32_1 = arith.constant 0 : i32
    return %c0_i32, %c0_i32_0 : i32, i32
  }
  func.func @transform_2(%arg0: i32) -> (i32, i32) {
    %c0_i32 = arith.constant 0 : i32
    %c0_i32_0 = arith.constant 0 : i32
    %c0_i32_1 = arith.constant 0 : i32
    return %c0_i32, %c0_i32_0 : i32, i32
  }
  func.func @transform_3(%arg0: i32) -> (i32, i32) {
    %c0_i32 = arith.constant 0 : i32
    %c0_i32_0 = arith.constant 0 : i32
    %c0_i32_1 = arith.constant 0 : i32
    return %c0_i32, %c0_i32_0 : i32, i32
  }
  func.func @transform_4(%arg0: i32) -> (i32, i32) {
    %c0_i32 = arith.constant 0 : i32
    %c0_i32_0 = arith.constant 0 : i32
    %c0_i32_1 = arith.constant 0 : i32
    return %c0_i32, %c0_i32_0 : i32, i32
  }
  func.func @transform_5(%arg0: i32) -> (i32, i32) {
    %c0_i32 = arith.constant 0 : i32
    %c0_i32_0 = arith.constant 0 : i32
    %c0_i32_1 = arith.constant 0 : i32
    return %c0_i32, %c0_i32_0 : i32, i32
  }
  func.func @transform_6(%arg0: i32) -> (i32, i32) {
    %c0_i32 = arith.constant 0 : i32
    %c0_i32_0 = arith.constant 0 : i32
    %c0_i32_1 = arith.constant 0 : i32
    return %c0_i32, %c0_i32_0 : i32, i32
  }
  func.func @transform_7(%arg0: i32) -> (i32, i32) {
    %c0_i32 = arith.constant 0 : i32
    %c0_i32_0 = arith.constant 0 : i32
    %c0_i32_1 = arith.constant 0 : i32
    return %c0_i32, %c0_i32_0 : i32, i32
  }
  func.func @transform_8(%arg0: i32) -> (i32, i32) {
    %c0_i32 = arith.constant 0 : i32
    %c0_i32_0 = arith.constant 0 : i32
    %c0_i32_1 = arith.constant 0 : i32
    return %c0_i32, %c0_i32_0 : i32, i32
  }
  func.func @transform_9(%arg0: i32) -> (i32, i32, i32) {
    %c0_i32 = arith.constant 0 : i32
    %c0_i32_0 = arith.constant 0 : i32
    %c0_i32_1 = arith.constant 0 : i32
    return %arg0, %c0_i32, %c0_i32_0 : i32, i32, i32
  }
}

module attributes {stable_mosaic.version = 14 : i64} {
  func.func @_attn_kernel(%arg0: i32, %arg1: i32, %arg2: memref<1x2048x128xf32, #tpu.memory_space<vmem>>, %arg3: memref<1x2048x128xf32, #tpu.memory_space<vmem>>, %arg4: memref<1x256x128xf32, #tpu.memory_space<vmem>>, %arg5: memref<1x1x256xi32, #tpu.memory_space<vmem>>, %arg6: memref<1x2048x128xf32, #tpu.memory_space<vmem>>) attributes {dimension_semantics = [#tpu.dimension_semantics<arbitrary>, #tpu.dimension_semantics<arbitrary>], iteration_bounds = array<i64: 16, 4>, scalar_prefetch = 0 : i64, scratch_operands = 0 : i64, tpu.core_type = #tpu.core_type<tc>, window_params = [{transform_indices = @transform_0, window_bounds = array<i64: 1, 2048, 128>}, {transform_indices = @transform_1, window_bounds = array<i64: 1, 2048, 128>}, {transform_indices = @transform_2, window_bounds = array<i64: 1, 256, 128>}, {transform_indices = @transform_3, window_bounds = array<i64: 1, 1, 256>}, {transform_indices = @transform_4, window_bounds = array<i64: 1, 2048, 128>}]} {
    %get3A = arith.constant 0 : index
    %get3A_0 = arith.constant 0 : index
    %get3A_1 = arith.constant 0 : index
    %get3A_2 = vector.load %arg4[%get3A, %get3A_0, %get3A_1] : memref<1x256x128xf32, #tpu.memory_space<vmem>>, vector<1x256x128xf32>
    %get3A_3 = vector.shape_cast %get3A_2 : vector<1x256x128xf32> to vector<256x128xf32>
    %get3A_4 = arith.constant 0 : index
    %get3A_5 = arith.constant 0 : index
    %get3A_6 = arith.constant 0 : index
    %get3A_7 = vector.load %arg5[%get3A_4, %get3A_5, %get3A_6] : memref<1x1x256xi32, #tpu.memory_space<vmem>>, vector<1x1x256xi32>
    %get3A_8 = vector.shape_cast %get3A_7 : vector<1x1x256xi32> to vector<1x256xi32>
    %jit3A = arith.constant 256 : i32
    %div3A = vector.broadcast %jit3A : i32 to vector<1x256xi32>
    %div3A_9 = arith.divsi %get3A_8, %div3A : vector<1x256xi32>
    %sign3A = arith.constant 0 : i32
    %sign3A_10 = vector.broadcast %sign3A : i32 to vector<1x256xi32>
    %sign3A_11 = arith.cmpi sgt, %get3A_8, %sign3A_10 : vector<1x256xi32>
    %sign3A_12 = arith.extui %sign3A_11 : vector<1x256xi1> to vector<1x256xi32>
    %sign3A_13 = arith.constant 0 : i32
    %sign3A_14 = vector.broadcast %sign3A_13 : i32 to vector<1x256xi32>
    %sign3A_15 = arith.cmpi slt, %get3A_8, %sign3A_14 : vector<1x256xi32>
    %sign3A_16 = arith.extui %sign3A_15 : vector<1x256xi1> to vector<1x256xi32>
    %sign3A_17 = arith.subi %sign3A_12, %sign3A_16 : vector<1x256xi32>
    %sign3A_18 = arith.constant 0 : i32
    %sign3A_19 = arith.cmpi sgt, %jit3A, %sign3A_18 : i32
    %sign3A_20 = arith.extui %sign3A_19 : i1 to i32
    %sign3A_21 = arith.constant 0 : i32
    %sign3A_22 = arith.cmpi slt, %jit3A, %sign3A_21 : i32
    %sign3A_23 = arith.extui %sign3A_22 : i1 to i32
    %sign3A_24 = arith.subi %sign3A_20, %sign3A_23 : i32
    %ne3A = vector.broadcast %sign3A_24 : i32 to vector<1x256xi32>
    %ne3A_25 = arith.cmpi ne, %sign3A_17, %ne3A : vector<1x256xi32>
    %rem3A = vector.broadcast %jit3A : i32 to vector<1x256xi32>
    %rem3A_26 = arith.remsi %get3A_8, %rem3A : vector<1x256xi32>
    %ne3A_27 = arith.constant 0 : i32
    %ne3A_28 = vector.broadcast %ne3A_27 : i32 to vector<1x256xi32>
    %ne3A_29 = arith.cmpi ne, %rem3A_26, %ne3A_28 : vector<1x256xi32>
    %and3A = arith.andi %ne3A_25, %ne3A_29 : vector<1x256xi1>
    %sub3A = arith.constant 1 : i32
    %sub3A_30 = vector.broadcast %sub3A : i32 to vector<1x256xi32>
    %sub3A_31 = arith.subi %div3A_9, %sub3A_30 : vector<1x256xi32>
    %select_n3A = arith.select %and3A, %sub3A_31, %div3A_9 : vector<1x256xi1>, vector<1x256xi32>
    %mul3A = arith.constant 8 : i32
    %mul3A_32 = arith.muli %arg1, %mul3A : i32
    %add3A = arith.constant 0 : i32
    %add3A_33 = arith.addi %mul3A_32, %add3A : i32
    %get3A_34 = arith.constant 0 : index
    %get3A_35 = arith.constant 0 : index
    %get3A_36 = arith.constant 0 : index
    %get3A_37 = vector.load %arg2[%get3A_34, %get3A_35, %get3A_36] : memref<1x2048x128xf32, #tpu.memory_space<vmem>>, vector<1x256x64xf32>
    %get3A_38 = vector.shape_cast %get3A_37 : vector<1x256x64xf32> to vector<256x64xf32>
    %get3A_39 = arith.constant 0 : index
    %get3A_40 = arith.constant 0 : index
    %get3A_41 = arith.constant 0 : index
    %get3A_42 = vector.load %arg3[%get3A_39, %get3A_40, %get3A_41] : memref<1x2048x128xf32, #tpu.memory_space<vmem>>, vector<1x256x128xf32>
    %get3A_43 = vector.shape_cast %get3A_42 : vector<1x256x128xf32> to vector<256x128xf32>
    %slice3A = vector.extract_strided_slice %get3A_43 {offsets = [0, 0], sizes = [256, 64], strides = [1, 1]} : vector<256x128xf32> to vector<256x64xf32>
    %slice3A_44 = vector.extract_strided_slice %get3A_43 {offsets = [0, 64], sizes = [256, 64], strides = [1, 1]} : vector<256x128xf32> to vector<256x64xf32>
    %convert_element_type3A = arith.truncf %get3A_38 : vector<256x64xf32> to vector<256x64xbf16>
    %convert_element_type3A_45 = arith.truncf %slice3A : vector<256x64xf32> to vector<256x64xbf16>
    %dot_general3A = arith.constant dense<0.000000e+00> : vector<256x256xf32>
    %dot_general3A_46 = tpu.matmul %convert_element_type3A, %convert_element_type3A_45, %dot_general3A {dimension_numbers = #tpu.dot_dimension_numbers<[1], [1], [0], [0], [0, 0, 1, 0], [], []>, transpose_lhs_hint = false} : vector<256x64xbf16>, vector<256x64xbf16>, vector<256x256xf32> -> vector<256x256xf32>
    %mul3A_47 = arith.constant 1.250000e-01 : f32
    %mul3A_48 = vector.broadcast %mul3A_47 : f32 to vector<256x256xf32>
    %mul3A_49 = arith.mulf %dot_general3A_46, %mul3A_48 : vector<256x256xf32>
    %reduce_max3A = arith.constant dense<0xFF800000> : vector<256xf32>
    %reduce_max3A_50 = vector.multi_reduction <maximumf>, %mul3A_49, %reduce_max3A [1] : vector<256x256xf32> to vector<256xf32>
    %broadcast_in_dim3A = vector.shape_cast %reduce_max3A_50 : vector<256xf32> to vector<256x1xf32>
    %sub3A_51 = vector.broadcast %broadcast_in_dim3A : vector<256x1xf32> to vector<256x256xf32>
    %sub3A_52 = arith.subf %mul3A_49, %sub3A_51 : vector<256x256xf32>
    %exp3A = math.exp %sub3A_52 : vector<256x256xf32>
    %reduce_sum3A = arith.constant dense<0.000000e+00> : vector<256xf32>
    %reduce_sum3A_53 = vector.multi_reduction <add>, %exp3A, %reduce_sum3A [1] : vector<256x256xf32> to vector<256xf32>
    %broadcast_in_dim3A_54 = vector.shape_cast %reduce_sum3A_53 : vector<256xf32> to vector<256x1xf32>
    %log3A = math.log %broadcast_in_dim3A_54 : vector<256x1xf32>
    %add3A_55 = arith.addf %log3A, %broadcast_in_dim3A : vector<256x1xf32>
    %sub3A_56 = vector.broadcast %add3A_55 : vector<256x1xf32> to vector<256x256xf32>
    %sub3A_57 = arith.subf %mul3A_49, %sub3A_56 : vector<256x256xf32>
    %exp3A_58 = math.exp %sub3A_57 : vector<256x256xf32>
    %convert_element_type3A_59 = arith.truncf %exp3A_58 : vector<256x256xf32> to vector<256x256xbf16>
    %convert_element_type3A_60 = arith.truncf %slice3A_44 : vector<256x64xf32> to vector<256x64xbf16>
    %dot_general3A_61 = arith.constant dense<0.000000e+00> : vector<256x64xf32>
    %dot_general3A_62 = tpu.matmul %convert_element_type3A_59, %convert_element_type3A_60, %dot_general3A_61 {dimension_numbers = #tpu.dot_dimension_numbers<[1], [0], [0], [1], [0, 0, 1, 1], [], []>, transpose_lhs_hint = false} : vector<256x256xbf16>, vector<256x64xbf16>, vector<256x64xf32> -> vector<256x64xf32>
    %eq3A = vector.broadcast %add3A_33 : i32 to vector<1x256xi32>
    %eq3A_63 = arith.cmpi eq, %select_n3A, %eq3A : vector<1x256xi32>
    %convert_element_type3A_64 = arith.extui %eq3A_63 : vector<1x256xi1> to vector<1x256xi32>
    %convert_element_type3A_65 = arith.sitofp %convert_element_type3A_64 : vector<1x256xi32> to vector<1x256xf32>
    %mul3A_66 = arith.constant -3.40282347E+38 : f32
    %mul3A_67 = vector.broadcast %mul3A_66 : f32 to vector<1x256xf32>
    %mul3A_68 = arith.mulf %convert_element_type3A_65, %mul3A_67 : vector<1x256xf32>
    %slice3A_69 = vector.extract_strided_slice %get3A_3 {offsets = [0, 0], sizes = [256, 64], strides = [1, 1]} : vector<256x128xf32> to vector<256x64xf32>
    %convert_element_type3A_70 = arith.truncf %get3A_38 : vector<256x64xf32> to vector<256x64xbf16>
    %convert_element_type3A_71 = arith.truncf %slice3A_69 : vector<256x64xf32> to vector<256x64xbf16>
    %dot_general3A_72 = arith.constant dense<0.000000e+00> : vector<256x256xf32>
    %dot_general3A_73 = tpu.matmul %convert_element_type3A_70, %convert_element_type3A_71, %dot_general3A_72 {dimension_numbers = #tpu.dot_dimension_numbers<[1], [1], [0], [0], [0, 0, 1, 0], [], []>, transpose_lhs_hint = false} : vector<256x64xbf16>, vector<256x64xbf16>, vector<256x256xf32> -> vector<256x256xf32>
    %mul3A_74 = arith.constant 1.250000e-01 : f32
    %mul3A_75 = vector.broadcast %mul3A_74 : f32 to vector<256x256xf32>
    %mul3A_76 = arith.mulf %dot_general3A_73, %mul3A_75 : vector<256x256xf32>
    %add3A_77 = vector.broadcast %mul3A_68 : vector<1x256xf32> to vector<256x256xf32>
    %add3A_78 = arith.addf %mul3A_76, %add3A_77 : vector<256x256xf32>
    %reduce_max3A_79 = arith.constant dense<0xFF800000> : vector<256xf32>
    %reduce_max3A_80 = vector.multi_reduction <maximumf>, %add3A_78, %reduce_max3A_79 [1] : vector<256x256xf32> to vector<256xf32>
    %broadcast_in_dim3A_81 = vector.shape_cast %reduce_max3A_80 : vector<256xf32> to vector<256x1xf32>
    %sub3A_82 = vector.broadcast %broadcast_in_dim3A_81 : vector<256x1xf32> to vector<256x256xf32>
    %sub3A_83 = arith.subf %add3A_78, %sub3A_82 : vector<256x256xf32>
    %exp3A_84 = math.exp %sub3A_83 : vector<256x256xf32>
    %reduce_sum3A_85 = arith.constant dense<0.000000e+00> : vector<256xf32>
    %reduce_sum3A_86 = vector.multi_reduction <add>, %exp3A_84, %reduce_sum3A_85 [1] : vector<256x256xf32> to vector<256xf32>
    %broadcast_in_dim3A_87 = vector.shape_cast %reduce_sum3A_86 : vector<256xf32> to vector<256x1xf32>
    %log3A_88 = math.log %broadcast_in_dim3A_87 : vector<256x1xf32>
    %add3A_89 = arith.addf %log3A_88, %broadcast_in_dim3A_81 : vector<256x1xf32>
    %sub3A_90 = vector.broadcast %add3A_89 : vector<256x1xf32> to vector<256x256xf32>
    %sub3A_91 = arith.subf %add3A_78, %sub3A_90 : vector<256x256xf32>
    %exp3A_92 = math.exp %sub3A_91 : vector<256x256xf32>
    %slice3A_93 = vector.extract_strided_slice %get3A_3 {offsets = [0, 64], sizes = [256, 64], strides = [1, 1]} : vector<256x128xf32> to vector<256x64xf32>
    %convert_element_type3A_94 = arith.truncf %exp3A_92 : vector<256x256xf32> to vector<256x256xbf16>
    %convert_element_type3A_95 = arith.truncf %slice3A_93 : vector<256x64xf32> to vector<256x64xbf16>
    %dot_general3A_96 = arith.constant dense<0.000000e+00> : vector<256x64xf32>
    %dot_general3A_97 = tpu.matmul %convert_element_type3A_94, %convert_element_type3A_95, %dot_general3A_96 {dimension_numbers = #tpu.dot_dimension_numbers<[1], [0], [0], [1], [0, 0, 1, 1], [], []>, transpose_lhs_hint = false} : vector<256x256xbf16>, vector<256x64xbf16>, vector<256x64xf32> -> vector<256x64xf32>
    %add3A_98 = arith.constant 3.46573591 : f32
    %add3A_99 = vector.broadcast %add3A_98 : f32 to vector<256x1xf32>
    %add3A_100 = arith.addf %add3A_89, %add3A_99 : vector<256x1xf32>
    %sub3A_101 = arith.subf %add3A_100, %add3A_55 : vector<256x1xf32>
    %exp3A_102 = math.exp %sub3A_101 : vector<256x1xf32>
    %add3A_103 = arith.constant 1.000000e+00 : f32
    %add3A_104 = vector.broadcast %add3A_103 : f32 to vector<256x1xf32>
    %add3A_105 = arith.addf %add3A_104, %exp3A_102 : vector<256x1xf32>
    %div3A_106 = arith.constant 1.000000e+00 : f32
    %div3A_107 = vector.broadcast %div3A_106 : f32 to vector<256x1xf32>
    %div3A_108 = arith.divf %div3A_107, %add3A_105 : vector<256x1xf32>
    %mul3A_109 = vector.broadcast %div3A_108 : vector<256x1xf32> to vector<256x64xf32>
    %mul3A_110 = arith.mulf %mul3A_109, %dot_general3A_62 : vector<256x64xf32>
    %sub3A_111 = arith.constant 1.000000e+00 : f32
    %sub3A_112 = vector.broadcast %sub3A_111 : f32 to vector<256x1xf32>
    %sub3A_113 = arith.subf %sub3A_112, %div3A_108 : vector<256x1xf32>
    %mul3A_114 = vector.broadcast %sub3A_113 : vector<256x1xf32> to vector<256x64xf32>
    %mul3A_115 = arith.mulf %mul3A_114, %dot_general3A_97 : vector<256x64xf32>
    %add3A_116 = arith.addf %mul3A_110, %mul3A_115 : vector<256x64xf32>
    %swap3A = arith.constant 0 : index
    %swap3A_117 = arith.constant 0 : index
    %swap3A_118 = arith.constant 0 : index
    %swap3A_119 = vector.load %arg6[%swap3A, %swap3A_117, %swap3A_118] : memref<1x2048x128xf32, #tpu.memory_space<vmem>>, vector<1x256x64xf32>
    %swap3A_120 = vector.shape_cast %swap3A_119 : vector<1x256x64xf32> to vector<256x64xf32>
    %swap3A_121 = vector.shape_cast %add3A_116 : vector<256x64xf32> to vector<1x256x64xf32>
    tpu.vector_store %arg6[%swap3A, %swap3A_117, %swap3A_118], %swap3A_121 {strides = array<i32>} : memref<1x2048x128xf32, #tpu.memory_space<vmem>>, vector<1x256x64xf32>,
    %broadcast_in_dim3A_122 = arith.constant 0.000000e+00 : f32
    %broadcast_in_dim3A_123 = vector.broadcast %broadcast_in_dim3A_122 : f32 to vector<256x64xf32>
    %swap3A_124 = arith.constant 0 : index
    %swap3A_125 = arith.constant 0 : index
    %swap3A_126 = arith.constant 64 : index
    %swap3A_127 = vector.load %arg6[%swap3A_124, %swap3A_125, %swap3A_126] : memref<1x2048x128xf32, #tpu.memory_space<vmem>>, vector<1x256x64xf32>
    %swap3A_128 = vector.shape_cast %swap3A_127 : vector<1x256x64xf32> to vector<256x64xf32>
    %swap3A_129 = vector.shape_cast %broadcast_in_dim3A_123 : vector<256x64xf32> to vector<1x256x64xf32>
    tpu.vector_store %arg6[%swap3A_124, %swap3A_125, %swap3A_126], %swap3A_129 {strides = array<i32>} : memref<1x2048x128xf32, #tpu.memory_space<vmem>>, vector<1x256x64xf32>,
    %mul3A_130 = arith.constant 8 : i32
    %mul3A_131 = arith.muli %arg1, %mul3A_130 : i32
    %add3A_132 = arith.constant 1 : i32
    %add3A_133 = arith.addi %mul3A_131, %add3A_132 : i32
    %get3A_134 = arith.constant 0 : index
    %get3A_135 = arith.constant 256 : index
    %get3A_136 = arith.constant 0 : index
    %get3A_137 = vector.load %arg2[%get3A_134, %get3A_135, %get3A_136] : memref<1x2048x128xf32, #tpu.memory_space<vmem>>, vector<1x256x64xf32>
    %get3A_138 = vector.shape_cast %get3A_137 : vector<1x256x64xf32> to vector<256x64xf32>
    %get3A_139 = arith.constant 0 : index
    %get3A_140 = arith.constant 256 : index
    %get3A_141 = arith.constant 0 : index
    %get3A_142 = vector.load %arg3[%get3A_139, %get3A_140, %get3A_141] : memref<1x2048x128xf32, #tpu.memory_space<vmem>>, vector<1x256x128xf32>
    %get3A_143 = vector.shape_cast %get3A_142 : vector<1x256x128xf32> to vector<256x128xf32>
    %slice3A_144 = vector.extract_strided_slice %get3A_143 {offsets = [0, 0], sizes = [256, 64], strides = [1, 1]} : vector<256x128xf32> to vector<256x64xf32>
    %slice3A_145 = vector.extract_strided_slice %get3A_143 {offsets = [0, 64], sizes = [256, 64], strides = [1, 1]} : vector<256x128xf32> to vector<256x64xf32>
    %convert_element_type3A_146 = arith.truncf %get3A_138 : vector<256x64xf32> to vector<256x64xbf16>
    %convert_element_type3A_147 = arith.truncf %slice3A_144 : vector<256x64xf32> to vector<256x64xbf16>
    %dot_general3A_148 = arith.constant dense<0.000000e+00> : vector<256x256xf32>
    %dot_general3A_149 = tpu.matmul %convert_element_type3A_146, %convert_element_type3A_147, %dot_general3A_148 {dimension_numbers = #tpu.dot_dimension_numbers<[1], [1], [0], [0], [0, 0, 1, 0], [], []>, transpose_lhs_hint = false} : vector<256x64xbf16>, vector<256x64xbf16>, vector<256x256xf32> -> vector<256x256xf32>
    %mul3A_150 = arith.constant 1.250000e-01 : f32
    %mul3A_151 = vector.broadcast %mul3A_150 : f32 to vector<256x256xf32>
    %mul3A_152 = arith.mulf %dot_general3A_149, %mul3A_151 : vector<256x256xf32>
    %reduce_max3A_153 = arith.constant dense<0xFF800000> : vector<256xf32>
    %reduce_max3A_154 = vector.multi_reduction <maximumf>, %mul3A_152, %reduce_max3A_153 [1] : vector<256x256xf32> to vector<256xf32>
    %broadcast_in_dim3A_155 = vector.shape_cast %reduce_max3A_154 : vector<256xf32> to vector<256x1xf32>
    %sub3A_156 = vector.broadcast %broadcast_in_dim3A_155 : vector<256x1xf32> to vector<256x256xf32>
    %sub3A_157 = arith.subf %mul3A_152, %sub3A_156 : vector<256x256xf32>
    %exp3A_158 = math.exp %sub3A_157 : vector<256x256xf32>
    %reduce_sum3A_159 = arith.constant dense<0.000000e+00> : vector<256xf32>
    %reduce_sum3A_160 = vector.multi_reduction <add>, %exp3A_158, %reduce_sum3A_159 [1] : vector<256x256xf32> to vector<256xf32>
    %broadcast_in_dim3A_161 = vector.shape_cast %reduce_sum3A_160 : vector<256xf32> to vector<256x1xf32>
    %log3A_162 = math.log %broadcast_in_dim3A_161 : vector<256x1xf32>
    %add3A_163 = arith.addf %log3A_162, %broadcast_in_dim3A_155 : vector<256x1xf32>
    %sub3A_164 = vector.broadcast %add3A_163 : vector<256x1xf32> to vector<256x256xf32>
    %sub3A_165 = arith.subf %mul3A_152, %sub3A_164 : vector<256x256xf32>
    %exp3A_166 = math.exp %sub3A_165 : vector<256x256xf32>
    %convert_element_type3A_167 = arith.truncf %exp3A_166 : vector<256x256xf32> to vector<256x256xbf16>
    %convert_element_type3A_168 = arith.truncf %slice3A_145 : vector<256x64xf32> to vector<256x64xbf16>
    %dot_general3A_169 = arith.constant dense<0.000000e+00> : vector<256x64xf32>
    %dot_general3A_170 = tpu.matmul %convert_element_type3A_167, %convert_element_type3A_168, %dot_general3A_169 {dimension_numbers = #tpu.dot_dimension_numbers<[1], [0], [0], [1], [0, 0, 1, 1], [], []>, transpose_lhs_hint = false} : vector<256x256xbf16>, vector<256x64xbf16>, vector<256x64xf32> -> vector<256x64xf32>
    %eq3A_171 = vector.broadcast %add3A_133 : i32 to vector<1x256xi32>
    %eq3A_172 = arith.cmpi eq, %select_n3A, %eq3A_171 : vector<1x256xi32>
    %convert_element_type3A_173 = arith.extui %eq3A_172 : vector<1x256xi1> to vector<1x256xi32>
    %convert_element_type3A_174 = arith.sitofp %convert_element_type3A_173 : vector<1x256xi32> to vector<1x256xf32>
    %mul3A_175 = arith.constant -3.40282347E+38 : f32
    %mul3A_176 = vector.broadcast %mul3A_175 : f32 to vector<1x256xf32>
    %mul3A_177 = arith.mulf %convert_element_type3A_174, %mul3A_176 : vector<1x256xf32>
    %slice3A_178 = vector.extract_strided_slice %get3A_3 {offsets = [0, 0], sizes = [256, 64], strides = [1, 1]} : vector<256x128xf32> to vector<256x64xf32>
    %convert_element_type3A_179 = arith.truncf %get3A_138 : vector<256x64xf32> to vector<256x64xbf16>
    %convert_element_type3A_180 = arith.truncf %slice3A_178 : vector<256x64xf32> to vector<256x64xbf16>
    %dot_general3A_181 = arith.constant dense<0.000000e+00> : vector<256x256xf32>
    %dot_general3A_182 = tpu.matmul %convert_element_type3A_179, %convert_element_type3A_180, %dot_general3A_181 {dimension_numbers = #tpu.dot_dimension_numbers<[1], [1], [0], [0], [0, 0, 1, 0], [], []>, transpose_lhs_hint = false} : vector<256x64xbf16>, vector<256x64xbf16>, vector<256x256xf32> -> vector<256x256xf32>
    %mul3A_183 = arith.constant 1.250000e-01 : f32
    %mul3A_184 = vector.broadcast %mul3A_183 : f32 to vector<256x256xf32>
    %mul3A_185 = arith.mulf %dot_general3A_182, %mul3A_184 : vector<256x256xf32>
    %add3A_186 = vector.broadcast %mul3A_177 : vector<1x256xf32> to vector<256x256xf32>
    %add3A_187 = arith.addf %mul3A_185, %add3A_186 : vector<256x256xf32>
    %reduce_max3A_188 = arith.constant dense<0xFF800000> : vector<256xf32>
    %reduce_max3A_189 = vector.multi_reduction <maximumf>, %add3A_187, %reduce_max3A_188 [1] : vector<256x256xf32> to vector<256xf32>
    %broadcast_in_dim3A_190 = vector.shape_cast %reduce_max3A_189 : vector<256xf32> to vector<256x1xf32>
    %sub3A_191 = vector.broadcast %broadcast_in_dim3A_190 : vector<256x1xf32> to vector<256x256xf32>
    %sub3A_192 = arith.subf %add3A_187, %sub3A_191 : vector<256x256xf32>
    %exp3A_193 = math.exp %sub3A_192 : vector<256x256xf32>
    %reduce_sum3A_194 = arith.constant dense<0.000000e+00> : vector<256xf32>
    %reduce_sum3A_195 = vector.multi_reduction <add>, %exp3A_193, %reduce_sum3A_194 [1] : vector<256x256xf32> to vector<256xf32>
    %broadcast_in_dim3A_196 = vector.shape_cast %reduce_sum3A_195 : vector<256xf32> to vector<256x1xf32>
    %log3A_197 = math.log %broadcast_in_dim3A_196 : vector<256x1xf32>
    %add3A_198 = arith.addf %log3A_197, %broadcast_in_dim3A_190 : vector<256x1xf32>
    %sub3A_199 = vector.broadcast %add3A_198 : vector<256x1xf32> to vector<256x256xf32>
    %sub3A_200 = arith.subf %add3A_187, %sub3A_199 : vector<256x256xf32>
    %exp3A_201 = math.exp %sub3A_200 : vector<256x256xf32>
    %slice3A_202 = vector.extract_strided_slice %get3A_3 {offsets = [0, 64], sizes = [256, 64], strides = [1, 1]} : vector<256x128xf32> to vector<256x64xf32>
    %convert_element_type3A_203 = arith.truncf %exp3A_201 : vector<256x256xf32> to vector<256x256xbf16>
    %convert_element_type3A_204 = arith.truncf %slice3A_202 : vector<256x64xf32> to vector<256x64xbf16>
    %dot_general3A_205 = arith.constant dense<0.000000e+00> : vector<256x64xf32>
    %dot_general3A_206 = tpu.matmul %convert_element_type3A_203, %convert_element_type3A_204, %dot_general3A_205 {dimension_numbers = #tpu.dot_dimension_numbers<[1], [0], [0], [1], [0, 0, 1, 1], [], []>, transpose_lhs_hint = false} : vector<256x256xbf16>, vector<256x64xbf16>, vector<256x64xf32> -> vector<256x64xf32>
    %add3A_207 = arith.constant 3.46573591 : f32
    %add3A_208 = vector.broadcast %add3A_207 : f32 to vector<256x1xf32>
    %add3A_209 = arith.addf %add3A_198, %add3A_208 : vector<256x1xf32>
    %sub3A_210 = arith.subf %add3A_209, %add3A_163 : vector<256x1xf32>
    %exp3A_211 = math.exp %sub3A_210 : vector<256x1xf32>
    %add3A_212 = arith.constant 1.000000e+00 : f32
    %add3A_213 = vector.broadcast %add3A_212 : f32 to vector<256x1xf32>
    %add3A_214 = arith.addf %add3A_213, %exp3A_211 : vector<256x1xf32>
    %div3A_215 = arith.constant 1.000000e+00 : f32
    %div3A_216 = vector.broadcast %div3A_215 : f32 to vector<256x1xf32>
    %div3A_217 = arith.divf %div3A_216, %add3A_214 : vector<256x1xf32>
    %mul3A_218 = vector.broadcast %div3A_217 : vector<256x1xf32> to vector<256x64xf32>
    %mul3A_219 = arith.mulf %mul3A_218, %dot_general3A_170 : vector<256x64xf32>
    %sub3A_220 = arith.constant 1.000000e+00 : f32
    %sub3A_221 = vector.broadcast %sub3A_220 : f32 to vector<256x1xf32>
    %sub3A_222 = arith.subf %sub3A_221, %div3A_217 : vector<256x1xf32>
    %mul3A_223 = vector.broadcast %sub3A_222 : vector<256x1xf32> to vector<256x64xf32>
    %mul3A_224 = arith.mulf %mul3A_223, %dot_general3A_206 : vector<256x64xf32>
    %add3A_225 = arith.addf %mul3A_219, %mul3A_224 : vector<256x64xf32>
    %swap3A_226 = arith.constant 0 : index
    %swap3A_227 = arith.constant 256 : index
    %swap3A_228 = arith.constant 0 : index
    %swap3A_229 = vector.load %arg6[%swap3A_226, %swap3A_227, %swap3A_228] : memref<1x2048x128xf32, #tpu.memory_space<vmem>>, vector<1x256x64xf32>
    %swap3A_230 = vector.shape_cast %swap3A_229 : vector<1x256x64xf32> to vector<256x64xf32>
    %swap3A_231 = vector.shape_cast %add3A_225 : vector<256x64xf32> to vector<1x256x64xf32>
    tpu.vector_store %arg6[%swap3A_226, %swap3A_227, %swap3A_228], %swap3A_231 {strides = array<i32>} : memref<1x2048x128xf32, #tpu.memory_space<vmem>>, vector<1x256x64xf32>,
    %broadcast_in_dim3A_232 = arith.constant 0.000000e+00 : f32
    %broadcast_in_dim3A_233 = vector.broadcast %broadcast_in_dim3A_232 : f32 to vector<256x64xf32>
    %swap3A_234 = arith.constant 0 : index
    %swap3A_235 = arith.constant 256 : index
    %swap3A_236 = arith.constant 64 : index
    %swap3A_237 = vector.load %arg6[%swap3A_234, %swap3A_235, %swap3A_236] : memref<1x2048x128xf32, #tpu.memory_space<vmem>>, vector<1x256x64xf32>
    %swap3A_238 = vector.shape_cast %swap3A_237 : vector<1x256x64xf32> to vector<256x64xf32>
    %swap3A_239 = vector.shape_cast %broadcast_in_dim3A_233 : vector<256x64xf32> to vector<1x256x64xf32>
    tpu.vector_store %arg6[%swap3A_234, %swap3A_235, %swap3A_236], %swap3A_239 {strides = array<i32>} : memref<1x2048x128xf32, #tpu.memory_space<vmem>>, vector<1x256x64xf32>,
    %mul3A_240 = arith.constant 8 : i32
    %mul3A_241 = arith.muli %arg1, %mul3A_240 : i32
    %add3A_242 = arith.constant 2 : i32
    %add3A_243 = arith.addi %mul3A_241, %add3A_242 : i32
    %get3A_244 = arith.constant 0 : index
    %get3A_245 = arith.constant 512 : index
    %get3A_246 = arith.constant 0 : index
    %get3A_247 = vector.load %arg2[%get3A_244, %get3A_245, %get3A_246] : memref<1x2048x128xf32, #tpu.memory_space<vmem>>, vector<1x256x64xf32>
    %get3A_248 = vector.shape_cast %get3A_247 : vector<1x256x64xf32> to vector<256x64xf32>
    %get3A_249 = arith.constant 0 : index
    %get3A_250 = arith.constant 512 : index
    %get3A_251 = arith.constant 0 : index
    %get3A_252 = vector.load %arg3[%get3A_249, %get3A_250, %get3A_251] : memref<1x2048x128xf32, #tpu.memory_space<vmem>>, vector<1x256x128xf32>
    %get3A_253 = vector.shape_cast %get3A_252 : vector<1x256x128xf32> to vector<256x128xf32>
    %slice3A_254 = vector.extract_strided_slice %get3A_253 {offsets = [0, 0], sizes = [256, 64], strides = [1, 1]} : vector<256x128xf32> to vector<256x64xf32>
    %slice3A_255 = vector.extract_strided_slice %get3A_253 {offsets = [0, 64], sizes = [256, 64], strides = [1, 1]} : vector<256x128xf32> to vector<256x64xf32>
    %convert_element_type3A_256 = arith.truncf %get3A_248 : vector<256x64xf32> to vector<256x64xbf16>
    %convert_element_type3A_257 = arith.truncf %slice3A_254 : vector<256x64xf32> to vector<256x64xbf16>
    %dot_general3A_258 = arith.constant dense<0.000000e+00> : vector<256x256xf32>
    %dot_general3A_259 = tpu.matmul %convert_element_type3A_256, %convert_element_type3A_257, %dot_general3A_258 {dimension_numbers = #tpu.dot_dimension_numbers<[1], [1], [0], [0], [0, 0, 1, 0], [], []>, transpose_lhs_hint = false} : vector<256x64xbf16>, vector<256x64xbf16>, vector<256x256xf32> -> vector<256x256xf32>
    %mul3A_260 = arith.constant 1.250000e-01 : f32
    %mul3A_261 = vector.broadcast %mul3A_260 : f32 to vector<256x256xf32>
    %mul3A_262 = arith.mulf %dot_general3A_259, %mul3A_261 : vector<256x256xf32>
    %reduce_max3A_263 = arith.constant dense<0xFF800000> : vector<256xf32>
    %reduce_max3A_264 = vector.multi_reduction <maximumf>, %mul3A_262, %reduce_max3A_263 [1] : vector<256x256xf32> to vector<256xf32>
    %broadcast_in_dim3A_265 = vector.shape_cast %reduce_max3A_264 : vector<256xf32> to vector<256x1xf32>
    %sub3A_266 = vector.broadcast %broadcast_in_dim3A_265 : vector<256x1xf32> to vector<256x256xf32>
    %sub3A_267 = arith.subf %mul3A_262, %sub3A_266 : vector<256x256xf32>
    %exp3A_268 = math.exp %sub3A_267 : vector<256x256xf32>
    %reduce_sum3A_269 = arith.constant dense<0.000000e+00> : vector<256xf32>
    %reduce_sum3A_270 = vector.multi_reduction <add>, %exp3A_268, %reduce_sum3A_269 [1] : vector<256x256xf32> to vector<256xf32>
    %broadcast_in_dim3A_271 = vector.shape_cast %reduce_sum3A_270 : vector<256xf32> to vector<256x1xf32>
    %log3A_272 = math.log %broadcast_in_dim3A_271 : vector<256x1xf32>
    %add3A_273 = arith.addf %log3A_272, %broadcast_in_dim3A_265 : vector<256x1xf32>
    %sub3A_274 = vector.broadcast %add3A_273 : vector<256x1xf32> to vector<256x256xf32>
    %sub3A_275 = arith.subf %mul3A_262, %sub3A_274 : vector<256x256xf32>
    %exp3A_276 = math.exp %sub3A_275 : vector<256x256xf32>
    %convert_element_type3A_277 = arith.truncf %exp3A_276 : vector<256x256xf32> to vector<256x256xbf16>
    %convert_element_type3A_278 = arith.truncf %slice3A_255 : vector<256x64xf32> to vector<256x64xbf16>
    %dot_general3A_279 = arith.constant dense<0.000000e+00> : vector<256x64xf32>
    %dot_general3A_280 = tpu.matmul %convert_element_type3A_277, %convert_element_type3A_278, %dot_general3A_279 {dimension_numbers = #tpu.dot_dimension_numbers<[1], [0], [0], [1], [0, 0, 1, 1], [], []>, transpose_lhs_hint = false} : vector<256x256xbf16>, vector<256x64xbf16>, vector<256x64xf32> -> vector<256x64xf32>
    %eq3A_281 = vector.broadcast %add3A_243 : i32 to vector<1x256xi32>
    %eq3A_282 = arith.cmpi eq, %select_n3A, %eq3A_281 : vector<1x256xi32>
    %convert_element_type3A_283 = arith.extui %eq3A_282 : vector<1x256xi1> to vector<1x256xi32>
    %convert_element_type3A_284 = arith.sitofp %convert_element_type3A_283 : vector<1x256xi32> to vector<1x256xf32>
    %mul3A_285 = arith.constant -3.40282347E+38 : f32
    %mul3A_286 = vector.broadcast %mul3A_285 : f32 to vector<1x256xf32>
    %mul3A_287 = arith.mulf %convert_element_type3A_284, %mul3A_286 : vector<1x256xf32>
    %slice3A_288 = vector.extract_strided_slice %get3A_3 {offsets = [0, 0], sizes = [256, 64], strides = [1, 1]} : vector<256x128xf32> to vector<256x64xf32>
    %convert_element_type3A_289 = arith.truncf %get3A_248 : vector<256x64xf32> to vector<256x64xbf16>
    %convert_element_type3A_290 = arith.truncf %slice3A_288 : vector<256x64xf32> to vector<256x64xbf16>
    %dot_general3A_291 = arith.constant dense<0.000000e+00> : vector<256x256xf32>
    %dot_general3A_292 = tpu.matmul %convert_element_type3A_289, %convert_element_type3A_290, %dot_general3A_291 {dimension_numbers = #tpu.dot_dimension_numbers<[1], [1], [0], [0], [0, 0, 1, 0], [], []>, transpose_lhs_hint = false} : vector<256x64xbf16>, vector<256x64xbf16>, vector<256x256xf32> -> vector<256x256xf32>
    %mul3A_293 = arith.constant 1.250000e-01 : f32
    %mul3A_294 = vector.broadcast %mul3A_293 : f32 to vector<256x256xf32>
    %mul3A_295 = arith.mulf %dot_general3A_292, %mul3A_294 : vector<256x256xf32>
    %add3A_296 = vector.broadcast %mul3A_287 : vector<1x256xf32> to vector<256x256xf32>
    %add3A_297 = arith.addf %mul3A_295, %add3A_296 : vector<256x256xf32>
    %reduce_max3A_298 = arith.constant dense<0xFF800000> : vector<256xf32>
    %reduce_max3A_299 = vector.multi_reduction <maximumf>, %add3A_297, %reduce_max3A_298 [1] : vector<256x256xf32> to vector<256xf32>
    %broadcast_in_dim3A_300 = vector.shape_cast %reduce_max3A_299 : vector<256xf32> to vector<256x1xf32>
    %sub3A_301 = vector.broadcast %broadcast_in_dim3A_300 : vector<256x1xf32> to vector<256x256xf32>
    %sub3A_302 = arith.subf %add3A_297, %sub3A_301 : vector<256x256xf32>
    %exp3A_303 = math.exp %sub3A_302 : vector<256x256xf32>
    %reduce_sum3A_304 = arith.constant dense<0.000000e+00> : vector<256xf32>
    %reduce_sum3A_305 = vector.multi_reduction <add>, %exp3A_303, %reduce_sum3A_304 [1] : vector<256x256xf32> to vector<256xf32>
    %broadcast_in_dim3A_306 = vector.shape_cast %reduce_sum3A_305 : vector<256xf32> to vector<256x1xf32>
    %log3A_307 = math.log %broadcast_in_dim3A_306 : vector<256x1xf32>
    %add3A_308 = arith.addf %log3A_307, %broadcast_in_dim3A_300 : vector<256x1xf32>
    %sub3A_309 = vector.broadcast %add3A_308 : vector<256x1xf32> to vector<256x256xf32>
    %sub3A_310 = arith.subf %add3A_297, %sub3A_309 : vector<256x256xf32>
    %exp3A_311 = math.exp %sub3A_310 : vector<256x256xf32>
    %slice3A_312 = vector.extract_strided_slice %get3A_3 {offsets = [0, 64], sizes = [256, 64], strides = [1, 1]} : vector<256x128xf32> to vector<256x64xf32>
    %convert_element_type3A_313 = arith.truncf %exp3A_311 : vector<256x256xf32> to vector<256x256xbf16>
    %convert_element_type3A_314 = arith.truncf %slice3A_312 : vector<256x64xf32> to vector<256x64xbf16>
    %dot_general3A_315 = arith.constant dense<0.000000e+00> : vector<256x64xf32>
    %dot_general3A_316 = tpu.matmul %convert_element_type3A_313, %convert_element_type3A_314, %dot_general3A_315 {dimension_numbers = #tpu.dot_dimension_numbers<[1], [0], [0], [1], [0, 0, 1, 1], [], []>, transpose_lhs_hint = false} : vector<256x256xbf16>, vector<256x64xbf16>, vector<256x64xf32> -> vector<256x64xf32>
    %add3A_317 = arith.constant 3.46573591 : f32
    %add3A_318 = vector.broadcast %add3A_317 : f32 to vector<256x1xf32>
    %add3A_319 = arith.addf %add3A_308, %add3A_318 : vector<256x1xf32>
    %sub3A_320 = arith.subf %add3A_319, %add3A_273 : vector<256x1xf32>
    %exp3A_321 = math.exp %sub3A_320 : vector<256x1xf32>
    %add3A_322 = arith.constant 1.000000e+00 : f32
    %add3A_323 = vector.broadcast %add3A_322 : f32 to vector<256x1xf32>
    %add3A_324 = arith.addf %add3A_323, %exp3A_321 : vector<256x1xf32>
    %div3A_325 = arith.constant 1.000000e+00 : f32
    %div3A_326 = vector.broadcast %div3A_325 : f32 to vector<256x1xf32>
    %div3A_327 = arith.divf %div3A_326, %add3A_324 : vector<256x1xf32>
    %mul3A_328 = vector.broadcast %div3A_327 : vector<256x1xf32> to vector<256x64xf32>
    %mul3A_329 = arith.mulf %mul3A_328, %dot_general3A_280 : vector<256x64xf32>
    %sub3A_330 = arith.constant 1.000000e+00 : f32
    %sub3A_331 = vector.broadcast %sub3A_330 : f32 to vector<256x1xf32>
    %sub3A_332 = arith.subf %sub3A_331, %div3A_327 : vector<256x1xf32>
    %mul3A_333 = vector.broadcast %sub3A_332 : vector<256x1xf32> to vector<256x64xf32>
    %mul3A_334 = arith.mulf %mul3A_333, %dot_general3A_316 : vector<256x64xf32>
    %add3A_335 = arith.addf %mul3A_329, %mul3A_334 : vector<256x64xf32>
    %swap3A_336 = arith.constant 0 : index
    %swap3A_337 = arith.constant 512 : index
    %swap3A_338 = arith.constant 0 : index
    %swap3A_339 = vector.load %arg6[%swap3A_336, %swap3A_337, %swap3A_338] : memref<1x2048x128xf32, #tpu.memory_space<vmem>>, vector<1x256x64xf32>
    %swap3A_340 = vector.shape_cast %swap3A_339 : vector<1x256x64xf32> to vector<256x64xf32>
    %swap3A_341 = vector.shape_cast %add3A_335 : vector<256x64xf32> to vector<1x256x64xf32>
    tpu.vector_store %arg6[%swap3A_336, %swap3A_337, %swap3A_338], %swap3A_341 {strides = array<i32>} : memref<1x2048x128xf32, #tpu.memory_space<vmem>>, vector<1x256x64xf32>,
    %broadcast_in_dim3A_342 = arith.constant 0.000000e+00 : f32
    %broadcast_in_dim3A_343 = vector.broadcast %broadcast_in_dim3A_342 : f32 to vector<256x64xf32>
    %swap3A_344 = arith.constant 0 : index
    %swap3A_345 = arith.constant 512 : index
    %swap3A_346 = arith.constant 64 : index
    %swap3A_347 = vector.load %arg6[%swap3A_344, %swap3A_345, %swap3A_346] : memref<1x2048x128xf32, #tpu.memory_space<vmem>>, vector<1x256x64xf32>
    %swap3A_348 = vector.shape_cast %swap3A_347 : vector<1x256x64xf32> to vector<256x64xf32>
    %swap3A_349 = vector.shape_cast %broadcast_in_dim3A_343 : vector<256x64xf32> to vector<1x256x64xf32>
    tpu.vector_store %arg6[%swap3A_344, %swap3A_345, %swap3A_346], %swap3A_349 {strides = array<i32>} : memref<1x2048x128xf32, #tpu.memory_space<vmem>>, vector<1x256x64xf32>,
    %mul3A_350 = arith.constant 8 : i32
    %mul3A_351 = arith.muli %arg1, %mul3A_350 : i32
    %add3A_352 = arith.constant 3 : i32
    %add3A_353 = arith.addi %mul3A_351, %add3A_352 : i32
    %get3A_354 = arith.constant 0 : index
    %get3A_355 = arith.constant 768 : index
    %get3A_356 = arith.constant 0 : index
    %get3A_357 = vector.load %arg2[%get3A_354, %get3A_355, %get3A_356] : memref<1x2048x128xf32, #tpu.memory_space<vmem>>, vector<1x256x64xf32>
    %get3A_358 = vector.shape_cast %get3A_357 : vector<1x256x64xf32> to vector<256x64xf32>
    %get3A_359 = arith.constant 0 : index
    %get3A_360 = arith.constant 768 : index
    %get3A_361 = arith.constant 0 : index
    %get3A_362 = vector.load %arg3[%get3A_359, %get3A_360, %get3A_361] : memref<1x2048x128xf32, #tpu.memory_space<vmem>>, vector<1x256x128xf32>
    %get3A_363 = vector.shape_cast %get3A_362 : vector<1x256x128xf32> to vector<256x128xf32>
    %slice3A_364 = vector.extract_strided_slice %get3A_363 {offsets = [0, 0], sizes = [256, 64], strides = [1, 1]} : vector<256x128xf32> to vector<256x64xf32>
    %slice3A_365 = vector.extract_strided_slice %get3A_363 {offsets = [0, 64], sizes = [256, 64], strides = [1, 1]} : vector<256x128xf32> to vector<256x64xf32>
    %convert_element_type3A_366 = arith.truncf %get3A_358 : vector<256x64xf32> to vector<256x64xbf16>
    %convert_element_type3A_367 = arith.truncf %slice3A_364 : vector<256x64xf32> to vector<256x64xbf16>
    %dot_general3A_368 = arith.constant dense<0.000000e+00> : vector<256x256xf32>
    %dot_general3A_369 = tpu.matmul %convert_element_type3A_366, %convert_element_type3A_367, %dot_general3A_368 {dimension_numbers = #tpu.dot_dimension_numbers<[1], [1], [0], [0], [0, 0, 1, 0], [], []>, transpose_lhs_hint = false} : vector<256x64xbf16>, vector<256x64xbf16>, vector<256x256xf32> -> vector<256x256xf32>
    %mul3A_370 = arith.constant 1.250000e-01 : f32
    %mul3A_371 = vector.broadcast %mul3A_370 : f32 to vector<256x256xf32>
    %mul3A_372 = arith.mulf %dot_general3A_369, %mul3A_371 : vector<256x256xf32>
    %reduce_max3A_373 = arith.constant dense<0xFF800000> : vector<256xf32>
    %reduce_max3A_374 = vector.multi_reduction <maximumf>, %mul3A_372, %reduce_max3A_373 [1] : vector<256x256xf32> to vector<256xf32>
    %broadcast_in_dim3A_375 = vector.shape_cast %reduce_max3A_374 : vector<256xf32> to vector<256x1xf32>
    %sub3A_376 = vector.broadcast %broadcast_in_dim3A_375 : vector<256x1xf32> to vector<256x256xf32>
    %sub3A_377 = arith.subf %mul3A_372, %sub3A_376 : vector<256x256xf32>
    %exp3A_378 = math.exp %sub3A_377 : vector<256x256xf32>
    %reduce_sum3A_379 = arith.constant dense<0.000000e+00> : vector<256xf32>
    %reduce_sum3A_380 = vector.multi_reduction <add>, %exp3A_378, %reduce_sum3A_379 [1] : vector<256x256xf32> to vector<256xf32>
    %broadcast_in_dim3A_381 = vector.shape_cast %reduce_sum3A_380 : vector<256xf32> to vector<256x1xf32>
    %log3A_382 = math.log %broadcast_in_dim3A_381 : vector<256x1xf32>
    %add3A_383 = arith.addf %log3A_382, %broadcast_in_dim3A_375 : vector<256x1xf32>
    %sub3A_384 = vector.broadcast %add3A_383 : vector<256x1xf32> to vector<256x256xf32>
    %sub3A_385 = arith.subf %mul3A_372, %sub3A_384 : vector<256x256xf32>
    %exp3A_386 = math.exp %sub3A_385 : vector<256x256xf32>
    %convert_element_type3A_387 = arith.truncf %exp3A_386 : vector<256x256xf32> to vector<256x256xbf16>
    %convert_element_type3A_388 = arith.truncf %slice3A_365 : vector<256x64xf32> to vector<256x64xbf16>
    %dot_general3A_389 = arith.constant dense<0.000000e+00> : vector<256x64xf32>
    %dot_general3A_390 = tpu.matmul %convert_element_type3A_387, %convert_element_type3A_388, %dot_general3A_389 {dimension_numbers = #tpu.dot_dimension_numbers<[1], [0], [0], [1], [0, 0, 1, 1], [], []>, transpose_lhs_hint = false} : vector<256x256xbf16>, vector<256x64xbf16>, vector<256x64xf32> -> vector<256x64xf32>
    %eq3A_391 = vector.broadcast %add3A_353 : i32 to vector<1x256xi32>
    %eq3A_392 = arith.cmpi eq, %select_n3A, %eq3A_391 : vector<1x256xi32>
    %convert_element_type3A_393 = arith.extui %eq3A_392 : vector<1x256xi1> to vector<1x256xi32>
    %convert_element_type3A_394 = arith.sitofp %convert_element_type3A_393 : vector<1x256xi32> to vector<1x256xf32>
    %mul3A_395 = arith.constant -3.40282347E+38 : f32
    %mul3A_396 = vector.broadcast %mul3A_395 : f32 to vector<1x256xf32>
    %mul3A_397 = arith.mulf %convert_element_type3A_394, %mul3A_396 : vector<1x256xf32>
    %slice3A_398 = vector.extract_strided_slice %get3A_3 {offsets = [0, 0], sizes = [256, 64], strides = [1, 1]} : vector<256x128xf32> to vector<256x64xf32>
    %convert_element_type3A_399 = arith.truncf %get3A_358 : vector<256x64xf32> to vector<256x64xbf16>
    %convert_element_type3A_400 = arith.truncf %slice3A_398 : vector<256x64xf32> to vector<256x64xbf16>
    %dot_general3A_401 = arith.constant dense<0.000000e+00> : vector<256x256xf32>
    %dot_general3A_402 = tpu.matmul %convert_element_type3A_399, %convert_element_type3A_400, %dot_general3A_401 {dimension_numbers = #tpu.dot_dimension_numbers<[1], [1], [0], [0], [0, 0, 1, 0], [], []>, transpose_lhs_hint = false} : vector<256x64xbf16>, vector<256x64xbf16>, vector<256x256xf32> -> vector<256x256xf32>
    %mul3A_403 = arith.constant 1.250000e-01 : f32
    %mul3A_404 = vector.broadcast %mul3A_403 : f32 to vector<256x256xf32>
    %mul3A_405 = arith.mulf %dot_general3A_402, %mul3A_404 : vector<256x256xf32>
    %add3A_406 = vector.broadcast %mul3A_397 : vector<1x256xf32> to vector<256x256xf32>
    %add3A_407 = arith.addf %mul3A_405, %add3A_406 : vector<256x256xf32>
    %reduce_max3A_408 = arith.constant dense<0xFF800000> : vector<256xf32>
    %reduce_max3A_409 = vector.multi_reduction <maximumf>, %add3A_407, %reduce_max3A_408 [1] : vector<256x256xf32> to vector<256xf32>
    %broadcast_in_dim3A_410 = vector.shape_cast %reduce_max3A_409 : vector<256xf32> to vector<256x1xf32>
    %sub3A_411 = vector.broadcast %broadcast_in_dim3A_410 : vector<256x1xf32> to vector<256x256xf32>
    %sub3A_412 = arith.subf %add3A_407, %sub3A_411 : vector<256x256xf32>
    %exp3A_413 = math.exp %sub3A_412 : vector<256x256xf32>
    %reduce_sum3A_414 = arith.constant dense<0.000000e+00> : vector<256xf32>
    %reduce_sum3A_415 = vector.multi_reduction <add>, %exp3A_413, %reduce_sum3A_414 [1] : vector<256x256xf32> to vector<256xf32>
    %broadcast_in_dim3A_416 = vector.shape_cast %reduce_sum3A_415 : vector<256xf32> to vector<256x1xf32>
    %log3A_417 = math.log %broadcast_in_dim3A_416 : vector<256x1xf32>
    %add3A_418 = arith.addf %log3A_417, %broadcast_in_dim3A_410 : vector<256x1xf32>
    %sub3A_419 = vector.broadcast %add3A_418 : vector<256x1xf32> to vector<256x256xf32>
    %sub3A_420 = arith.subf %add3A_407, %sub3A_419 : vector<256x256xf32>
    %exp3A_421 = math.exp %sub3A_420 : vector<256x256xf32>
    %slice3A_422 = vector.extract_strided_slice %get3A_3 {offsets = [0, 64], sizes = [256, 64], strides = [1, 1]} : vector<256x128xf32> to vector<256x64xf32>
    %convert_element_type3A_423 = arith.truncf %exp3A_421 : vector<256x256xf32> to vector<256x256xbf16>
    %convert_element_type3A_424 = arith.truncf %slice3A_422 : vector<256x64xf32> to vector<256x64xbf16>
    %dot_general3A_425 = arith.constant dense<0.000000e+00> : vector<256x64xf32>
    %dot_general3A_426 = tpu.matmul %convert_element_type3A_423, %convert_element_type3A_424, %dot_general3A_425 {dimension_numbers = #tpu.dot_dimension_numbers<[1], [0], [0], [1], [0, 0, 1, 1], [], []>, transpose_lhs_hint = false} : vector<256x256xbf16>, vector<256x64xbf16>, vector<256x64xf32> -> vector<256x64xf32>
    %add3A_427 = arith.constant 3.46573591 : f32
    %add3A_428 = vector.broadcast %add3A_427 : f32 to vector<256x1xf32>
    %add3A_429 = arith.addf %add3A_418, %add3A_428 : vector<256x1xf32>
    %sub3A_430 = arith.subf %add3A_429, %add3A_383 : vector<256x1xf32>
    %exp3A_431 = math.exp %sub3A_430 : vector<256x1xf32>
    %add3A_432 = arith.constant 1.000000e+00 : f32
    %add3A_433 = vector.broadcast %add3A_432 : f32 to vector<256x1xf32>
    %add3A_434 = arith.addf %add3A_433, %exp3A_431 : vector<256x1xf32>
    %div3A_435 = arith.constant 1.000000e+00 : f32
    %div3A_436 = vector.broadcast %div3A_435 : f32 to vector<256x1xf32>
    %div3A_437 = arith.divf %div3A_436, %add3A_434 : vector<256x1xf32>
    %mul3A_438 = vector.broadcast %div3A_437 : vector<256x1xf32> to vector<256x64xf32>
    %mul3A_439 = arith.mulf %mul3A_438, %dot_general3A_390 : vector<256x64xf32>
    %sub3A_440 = arith.constant 1.000000e+00 : f32
    %sub3A_441 = vector.broadcast %sub3A_440 : f32 to vector<256x1xf32>
    %sub3A_442 = arith.subf %sub3A_441, %div3A_437 : vector<256x1xf32>
    %mul3A_443 = vector.broadcast %sub3A_442 : vector<256x1xf32> to vector<256x64xf32>
    %mul3A_444 = arith.mulf %mul3A_443, %dot_general3A_426 : vector<256x64xf32>
    %add3A_445 = arith.addf %mul3A_439, %mul3A_444 : vector<256x64xf32>
    %swap3A_446 = arith.constant 0 : index
    %swap3A_447 = arith.constant 768 : index
    %swap3A_448 = arith.constant 0 : index
    %swap3A_449 = vector.load %arg6[%swap3A_446, %swap3A_447, %swap3A_448] : memref<1x2048x128xf32, #tpu.memory_space<vmem>>, vector<1x256x64xf32>
    %swap3A_450 = vector.shape_cast %swap3A_449 : vector<1x256x64xf32> to vector<256x64xf32>
    %swap3A_451 = vector.shape_cast %add3A_445 : vector<256x64xf32> to vector<1x256x64xf32>
    tpu.vector_store %arg6[%swap3A_446, %swap3A_447, %swap3A_448], %swap3A_451 {strides = array<i32>} : memref<1x2048x128xf32, #tpu.memory_space<vmem>>, vector<1x256x64xf32>,
    %broadcast_in_dim3A_452 = arith.constant 0.000000e+00 : f32
    %broadcast_in_dim3A_453 = vector.broadcast %broadcast_in_dim3A_452 : f32 to vector<256x64xf32>
    %swap3A_454 = arith.constant 0 : index
    %swap3A_455 = arith.constant 768 : index
    %swap3A_456 = arith.constant 64 : index
    %swap3A_457 = vector.load %arg6[%swap3A_454, %swap3A_455, %swap3A_456] : memref<1x2048x128xf32, #tpu.memory_space<vmem>>, vector<1x256x64xf32>
    %swap3A_458 = vector.shape_cast %swap3A_457 : vector<1x256x64xf32> to vector<256x64xf32>
    %swap3A_459 = vector.shape_cast %broadcast_in_dim3A_453 : vector<256x64xf32> to vector<1x256x64xf32>
    tpu.vector_store %arg6[%swap3A_454, %swap3A_455, %swap3A_456], %swap3A_459 {strides = array<i32>} : memref<1x2048x128xf32, #tpu.memory_space<vmem>>, vector<1x256x64xf32>,
    %mul3A_460 = arith.constant 8 : i32
    %mul3A_461 = arith.muli %arg1, %mul3A_460 : i32
    %add3A_462 = arith.constant 4 : i32
    %add3A_463 = arith.addi %mul3A_461, %add3A_462 : i32
    %get3A_464 = arith.constant 0 : index
    %get3A_465 = arith.constant 1024 : index
    %get3A_466 = arith.constant 0 : index
    %get3A_467 = vector.load %arg2[%get3A_464, %get3A_465, %get3A_466] : memref<1x2048x128xf32, #tpu.memory_space<vmem>>, vector<1x256x64xf32>
    %get3A_468 = vector.shape_cast %get3A_467 : vector<1x256x64xf32> to vector<256x64xf32>
    %get3A_469 = arith.constant 0 : index
    %get3A_470 = arith.constant 1024 : index
    %get3A_471 = arith.constant 0 : index
    %get3A_472 = vector.load %arg3[%get3A_469, %get3A_470, %get3A_471] : memref<1x2048x128xf32, #tpu.memory_space<vmem>>, vector<1x256x128xf32>
    %get3A_473 = vector.shape_cast %get3A_472 : vector<1x256x128xf32> to vector<256x128xf32>
    %slice3A_474 = vector.extract_strided_slice %get3A_473 {offsets = [0, 0], sizes = [256, 64], strides = [1, 1]} : vector<256x128xf32> to vector<256x64xf32>
    %slice3A_475 = vector.extract_strided_slice %get3A_473 {offsets = [0, 64], sizes = [256, 64], strides = [1, 1]} : vector<256x128xf32> to vector<256x64xf32>
    %convert_element_type3A_476 = arith.truncf %get3A_468 : vector<256x64xf32> to vector<256x64xbf16>
    %convert_element_type3A_477 = arith.truncf %slice3A_474 : vector<256x64xf32> to vector<256x64xbf16>
    %dot_general3A_478 = arith.constant dense<0.000000e+00> : vector<256x256xf32>
    %dot_general3A_479 = tpu.matmul %convert_element_type3A_476, %convert_element_type3A_477, %dot_general3A_478 {dimension_numbers = #tpu.dot_dimension_numbers<[1], [1], [0], [0], [0, 0, 1, 0], [], []>, transpose_lhs_hint = false} : vector<256x64xbf16>, vector<256x64xbf16>, vector<256x256xf32> -> vector<256x256xf32>
    %mul3A_480 = arith.constant 1.250000e-01 : f32
    %mul3A_481 = vector.broadcast %mul3A_480 : f32 to vector<256x256xf32>
    %mul3A_482 = arith.mulf %dot_general3A_479, %mul3A_481 : vector<256x256xf32>
    %reduce_max3A_483 = arith.constant dense<0xFF800000> : vector<256xf32>
    %reduce_max3A_484 = vector.multi_reduction <maximumf>, %mul3A_482, %reduce_max3A_483 [1] : vector<256x256xf32> to vector<256xf32>
    %broadcast_in_dim3A_485 = vector.shape_cast %reduce_max3A_484 : vector<256xf32> to vector<256x1xf32>
    %sub3A_486 = vector.broadcast %broadcast_in_dim3A_485 : vector<256x1xf32> to vector<256x256xf32>
    %sub3A_487 = arith.subf %mul3A_482, %sub3A_486 : vector<256x256xf32>
    %exp3A_488 = math.exp %sub3A_487 : vector<256x256xf32>
    %reduce_sum3A_489 = arith.constant dense<0.000000e+00> : vector<256xf32>
    %reduce_sum3A_490 = vector.multi_reduction <add>, %exp3A_488, %reduce_sum3A_489 [1] : vector<256x256xf32> to vector<256xf32>
    %broadcast_in_dim3A_491 = vector.shape_cast %reduce_sum3A_490 : vector<256xf32> to vector<256x1xf32>
    %log3A_492 = math.log %broadcast_in_dim3A_491 : vector<256x1xf32>
    %add3A_493 = arith.addf %log3A_492, %broadcast_in_dim3A_485 : vector<256x1xf32>
    %sub3A_494 = vector.broadcast %add3A_493 : vector<256x1xf32> to vector<256x256xf32>
    %sub3A_495 = arith.subf %mul3A_482, %sub3A_494 : vector<256x256xf32>
    %exp3A_496 = math.exp %sub3A_495 : vector<256x256xf32>
    %convert_element_type3A_497 = arith.truncf %exp3A_496 : vector<256x256xf32> to vector<256x256xbf16>
    %convert_element_type3A_498 = arith.truncf %slice3A_475 : vector<256x64xf32> to vector<256x64xbf16>
    %dot_general3A_499 = arith.constant dense<0.000000e+00> : vector<256x64xf32>
    %dot_general3A_500 = tpu.matmul %convert_element_type3A_497, %convert_element_type3A_498, %dot_general3A_499 {dimension_numbers = #tpu.dot_dimension_numbers<[1], [0], [0], [1], [0, 0, 1, 1], [], []>, transpose_lhs_hint = false} : vector<256x256xbf16>, vector<256x64xbf16>, vector<256x64xf32> -> vector<256x64xf32>
    %eq3A_501 = vector.broadcast %add3A_463 : i32 to vector<1x256xi32>
    %eq3A_502 = arith.cmpi eq, %select_n3A, %eq3A_501 : vector<1x256xi32>
    %convert_element_type3A_503 = arith.extui %eq3A_502 : vector<1x256xi1> to vector<1x256xi32>
    %convert_element_type3A_504 = arith.sitofp %convert_element_type3A_503 : vector<1x256xi32> to vector<1x256xf32>
    %mul3A_505 = arith.constant -3.40282347E+38 : f32
    %mul3A_506 = vector.broadcast %mul3A_505 : f32 to vector<1x256xf32>
    %mul3A_507 = arith.mulf %convert_element_type3A_504, %mul3A_506 : vector<1x256xf32>
    %slice3A_508 = vector.extract_strided_slice %get3A_3 {offsets = [0, 0], sizes = [256, 64], strides = [1, 1]} : vector<256x128xf32> to vector<256x64xf32>
    %convert_element_type3A_509 = arith.truncf %get3A_468 : vector<256x64xf32> to vector<256x64xbf16>
    %convert_element_type3A_510 = arith.truncf %slice3A_508 : vector<256x64xf32> to vector<256x64xbf16>
    %dot_general3A_511 = arith.constant dense<0.000000e+00> : vector<256x256xf32>
    %dot_general3A_512 = tpu.matmul %convert_element_type3A_509, %convert_element_type3A_510, %dot_general3A_511 {dimension_numbers = #tpu.dot_dimension_numbers<[1], [1], [0], [0], [0, 0, 1, 0], [], []>, transpose_lhs_hint = false} : vector<256x64xbf16>, vector<256x64xbf16>, vector<256x256xf32> -> vector<256x256xf32>
    %mul3A_513 = arith.constant 1.250000e-01 : f32
    %mul3A_514 = vector.broadcast %mul3A_513 : f32 to vector<256x256xf32>
    %mul3A_515 = arith.mulf %dot_general3A_512, %mul3A_514 : vector<256x256xf32>
    %add3A_516 = vector.broadcast %mul3A_507 : vector<1x256xf32> to vector<256x256xf32>
    %add3A_517 = arith.addf %mul3A_515, %add3A_516 : vector<256x256xf32>
    %reduce_max3A_518 = arith.constant dense<0xFF800000> : vector<256xf32>
    %reduce_max3A_519 = vector.multi_reduction <maximumf>, %add3A_517, %reduce_max3A_518 [1] : vector<256x256xf32> to vector<256xf32>
    %broadcast_in_dim3A_520 = vector.shape_cast %reduce_max3A_519 : vector<256xf32> to vector<256x1xf32>
    %sub3A_521 = vector.broadcast %broadcast_in_dim3A_520 : vector<256x1xf32> to vector<256x256xf32>
    %sub3A_522 = arith.subf %add3A_517, %sub3A_521 : vector<256x256xf32>
    %exp3A_523 = math.exp %sub3A_522 : vector<256x256xf32>
    %reduce_sum3A_524 = arith.constant dense<0.000000e+00> : vector<256xf32>
    %reduce_sum3A_525 = vector.multi_reduction <add>, %exp3A_523, %reduce_sum3A_524 [1] : vector<256x256xf32> to vector<256xf32>
    %broadcast_in_dim3A_526 = vector.shape_cast %reduce_sum3A_525 : vector<256xf32> to vector<256x1xf32>
    %log3A_527 = math.log %broadcast_in_dim3A_526 : vector<256x1xf32>
    %add3A_528 = arith.addf %log3A_527, %broadcast_in_dim3A_520 : vector<256x1xf32>
    %sub3A_529 = vector.broadcast %add3A_528 : vector<256x1xf32> to vector<256x256xf32>
    %sub3A_530 = arith.subf %add3A_517, %sub3A_529 : vector<256x256xf32>
    %exp3A_531 = math.exp %sub3A_530 : vector<256x256xf32>
    %slice3A_532 = vector.extract_strided_slice %get3A_3 {offsets = [0, 64], sizes = [256, 64], strides = [1, 1]} : vector<256x128xf32> to vector<256x64xf32>
    %convert_element_type3A_533 = arith.truncf %exp3A_531 : vector<256x256xf32> to vector<256x256xbf16>
    %convert_element_type3A_534 = arith.truncf %slice3A_532 : vector<256x64xf32> to vector<256x64xbf16>
    %dot_general3A_535 = arith.constant dense<0.000000e+00> : vector<256x64xf32>
    %dot_general3A_536 = tpu.matmul %convert_element_type3A_533, %convert_element_type3A_534, %dot_general3A_535 {dimension_numbers = #tpu.dot_dimension_numbers<[1], [0], [0], [1], [0, 0, 1, 1], [], []>, transpose_lhs_hint = false} : vector<256x256xbf16>, vector<256x64xbf16>, vector<256x64xf32> -> vector<256x64xf32>
    %add3A_537 = arith.constant 3.46573591 : f32
    %add3A_538 = vector.broadcast %add3A_537 : f32 to vector<256x1xf32>
    %add3A_539 = arith.addf %add3A_528, %add3A_538 : vector<256x1xf32>
    %sub3A_540 = arith.subf %add3A_539, %add3A_493 : vector<256x1xf32>
    %exp3A_541 = math.exp %sub3A_540 : vector<256x1xf32>
    %add3A_542 = arith.constant 1.000000e+00 : f32
    %add3A_543 = vector.broadcast %add3A_542 : f32 to vector<256x1xf32>
    %add3A_544 = arith.addf %add3A_543, %exp3A_541 : vector<256x1xf32>
    %div3A_545 = arith.constant 1.000000e+00 : f32
    %div3A_546 = vector.broadcast %div3A_545 : f32 to vector<256x1xf32>
    %div3A_547 = arith.divf %div3A_546, %add3A_544 : vector<256x1xf32>
    %mul3A_548 = vector.broadcast %div3A_547 : vector<256x1xf32> to vector<256x64xf32>
    %mul3A_549 = arith.mulf %mul3A_548, %dot_general3A_500 : vector<256x64xf32>
    %sub3A_550 = arith.constant 1.000000e+00 : f32
    %sub3A_551 = vector.broadcast %sub3A_550 : f32 to vector<256x1xf32>
    %sub3A_552 = arith.subf %sub3A_551, %div3A_547 : vector<256x1xf32>
    %mul3A_553 = vector.broadcast %sub3A_552 : vector<256x1xf32> to vector<256x64xf32>
    %mul3A_554 = arith.mulf %mul3A_553, %dot_general3A_536 : vector<256x64xf32>
    %add3A_555 = arith.addf %mul3A_549, %mul3A_554 : vector<256x64xf32>
    %swap3A_556 = arith.constant 0 : index
    %swap3A_557 = arith.constant 1024 : index
    %swap3A_558 = arith.constant 0 : index
    %swap3A_559 = vector.load %arg6[%swap3A_556, %swap3A_557, %swap3A_558] : memref<1x2048x128xf32, #tpu.memory_space<vmem>>, vector<1x256x64xf32>
    %swap3A_560 = vector.shape_cast %swap3A_559 : vector<1x256x64xf32> to vector<256x64xf32>
    %swap3A_561 = vector.shape_cast %add3A_555 : vector<256x64xf32> to vector<1x256x64xf32>
    tpu.vector_store %arg6[%swap3A_556, %swap3A_557, %swap3A_558], %swap3A_561 {strides = array<i32>} : memref<1x2048x128xf32, #tpu.memory_space<vmem>>, vector<1x256x64xf32>,
    %broadcast_in_dim3A_562 = arith.constant 0.000000e+00 : f32
    %broadcast_in_dim3A_563 = vector.broadcast %broadcast_in_dim3A_562 : f32 to vector<256x64xf32>
    %swap3A_564 = arith.constant 0 : index
    %swap3A_565 = arith.constant 1024 : index
    %swap3A_566 = arith.constant 64 : index
    %swap3A_567 = vector.load %arg6[%swap3A_564, %swap3A_565, %swap3A_566] : memref<1x2048x128xf32, #tpu.memory_space<vmem>>, vector<1x256x64xf32>
    %swap3A_568 = vector.shape_cast %swap3A_567 : vector<1x256x64xf32> to vector<256x64xf32>
    %swap3A_569 = vector.shape_cast %broadcast_in_dim3A_563 : vector<256x64xf32> to vector<1x256x64xf32>
    tpu.vector_store %arg6[%swap3A_564, %swap3A_565, %swap3A_566], %swap3A_569 {strides = array<i32>} : memref<1x2048x128xf32, #tpu.memory_space<vmem>>, vector<1x256x64xf32>,
    %mul3A_570 = arith.constant 8 : i32
    %mul3A_571 = arith.muli %arg1, %mul3A_570 : i32
    %add3A_572 = arith.constant 5 : i32
    %add3A_573 = arith.addi %mul3A_571, %add3A_572 : i32
    %get3A_574 = arith.constant 0 : index
    %get3A_575 = arith.constant 1280 : index
    %get3A_576 = arith.constant 0 : index
    %get3A_577 = vector.load %arg2[%get3A_574, %get3A_575, %get3A_576] : memref<1x2048x128xf32, #tpu.memory_space<vmem>>, vector<1x256x64xf32>
    %get3A_578 = vector.shape_cast %get3A_577 : vector<1x256x64xf32> to vector<256x64xf32>
    %get3A_579 = arith.constant 0 : index
    %get3A_580 = arith.constant 1280 : index
    %get3A_581 = arith.constant 0 : index
    %get3A_582 = vector.load %arg3[%get3A_579, %get3A_580, %get3A_581] : memref<1x2048x128xf32, #tpu.memory_space<vmem>>, vector<1x256x128xf32>
    %get3A_583 = vector.shape_cast %get3A_582 : vector<1x256x128xf32> to vector<256x128xf32>
    %slice3A_584 = vector.extract_strided_slice %get3A_583 {offsets = [0, 0], sizes = [256, 64], strides = [1, 1]} : vector<256x128xf32> to vector<256x64xf32>
    %slice3A_585 = vector.extract_strided_slice %get3A_583 {offsets = [0, 64], sizes = [256, 64], strides = [1, 1]} : vector<256x128xf32> to vector<256x64xf32>
    %convert_element_type3A_586 = arith.truncf %get3A_578 : vector<256x64xf32> to vector<256x64xbf16>
    %convert_element_type3A_587 = arith.truncf %slice3A_584 : vector<256x64xf32> to vector<256x64xbf16>
    %dot_general3A_588 = arith.constant dense<0.000000e+00> : vector<256x256xf32>
    %dot_general3A_589 = tpu.matmul %convert_element_type3A_586, %convert_element_type3A_587, %dot_general3A_588 {dimension_numbers = #tpu.dot_dimension_numbers<[1], [1], [0], [0], [0, 0, 1, 0], [], []>, transpose_lhs_hint = false} : vector<256x64xbf16>, vector<256x64xbf16>, vector<256x256xf32> -> vector<256x256xf32>
    %mul3A_590 = arith.constant 1.250000e-01 : f32
    %mul3A_591 = vector.broadcast %mul3A_590 : f32 to vector<256x256xf32>
    %mul3A_592 = arith.mulf %dot_general3A_589, %mul3A_591 : vector<256x256xf32>
    %reduce_max3A_593 = arith.constant dense<0xFF800000> : vector<256xf32>
    %reduce_max3A_594 = vector.multi_reduction <maximumf>, %mul3A_592, %reduce_max3A_593 [1] : vector<256x256xf32> to vector<256xf32>
    %broadcast_in_dim3A_595 = vector.shape_cast %reduce_max3A_594 : vector<256xf32> to vector<256x1xf32>
    %sub3A_596 = vector.broadcast %broadcast_in_dim3A_595 : vector<256x1xf32> to vector<256x256xf32>
    %sub3A_597 = arith.subf %mul3A_592, %sub3A_596 : vector<256x256xf32>
    %exp3A_598 = math.exp %sub3A_597 : vector<256x256xf32>
    %reduce_sum3A_599 = arith.constant dense<0.000000e+00> : vector<256xf32>
    %reduce_sum3A_600 = vector.multi_reduction <add>, %exp3A_598, %reduce_sum3A_599 [1] : vector<256x256xf32> to vector<256xf32>
    %broadcast_in_dim3A_601 = vector.shape_cast %reduce_sum3A_600 : vector<256xf32> to vector<256x1xf32>
    %log3A_602 = math.log %broadcast_in_dim3A_601 : vector<256x1xf32>
    %add3A_603 = arith.addf %log3A_602, %broadcast_in_dim3A_595 : vector<256x1xf32>
    %sub3A_604 = vector.broadcast %add3A_603 : vector<256x1xf32> to vector<256x256xf32>
    %sub3A_605 = arith.subf %mul3A_592, %sub3A_604 : vector<256x256xf32>
    %exp3A_606 = math.exp %sub3A_605 : vector<256x256xf32>
    %convert_element_type3A_607 = arith.truncf %exp3A_606 : vector<256x256xf32> to vector<256x256xbf16>
    %convert_element_type3A_608 = arith.truncf %slice3A_585 : vector<256x64xf32> to vector<256x64xbf16>
    %dot_general3A_609 = arith.constant dense<0.000000e+00> : vector<256x64xf32>
    %dot_general3A_610 = tpu.matmul %convert_element_type3A_607, %convert_element_type3A_608, %dot_general3A_609 {dimension_numbers = #tpu.dot_dimension_numbers<[1], [0], [0], [1], [0, 0, 1, 1], [], []>, transpose_lhs_hint = false} : vector<256x256xbf16>, vector<256x64xbf16>, vector<256x64xf32> -> vector<256x64xf32>
    %eq3A_611 = vector.broadcast %add3A_573 : i32 to vector<1x256xi32>
    %eq3A_612 = arith.cmpi eq, %select_n3A, %eq3A_611 : vector<1x256xi32>
    %convert_element_type3A_613 = arith.extui %eq3A_612 : vector<1x256xi1> to vector<1x256xi32>
    %convert_element_type3A_614 = arith.sitofp %convert_element_type3A_613 : vector<1x256xi32> to vector<1x256xf32>
    %mul3A_615 = arith.constant -3.40282347E+38 : f32
    %mul3A_616 = vector.broadcast %mul3A_615 : f32 to vector<1x256xf32>
    %mul3A_617 = arith.mulf %convert_element_type3A_614, %mul3A_616 : vector<1x256xf32>
    %slice3A_618 = vector.extract_strided_slice %get3A_3 {offsets = [0, 0], sizes = [256, 64], strides = [1, 1]} : vector<256x128xf32> to vector<256x64xf32>
    %convert_element_type3A_619 = arith.truncf %get3A_578 : vector<256x64xf32> to vector<256x64xbf16>
    %convert_element_type3A_620 = arith.truncf %slice3A_618 : vector<256x64xf32> to vector<256x64xbf16>
    %dot_general3A_621 = arith.constant dense<0.000000e+00> : vector<256x256xf32>
    %dot_general3A_622 = tpu.matmul %convert_element_type3A_619, %convert_element_type3A_620, %dot_general3A_621 {dimension_numbers = #tpu.dot_dimension_numbers<[1], [1], [0], [0], [0, 0, 1, 0], [], []>, transpose_lhs_hint = false} : vector<256x64xbf16>, vector<256x64xbf16>, vector<256x256xf32> -> vector<256x256xf32>
    %mul3A_623 = arith.constant 1.250000e-01 : f32
    %mul3A_624 = vector.broadcast %mul3A_623 : f32 to vector<256x256xf32>
    %mul3A_625 = arith.mulf %dot_general3A_622, %mul3A_624 : vector<256x256xf32>
    %add3A_626 = vector.broadcast %mul3A_617 : vector<1x256xf32> to vector<256x256xf32>
    %add3A_627 = arith.addf %mul3A_625, %add3A_626 : vector<256x256xf32>
    %reduce_max3A_628 = arith.constant dense<0xFF800000> : vector<256xf32>
    %reduce_max3A_629 = vector.multi_reduction <maximumf>, %add3A_627, %reduce_max3A_628 [1] : vector<256x256xf32> to vector<256xf32>
    %broadcast_in_dim3A_630 = vector.shape_cast %reduce_max3A_629 : vector<256xf32> to vector<256x1xf32>
    %sub3A_631 = vector.broadcast %broadcast_in_dim3A_630 : vector<256x1xf32> to vector<256x256xf32>
    %sub3A_632 = arith.subf %add3A_627, %sub3A_631 : vector<256x256xf32>
    %exp3A_633 = math.exp %sub3A_632 : vector<256x256xf32>
    %reduce_sum3A_634 = arith.constant dense<0.000000e+00> : vector<256xf32>
    %reduce_sum3A_635 = vector.multi_reduction <add>, %exp3A_633, %reduce_sum3A_634 [1] : vector<256x256xf32> to vector<256xf32>
    %broadcast_in_dim3A_636 = vector.shape_cast %reduce_sum3A_635 : vector<256xf32> to vector<256x1xf32>
    %log3A_637 = math.log %broadcast_in_dim3A_636 : vector<256x1xf32>
    %add3A_638 = arith.addf %log3A_637, %broadcast_in_dim3A_630 : vector<256x1xf32>
    %sub3A_639 = vector.broadcast %add3A_638 : vector<256x1xf32> to vector<256x256xf32>
    %sub3A_640 = arith.subf %add3A_627, %sub3A_639 : vector<256x256xf32>
    %exp3A_641 = math.exp %sub3A_640 : vector<256x256xf32>
    %slice3A_642 = vector.extract_strided_slice %get3A_3 {offsets = [0, 64], sizes = [256, 64], strides = [1, 1]} : vector<256x128xf32> to vector<256x64xf32>
    %convert_element_type3A_643 = arith.truncf %exp3A_641 : vector<256x256xf32> to vector<256x256xbf16>
    %convert_element_type3A_644 = arith.truncf %slice3A_642 : vector<256x64xf32> to vector<256x64xbf16>
    %dot_general3A_645 = arith.constant dense<0.000000e+00> : vector<256x64xf32>
    %dot_general3A_646 = tpu.matmul %convert_element_type3A_643, %convert_element_type3A_644, %dot_general3A_645 {dimension_numbers = #tpu.dot_dimension_numbers<[1], [0], [0], [1], [0, 0, 1, 1], [], []>, transpose_lhs_hint = false} : vector<256x256xbf16>, vector<256x64xbf16>, vector<256x64xf32> -> vector<256x64xf32>
    %add3A_647 = arith.constant 3.46573591 : f32
    %add3A_648 = vector.broadcast %add3A_647 : f32 to vector<256x1xf32>
    %add3A_649 = arith.addf %add3A_638, %add3A_648 : vector<256x1xf32>
    %sub3A_650 = arith.subf %add3A_649, %add3A_603 : vector<256x1xf32>
    %exp3A_651 = math.exp %sub3A_650 : vector<256x1xf32>
    %add3A_652 = arith.constant 1.000000e+00 : f32
    %add3A_653 = vector.broadcast %add3A_652 : f32 to vector<256x1xf32>
    %add3A_654 = arith.addf %add3A_653, %exp3A_651 : vector<256x1xf32>
    %div3A_655 = arith.constant 1.000000e+00 : f32
    %div3A_656 = vector.broadcast %div3A_655 : f32 to vector<256x1xf32>
    %div3A_657 = arith.divf %div3A_656, %add3A_654 : vector<256x1xf32>
    %mul3A_658 = vector.broadcast %div3A_657 : vector<256x1xf32> to vector<256x64xf32>
    %mul3A_659 = arith.mulf %mul3A_658, %dot_general3A_610 : vector<256x64xf32>
    %sub3A_660 = arith.constant 1.000000e+00 : f32
    %sub3A_661 = vector.broadcast %sub3A_660 : f32 to vector<256x1xf32>
    %sub3A_662 = arith.subf %sub3A_661, %div3A_657 : vector<256x1xf32>
    %mul3A_663 = vector.broadcast %sub3A_662 : vector<256x1xf32> to vector<256x64xf32>
    %mul3A_664 = arith.mulf %mul3A_663, %dot_general3A_646 : vector<256x64xf32>
    %add3A_665 = arith.addf %mul3A_659, %mul3A_664 : vector<256x64xf32>
    %swap3A_666 = arith.constant 0 : index
    %swap3A_667 = arith.constant 1280 : index
    %swap3A_668 = arith.constant 0 : index
    %swap3A_669 = vector.load %arg6[%swap3A_666, %swap3A_667, %swap3A_668] : memref<1x2048x128xf32, #tpu.memory_space<vmem>>, vector<1x256x64xf32>
    %swap3A_670 = vector.shape_cast %swap3A_669 : vector<1x256x64xf32> to vector<256x64xf32>
    %swap3A_671 = vector.shape_cast %add3A_665 : vector<256x64xf32> to vector<1x256x64xf32>
    tpu.vector_store %arg6[%swap3A_666, %swap3A_667, %swap3A_668], %swap3A_671 {strides = array<i32>} : memref<1x2048x128xf32, #tpu.memory_space<vmem>>, vector<1x256x64xf32>,
    %broadcast_in_dim3A_672 = arith.constant 0.000000e+00 : f32
    %broadcast_in_dim3A_673 = vector.broadcast %broadcast_in_dim3A_672 : f32 to vector<256x64xf32>
    %swap3A_674 = arith.constant 0 : index
    %swap3A_675 = arith.constant 1280 : index
    %swap3A_676 = arith.constant 64 : index
    %swap3A_677 = vector.load %arg6[%swap3A_674, %swap3A_675, %swap3A_676] : memref<1x2048x128xf32, #tpu.memory_space<vmem>>, vector<1x256x64xf32>
    %swap3A_678 = vector.shape_cast %swap3A_677 : vector<1x256x64xf32> to vector<256x64xf32>
    %swap3A_679 = vector.shape_cast %broadcast_in_dim3A_673 : vector<256x64xf32> to vector<1x256x64xf32>
    tpu.vector_store %arg6[%swap3A_674, %swap3A_675, %swap3A_676], %swap3A_679 {strides = array<i32>} : memref<1x2048x128xf32, #tpu.memory_space<vmem>>, vector<1x256x64xf32>,
    %mul3A_680 = arith.constant 8 : i32
    %mul3A_681 = arith.muli %arg1, %mul3A_680 : i32
    %add3A_682 = arith.constant 6 : i32
    %add3A_683 = arith.addi %mul3A_681, %add3A_682 : i32
    %get3A_684 = arith.constant 0 : index
    %get3A_685 = arith.constant 1536 : index
    %get3A_686 = arith.constant 0 : index
    %get3A_687 = vector.load %arg2[%get3A_684, %get3A_685, %get3A_686] : memref<1x2048x128xf32, #tpu.memory_space<vmem>>, vector<1x256x64xf32>
    %get3A_688 = vector.shape_cast %get3A_687 : vector<1x256x64xf32> to vector<256x64xf32>
    %get3A_689 = arith.constant 0 : index
    %get3A_690 = arith.constant 1536 : index
    %get3A_691 = arith.constant 0 : index
    %get3A_692 = vector.load %arg3[%get3A_689, %get3A_690, %get3A_691] : memref<1x2048x128xf32, #tpu.memory_space<vmem>>, vector<1x256x128xf32>
    %get3A_693 = vector.shape_cast %get3A_692 : vector<1x256x128xf32> to vector<256x128xf32>
    %slice3A_694 = vector.extract_strided_slice %get3A_693 {offsets = [0, 0], sizes = [256, 64], strides = [1, 1]} : vector<256x128xf32> to vector<256x64xf32>
    %slice3A_695 = vector.extract_strided_slice %get3A_693 {offsets = [0, 64], sizes = [256, 64], strides = [1, 1]} : vector<256x128xf32> to vector<256x64xf32>
    %convert_element_type3A_696 = arith.truncf %get3A_688 : vector<256x64xf32> to vector<256x64xbf16>
    %convert_element_type3A_697 = arith.truncf %slice3A_694 : vector<256x64xf32> to vector<256x64xbf16>
    %dot_general3A_698 = arith.constant dense<0.000000e+00> : vector<256x256xf32>
    %dot_general3A_699 = tpu.matmul %convert_element_type3A_696, %convert_element_type3A_697, %dot_general3A_698 {dimension_numbers = #tpu.dot_dimension_numbers<[1], [1], [0], [0], [0, 0, 1, 0], [], []>, transpose_lhs_hint = false} : vector<256x64xbf16>, vector<256x64xbf16>, vector<256x256xf32> -> vector<256x256xf32>
    %mul3A_700 = arith.constant 1.250000e-01 : f32
    %mul3A_701 = vector.broadcast %mul3A_700 : f32 to vector<256x256xf32>
    %mul3A_702 = arith.mulf %dot_general3A_699, %mul3A_701 : vector<256x256xf32>
    %reduce_max3A_703 = arith.constant dense<0xFF800000> : vector<256xf32>
    %reduce_max3A_704 = vector.multi_reduction <maximumf>, %mul3A_702, %reduce_max3A_703 [1] : vector<256x256xf32> to vector<256xf32>
    %broadcast_in_dim3A_705 = vector.shape_cast %reduce_max3A_704 : vector<256xf32> to vector<256x1xf32>
    %sub3A_706 = vector.broadcast %broadcast_in_dim3A_705 : vector<256x1xf32> to vector<256x256xf32>
    %sub3A_707 = arith.subf %mul3A_702, %sub3A_706 : vector<256x256xf32>
    %exp3A_708 = math.exp %sub3A_707 : vector<256x256xf32>
    %reduce_sum3A_709 = arith.constant dense<0.000000e+00> : vector<256xf32>
    %reduce_sum3A_710 = vector.multi_reduction <add>, %exp3A_708, %reduce_sum3A_709 [1] : vector<256x256xf32> to vector<256xf32>
    %broadcast_in_dim3A_711 = vector.shape_cast %reduce_sum3A_710 : vector<256xf32> to vector<256x1xf32>
    %log3A_712 = math.log %broadcast_in_dim3A_711 : vector<256x1xf32>
    %add3A_713 = arith.addf %log3A_712, %broadcast_in_dim3A_705 : vector<256x1xf32>
    %sub3A_714 = vector.broadcast %add3A_713 : vector<256x1xf32> to vector<256x256xf32>
    %sub3A_715 = arith.subf %mul3A_702, %sub3A_714 : vector<256x256xf32>
    %exp3A_716 = math.exp %sub3A_715 : vector<256x256xf32>
    %convert_element_type3A_717 = arith.truncf %exp3A_716 : vector<256x256xf32> to vector<256x256xbf16>
    %convert_element_type3A_718 = arith.truncf %slice3A_695 : vector<256x64xf32> to vector<256x64xbf16>
    %dot_general3A_719 = arith.constant dense<0.000000e+00> : vector<256x64xf32>
    %dot_general3A_720 = tpu.matmul %convert_element_type3A_717, %convert_element_type3A_718, %dot_general3A_719 {dimension_numbers = #tpu.dot_dimension_numbers<[1], [0], [0], [1], [0, 0, 1, 1], [], []>, transpose_lhs_hint = false} : vector<256x256xbf16>, vector<256x64xbf16>, vector<256x64xf32> -> vector<256x64xf32>
    %eq3A_721 = vector.broadcast %add3A_683 : i32 to vector<1x256xi32>
    %eq3A_722 = arith.cmpi eq, %select_n3A, %eq3A_721 : vector<1x256xi32>
    %convert_element_type3A_723 = arith.extui %eq3A_722 : vector<1x256xi1> to vector<1x256xi32>
    %convert_element_type3A_724 = arith.sitofp %convert_element_type3A_723 : vector<1x256xi32> to vector<1x256xf32>
    %mul3A_725 = arith.constant -3.40282347E+38 : f32
    %mul3A_726 = vector.broadcast %mul3A_725 : f32 to vector<1x256xf32>
    %mul3A_727 = arith.mulf %convert_element_type3A_724, %mul3A_726 : vector<1x256xf32>
    %slice3A_728 = vector.extract_strided_slice %get3A_3 {offsets = [0, 0], sizes = [256, 64], strides = [1, 1]} : vector<256x128xf32> to vector<256x64xf32>
    %convert_element_type3A_729 = arith.truncf %get3A_688 : vector<256x64xf32> to vector<256x64xbf16>
    %convert_element_type3A_730 = arith.truncf %slice3A_728 : vector<256x64xf32> to vector<256x64xbf16>
    %dot_general3A_731 = arith.constant dense<0.000000e+00> : vector<256x256xf32>
    %dot_general3A_732 = tpu.matmul %convert_element_type3A_729, %convert_element_type3A_730, %dot_general3A_731 {dimension_numbers = #tpu.dot_dimension_numbers<[1], [1], [0], [0], [0, 0, 1, 0], [], []>, transpose_lhs_hint = false} : vector<256x64xbf16>, vector<256x64xbf16>, vector<256x256xf32> -> vector<256x256xf32>
    %mul3A_733 = arith.constant 1.250000e-01 : f32
    %mul3A_734 = vector.broadcast %mul3A_733 : f32 to vector<256x256xf32>
    %mul3A_735 = arith.mulf %dot_general3A_732, %mul3A_734 : vector<256x256xf32>
    %add3A_736 = vector.broadcast %mul3A_727 : vector<1x256xf32> to vector<256x256xf32>
    %add3A_737 = arith.addf %mul3A_735, %add3A_736 : vector<256x256xf32>
    %reduce_max3A_738 = arith.constant dense<0xFF800000> : vector<256xf32>
    %reduce_max3A_739 = vector.multi_reduction <maximumf>, %add3A_737, %reduce_max3A_738 [1] : vector<256x256xf32> to vector<256xf32>
    %broadcast_in_dim3A_740 = vector.shape_cast %reduce_max3A_739 : vector<256xf32> to vector<256x1xf32>
    %sub3A_741 = vector.broadcast %broadcast_in_dim3A_740 : vector<256x1xf32> to vector<256x256xf32>
    %sub3A_742 = arith.subf %add3A_737, %sub3A_741 : vector<256x256xf32>
    %exp3A_743 = math.exp %sub3A_742 : vector<256x256xf32>
    %reduce_sum3A_744 = arith.constant dense<0.000000e+00> : vector<256xf32>
    %reduce_sum3A_745 = vector.multi_reduction <add>, %exp3A_743, %reduce_sum3A_744 [1] : vector<256x256xf32> to vector<256xf32>
    %broadcast_in_dim3A_746 = vector.shape_cast %reduce_sum3A_745 : vector<256xf32> to vector<256x1xf32>
    %log3A_747 = math.log %broadcast_in_dim3A_746 : vector<256x1xf32>
    %add3A_748 = arith.addf %log3A_747, %broadcast_in_dim3A_740 : vector<256x1xf32>
    %sub3A_749 = vector.broadcast %add3A_748 : vector<256x1xf32> to vector<256x256xf32>
    %sub3A_750 = arith.subf %add3A_737, %sub3A_749 : vector<256x256xf32>
    %exp3A_751 = math.exp %sub3A_750 : vector<256x256xf32>
    %slice3A_752 = vector.extract_strided_slice %get3A_3 {offsets = [0, 64], sizes = [256, 64], strides = [1, 1]} : vector<256x128xf32> to vector<256x64xf32>
    %convert_element_type3A_753 = arith.truncf %exp3A_751 : vector<256x256xf32> to vector<256x256xbf16>
    %convert_element_type3A_754 = arith.truncf %slice3A_752 : vector<256x64xf32> to vector<256x64xbf16>
    %dot_general3A_755 = arith.constant dense<0.000000e+00> : vector<256x64xf32>
    %dot_general3A_756 = tpu.matmul %convert_element_type3A_753, %convert_element_type3A_754, %dot_general3A_755 {dimension_numbers = #tpu.dot_dimension_numbers<[1], [0], [0], [1], [0, 0, 1, 1], [], []>, transpose_lhs_hint = false} : vector<256x256xbf16>, vector<256x64xbf16>, vector<256x64xf32> -> vector<256x64xf32>
    %add3A_757 = arith.constant 3.46573591 : f32
    %add3A_758 = vector.broadcast %add3A_757 : f32 to vector<256x1xf32>
    %add3A_759 = arith.addf %add3A_748, %add3A_758 : vector<256x1xf32>
    %sub3A_760 = arith.subf %add3A_759, %add3A_713 : vector<256x1xf32>
    %exp3A_761 = math.exp %sub3A_760 : vector<256x1xf32>
    %add3A_762 = arith.constant 1.000000e+00 : f32
    %add3A_763 = vector.broadcast %add3A_762 : f32 to vector<256x1xf32>
    %add3A_764 = arith.addf %add3A_763, %exp3A_761 : vector<256x1xf32>
    %div3A_765 = arith.constant 1.000000e+00 : f32
    %div3A_766 = vector.broadcast %div3A_765 : f32 to vector<256x1xf32>
    %div3A_767 = arith.divf %div3A_766, %add3A_764 : vector<256x1xf32>
    %mul3A_768 = vector.broadcast %div3A_767 : vector<256x1xf32> to vector<256x64xf32>
    %mul3A_769 = arith.mulf %mul3A_768, %dot_general3A_720 : vector<256x64xf32>
    %sub3A_770 = arith.constant 1.000000e+00 : f32
    %sub3A_771 = vector.broadcast %sub3A_770 : f32 to vector<256x1xf32>
    %sub3A_772 = arith.subf %sub3A_771, %div3A_767 : vector<256x1xf32>
    %mul3A_773 = vector.broadcast %sub3A_772 : vector<256x1xf32> to vector<256x64xf32>
    %mul3A_774 = arith.mulf %mul3A_773, %dot_general3A_756 : vector<256x64xf32>
    %add3A_775 = arith.addf %mul3A_769, %mul3A_774 : vector<256x64xf32>
    %swap3A_776 = arith.constant 0 : index
    %swap3A_777 = arith.constant 1536 : index
    %swap3A_778 = arith.constant 0 : index
    %swap3A_779 = vector.load %arg6[%swap3A_776, %swap3A_777, %swap3A_778] : memref<1x2048x128xf32, #tpu.memory_space<vmem>>, vector<1x256x64xf32>
    %swap3A_780 = vector.shape_cast %swap3A_779 : vector<1x256x64xf32> to vector<256x64xf32>
    %swap3A_781 = vector.shape_cast %add3A_775 : vector<256x64xf32> to vector<1x256x64xf32>
    tpu.vector_store %arg6[%swap3A_776, %swap3A_777, %swap3A_778], %swap3A_781 {strides = array<i32>} : memref<1x2048x128xf32, #tpu.memory_space<vmem>>, vector<1x256x64xf32>,
    %broadcast_in_dim3A_782 = arith.constant 0.000000e+00 : f32
    %broadcast_in_dim3A_783 = vector.broadcast %broadcast_in_dim3A_782 : f32 to vector<256x64xf32>
    %swap3A_784 = arith.constant 0 : index
    %swap3A_785 = arith.constant 1536 : index
    %swap3A_786 = arith.constant 64 : index
    %swap3A_787 = vector.load %arg6[%swap3A_784, %swap3A_785, %swap3A_786] : memref<1x2048x128xf32, #tpu.memory_space<vmem>>, vector<1x256x64xf32>
    %swap3A_788 = vector.shape_cast %swap3A_787 : vector<1x256x64xf32> to vector<256x64xf32>
    %swap3A_789 = vector.shape_cast %broadcast_in_dim3A_783 : vector<256x64xf32> to vector<1x256x64xf32>
    tpu.vector_store %arg6[%swap3A_784, %swap3A_785, %swap3A_786], %swap3A_789 {strides = array<i32>} : memref<1x2048x128xf32, #tpu.memory_space<vmem>>, vector<1x256x64xf32>,
    %mul3A_790 = arith.constant 8 : i32
    %mul3A_791 = arith.muli %arg1, %mul3A_790 : i32
    %add3A_792 = arith.constant 7 : i32
    %add3A_793 = arith.addi %mul3A_791, %add3A_792 : i32
    %get3A_794 = arith.constant 0 : index
    %get3A_795 = arith.constant 1792 : index
    %get3A_796 = arith.constant 0 : index
    %get3A_797 = vector.load %arg2[%get3A_794, %get3A_795, %get3A_796] : memref<1x2048x128xf32, #tpu.memory_space<vmem>>, vector<1x256x64xf32>
    %get3A_798 = vector.shape_cast %get3A_797 : vector<1x256x64xf32> to vector<256x64xf32>
    %get3A_799 = arith.constant 0 : index
    %get3A_800 = arith.constant 1792 : index
    %get3A_801 = arith.constant 0 : index
    %get3A_802 = vector.load %arg3[%get3A_799, %get3A_800, %get3A_801] : memref<1x2048x128xf32, #tpu.memory_space<vmem>>, vector<1x256x128xf32>
    %get3A_803 = vector.shape_cast %get3A_802 : vector<1x256x128xf32> to vector<256x128xf32>
    %slice3A_804 = vector.extract_strided_slice %get3A_803 {offsets = [0, 0], sizes = [256, 64], strides = [1, 1]} : vector<256x128xf32> to vector<256x64xf32>
    %slice3A_805 = vector.extract_strided_slice %get3A_803 {offsets = [0, 64], sizes = [256, 64], strides = [1, 1]} : vector<256x128xf32> to vector<256x64xf32>
    %convert_element_type3A_806 = arith.truncf %get3A_798 : vector<256x64xf32> to vector<256x64xbf16>
    %convert_element_type3A_807 = arith.truncf %slice3A_804 : vector<256x64xf32> to vector<256x64xbf16>
    %dot_general3A_808 = arith.constant dense<0.000000e+00> : vector<256x256xf32>
    %dot_general3A_809 = tpu.matmul %convert_element_type3A_806, %convert_element_type3A_807, %dot_general3A_808 {dimension_numbers = #tpu.dot_dimension_numbers<[1], [1], [0], [0], [0, 0, 1, 0], [], []>, transpose_lhs_hint = false} : vector<256x64xbf16>, vector<256x64xbf16>, vector<256x256xf32> -> vector<256x256xf32>
    %mul3A_810 = arith.constant 1.250000e-01 : f32
    %mul3A_811 = vector.broadcast %mul3A_810 : f32 to vector<256x256xf32>
    %mul3A_812 = arith.mulf %dot_general3A_809, %mul3A_811 : vector<256x256xf32>
    %reduce_max3A_813 = arith.constant dense<0xFF800000> : vector<256xf32>
    %reduce_max3A_814 = vector.multi_reduction <maximumf>, %mul3A_812, %reduce_max3A_813 [1] : vector<256x256xf32> to vector<256xf32>
    %broadcast_in_dim3A_815 = vector.shape_cast %reduce_max3A_814 : vector<256xf32> to vector<256x1xf32>
    %sub3A_816 = vector.broadcast %broadcast_in_dim3A_815 : vector<256x1xf32> to vector<256x256xf32>
    %sub3A_817 = arith.subf %mul3A_812, %sub3A_816 : vector<256x256xf32>
    %exp3A_818 = math.exp %sub3A_817 : vector<256x256xf32>
    %reduce_sum3A_819 = arith.constant dense<0.000000e+00> : vector<256xf32>
    %reduce_sum3A_820 = vector.multi_reduction <add>, %exp3A_818, %reduce_sum3A_819 [1] : vector<256x256xf32> to vector<256xf32>
    %broadcast_in_dim3A_821 = vector.shape_cast %reduce_sum3A_820 : vector<256xf32> to vector<256x1xf32>
    %log3A_822 = math.log %broadcast_in_dim3A_821 : vector<256x1xf32>
    %add3A_823 = arith.addf %log3A_822, %broadcast_in_dim3A_815 : vector<256x1xf32>
    %sub3A_824 = vector.broadcast %add3A_823 : vector<256x1xf32> to vector<256x256xf32>
    %sub3A_825 = arith.subf %mul3A_812, %sub3A_824 : vector<256x256xf32>
    %exp3A_826 = math.exp %sub3A_825 : vector<256x256xf32>
    %convert_element_type3A_827 = arith.truncf %exp3A_826 : vector<256x256xf32> to vector<256x256xbf16>
    %convert_element_type3A_828 = arith.truncf %slice3A_805 : vector<256x64xf32> to vector<256x64xbf16>
    %dot_general3A_829 = arith.constant dense<0.000000e+00> : vector<256x64xf32>
    %dot_general3A_830 = tpu.matmul %convert_element_type3A_827, %convert_element_type3A_828, %dot_general3A_829 {dimension_numbers = #tpu.dot_dimension_numbers<[1], [0], [0], [1], [0, 0, 1, 1], [], []>, transpose_lhs_hint = false} : vector<256x256xbf16>, vector<256x64xbf16>, vector<256x64xf32> -> vector<256x64xf32>
    %eq3A_831 = vector.broadcast %add3A_793 : i32 to vector<1x256xi32>
    %eq3A_832 = arith.cmpi eq, %select_n3A, %eq3A_831 : vector<1x256xi32>
    %convert_element_type3A_833 = arith.extui %eq3A_832 : vector<1x256xi1> to vector<1x256xi32>
    %convert_element_type3A_834 = arith.sitofp %convert_element_type3A_833 : vector<1x256xi32> to vector<1x256xf32>
    %mul3A_835 = arith.constant -3.40282347E+38 : f32
    %mul3A_836 = vector.broadcast %mul3A_835 : f32 to vector<1x256xf32>
    %mul3A_837 = arith.mulf %convert_element_type3A_834, %mul3A_836 : vector<1x256xf32>
    %slice3A_838 = vector.extract_strided_slice %get3A_3 {offsets = [0, 0], sizes = [256, 64], strides = [1, 1]} : vector<256x128xf32> to vector<256x64xf32>
    %convert_element_type3A_839 = arith.truncf %get3A_798 : vector<256x64xf32> to vector<256x64xbf16>
    %convert_element_type3A_840 = arith.truncf %slice3A_838 : vector<256x64xf32> to vector<256x64xbf16>
    %dot_general3A_841 = arith.constant dense<0.000000e+00> : vector<256x256xf32>
    %dot_general3A_842 = tpu.matmul %convert_element_type3A_839, %convert_element_type3A_840, %dot_general3A_841 {dimension_numbers = #tpu.dot_dimension_numbers<[1], [1], [0], [0], [0, 0, 1, 0], [], []>, transpose_lhs_hint = false} : vector<256x64xbf16>, vector<256x64xbf16>, vector<256x256xf32> -> vector<256x256xf32>
    %mul3A_843 = arith.constant 1.250000e-01 : f32
    %mul3A_844 = vector.broadcast %mul3A_843 : f32 to vector<256x256xf32>
    %mul3A_845 = arith.mulf %dot_general3A_842, %mul3A_844 : vector<256x256xf32>
    %add3A_846 = vector.broadcast %mul3A_837 : vector<1x256xf32> to vector<256x256xf32>
    %add3A_847 = arith.addf %mul3A_845, %add3A_846 : vector<256x256xf32>
    %reduce_max3A_848 = arith.constant dense<0xFF800000> : vector<256xf32>
    %reduce_max3A_849 = vector.multi_reduction <maximumf>, %add3A_847, %reduce_max3A_848 [1] : vector<256x256xf32> to vector<256xf32>
    %broadcast_in_dim3A_850 = vector.shape_cast %reduce_max3A_849 : vector<256xf32> to vector<256x1xf32>
    %sub3A_851 = vector.broadcast %broadcast_in_dim3A_850 : vector<256x1xf32> to vector<256x256xf32>
    %sub3A_852 = arith.subf %add3A_847, %sub3A_851 : vector<256x256xf32>
    %exp3A_853 = math.exp %sub3A_852 : vector<256x256xf32>
    %reduce_sum3A_854 = arith.constant dense<0.000000e+00> : vector<256xf32>
    %reduce_sum3A_855 = vector.multi_reduction <add>, %exp3A_853, %reduce_sum3A_854 [1] : vector<256x256xf32> to vector<256xf32>
    %broadcast_in_dim3A_856 = vector.shape_cast %reduce_sum3A_855 : vector<256xf32> to vector<256x1xf32>
    %log3A_857 = math.log %broadcast_in_dim3A_856 : vector<256x1xf32>
    %add3A_858 = arith.addf %log3A_857, %broadcast_in_dim3A_850 : vector<256x1xf32>
    %sub3A_859 = vector.broadcast %add3A_858 : vector<256x1xf32> to vector<256x256xf32>
    %sub3A_860 = arith.subf %add3A_847, %sub3A_859 : vector<256x256xf32>
    %exp3A_861 = math.exp %sub3A_860 : vector<256x256xf32>
    %slice3A_862 = vector.extract_strided_slice %get3A_3 {offsets = [0, 64], sizes = [256, 64], strides = [1, 1]} : vector<256x128xf32> to vector<256x64xf32>
    %convert_element_type3A_863 = arith.truncf %exp3A_861 : vector<256x256xf32> to vector<256x256xbf16>
    %convert_element_type3A_864 = arith.truncf %slice3A_862 : vector<256x64xf32> to vector<256x64xbf16>
    %dot_general3A_865 = arith.constant dense<0.000000e+00> : vector<256x64xf32>
    %dot_general3A_866 = tpu.matmul %convert_element_type3A_863, %convert_element_type3A_864, %dot_general3A_865 {dimension_numbers = #tpu.dot_dimension_numbers<[1], [0], [0], [1], [0, 0, 1, 1], [], []>, transpose_lhs_hint = false} : vector<256x256xbf16>, vector<256x64xbf16>, vector<256x64xf32> -> vector<256x64xf32>
    %add3A_867 = arith.constant 3.46573591 : f32
    %add3A_868 = vector.broadcast %add3A_867 : f32 to vector<256x1xf32>
    %add3A_869 = arith.addf %add3A_858, %add3A_868 : vector<256x1xf32>
    %sub3A_870 = arith.subf %add3A_869, %add3A_823 : vector<256x1xf32>
    %exp3A_871 = math.exp %sub3A_870 : vector<256x1xf32>
    %add3A_872 = arith.constant 1.000000e+00 : f32
    %add3A_873 = vector.broadcast %add3A_872 : f32 to vector<256x1xf32>
    %add3A_874 = arith.addf %add3A_873, %exp3A_871 : vector<256x1xf32>
    %div3A_875 = arith.constant 1.000000e+00 : f32
    %div3A_876 = vector.broadcast %div3A_875 : f32 to vector<256x1xf32>
    %div3A_877 = arith.divf %div3A_876, %add3A_874 : vector<256x1xf32>
    %mul3A_878 = vector.broadcast %div3A_877 : vector<256x1xf32> to vector<256x64xf32>
    %mul3A_879 = arith.mulf %mul3A_878, %dot_general3A_830 : vector<256x64xf32>
    %sub3A_880 = arith.constant 1.000000e+00 : f32
    %sub3A_881 = vector.broadcast %sub3A_880 : f32 to vector<256x1xf32>
    %sub3A_882 = arith.subf %sub3A_881, %div3A_877 : vector<256x1xf32>
    %mul3A_883 = vector.broadcast %sub3A_882 : vector<256x1xf32> to vector<256x64xf32>
    %mul3A_884 = arith.mulf %mul3A_883, %dot_general3A_866 : vector<256x64xf32>
    %add3A_885 = arith.addf %mul3A_879, %mul3A_884 : vector<256x64xf32>
    %swap3A_886 = arith.constant 0 : index
    %swap3A_887 = arith.constant 1792 : index
    %swap3A_888 = arith.constant 0 : index
    %swap3A_889 = vector.load %arg6[%swap3A_886, %swap3A_887, %swap3A_888] : memref<1x2048x128xf32, #tpu.memory_space<vmem>>, vector<1x256x64xf32>
    %swap3A_890 = vector.shape_cast %swap3A_889 : vector<1x256x64xf32> to vector<256x64xf32>
    %swap3A_891 = vector.shape_cast %add3A_885 : vector<256x64xf32> to vector<1x256x64xf32>
    tpu.vector_store %arg6[%swap3A_886, %swap3A_887, %swap3A_888], %swap3A_891 {strides = array<i32>} : memref<1x2048x128xf32, #tpu.memory_space<vmem>>, vector<1x256x64xf32>,
    %broadcast_in_dim3A_892 = arith.constant 0.000000e+00 : f32
    %broadcast_in_dim3A_893 = vector.broadcast %broadcast_in_dim3A_892 : f32 to vector<256x64xf32>
    %swap3A_894 = arith.constant 0 : index
    %swap3A_895 = arith.constant 1792 : index
    %swap3A_896 = arith.constant 64 : index
    %swap3A_897 = vector.load %arg6[%swap3A_894, %swap3A_895, %swap3A_896] : memref<1x2048x128xf32, #tpu.memory_space<vmem>>, vector<1x256x64xf32>
    %swap3A_898 = vector.shape_cast %swap3A_897 : vector<1x256x64xf32> to vector<256x64xf32>
    %swap3A_899 = vector.shape_cast %broadcast_in_dim3A_893 : vector<256x64xf32> to vector<1x256x64xf32>
    tpu.vector_store %arg6[%swap3A_894, %swap3A_895, %swap3A_896], %swap3A_899 {strides = array<i32>} : memref<1x2048x128xf32, #tpu.memory_space<vmem>>, vector<1x256x64xf32>,
    return
  }
  func.func @transform_0(%arg0: i32, %arg1: i32) -> (i32, i32, i32) {
    %c0_i32 = arith.constant 0 : i32
    %c0_i32_0 = arith.constant 0 : i32
    return %arg0, %arg1, %c0_i32 : i32, i32, i32
  }
  func.func @transform_1(%arg0: i32, %arg1: i32) -> (i32, i32, i32) {
    %c0_i32 = arith.constant 0 : i32
    %c0_i32_0 = arith.constant 0 : i32
    return %arg0, %arg1, %c0_i32 : i32, i32, i32
  }
  func.func @transform_2(%arg0: i32, %arg1: i32) -> (i32, i32, i32) {
    %c0_i32 = arith.constant 0 : i32
    %c0_i32_0 = arith.constant 0 : i32
    %c0_i32_1 = arith.constant 0 : i32
    return %arg0, %c0_i32, %c0_i32_0 : i32, i32, i32
  }
  func.func @transform_3(%arg0: i32, %arg1: i32) -> (i32, i32, i32) {
    %c0_i32 = arith.constant 0 : i32
    %c0_i32_0 = arith.constant 0 : i32
    %c0_i32_1 = arith.constant 0 : i32
    return %arg0, %c0_i32, %c0_i32_0 : i32, i32, i32
  }
  func.func @transform_4(%arg0: i32, %arg1: i32) -> (i32, i32, i32) {
    %c0_i32 = arith.constant 0 : i32
    %c0_i32_0 = arith.constant 0 : i32
    return %arg0, %arg1, %c0_i32 : i32, i32, i32
  }
}

module attributes {stable_mosaic.version = 14 : i64} {
  func.func @_proj_kernel(%arg0: i32, %arg1: memref<16x1024x128xf32, #tpu.memory_space<vmem>>, %arg2: memref<16x128x1024xbf16, #tpu.memory_space<vmem>>, %arg3: memref<1x1024xf32, #tpu.memory_space<vmem>>, %arg4: memref<1024x1024xf32, #tpu.memory_space<vmem>>) attributes {dimension_semantics = [#tpu.dimension_semantics<arbitrary>], iteration_bounds = array<i64: 8>, scalar_prefetch = 0 : i64, scratch_operands = 0 : i64, tpu.core_type = #tpu.core_type<tc>, window_params = [{transform_indices = @transform_0, window_bounds = array<i64: 16, 1024, 128>}, {pipeline_mode = #tpu.pipeline_mode<synchronous>, transform_indices = @transform_1, window_bounds = array<i64: 16, 128, 1024>}, {pipeline_mode = #tpu.pipeline_mode<synchronous>, transform_indices = @transform_2, window_bounds = array<i64: 1, 1024>}, {transform_indices = @transform_3, window_bounds = array<i64: 1024, 1024>}]} {
    %get3A = arith.constant 0 : index
    %get3A_0 = arith.constant 0 : index
    %get3A_1 = arith.constant 0 : index
    %get3A_2 = vector.load %arg1[%get3A, %get3A_0, %get3A_1] : memref<16x1024x128xf32, #tpu.memory_space<vmem>>, vector<1x1024x128xf32>
    %get3A_3 = vector.shape_cast %get3A_2 : vector<1x1024x128xf32> to vector<1024x128xf32>
    %get3A_4 = arith.constant 0 : index
    %get3A_5 = arith.constant 0 : index
    %get3A_6 = arith.constant 0 : index
    %get3A_7 = vector.load %arg2[%get3A_4, %get3A_5, %get3A_6] : memref<16x128x1024xbf16, #tpu.memory_space<vmem>>, vector<1x128x1024xbf16>
    %get3A_8 = vector.shape_cast %get3A_7 : vector<1x128x1024xbf16> to vector<128x1024xbf16>
    %convert_element_type3A = arith.truncf %get3A_3 : vector<1024x128xf32> to vector<1024x128xbf16>
    %dot_general3A = arith.constant dense<0.000000e+00> : vector<1024x1024xf32>
    %dot_general3A_9 = tpu.matmul %convert_element_type3A, %get3A_8, %dot_general3A {dimension_numbers = #tpu.dot_dimension_numbers<[1], [0], [0], [1], [0, 0, 1, 1], [], []>, transpose_lhs_hint = false} : vector<1024x128xbf16>, vector<128x1024xbf16>, vector<1024x1024xf32> -> vector<1024x1024xf32>
    %get3A_10 = arith.constant 1 : index
    %get3A_11 = arith.constant 0 : index
    %get3A_12 = arith.constant 0 : index
    %get3A_13 = vector.load %arg1[%get3A_10, %get3A_11, %get3A_12] : memref<16x1024x128xf32, #tpu.memory_space<vmem>>, vector<1x1024x128xf32>
    %get3A_14 = vector.shape_cast %get3A_13 : vector<1x1024x128xf32> to vector<1024x128xf32>
    %get3A_15 = arith.constant 1 : index
    %get3A_16 = arith.constant 0 : index
    %get3A_17 = arith.constant 0 : index
    %get3A_18 = vector.load %arg2[%get3A_15, %get3A_16, %get3A_17] : memref<16x128x1024xbf16, #tpu.memory_space<vmem>>, vector<1x128x1024xbf16>
    %get3A_19 = vector.shape_cast %get3A_18 : vector<1x128x1024xbf16> to vector<128x1024xbf16>
    %convert_element_type3A_20 = arith.truncf %get3A_14 : vector<1024x128xf32> to vector<1024x128xbf16>
    %dot_general3A_21 = arith.constant dense<0.000000e+00> : vector<1024x1024xf32>
    %dot_general3A_22 = tpu.matmul %convert_element_type3A_20, %get3A_19, %dot_general3A_21 {dimension_numbers = #tpu.dot_dimension_numbers<[1], [0], [0], [1], [0, 0, 1, 1], [], []>, transpose_lhs_hint = false} : vector<1024x128xbf16>, vector<128x1024xbf16>, vector<1024x1024xf32> -> vector<1024x1024xf32>
    %add3A = arith.addf %dot_general3A_9, %dot_general3A_22 : vector<1024x1024xf32>
    %get3A_23 = arith.constant 2 : index
    %get3A_24 = arith.constant 0 : index
    %get3A_25 = arith.constant 0 : index
    %get3A_26 = vector.load %arg1[%get3A_23, %get3A_24, %get3A_25] : memref<16x1024x128xf32, #tpu.memory_space<vmem>>, vector<1x1024x128xf32>
    %get3A_27 = vector.shape_cast %get3A_26 : vector<1x1024x128xf32> to vector<1024x128xf32>
    %get3A_28 = arith.constant 2 : index
    %get3A_29 = arith.constant 0 : index
    %get3A_30 = arith.constant 0 : index
    %get3A_31 = vector.load %arg2[%get3A_28, %get3A_29, %get3A_30] : memref<16x128x1024xbf16, #tpu.memory_space<vmem>>, vector<1x128x1024xbf16>
    %get3A_32 = vector.shape_cast %get3A_31 : vector<1x128x1024xbf16> to vector<128x1024xbf16>
    %convert_element_type3A_33 = arith.truncf %get3A_27 : vector<1024x128xf32> to vector<1024x128xbf16>
    %dot_general3A_34 = arith.constant dense<0.000000e+00> : vector<1024x1024xf32>
    %dot_general3A_35 = tpu.matmul %convert_element_type3A_33, %get3A_32, %dot_general3A_34 {dimension_numbers = #tpu.dot_dimension_numbers<[1], [0], [0], [1], [0, 0, 1, 1], [], []>, transpose_lhs_hint = false} : vector<1024x128xbf16>, vector<128x1024xbf16>, vector<1024x1024xf32> -> vector<1024x1024xf32>
    %add3A_36 = arith.addf %add3A, %dot_general3A_35 : vector<1024x1024xf32>
    %get3A_37 = arith.constant 3 : index
    %get3A_38 = arith.constant 0 : index
    %get3A_39 = arith.constant 0 : index
    %get3A_40 = vector.load %arg1[%get3A_37, %get3A_38, %get3A_39] : memref<16x1024x128xf32, #tpu.memory_space<vmem>>, vector<1x1024x128xf32>
    %get3A_41 = vector.shape_cast %get3A_40 : vector<1x1024x128xf32> to vector<1024x128xf32>
    %get3A_42 = arith.constant 3 : index
    %get3A_43 = arith.constant 0 : index
    %get3A_44 = arith.constant 0 : index
    %get3A_45 = vector.load %arg2[%get3A_42, %get3A_43, %get3A_44] : memref<16x128x1024xbf16, #tpu.memory_space<vmem>>, vector<1x128x1024xbf16>
    %get3A_46 = vector.shape_cast %get3A_45 : vector<1x128x1024xbf16> to vector<128x1024xbf16>
    %convert_element_type3A_47 = arith.truncf %get3A_41 : vector<1024x128xf32> to vector<1024x128xbf16>
    %dot_general3A_48 = arith.constant dense<0.000000e+00> : vector<1024x1024xf32>
    %dot_general3A_49 = tpu.matmul %convert_element_type3A_47, %get3A_46, %dot_general3A_48 {dimension_numbers = #tpu.dot_dimension_numbers<[1], [0], [0], [1], [0, 0, 1, 1], [], []>, transpose_lhs_hint = false} : vector<1024x128xbf16>, vector<128x1024xbf16>, vector<1024x1024xf32> -> vector<1024x1024xf32>
    %add3A_50 = arith.addf %add3A_36, %dot_general3A_49 : vector<1024x1024xf32>
    %get3A_51 = arith.constant 4 : index
    %get3A_52 = arith.constant 0 : index
    %get3A_53 = arith.constant 0 : index
    %get3A_54 = vector.load %arg1[%get3A_51, %get3A_52, %get3A_53] : memref<16x1024x128xf32, #tpu.memory_space<vmem>>, vector<1x1024x128xf32>
    %get3A_55 = vector.shape_cast %get3A_54 : vector<1x1024x128xf32> to vector<1024x128xf32>
    %get3A_56 = arith.constant 4 : index
    %get3A_57 = arith.constant 0 : index
    %get3A_58 = arith.constant 0 : index
    %get3A_59 = vector.load %arg2[%get3A_56, %get3A_57, %get3A_58] : memref<16x128x1024xbf16, #tpu.memory_space<vmem>>, vector<1x128x1024xbf16>
    %get3A_60 = vector.shape_cast %get3A_59 : vector<1x128x1024xbf16> to vector<128x1024xbf16>
    %convert_element_type3A_61 = arith.truncf %get3A_55 : vector<1024x128xf32> to vector<1024x128xbf16>
    %dot_general3A_62 = arith.constant dense<0.000000e+00> : vector<1024x1024xf32>
    %dot_general3A_63 = tpu.matmul %convert_element_type3A_61, %get3A_60, %dot_general3A_62 {dimension_numbers = #tpu.dot_dimension_numbers<[1], [0], [0], [1], [0, 0, 1, 1], [], []>, transpose_lhs_hint = false} : vector<1024x128xbf16>, vector<128x1024xbf16>, vector<1024x1024xf32> -> vector<1024x1024xf32>
    %add3A_64 = arith.addf %add3A_50, %dot_general3A_63 : vector<1024x1024xf32>
    %get3A_65 = arith.constant 5 : index
    %get3A_66 = arith.constant 0 : index
    %get3A_67 = arith.constant 0 : index
    %get3A_68 = vector.load %arg1[%get3A_65, %get3A_66, %get3A_67] : memref<16x1024x128xf32, #tpu.memory_space<vmem>>, vector<1x1024x128xf32>
    %get3A_69 = vector.shape_cast %get3A_68 : vector<1x1024x128xf32> to vector<1024x128xf32>
    %get3A_70 = arith.constant 5 : index
    %get3A_71 = arith.constant 0 : index
    %get3A_72 = arith.constant 0 : index
    %get3A_73 = vector.load %arg2[%get3A_70, %get3A_71, %get3A_72] : memref<16x128x1024xbf16, #tpu.memory_space<vmem>>, vector<1x128x1024xbf16>
    %get3A_74 = vector.shape_cast %get3A_73 : vector<1x128x1024xbf16> to vector<128x1024xbf16>
    %convert_element_type3A_75 = arith.truncf %get3A_69 : vector<1024x128xf32> to vector<1024x128xbf16>
    %dot_general3A_76 = arith.constant dense<0.000000e+00> : vector<1024x1024xf32>
    %dot_general3A_77 = tpu.matmul %convert_element_type3A_75, %get3A_74, %dot_general3A_76 {dimension_numbers = #tpu.dot_dimension_numbers<[1], [0], [0], [1], [0, 0, 1, 1], [], []>, transpose_lhs_hint = false} : vector<1024x128xbf16>, vector<128x1024xbf16>, vector<1024x1024xf32> -> vector<1024x1024xf32>
    %add3A_78 = arith.addf %add3A_64, %dot_general3A_77 : vector<1024x1024xf32>
    %get3A_79 = arith.constant 6 : index
    %get3A_80 = arith.constant 0 : index
    %get3A_81 = arith.constant 0 : index
    %get3A_82 = vector.load %arg1[%get3A_79, %get3A_80, %get3A_81] : memref<16x1024x128xf32, #tpu.memory_space<vmem>>, vector<1x1024x128xf32>
    %get3A_83 = vector.shape_cast %get3A_82 : vector<1x1024x128xf32> to vector<1024x128xf32>
    %get3A_84 = arith.constant 6 : index
    %get3A_85 = arith.constant 0 : index
    %get3A_86 = arith.constant 0 : index
    %get3A_87 = vector.load %arg2[%get3A_84, %get3A_85, %get3A_86] : memref<16x128x1024xbf16, #tpu.memory_space<vmem>>, vector<1x128x1024xbf16>
    %get3A_88 = vector.shape_cast %get3A_87 : vector<1x128x1024xbf16> to vector<128x1024xbf16>
    %convert_element_type3A_89 = arith.truncf %get3A_83 : vector<1024x128xf32> to vector<1024x128xbf16>
    %dot_general3A_90 = arith.constant dense<0.000000e+00> : vector<1024x1024xf32>
    %dot_general3A_91 = tpu.matmul %convert_element_type3A_89, %get3A_88, %dot_general3A_90 {dimension_numbers = #tpu.dot_dimension_numbers<[1], [0], [0], [1], [0, 0, 1, 1], [], []>, transpose_lhs_hint = false} : vector<1024x128xbf16>, vector<128x1024xbf16>, vector<1024x1024xf32> -> vector<1024x1024xf32>
    %add3A_92 = arith.addf %add3A_78, %dot_general3A_91 : vector<1024x1024xf32>
    %get3A_93 = arith.constant 7 : index
    %get3A_94 = arith.constant 0 : index
    %get3A_95 = arith.constant 0 : index
    %get3A_96 = vector.load %arg1[%get3A_93, %get3A_94, %get3A_95] : memref<16x1024x128xf32, #tpu.memory_space<vmem>>, vector<1x1024x128xf32>
    %get3A_97 = vector.shape_cast %get3A_96 : vector<1x1024x128xf32> to vector<1024x128xf32>
    %get3A_98 = arith.constant 7 : index
    %get3A_99 = arith.constant 0 : index
    %get3A_100 = arith.constant 0 : index
    %get3A_101 = vector.load %arg2[%get3A_98, %get3A_99, %get3A_100] : memref<16x128x1024xbf16, #tpu.memory_space<vmem>>, vector<1x128x1024xbf16>
    %get3A_102 = vector.shape_cast %get3A_101 : vector<1x128x1024xbf16> to vector<128x1024xbf16>
    %convert_element_type3A_103 = arith.truncf %get3A_97 : vector<1024x128xf32> to vector<1024x128xbf16>
    %dot_general3A_104 = arith.constant dense<0.000000e+00> : vector<1024x1024xf32>
    %dot_general3A_105 = tpu.matmul %convert_element_type3A_103, %get3A_102, %dot_general3A_104 {dimension_numbers = #tpu.dot_dimension_numbers<[1], [0], [0], [1], [0, 0, 1, 1], [], []>, transpose_lhs_hint = false} : vector<1024x128xbf16>, vector<128x1024xbf16>, vector<1024x1024xf32> -> vector<1024x1024xf32>
    %add3A_106 = arith.addf %add3A_92, %dot_general3A_105 : vector<1024x1024xf32>
    %get3A_107 = arith.constant 8 : index
    %get3A_108 = arith.constant 0 : index
    %get3A_109 = arith.constant 0 : index
    %get3A_110 = vector.load %arg1[%get3A_107, %get3A_108, %get3A_109] : memref<16x1024x128xf32, #tpu.memory_space<vmem>>, vector<1x1024x128xf32>
    %get3A_111 = vector.shape_cast %get3A_110 : vector<1x1024x128xf32> to vector<1024x128xf32>
    %get3A_112 = arith.constant 8 : index
    %get3A_113 = arith.constant 0 : index
    %get3A_114 = arith.constant 0 : index
    %get3A_115 = vector.load %arg2[%get3A_112, %get3A_113, %get3A_114] : memref<16x128x1024xbf16, #tpu.memory_space<vmem>>, vector<1x128x1024xbf16>
    %get3A_116 = vector.shape_cast %get3A_115 : vector<1x128x1024xbf16> to vector<128x1024xbf16>
    %convert_element_type3A_117 = arith.truncf %get3A_111 : vector<1024x128xf32> to vector<1024x128xbf16>
    %dot_general3A_118 = arith.constant dense<0.000000e+00> : vector<1024x1024xf32>
    %dot_general3A_119 = tpu.matmul %convert_element_type3A_117, %get3A_116, %dot_general3A_118 {dimension_numbers = #tpu.dot_dimension_numbers<[1], [0], [0], [1], [0, 0, 1, 1], [], []>, transpose_lhs_hint = false} : vector<1024x128xbf16>, vector<128x1024xbf16>, vector<1024x1024xf32> -> vector<1024x1024xf32>
    %add3A_120 = arith.addf %add3A_106, %dot_general3A_119 : vector<1024x1024xf32>
    %get3A_121 = arith.constant 9 : index
    %get3A_122 = arith.constant 0 : index
    %get3A_123 = arith.constant 0 : index
    %get3A_124 = vector.load %arg1[%get3A_121, %get3A_122, %get3A_123] : memref<16x1024x128xf32, #tpu.memory_space<vmem>>, vector<1x1024x128xf32>
    %get3A_125 = vector.shape_cast %get3A_124 : vector<1x1024x128xf32> to vector<1024x128xf32>
    %get3A_126 = arith.constant 9 : index
    %get3A_127 = arith.constant 0 : index
    %get3A_128 = arith.constant 0 : index
    %get3A_129 = vector.load %arg2[%get3A_126, %get3A_127, %get3A_128] : memref<16x128x1024xbf16, #tpu.memory_space<vmem>>, vector<1x128x1024xbf16>
    %get3A_130 = vector.shape_cast %get3A_129 : vector<1x128x1024xbf16> to vector<128x1024xbf16>
    %convert_element_type3A_131 = arith.truncf %get3A_125 : vector<1024x128xf32> to vector<1024x128xbf16>
    %dot_general3A_132 = arith.constant dense<0.000000e+00> : vector<1024x1024xf32>
    %dot_general3A_133 = tpu.matmul %convert_element_type3A_131, %get3A_130, %dot_general3A_132 {dimension_numbers = #tpu.dot_dimension_numbers<[1], [0], [0], [1], [0, 0, 1, 1], [], []>, transpose_lhs_hint = false} : vector<1024x128xbf16>, vector<128x1024xbf16>, vector<1024x1024xf32> -> vector<1024x1024xf32>
    %add3A_134 = arith.addf %add3A_120, %dot_general3A_133 : vector<1024x1024xf32>
    %get3A_135 = arith.constant 10 : index
    %get3A_136 = arith.constant 0 : index
    %get3A_137 = arith.constant 0 : index
    %get3A_138 = vector.load %arg1[%get3A_135, %get3A_136, %get3A_137] : memref<16x1024x128xf32, #tpu.memory_space<vmem>>, vector<1x1024x128xf32>
    %get3A_139 = vector.shape_cast %get3A_138 : vector<1x1024x128xf32> to vector<1024x128xf32>
    %get3A_140 = arith.constant 10 : index
    %get3A_141 = arith.constant 0 : index
    %get3A_142 = arith.constant 0 : index
    %get3A_143 = vector.load %arg2[%get3A_140, %get3A_141, %get3A_142] : memref<16x128x1024xbf16, #tpu.memory_space<vmem>>, vector<1x128x1024xbf16>
    %get3A_144 = vector.shape_cast %get3A_143 : vector<1x128x1024xbf16> to vector<128x1024xbf16>
    %convert_element_type3A_145 = arith.truncf %get3A_139 : vector<1024x128xf32> to vector<1024x128xbf16>
    %dot_general3A_146 = arith.constant dense<0.000000e+00> : vector<1024x1024xf32>
    %dot_general3A_147 = tpu.matmul %convert_element_type3A_145, %get3A_144, %dot_general3A_146 {dimension_numbers = #tpu.dot_dimension_numbers<[1], [0], [0], [1], [0, 0, 1, 1], [], []>, transpose_lhs_hint = false} : vector<1024x128xbf16>, vector<128x1024xbf16>, vector<1024x1024xf32> -> vector<1024x1024xf32>
    %add3A_148 = arith.addf %add3A_134, %dot_general3A_147 : vector<1024x1024xf32>
    %get3A_149 = arith.constant 11 : index
    %get3A_150 = arith.constant 0 : index
    %get3A_151 = arith.constant 0 : index
    %get3A_152 = vector.load %arg1[%get3A_149, %get3A_150, %get3A_151] : memref<16x1024x128xf32, #tpu.memory_space<vmem>>, vector<1x1024x128xf32>
    %get3A_153 = vector.shape_cast %get3A_152 : vector<1x1024x128xf32> to vector<1024x128xf32>
    %get3A_154 = arith.constant 11 : index
    %get3A_155 = arith.constant 0 : index
    %get3A_156 = arith.constant 0 : index
    %get3A_157 = vector.load %arg2[%get3A_154, %get3A_155, %get3A_156] : memref<16x128x1024xbf16, #tpu.memory_space<vmem>>, vector<1x128x1024xbf16>
    %get3A_158 = vector.shape_cast %get3A_157 : vector<1x128x1024xbf16> to vector<128x1024xbf16>
    %convert_element_type3A_159 = arith.truncf %get3A_153 : vector<1024x128xf32> to vector<1024x128xbf16>
    %dot_general3A_160 = arith.constant dense<0.000000e+00> : vector<1024x1024xf32>
    %dot_general3A_161 = tpu.matmul %convert_element_type3A_159, %get3A_158, %dot_general3A_160 {dimension_numbers = #tpu.dot_dimension_numbers<[1], [0], [0], [1], [0, 0, 1, 1], [], []>, transpose_lhs_hint = false} : vector<1024x128xbf16>, vector<128x1024xbf16>, vector<1024x1024xf32> -> vector<1024x1024xf32>
    %add3A_162 = arith.addf %add3A_148, %dot_general3A_161 : vector<1024x1024xf32>
    %get3A_163 = arith.constant 12 : index
    %get3A_164 = arith.constant 0 : index
    %get3A_165 = arith.constant 0 : index
    %get3A_166 = vector.load %arg1[%get3A_163, %get3A_164, %get3A_165] : memref<16x1024x128xf32, #tpu.memory_space<vmem>>, vector<1x1024x128xf32>
    %get3A_167 = vector.shape_cast %get3A_166 : vector<1x1024x128xf32> to vector<1024x128xf32>
    %get3A_168 = arith.constant 12 : index
    %get3A_169 = arith.constant 0 : index
    %get3A_170 = arith.constant 0 : index
    %get3A_171 = vector.load %arg2[%get3A_168, %get3A_169, %get3A_170] : memref<16x128x1024xbf16, #tpu.memory_space<vmem>>, vector<1x128x1024xbf16>
    %get3A_172 = vector.shape_cast %get3A_171 : vector<1x128x1024xbf16> to vector<128x1024xbf16>
    %convert_element_type3A_173 = arith.truncf %get3A_167 : vector<1024x128xf32> to vector<1024x128xbf16>
    %dot_general3A_174 = arith.constant dense<0.000000e+00> : vector<1024x1024xf32>
    %dot_general3A_175 = tpu.matmul %convert_element_type3A_173, %get3A_172, %dot_general3A_174 {dimension_numbers = #tpu.dot_dimension_numbers<[1], [0], [0], [1], [0, 0, 1, 1], [], []>, transpose_lhs_hint = false} : vector<1024x128xbf16>, vector<128x1024xbf16>, vector<1024x1024xf32> -> vector<1024x1024xf32>
    %add3A_176 = arith.addf %add3A_162, %dot_general3A_175 : vector<1024x1024xf32>
    %get3A_177 = arith.constant 13 : index
    %get3A_178 = arith.constant 0 : index
    %get3A_179 = arith.constant 0 : index
    %get3A_180 = vector.load %arg1[%get3A_177, %get3A_178, %get3A_179] : memref<16x1024x128xf32, #tpu.memory_space<vmem>>, vector<1x1024x128xf32>
    %get3A_181 = vector.shape_cast %get3A_180 : vector<1x1024x128xf32> to vector<1024x128xf32>
    %get3A_182 = arith.constant 13 : index
    %get3A_183 = arith.constant 0 : index
    %get3A_184 = arith.constant 0 : index
    %get3A_185 = vector.load %arg2[%get3A_182, %get3A_183, %get3A_184] : memref<16x128x1024xbf16, #tpu.memory_space<vmem>>, vector<1x128x1024xbf16>
    %get3A_186 = vector.shape_cast %get3A_185 : vector<1x128x1024xbf16> to vector<128x1024xbf16>
    %convert_element_type3A_187 = arith.truncf %get3A_181 : vector<1024x128xf32> to vector<1024x128xbf16>
    %dot_general3A_188 = arith.constant dense<0.000000e+00> : vector<1024x1024xf32>
    %dot_general3A_189 = tpu.matmul %convert_element_type3A_187, %get3A_186, %dot_general3A_188 {dimension_numbers = #tpu.dot_dimension_numbers<[1], [0], [0], [1], [0, 0, 1, 1], [], []>, transpose_lhs_hint = false} : vector<1024x128xbf16>, vector<128x1024xbf16>, vector<1024x1024xf32> -> vector<1024x1024xf32>
    %add3A_190 = arith.addf %add3A_176, %dot_general3A_189 : vector<1024x1024xf32>
    %get3A_191 = arith.constant 14 : index
    %get3A_192 = arith.constant 0 : index
    %get3A_193 = arith.constant 0 : index
    %get3A_194 = vector.load %arg1[%get3A_191, %get3A_192, %get3A_193] : memref<16x1024x128xf32, #tpu.memory_space<vmem>>, vector<1x1024x128xf32>
    %get3A_195 = vector.shape_cast %get3A_194 : vector<1x1024x128xf32> to vector<1024x128xf32>
    %get3A_196 = arith.constant 14 : index
    %get3A_197 = arith.constant 0 : index
    %get3A_198 = arith.constant 0 : index
    %get3A_199 = vector.load %arg2[%get3A_196, %get3A_197, %get3A_198] : memref<16x128x1024xbf16, #tpu.memory_space<vmem>>, vector<1x128x1024xbf16>
    %get3A_200 = vector.shape_cast %get3A_199 : vector<1x128x1024xbf16> to vector<128x1024xbf16>
    %convert_element_type3A_201 = arith.truncf %get3A_195 : vector<1024x128xf32> to vector<1024x128xbf16>
    %dot_general3A_202 = arith.constant dense<0.000000e+00> : vector<1024x1024xf32>
    %dot_general3A_203 = tpu.matmul %convert_element_type3A_201, %get3A_200, %dot_general3A_202 {dimension_numbers = #tpu.dot_dimension_numbers<[1], [0], [0], [1], [0, 0, 1, 1], [], []>, transpose_lhs_hint = false} : vector<1024x128xbf16>, vector<128x1024xbf16>, vector<1024x1024xf32> -> vector<1024x1024xf32>
    %add3A_204 = arith.addf %add3A_190, %dot_general3A_203 : vector<1024x1024xf32>
    %get3A_205 = arith.constant 15 : index
    %get3A_206 = arith.constant 0 : index
    %get3A_207 = arith.constant 0 : index
    %get3A_208 = vector.load %arg1[%get3A_205, %get3A_206, %get3A_207] : memref<16x1024x128xf32, #tpu.memory_space<vmem>>, vector<1x1024x128xf32>
    %get3A_209 = vector.shape_cast %get3A_208 : vector<1x1024x128xf32> to vector<1024x128xf32>
    %get3A_210 = arith.constant 15 : index
    %get3A_211 = arith.constant 0 : index
    %get3A_212 = arith.constant 0 : index
    %get3A_213 = vector.load %arg2[%get3A_210, %get3A_211, %get3A_212] : memref<16x128x1024xbf16, #tpu.memory_space<vmem>>, vector<1x128x1024xbf16>
    %get3A_214 = vector.shape_cast %get3A_213 : vector<1x128x1024xbf16> to vector<128x1024xbf16>
    %convert_element_type3A_215 = arith.truncf %get3A_209 : vector<1024x128xf32> to vector<1024x128xbf16>
    %dot_general3A_216 = arith.constant dense<0.000000e+00> : vector<1024x1024xf32>
    %dot_general3A_217 = tpu.matmul %convert_element_type3A_215, %get3A_214, %dot_general3A_216 {dimension_numbers = #tpu.dot_dimension_numbers<[1], [0], [0], [1], [0, 0, 1, 1], [], []>, transpose_lhs_hint = false} : vector<1024x128xbf16>, vector<128x1024xbf16>, vector<1024x1024xf32> -> vector<1024x1024xf32>
    %add3A_218 = arith.addf %add3A_204, %dot_general3A_217 : vector<1024x1024xf32>
    %get3A_219 = arith.constant 0 : index
    %get3A_220 = arith.constant 0 : index
    %get3A_221 = vector.load %arg3[%get3A_219, %get3A_220] : memref<1x1024xf32, #tpu.memory_space<vmem>>, vector<1x1024xf32>
    %add3A_222 = vector.broadcast %get3A_221 : vector<1x1024xf32> to vector<1024x1024xf32>
    %add3A_223 = arith.addf %add3A_218, %add3A_222 : vector<1024x1024xf32>
    %swap3A = arith.constant 0 : index
    %swap3A_224 = arith.constant 0 : index
    %swap3A_225 = vector.load %arg4[%swap3A, %swap3A_224] : memref<1024x1024xf32, #tpu.memory_space<vmem>>, vector<1024x1024xf32>
    tpu.vector_store %arg4[%swap3A, %swap3A_224], %add3A_223 {strides = array<i32>} : memref<1024x1024xf32, #tpu.memory_space<vmem>>, vector<1024x1024xf32>,
    return
  }
  func.func @transform_0(%arg0: i32) -> (i32, i32, i32) {
    %c0_i32 = arith.constant 0 : i32
    %c0_i32_0 = arith.constant 0 : i32
    %c0_i32_1 = arith.constant 0 : i32
    return %c0_i32, %arg0, %c0_i32_0 : i32, i32, i32
  }
  func.func @transform_1(%arg0: i32) -> (i32, i32, i32) {
    %c0_i32 = arith.constant 0 : i32
    %c0_i32_0 = arith.constant 0 : i32
    %c0_i32_1 = arith.constant 0 : i32
    %c0_i32_2 = arith.constant 0 : i32
    return %c0_i32, %c0_i32_0, %c0_i32_1 : i32, i32, i32
  }
  func.func @transform_2(%arg0: i32) -> (i32, i32) {
    %c0_i32 = arith.constant 0 : i32
    %c0_i32_0 = arith.constant 0 : i32
    %c0_i32_1 = arith.constant 0 : i32
    return %c0_i32, %c0_i32_0 : i32, i32
  }
  func.func @transform_3(%arg0: i32) -> (i32, i32) {
    %c0_i32 = arith.constant 0 : i32
    %c0_i32_0 = arith.constant 0 : i32
    return %arg0, %c0_i32 : i32, i32
  }
}

</mosaic_0001>

<sc_bundles>
// kernel: kernel.11.cloned.1.call-start
scs
__scs_entry_jumppad:
0x0: {  	(pc) =	sbr.rel $0x88, $3  }
0x1: {  	(tag) =	ssettag $0x0;
	lr =	simm.s32 $0x1  }
0x2: {  	[smem:$0x3F9A] =	sst lr;
	_ =	strace $0xD0000000  }
0x3: {  	_ = 	snop  }
0x4: {  	_ = 	snop  }
0x5: {  	_ = 	snop  }
0x6: {  	_ = 	snop  }
0x7: {  	_ = 	snop  }
__scs_overlays_trampoline_lowered:
0x8: {  	[smem:$0x3FA9] =	sst s0  }
0x9: {  	[smem:$0x3FAA] =	sst s1  }
0xa: {  	[smem:$0x3FAB] =	sst s2  }
0xb: {  	[smem:$0x3FAC] =	sst s3  }
0xc: {  	[smem:$0x3FAD] =	sst s4  }
0xd: {  	[smem:$0x3FAE] =	sst s5  }
0xe: {  	[smem:$0x3FAF] =	sst s6  }
0xf: {  	[smem:$0x3FB0] =	sst s7  }
0x10: {  	[smem:$0x3FB1] =	sst s8  }
0x11: {  	[smem:$0x3FB2] =	sst s9;
	s0 =	simm.s32 @!p0 $0x0  }
0x12: {  	s1 =	sld [smem:$0x3F98];
	s0 =	simm.s32 @p0 $0x1  }
0x13: {  	[smem:$0x3FB3] =	sst s0;
	s0 =	simm.s32 @!p1 $0x0  }
0x14: {  	s2 =	sld [smem:$0x3F97];
	s0 =	simm.s32 @p1 $0x1  }
0x15: {  	[smem:$0x3FB4] =	sst s0;
	s0 =	simm.s32 @!p2 $0x0  }
0x16: {  	s3 =	sld [smem:$0x3FDB];
	s0 =	simm.s32 @p2 $0x1  }
0x17: {  	s4 =	simm.s32 $0x1BF5;
	[smem:$0x3FB6] =	sst s0  }
0x18: {  	s0 =	sld [smem:$0x3F99];
	_ =	swait.ge [sflag:s4], $0x0  }
0x19: {  	s7 =	sld [smem:$0x3F9A]  }
0x1a: {  	s8 =	sadd.s32 $0xFFFFE003, lr  }
0x1b: {  	s9 =	sadd.s32 $0xFFFFFEF7, lr;
	s5 =	simm.s32 $0xFFFFFFFF;
	p2 =	slt.u32 s8, $0xFFFFF086  }
0x1c: {  	p1 =	slt.u32 s9, $0xF7A;
	s5 =	simm.s32 @!p2 $0x0  }
0x1d: {  	s5 =	simm.s32 @p1 $0x1;
	p0 =	seq.s32 s7, s2  }
0x1e: {  	s7 =	smul.u32 @!p0 $0xF7A, s2;
	p2 =	seq.s32 @!p0 s5, $0x0  }
0x1f: {  	s9 =	smul.u32 $0xF7A, s1;
	s8 =	simm.s32 @!p0 $0x1BF5;
	p2 =	por !p2, p0  }
0x20: {  	[sflag:s8] =	ssyncset.s32 @!p0 $0xFFFFF086;
	s6 =	sadd.s32 @!p0 s3, s7;
	s7 =	simm.s32 @!p0 $0x108  }
0x21: {  	s3 =	sadd.s32 s3, s9;
	s6 =	sadd.s32 @!p0 $0x88, s6;
	s7 =	simm.s32 @p2 $0x1082  }
0x22: {  	[simem:s7], [sflag:s8] =	dma.local @!p0 [hbm:s6], $0xF7A  }
0x23: {  	s9 =	sor.u32 $0xD0000000, s2;
	s6 =	simm.s32 $0x108;
	_ =	swait.ge @!p0 [sflag:s8], $0x0  }
0x24: {  	s3 =	sadd.s32 $0x88, s3;
	s6 =	simm.s32 @!p1 $0x1082;
	[sflag:s4] =	ssyncset.s32 $0xFFFFF086  }
0x25: {  	[simem:s6], [sflag:s4] =	dma.local [hbm:s3], $0xF7A  }
0x26: {  	[smem:$0x3F9A] =	sst s1;
	(tag) =	ssettag s2;
	_ =	strace s9  }
0x27: {  	s1 =	sld [smem:$0x3FAA]  }
0x28: {  	s2 =	sld [smem:$0x3FAB]  }
0x29: {  	s4 =	sld [smem:$0x3FAD]  }
0x2a: {  	p0 =	seq.s32 s5, $0x0;
	s5 =	sld [smem:$0x3FAE]  }
0x2b: {  	s6 =	sld [smem:$0x3FAF]  }
0x2c: {  	s7 =	sld [smem:$0x3FB0]  }
0x2d: {  	s3 =	simm.s32 $0x108;
	s8 =	sld [smem:$0x3FB1]  }
0x2e: {  	s3 =	simm.s32 @!p0 $0x1082;
	s9 =	sld [smem:$0x3FB2]  }
0x2f: {  	lr =	sadd.s32 s0, s3;
	s0 =	sld [smem:$0x3FA9]  }
0x30: {  	s3 =	sld [smem:$0x3FAC]  }
0x31: {  	[smem:$0x3FB5] =	sst s10  }
0x32: {  	s10 =	sld [smem:$0x3FB3];
	_ =	sdelay $0x3  }
0x33: {  	p0 =	seq.s32 s10, $0x1;
	s10 =	sld [smem:$0x3FB5];
	_ =	sdelay $0x3  }
0x34: {  	[smem:$0x3FB5] =	sst s10  }
0x35: {  	s10 =	sld [smem:$0x3FB4];
	_ =	sdelay $0x3  }
0x36: {  	p1 =	seq.s32 s10, $0x1;
	s10 =	sld [smem:$0x3FB5];
	_ =	sdelay $0x3  }
0x37: {  	[smem:$0x3FB5] =	sst s10  }
0x38: {  	s10 =	sld [smem:$0x3FB6]  }
0x39: {  	_ = 	snop;
	(pc) =	sbr.ind lr, $3  }
0x3a: {  	_ = 	snop  }
0x3b: {  	_ = 	snop  }
0x3c: {  	p2 =	seq.s32 s10, $0x1;
	s10 =	sld [smem:$0x3FB5]  }
0x3d: {  	_ =	shalt  }
0x3e: {  	_ =	shalt  }
0x3f: {  	_ =	shalt  }
0x40: {  	_ =	shalt  }
0x41: {  	_ =	shalt  }
0x42: {  	_ =	shalt  }
0x43: {  	_ =	shalt  }
0x44: {  	_ =	shalt  }
0x45: {  	_ =	shalt  }
0x46: {  	_ =	shalt  }
0x47: {  	_ =	shalt  }
0x48: {  	_ =	shalt  }
0x49: {  	_ =	shalt  }
0x4a: {  	_ =	shalt  }
0x4b: {  	_ =	shalt  }
0x4c: {  	_ =	shalt  }
0x4d: {  	_ =	shalt  }
0x4e: {  	_ =	shalt  }
0x4f: {  	_ =	shalt  }
0x50: {  	_ =	shalt  }
0x51: {  	_ =	shalt  }
0x52: {  	_ =	shalt  }
0x53: {  	_ =	shalt  }
0x54: {  	_ =	shalt  }
0x55: {  	_ =	shalt  }
0x56: {  	_ =	shalt  }
0x57: {  	_ =	shalt  }
0x58: {  	_ =	shalt  }
0x59: {  	_ =	shalt  }
0x5a: {  	_ =	shalt  }
0x5b: {  	_ =	shalt  }
0x5c: {  	_ =	shalt  }
0x5d: {  	_ =	shalt  }
0x5e: {  	_ =	shalt  }
0x5f: {  	_ =	shalt  }
0x60: {  	_ =	shalt  }
0x61: {  	_ =	shalt  }
0x62: {  	_ =	shalt  }
0x63: {  	_ =	shalt  }
0x64: {  	_ =	shalt  }
0x65: {  	_ =	shalt  }
0x66: {  	_ =	shalt  }
0x67: {  	_ =	shalt  }
0x68: {  	_ =	shalt  }
0x69: {  	_ =	shalt  }
0x6a: {  	_ =	shalt  }
0x6b: {  	_ =	shalt  }
0x6c: {  	_ =	shalt  }
0x6d: {  	_ =	shalt  }
0x6e: {  	_ =	shalt  }
0x6f: {  	_ =	shalt  }
0x70: {  	_ =	shalt  }
0x71: {  	_ =	shalt  }
0x72: {  	_ =	shalt  }
0x73: {  	_ =	shalt  }
0x74: {  	_ =	shalt  }
0x75: {  	_ =	shalt  }
0x76: {  	_ =	shalt  }
0x77: {  	_ =	shalt  }
0x78: {  	_ =	shalt  }
0x79: {  	_ =	shalt  }
0x7a: {  	_ =	shalt  }
0x7b: {  	_ =	shalt  }
0x7c: {  	_ =	shalt  }
0x7d: {  	_ =	shalt  }
0x7e: {  	_ =	shalt  }
0x7f: {  	_ =	shalt  }
0x80: {  	_ =	shalt  }
0x81: {  	_ =	shalt  }
0x82: {  	_ =	shalt  }
0x83: {  	_ =	shalt  }
0x84: {  	_ =	shalt  }
0x85: {  	_ =	shalt  }
0x86: {  	_ =	shalt  }
0x87: {  	_ =	shalt  }
.Lfunc_end0:
.L_simem_size_0:
called_computation.1_lowered:
.L_overlay_start_0:
0x88: {  	s2 =	sld [smem:$0x3FD9]  }
0x89: {  	s3 =	sld [smem:$0x3FFE];
	_ =	sdelay $0x1  }
0x8a: {  	s1 =	srdreg.scid  }
0x8b: {  	s0 =	sand.u32 $0x1, s1  }
0x8c: {  	s16 =	sshll.u32 s0, $0xA;
	s2 =	sadd.s32 s3, s2  }
0x8d: {  	s2 =	sadd.s32 s2, s16  }
0x8e: {  	[smem:$0x3FC1] =	sst s2  }
0x8f: {  	_ = 	snop  }
0x90: {  	(tm) =	ssettm $0x1  }
0x91: {  	s17 =	sld [smem:$0x3FFB];
	_ =	sdelay $0x3  }
0x92: {  	_ =	strace s17  }
0x93: {  	s2 =	sld [smem:$0x3FFC];
	_ =	sdelay $0x3  }
0x94: {  	_ =	strace s2  }
0x95: {  	s2 =	sld [smem:$0x3FFD];
	_ =	sdelay $0x3  }
0x96: {  	_ =	strace s2  }
0x97: {  	_ =	strace $0x8FFFFFFF  }
0x98: {  	s18 =	sld [smem:$0x3FDB];
	_ =	sdelay $0x1  }
0x99: {  	s19 =	simm.s32 $_scs_section_size  }
0x9a: {  	s4 =	simm.s32 $_size__tile_overlayer_lowered;
	s5 =	simm.s32 $_tile_overlayer_lowered  }
0x9b: {  	s22 =	simm.s32 $0x1BFF;
	s21 =	sshll.u32 s5, $0x1;
	s2 =	sadd.s32 s19, s18  }
0x9c: {  	s6 =	simm.s32 $0x0;
	s20 =	sshll.u32 s4, $0x1;
	s4 =	sadd.s32 s21, s2  }
0x9d: {  	[timem:s6], [sflag:s22] =	dma.local [hbm:s4], s20  }
0x9e: {  	_ =	swait.ge [sflag:s22], s20  }
0x9f: {  	s3 =	ssub.s32 $0x0, s20;
	[sflag:s22] =	ssyncset.done $0x0  }
0xa0: {  	[sflag:s22] =	ssyncadd.s32 s3;
	_ =	sdelay $0x1  }
0xa1: {  	s23 =	simm.s32 $0x1B8B  }
0xa2: {  	_ =	swait.ge [sflag:s23], $0x1  }
0xa3: {  	[sflag:s23] =	ssyncset.done $0x0  }
0xa4: {  	s25 =	simm.s32 $0x1B8E;
	s24 =	sld [smem:$0x3FFE];
	[sflag:s23] =	ssyncadd.s32 $0xFFFFFFFF  }
0xa5: {  	s26 =	simm.s32 $execute0_lowered;
	[smem:$0x3FD2] =	sst s25  }
0xa6: {  	s4 =	sshll.u32 s26, $0x1;
	_ =	strace $0x80000049;
	[dreg:$0x1] =	wrdreg $0xFFFFFFFF  }
0xa7: {  	s28 =	simm.s32 $_size_execute0_lowered;
	s2 =	sadd.s32 s2, s4;
	[dreg:$0x0] =	wrdreg $0x0  }
0xa8: {  	s4 =	sshll.u32 s28, $0x1;
	[dreg:$0x2] =	wrdreg s2  }
0xa9: {  	[dreg:$0x3] =	wrdreg s4  }
0xaa: {  	[dreg:$0x4] =	wrdreg $0xC0  }
0xab: {  	_ =	task [dreg:s6], $0x5FFFF  }
0xac: {  	[dreg:$0x1] =	wrdreg $0xFFFFFFFF  }
0xad: {  	[dreg:$0x0] =	wrdreg $0x60  }
0xae: {  	[dreg:$0x2] =	wrdreg s24  }
0xaf: {  	[dreg:$0x3] =	wrdreg $0x9  }
0xb0: {  	_ =	task.clear_ibuf [dreg:s6], $0x4FFFF;
	_ =	strace $0x90000049  }
0xb1: {  	s29 =	simm.s32 $0x9;
	_ =	strace $0x8000004B  }
0xb2: {  	_ =	swait.ge [sflag:s29], $0x1  }
0xb3: {  	[sflag:s29] =	ssyncadd.s32 $0xFFFFFFFF  }
0xb4: {  	_ =	strace $0x9000004B  }
0xb5: {  	_ =	sfence  }
0xb6: {  	s30 =	sld [smem:$0x0];
	_ =	sdelay $0x2  }
0xb7: {  	s31 =	sshll.u32 s1, $0xD;
	s1 =	sshrl.u32 s1, $0x2  }
0xb8: {  	s3 =	sand.u32 $0x4000, s31;
	s1 =	sadd.s32 s1, s30  }
0xb9: {  	s0 =	sor.u32 s3, s0;
	s1 =	sshll.u32 s1, $0x11  }
0xba: {  	s0 =	sor.u32 s1, s0  }
0xbb: {  	s0 =	sadd.s32 $0x8F2B, s0  }
0xbc: {  	[sflag:s0] =	ssyncadd.remote.s32 $0x1  }
0xbd: {  	_ =	sfence.sel $0xFFFF  }
0xbe: {  	[dreg:$0x0] =	wrdreg $0xFFFFFFFF;
	(pc) =	sbr.abs _section_cstart, $3  }
0xbf: {  	[dreg:$0x1] =	wrdreg $0xFFFFFFFF  }
0xc0: {  	_ =	task.clear_ibuf [dreg:s6], $0x2FFFF;
	_ =	strace $0x9FFFFFFF  }
0xc1: {  	(tm) =	ssettm $0x7FFFFFFF  }
tec
execute0_lowered:
.L_overlay_start_1:
0x0: {  	(tag) =	ssettag $0x1  }
0x1: {  	s0 =	stileid.u32;
	s3 =	rddreg [dreg:$0x0]  }
0x2: {  	s2 =	srdreg.scid;
	s1 =	rddreg [dreg:$0x1]  }
0x3: {  	s9 =	simm.s32 $0x1100;
	s10 =	simm.s32 $0x1080;
	s11 =	simm.s32 $0x5100  }
0x4: {  	s12 =	simm.s32 $0x1;
	s15 =	simm.s32 $0x3;
	s16 =	simm.s32 $0x4  }
0x5: {  	s17 =	simm.s32 $0x0;
	s4 =	sshll.u32 s0, $0x1;
	s5 =	sand.u32 $0x1, s2  }
0x6: {  	s2 =	simm.s32 $0x0;
	s6 =	sshll.u32 s0, $0x9;
	s31 =	sshll.u32 s0, $0xD  }
0x7: {  	s4 =	sand.u32 $0xE, s4;
	[smem:$0x7FF] =	sst s2;
	s6 =	sand.u32 $0x1000, s6  }
0x8: {  	s14 =	sand.u32 $0x10000, s31;
	s4 =	sor.u32 s5, s4;
	_ =	strace $0x8000004A  }
0x9: {  	s5 =	ssub.s32 $0x2, s5;
	s7 =	sshll.u32 s4, $0xD;
	s4 =	sshll.u32 s4, $0x11  }
0xa: {  	s30 =	sshrl.u32 s5, $0x1;
	s6 =	sor.u32 s6, s7;
	s8 =	sadd.s32 s4, s3  }
0xb: {  	s5 =	ssub.s32 s5, s30;
	s7 =	simm.s32 $0x80;
	s6 =	sshrl.u32 s6, $0x3  }
0xc: {  	s4 =	sadd.s32 $0x1A00, s8;
	s13 =	sadd.s32 $0x201A00, s8;
	s5 =	smax.u32 s5, $0x1  }
0xd: {  	s8 =	simm.s32 $0x1000;
	s6 =	sadd.s32 s6, s3;
	s13 =	sadd.s32 s13, s14  }
0xe: {  	s14 =	simm.s32 $0x2;
	s3 =	sadd.s32 $0x401A00, s6;
	s6 =	simm.s32 $0x5  }
.LBB2_1:
0xf: {  	[tilespmem:s2], [sflag:$0x5] =	stream.linear.gather [hbm4b:s3+s2], $0x1000, $0x38;
	[tilespmem:$0x9100] =	vst v63  }
0x10: {  	_ =	swait.ge [sflag:s6], $0x1000  }
0x11: {  	[sflag:s6] =	ssyncset.done $0x0  }
0x12: {  	[sflag:s6] =	ssyncadd.s32 $0xFFFFF000  }
0x13: {  	v0 =	vld [tilespmem:s7+$0xFFFFFF80];
	_ =	sdelay $0x4  }
0x14: {  	[tilespmem:$0x1000] =	vst v0  }
0x15: {  	v0 =	vld [tilespmem:s7+$0x0];
	_ =	sdelay $0x4  }
0x16: {  	[tilespmem:$0x1080] =	vst v0  }
0x17: {  	v0 =	vld [tilespmem:s7+$0xFFFFFF90];
	_ =	sdelay $0x4  }
0x18: {  	[tilespmem:$0x1010] =	vst v0  }
0x19: {  	v0 =	vld [tilespmem:s7+$0x10];
	_ =	sdelay $0x4  }
0x1a: {  	[tilespmem:$0x1090] =	vst v0  }
0x1b: {  	v0 =	vld [tilespmem:s7+$0xFFFFFFA0];
	_ =	sdelay $0x4  }
0x1c: {  	[tilespmem:$0x1020] =	vst v0  }
0x1d: {  	v0 =	vld [tilespmem:s7+$0x20];
	_ =	sdelay $0x4  }
0x1e: {  	[tilespmem:$0x10A0] =	vst v0  }
0x1f: {  	v0 =	vld [tilespmem:s7+$0xFFFFFFB0];
	_ =	sdelay $0x4  }
0x20: {  	[tilespmem:$0x1030] =	vst v0  }
0x21: {  	v0 =	vld [tilespmem:s7+$0x30];
	_ =	sdelay $0x4  }
0x22: {  	[tilespmem:$0x10B0] =	vst v0  }
0x23: {  	v0 =	vld [tilespmem:s7+$0xFFFFFFC0];
	_ =	sdelay $0x4  }
0x24: {  	[tilespmem:$0x1040] =	vst v0  }
0x25: {  	v0 =	vld [tilespmem:s7+$0x40];
	_ =	sdelay $0x4  }
0x26: {  	[tilespmem:$0x10C0] =	vst v0  }
0x27: {  	v0 =	vld [tilespmem:s7+$0xFFFFFFD0];
	_ =	sdelay $0x4  }
0x28: {  	[tilespmem:$0x1050] =	vst v0  }
0x29: {  	v0 =	vld [tilespmem:s7+$0x50];
	_ =	sdelay $0x4  }
0x2a: {  	[tilespmem:$0x10D0] =	vst v0  }
0x2b: {  	v0 =	vld [tilespmem:s7+$0xFFFFFFE0];
	_ =	sdelay $0x4  }
0x2c: {  	[tilespmem:$0x1060] =	vst v0  }
0x2d: {  	v0 =	vld [tilespmem:s7+$0x60];
	_ =	sdelay $0x4  }
0x2e: {  	[tilespmem:$0x10E0] =	vst v0  }
0x2f: {  	v0 =	vld [tilespmem:s7+$0xFFFFFFF0];
	_ =	sdelay $0x4  }
0x30: {  	[tilespmem:$0x1070] =	vst v0  }
0x31: {  	v0 =	vld [tilespmem:s7+$0x70];
	_ =	sdelay $0x4  }
0x32: {  	[tilespmem:$0x10F0] =	vst v0  }
0x33: {  	[tilespmem:s9], [sflag:$0x1] =	stream.indirect.gather [hbm4b:s4+s7], $0x80, s8, s7, $0xb8;
	[tilespmem:$0x9100] =	vst v63  }
0x34: {  	_ = 	snop  }
0x35: {  	[tilespmem:s11], [sflag:$0x2] =	stream.indirect.gather [hbm4b:s4+s7], $0x80, s10, s7, $0xb8;
	[tilespmem:$0x9100] =	vst v63  }
0x36: {  	_ =	swait.ge [sflag:s12], $0x4000  }
0x37: {  	[sflag:s12] =	ssyncset.done $0x0  }
0x38: {  	s18 =	sadd.s32 $0x0, s13;
	[sflag:s12] =	ssyncadd.s32 $0xFFFFC000  }
0x39: {  	[hbm4b:s18+s2] =	stream.linear.scatter [tilespmem:s9], [sflag:$0x3], $0x4000, $0x38;
	[tilespmem:$0x9100] =	vst v63  }
0x3a: {  	_ =	swait.ge [sflag:s14], $0x4000  }
0x3b: {  	[sflag:s14] =	ssyncset.done $0x0  }
0x3c: {  	s18 =	sadd.s32 $0x800, s18;
	[sflag:s14] =	ssyncadd.s32 $0xFFFFC000  }
0x3d: {  	[hbm4b:s18+s2] =	stream.linear.scatter [tilespmem:s11], [sflag:$0x4], $0x4000, $0x38;
	[tilespmem:$0x9100] =	vst v63  }
0x3e: {  	_ =	swait.ge [sflag:s15], $0x4000  }
0x3f: {  	[sflag:s15] =	ssyncset.done $0x0  }
0x40: {  	[sflag:s15] =	ssyncadd.s32 $0xFFFFC000  }
0x41: {  	_ =	swait.ge [sflag:s16], $0x4000  }
0x42: {  	s19 =	simm.s32 $0x80;
	s18 =	simm.s32 $0x1000;
	[sflag:s16] =	ssyncset.done $0x0  }
.LBB2_2:
0x43: {  	p0 =	sne.s32 s18, $0xF000;
	[sflag:s16] =	ssyncadd.s32 $0xFFFFC000;
	s19 =	sadd.s32 $0x100, s19  }
0x44: {  	s20 =	smov.u32 s18;
	s18 =	sadd.s32 $0x1000, s18;
	v0 =	vld [tilespmem:s19+$0xFFFFFF80];
	_ =	sdelay $0x4  }
0x45: {  	[tilespmem:$0x1000] =	vst v0  }
0x46: {  	v0 =	vld [tilespmem:s19+$0x0];
	_ =	sdelay $0x4  }
0x47: {  	[tilespmem:$0x1080] =	vst v0  }
0x48: {  	v0 =	vld [tilespmem:s19+$0xFFFFFF90];
	_ =	sdelay $0x4  }
0x49: {  	[tilespmem:$0x1010] =	vst v0  }
0x4a: {  	v0 =	vld [tilespmem:s19+$0x10];
	_ =	sdelay $0x4  }
0x4b: {  	[tilespmem:$0x1090] =	vst v0  }
0x4c: {  	v0 =	vld [tilespmem:s19+$0xFFFFFFA0];
	_ =	sdelay $0x4  }
0x4d: {  	[tilespmem:$0x1020] =	vst v0  }
0x4e: {  	v0 =	vld [tilespmem:s19+$0x20];
	_ =	sdelay $0x4  }
0x4f: {  	[tilespmem:$0x10A0] =	vst v0  }
0x50: {  	v0 =	vld [tilespmem:s19+$0xFFFFFFB0];
	_ =	sdelay $0x4  }
0x51: {  	[tilespmem:$0x1030] =	vst v0  }
0x52: {  	v0 =	vld [tilespmem:s19+$0x30];
	_ =	sdelay $0x4  }
0x53: {  	[tilespmem:$0x10B0] =	vst v0  }
0x54: {  	v0 =	vld [tilespmem:s19+$0xFFFFFFC0];
	_ =	sdelay $0x4  }
0x55: {  	[tilespmem:$0x1040] =	vst v0  }
0x56: {  	v0 =	vld [tilespmem:s19+$0x40];
	_ =	sdelay $0x4  }
0x57: {  	[tilespmem:$0x10C0] =	vst v0  }
0x58: {  	v0 =	vld [tilespmem:s19+$0xFFFFFFD0];
	_ =	sdelay $0x4  }
0x59: {  	[tilespmem:$0x1050] =	vst v0  }
0x5a: {  	v0 =	vld [tilespmem:s19+$0x50];
	_ =	sdelay $0x4  }
0x5b: {  	[tilespmem:$0x10D0] =	vst v0  }
0x5c: {  	v0 =	vld [tilespmem:s19+$0xFFFFFFE0];
	_ =	sdelay $0x4  }
0x5d: {  	[tilespmem:$0x1060] =	vst v0  }
0x5e: {  	v0 =	vld [tilespmem:s19+$0x60];
	_ =	sdelay $0x4  }
0x5f: {  	[tilespmem:$0x10E0] =	vst v0  }
0x60: {  	v0 =	vld [tilespmem:s19+$0xFFFFFFF0];
	_ =	sdelay $0x4  }
0x61: {  	[tilespmem:$0x1070] =	vst v0  }
0x62: {  	v0 =	vld [tilespmem:s19+$0x70];
	_ =	sdelay $0x4  }
0x63: {  	[tilespmem:$0x10F0] =	vst v0  }
0x64: {  	[tilespmem:s9], [sflag:$0x1] =	stream.indirect.gather [hbm4b:s4+s7], $0x80, s8, s7, $0xb8;
	[tilespmem:$0x9100] =	vst v63  }
0x65: {  	_ = 	snop  }
0x66: {  	[tilespmem:s11], [sflag:$0x2] =	stream.indirect.gather [hbm4b:s4+s7], $0x80, s10, s7, $0xb8;
	[tilespmem:$0x9100] =	vst v63  }
0x67: {  	_ =	swait.ge [sflag:s12], $0x4000  }
0x68: {  	[sflag:s12] =	ssyncset.done $0x0  }
0x69: {  	s20 =	sadd.s32 s20, s13;
	[sflag:s12] =	ssyncadd.s32 $0xFFFFC000  }
0x6a: {  	[hbm4b:s20+s2] =	stream.linear.scatter [tilespmem:s9], [sflag:$0x3], $0x4000, $0x38;
	[tilespmem:$0x9100] =	vst v63  }
0x6b: {  	_ =	swait.ge [sflag:s14], $0x4000  }
0x6c: {  	[sflag:s14] =	ssyncset.done $0x0  }
0x6d: {  	s20 =	sadd.s32 $0x800, s20;
	[sflag:s14] =	ssyncadd.s32 $0xFFFFC000  }
0x6e: {  	[hbm4b:s20+s2] =	stream.linear.scatter [tilespmem:s11], [sflag:$0x4], $0x4000, $0x38;
	[tilespmem:$0x9100] =	vst v63  }
.Ltmp0:
0x6f: {  	_ =	swait.ge [sflag:s15], $0x4000;
	(pc) =	sbr.rel @p0 .LBB2_2-.Ltmp0, $4  }
0x70: {  	[sflag:s15] =	ssyncset.done $0x0  }
0x71: {  	[sflag:s15] =	ssyncadd.s32 $0xFFFFC000  }
0x72: {  	_ =	swait.ge [sflag:s16], $0x4000  }
0x73: {  	[sflag:s16] =	ssyncset.done $0x0  }
0x74: {  	s17 =	sadd.s32 $0x1, s17  }
0x75: {  	p0 =	sne.s32 s17, s5  }
.Ltmp1:
0x76: {  	_ = 	snop;
	(pc) =	sbr.rel @p0 .LBB2_1-.Ltmp1, $2  }
0x77: {  	_ =	sdelay $0x2  }
0x78: {  	[sflag:s16] =	ssyncadd.s32 $0xFFFFC000  }
0x79: {  	_ =	sfence.sel $0x180000  }
0x7a: {  	[bflag:$0x0] =	sbarrier.arrive $0xFFFF  }
0x7b: {  	p0 =	sne.s32 s0, $0x0;
	_ =	strace $0x9000004A  }
0x7c: {  	s0 =	sadd.s32 @!p0 $0x100000, s1;
	[bflag:$0x2] =	sbarrier.arrive $0xFFFF  }
0x7d: {  	[sflag:s0] =	ssyncadd.tile.s32 @!p0 $0x1;
	_ =	shalt  }
.Lfunc_end2:
_tile_overlayer_lowered:
.L_overlay_start_2:
0x7e: {  	(tag) =	ssettag $0x2  }
0x7f: {  	s0 =	rddreg [dreg:$0x0];
	s2 =	stileid.u32  }
0x80: {  	s1 =	rddreg [dreg:$0x1];
	p0 =	sne.s32 s2, $0x0  }
0x81: {  	s3 =	rddreg [dreg:$0x2];
	[bflag:$0x3] =	sbarrier.arrive $0xFFFF;
	s2 =	simm.s32 @!p0 $0x1C05  }
0x82: {  	[timem:s3], [sflag:s2] =	dma.local @!p0 [hbm:s0], s1  }
0x83: {  	s0 =	simm.s32 @!p0 $0x5  }
0x84: {  	_ =	swait.ge @!p0 [sflag:s0], s1  }
0x85: {  	s1 =	ssub.s32 @!p0 $0x0, s1;
	[sflag:s0] =	ssyncset.done @!p0 $0x0  }
0x86: {  	[sflag:s0] =	ssyncadd.s32 @!p0 s1  }
0x87: {  	[bflag:$0x3] =	sbarrier.arrive $0xFFFF  }
0x88: {  	_ =	shalt  }

// kernel: kernel.8.cloned.1.call-start
scs
__scs_entry_jumppad:
0x0: {  	(pc) =	sbr.rel $0x88, $3  }
0x1: {  	(tag) =	ssettag $0x0;
	lr =	simm.s32 $0x1  }
0x2: {  	[smem:$0x3F9A] =	sst lr;
	_ =	strace $0xD0000000  }
0x3: {  	_ = 	snop  }
0x4: {  	_ = 	snop  }
0x5: {  	_ = 	snop  }
0x6: {  	_ = 	snop  }
0x7: {  	_ = 	snop  }
__scs_overlays_trampoline_lowered:
0x8: {  	[smem:$0x3FA9] =	sst s0  }
0x9: {  	[smem:$0x3FAA] =	sst s1  }
0xa: {  	[smem:$0x3FAB] =	sst s2  }
0xb: {  	[smem:$0x3FAC] =	sst s3  }
0xc: {  	[smem:$0x3FAD] =	sst s4  }
0xd: {  	[smem:$0x3FAE] =	sst s5  }
0xe: {  	[smem:$0x3FAF] =	sst s6  }
0xf: {  	[smem:$0x3FB0] =	sst s7  }
0x10: {  	[smem:$0x3FB1] =	sst s8  }
0x11: {  	[smem:$0x3FB2] =	sst s9;
	s0 =	simm.s32 @!p0 $0x0  }
0x12: {  	s1 =	sld [smem:$0x3F98];
	s0 =	simm.s32 @p0 $0x1  }
0x13: {  	[smem:$0x3FB3] =	sst s0;
	s0 =	simm.s32 @!p1 $0x0  }
0x14: {  	s2 =	sld [smem:$0x3F97];
	s0 =	simm.s32 @p1 $0x1  }
0x15: {  	[smem:$0x3FB4] =	sst s0;
	s0 =	simm.s32 @!p2 $0x0  }
0x16: {  	s3 =	sld [smem:$0x3FDB];
	s0 =	simm.s32 @p2 $0x1  }
0x17: {  	s4 =	simm.s32 $0x1BF5;
	[smem:$0x3FB6] =	sst s0  }
0x18: {  	s0 =	sld [smem:$0x3F99];
	_ =	swait.ge [sflag:s4], $0x0  }
0x19: {  	s7 =	sld [smem:$0x3F9A]  }
0x1a: {  	s8 =	sadd.s32 $0xFFFFE003, lr  }
0x1b: {  	s9 =	sadd.s32 $0xFFFFFEF7, lr;
	s5 =	simm.s32 $0xFFFFFFFF;
	p2 =	slt.u32 s8, $0xFFFFF086  }
0x1c: {  	p1 =	slt.u32 s9, $0xF7A;
	s5 =	simm.s32 @!p2 $0x0  }
0x1d: {  	s5 =	simm.s32 @p1 $0x1;
	p0 =	seq.s32 s7, s2  }
0x1e: {  	s7 =	smul.u32 @!p0 $0xF7A, s2;
	p2 =	seq.s32 @!p0 s5, $0x0  }
0x1f: {  	s9 =	smul.u32 $0xF7A, s1;
	s8 =	simm.s32 @!p0 $0x1BF5;
	p2 =	por !p2, p0  }
0x20: {  	[sflag:s8] =	ssyncset.s32 @!p0 $0xFFFFF086;
	s6 =	sadd.s32 @!p0 s3, s7;
	s7 =	simm.s32 @!p0 $0x108  }
0x21: {  	s3 =	sadd.s32 s3, s9;
	s6 =	sadd.s32 @!p0 $0x88, s6;
	s7 =	simm.s32 @p2 $0x1082  }
0x22: {  	[simem:s7], [sflag:s8] =	dma.local @!p0 [hbm:s6], $0xF7A  }
0x23: {  	s9 =	sor.u32 $0xD0000000, s2;
	s6 =	simm.s32 $0x108;
	_ =	swait.ge @!p0 [sflag:s8], $0x0  }
0x24: {  	s3 =	sadd.s32 $0x88, s3;
	s6 =	simm.s32 @!p1 $0x1082;
	[sflag:s4] =	ssyncset.s32 $0xFFFFF086  }
0x25: {  	[simem:s6], [sflag:s4] =	dma.local [hbm:s3], $0xF7A  }
0x26: {  	[smem:$0x3F9A] =	sst s1;
	(tag) =	ssettag s2;
	_ =	strace s9  }
0x27: {  	s1 =	sld [smem:$0x3FAA]  }
0x28: {  	s2 =	sld [smem:$0x3FAB]  }
0x29: {  	s4 =	sld [smem:$0x3FAD]  }
0x2a: {  	p0 =	seq.s32 s5, $0x0;
	s5 =	sld [smem:$0x3FAE]  }
0x2b: {  	s6 =	sld [smem:$0x3FAF]  }
0x2c: {  	s7 =	sld [smem:$0x3FB0]  }
0x2d: {  	s3 =	simm.s32 $0x108;
	s8 =	sld [smem:$0x3FB1]  }
0x2e: {  	s3 =	simm.s32 @!p0 $0x1082;
	s9 =	sld [smem:$0x3FB2]  }
0x2f: {  	lr =	sadd.s32 s0, s3;
	s0 =	sld [smem:$0x3FA9]  }
0x30: {  	s3 =	sld [smem:$0x3FAC]  }
0x31: {  	[smem:$0x3FB5] =	sst s10  }
0x32: {  	s10 =	sld [smem:$0x3FB3];
	_ =	sdelay $0x3  }
0x33: {  	p0 =	seq.s32 s10, $0x1;
	s10 =	sld [smem:$0x3FB5];
	_ =	sdelay $0x3  }
0x34: {  	[smem:$0x3FB5] =	sst s10  }
0x35: {  	s10 =	sld [smem:$0x3FB4];
	_ =	sdelay $0x3  }
0x36: {  	p1 =	seq.s32 s10, $0x1;
	s10 =	sld [smem:$0x3FB5];
	_ =	sdelay $0x3  }
0x37: {  	[smem:$0x3FB5] =	sst s10  }
0x38: {  	s10 =	sld [smem:$0x3FB6]  }
0x39: {  	_ = 	snop;
	(pc) =	sbr.ind lr, $3  }
0x3a: {  	_ = 	snop  }
0x3b: {  	_ = 	snop  }
0x3c: {  	p2 =	seq.s32 s10, $0x1;
	s10 =	sld [smem:$0x3FB5]  }
0x3d: {  	_ =	shalt  }
0x3e: {  	_ =	shalt  }
0x3f: {  	_ =	shalt  }
0x40: {  	_ =	shalt  }
0x41: {  	_ =	shalt  }
0x42: {  	_ =	shalt  }
0x43: {  	_ =	shalt  }
0x44: {  	_ =	shalt  }
0x45: {  	_ =	shalt  }
0x46: {  	_ =	shalt  }
0x47: {  	_ =	shalt  }
0x48: {  	_ =	shalt  }
0x49: {  	_ =	shalt  }
0x4a: {  	_ =	shalt  }
0x4b: {  	_ =	shalt  }
0x4c: {  	_ =	shalt  }
0x4d: {  	_ =	shalt  }
0x4e: {  	_ =	shalt  }
0x4f: {  	_ =	shalt  }
0x50: {  	_ =	shalt  }
0x51: {  	_ =	shalt  }
0x52: {  	_ =	shalt  }
0x53: {  	_ =	shalt  }
0x54: {  	_ =	shalt  }
0x55: {  	_ =	shalt  }
0x56: {  	_ =	shalt  }
0x57: {  	_ =	shalt  }
0x58: {  	_ =	shalt  }
0x59: {  	_ =	shalt  }
0x5a: {  	_ =	shalt  }
0x5b: {  	_ =	shalt  }
0x5c: {  	_ =	shalt  }
0x5d: {  	_ =	shalt  }
0x5e: {  	_ =	shalt  }
0x5f: {  	_ =	shalt  }
0x60: {  	_ =	shalt  }
0x61: {  	_ =	shalt  }
0x62: {  	_ =	shalt  }
0x63: {  	_ =	shalt  }
0x64: {  	_ =	shalt  }
0x65: {  	_ =	shalt  }
0x66: {  	_ =	shalt  }
0x67: {  	_ =	shalt  }
0x68: {  	_ =	shalt  }
0x69: {  	_ =	shalt  }
0x6a: {  	_ =	shalt  }
0x6b: {  	_ =	shalt  }
0x6c: {  	_ =	shalt  }
0x6d: {  	_ =	shalt  }
0x6e: {  	_ =	shalt  }
0x6f: {  	_ =	shalt  }
0x70: {  	_ =	shalt  }
0x71: {  	_ =	shalt  }
0x72: {  	_ =	shalt  }
0x73: {  	_ =	shalt  }
0x74: {  	_ =	shalt  }
0x75: {  	_ =	shalt  }
0x76: {  	_ =	shalt  }
0x77: {  	_ =	shalt  }
0x78: {  	_ =	shalt  }
0x79: {  	_ =	shalt  }
0x7a: {  	_ =	shalt  }
0x7b: {  	_ =	shalt  }
0x7c: {  	_ =	shalt  }
0x7d: {  	_ =	shalt  }
0x7e: {  	_ =	shalt  }
0x7f: {  	_ =	shalt  }
0x80: {  	_ =	shalt  }
0x81: {  	_ =	shalt  }
0x82: {  	_ =	shalt  }
0x83: {  	_ =	shalt  }
0x84: {  	_ =	shalt  }
0x85: {  	_ =	shalt  }
0x86: {  	_ =	shalt  }
0x87: {  	_ =	shalt  }
.Lfunc_end0:
.L_simem_size_0:
called_computation_lowered:
.L_overlay_start_0:
0x88: {  	s2 =	sld [smem:$0x3FD9]  }
0x89: {  	s3 =	sld [smem:$0x3FFE];
	_ =	sdelay $0x1  }
0x8a: {  	s1 =	srdreg.scid  }
0x8b: {  	s0 =	sand.u32 $0x1, s1  }
0x8c: {  	s17 =	sshll.u32 s0, $0xA;
	s2 =	sadd.s32 s3, s2  }
0x8d: {  	s2 =	sadd.s32 s2, s17  }
0x8e: {  	[smem:$0x3FC1] =	sst s2  }
0x8f: {  	_ = 	snop  }
0x90: {  	s2 =	sld [smem:$0x3FD0];
	(tm) =	ssettm $0x1  }
0x91: {  	s18 =	sld [smem:$0x3FFB];
	_ =	sdelay $0x3  }
0x92: {  	_ =	strace s18  }
0x93: {  	s3 =	sld [smem:$0x3FFC];
	_ =	sdelay $0x3  }
0x94: {  	_ =	strace s3  }
0x95: {  	s3 =	sld [smem:$0x3FFD];
	_ =	sdelay $0x3  }
0x96: {  	_ =	strace s3  }
0x97: {  	_ =	strace $0x8FFFFFFF  }
0x98: {  	s19 =	sld [smem:$0x3FDB];
	_ =	sdelay $0x1  }
0x99: {  	s4 =	simm.s32 $_scs_section_size  }
0x9a: {  	s5 =	simm.s32 $_size__tile_overlayer_lowered;
	s6 =	simm.s32 $_tile_overlayer_lowered  }
0x9b: {  	s22 =	simm.s32 $0x1BFF;
	s21 =	sshll.u32 s6, $0x1;
	s3 =	sadd.s32 s4, s19  }
0x9c: {  	s7 =	simm.s32 $0x0;
	s20 =	sshll.u32 s5, $0x1;
	s5 =	sadd.s32 s21, s3  }
0x9d: {  	[timem:s7], [sflag:s22] =	dma.local [hbm:s5], s20  }
0x9e: {  	_ =	swait.ge [sflag:s22], s20  }
0x9f: {  	s4 =	ssub.s32 $0x0, s20;
	[sflag:s22] =	ssyncset.done $0x0  }
0xa0: {  	[sflag:s22] =	ssyncadd.s32 s4;
	_ =	sdelay $0x1  }
0xa1: {  	s23 =	simm.s32 $0x1B8B  }
0xa2: {  	_ =	swait.ge [sflag:s23], $0x1  }
0xa3: {  	[sflag:s23] =	ssyncset.done $0x0  }
0xa4: {  	s25 =	simm.s32 $0x1B8E;
	s24 =	sld [smem:$0x3FFE];
	[sflag:s23] =	ssyncadd.s32 $0xFFFFFFFF  }
0xa5: {  	s26 =	simm.s32 $execute0_lowered;
	[smem:$0x3FD2] =	sst s25  }
0xa6: {  	s5 =	sshll.u32 s26, $0x1;
	_ =	strace $0x80000046;
	[dreg:$0x1] =	wrdreg $0xFFFFFFFF  }
0xa7: {  	s28 =	simm.s32 $_size_execute0_lowered;
	s3 =	sadd.s32 s3, s5;
	[dreg:$0x0] =	wrdreg $0x0  }
0xa8: {  	s5 =	sshll.u32 s28, $0x1;
	[dreg:$0x2] =	wrdreg s3  }
0xa9: {  	[dreg:$0x3] =	wrdreg s5  }
0xaa: {  	[dreg:$0x4] =	wrdreg $0xC0  }
0xab: {  	_ =	task [dreg:s7], $0x5FFFF  }
0xac: {  	[dreg:$0x1] =	wrdreg $0xFFFFFFFF  }
0xad: {  	[dreg:$0x0] =	wrdreg $0x60  }
0xae: {  	[dreg:$0x2] =	wrdreg s24  }
0xaf: {  	[dreg:$0x3] =	wrdreg s2  }
0xb0: {  	[dreg:$0x4] =	wrdreg $0x9  }
0xb1: {  	_ =	task.clear_ibuf [dreg:s7], $0x5FFFF;
	_ =	strace $0x90000046  }
0xb2: {  	s29 =	simm.s32 $0x9;
	_ =	strace $0x80000048  }
0xb3: {  	_ =	swait.ge [sflag:s29], $0x1  }
0xb4: {  	[sflag:s29] =	ssyncadd.s32 $0xFFFFFFFF  }
0xb5: {  	_ =	strace $0x90000048  }
0xb6: {  	_ =	sfence  }
0xb7: {  	s30 =	sld [smem:$0x0];
	_ =	sdelay $0x2  }
0xb8: {  	s31 =	sshll.u32 s1, $0xD;
	s1 =	sshrl.u32 s1, $0x2  }
0xb9: {  	s3 =	sand.u32 $0x4000, s31;
	s1 =	sadd.s32 s1, s30  }
0xba: {  	s0 =	sor.u32 s3, s0;
	s1 =	sshll.u32 s1, $0x11  }
0xbb: {  	s0 =	sor.u32 s1, s0  }
0xbc: {  	s0 =	sadd.s32 $0x8F2B, s0  }
0xbd: {  	[sflag:s0] =	ssyncadd.remote.s32 $0x1  }
0xbe: {  	_ =	sfence.sel $0xFFFF  }
0xbf: {  	[dreg:$0x0] =	wrdreg $0xFFFFFFFF;
	(pc) =	sbr.abs _section_cstart, $3  }
0xc0: {  	[dreg:$0x1] =	wrdreg $0xFFFFFFFF  }
0xc1: {  	_ =	task.clear_ibuf [dreg:s7], $0x2FFFF;
	_ =	strace $0x9FFFFFFF  }
0xc2: {  	(tm) =	ssettm $0x7FFFFFFF  }
0xc3: {  	_ =	shalt  }
tec
execute0_lowered:
.L_overlay_start_1:
0x0: {  	(tag) =	ssettag $0x1  }
0x1: {  	s3 =	rddreg [dreg:$0x0];
	s1 =	srdreg.scid  }
0x2: {  	s0 =	stileid.u32;
	s9 =	rddreg [dreg:$0x1]  }
0x3: {  	s2 =	simm.s32 $0x0;
	s13 =	simm.s32 $0x6100;
	s14 =	simm.s32 $0x1  }
0x4: {  	s15 =	simm.s32 $0x80;
	s16 =	simm.s32 $0x2000;
	s17 =	simm.s32 $0x2  }
0x5: {  	s18 =	simm.s32 $0x2080;
	s19 =	simm.s32 $0x3;
	s20 =	simm.s32 $0x4  }
0x6: {  	s21 =	simm.s32 $0xA100;
	s4 =	sand.u32 $0x1, s1;
	s1 =	rddreg [dreg:$0x2]  }
0x7: {  	s22 =	simm.s32 $0x0;
	s5 =	sshll.u32 s0, $0x1;
	[smem:$0x7FF] =	sst s2  }
0x8: {  	s5 =	sor.u32 s4, s5;
	_ =	strace $0x80000047;
	s31 =	ssub.s32 $0x2, s4  }
0x9: {  	s6 =	sshll.u32 s5, $0xA;
	s10 =	sand.u32 $0xF, s5;
	s5 =	sshll.u32 s5, $0x11  }
0xa: {  	s12 =	sshrl.u32 s31, $0x1;
	s6 =	sadd.s32 s6, s3;
	s7 =	sshll.u32 s10, $0x5  }
0xb: {  	s30 =	sshll.u32 s10, $0x11;
	s11 =	sadd.s32 s5, s3;
	s12 =	ssub.s32 s31, s12  }
.Ltmp0:
0xc: {  	s10 =	sshll.u32 s10, $0xC;
	s8 =	sadd.s32 s7, s3;
	(pc) =	sbr.rel .LBB2_1-.Ltmp0, $4  }
0xd: {  	s7 =	sadd.s32 s30, s3;
	s3 =	sadd.s32 $0x401A00, s6;
	s4 =	sadd.s32 $0x409C00, s11  }
0xe: {  	s9 =	sadd.s32 s9, s10;
	s10 =	smax.u32 s12, $0x1;
	s12 =	simm.s32 $0x2100  }
0xf: {  	p0 =	sgt.u32 s0, $0x7;
	s5 =	sadd.s32 $0x201A00, s7;
	s6 =	sadd.s32 $0x609C00, s7  }
0x10: {  	s7 =	sadd.s32 $0x1A00, s11;
	s8 =	sadd.s32 $0x409A00, s8;
	s11 =	simm.s32 $0x5  }
.LBB2_7:
0x11: {  	s24 =	sadd.s32 s24, s5;
	[sflag:s20] =	ssyncadd.s32 $0xFFFFC000  }
0x12: {  	[tilespmem:s12], [sflag:$0x1] =	stream.linear.gather [hbm4b:s24+s2], $0x4000, $0x38;
	[tilespmem:$0xA200] =	vst v63  }
0x13: {  	s24 =	sadd.s32 $0x800, s24  }
0x14: {  	[tilespmem:s13], [sflag:$0x2] =	stream.linear.gather [hbm4b:s24+s2], $0x4000, $0x38;
	[tilespmem:$0xA200] =	vst v63  }
0x15: {  	v0 =	vld [tilespmem:s23+$0xFFFFFF80];
	_ =	sdelay $0x4  }
0x16: {  	[tilespmem:$0x2000] =	vst v0  }
0x17: {  	v0 =	vld [tilespmem:s23+$0x0];
	_ =	sdelay $0x4  }
0x18: {  	[tilespmem:$0x2080] =	vst v0  }
0x19: {  	v0 =	vld [tilespmem:s23+$0xFFFFFF90];
	_ =	sdelay $0x4  }
0x1a: {  	[tilespmem:$0x2010] =	vst v0  }
0x1b: {  	v0 =	vld [tilespmem:s23+$0x10];
	_ =	sdelay $0x4  }
0x1c: {  	[tilespmem:$0x2090] =	vst v0  }
0x1d: {  	v0 =	vld [tilespmem:s23+$0xFFFFFFA0];
	_ =	sdelay $0x4  }
0x1e: {  	[tilespmem:$0x2020] =	vst v0  }
0x1f: {  	v0 =	vld [tilespmem:s23+$0x20];
	_ =	sdelay $0x4  }
0x20: {  	[tilespmem:$0x20A0] =	vst v0  }
0x21: {  	v0 =	vld [tilespmem:s23+$0xFFFFFFB0];
	_ =	sdelay $0x4  }
0x22: {  	[tilespmem:$0x2030] =	vst v0  }
0x23: {  	v0 =	vld [tilespmem:s23+$0x30];
	_ =	sdelay $0x4  }
0x24: {  	[tilespmem:$0x20B0] =	vst v0  }
0x25: {  	v0 =	vld [tilespmem:s23+$0xFFFFFFC0];
	_ =	sdelay $0x4  }
0x26: {  	[tilespmem:$0x2040] =	vst v0  }
0x27: {  	v0 =	vld [tilespmem:s23+$0x40];
	_ =	sdelay $0x4  }
0x28: {  	[tilespmem:$0x20C0] =	vst v0  }
0x29: {  	v0 =	vld [tilespmem:s23+$0xFFFFFFD0];
	_ =	sdelay $0x4  }
0x2a: {  	[tilespmem:$0x2050] =	vst v0  }
0x2b: {  	v0 =	vld [tilespmem:s23+$0x50];
	_ =	sdelay $0x4  }
0x2c: {  	[tilespmem:$0x20D0] =	vst v0  }
0x2d: {  	v0 =	vld [tilespmem:s23+$0xFFFFFFE0];
	_ =	sdelay $0x4  }
0x2e: {  	[tilespmem:$0x2060] =	vst v0  }
0x2f: {  	v0 =	vld [tilespmem:s23+$0x60];
	_ =	sdelay $0x4  }
0x30: {  	[tilespmem:$0x20E0] =	vst v0  }
0x31: {  	v0 =	vld [tilespmem:s23+$0xFFFFFFF0];
	_ =	sdelay $0x4  }
0x32: {  	[tilespmem:$0x2070] =	vst v0  }
0x33: {  	v0 =	vld [tilespmem:s23+$0x70];
	_ =	sdelay $0x4  }
0x34: {  	[tilespmem:$0x20F0] =	vst v0  }
0x35: {  	_ =	swait.ge [sflag:s14], $0x4000  }
0x36: {  	[sflag:s14] =	ssyncset.done $0x0  }
0x37: {  	[sflag:s14] =	ssyncadd.s32 $0xFFFFC000  }
0x38: {  	[hbm4b:s6+s15] =	stream.indirect.scatter [tilespmem:s12], [sflag:$0x3], $0x80, s16, s15, $0xb8;
	[tilespmem:$0xA200] =	vst v63  }
0x39: {  	_ =	swait.ge [sflag:s17], $0x4000  }
0x3a: {  	[sflag:s17] =	ssyncset.done $0x0  }
0x3b: {  	[sflag:s17] =	ssyncadd.s32 $0xFFFFC000  }
0x3c: {  	[hbm4b:s6+s15] =	stream.indirect.scatter [tilespmem:s13], [sflag:$0x4], $0x80, s18, s15, $0xb8;
	[tilespmem:$0xA200] =	vst v63  }
0x3d: {  	_ =	swait.ge [sflag:s19], $0x4000  }
0x3e: {  	[sflag:s19] =	ssyncset.done $0x0  }
0x3f: {  	[sflag:s19] =	ssyncadd.s32 $0xFFFFC000  }
0x40: {  	_ =	swait.ge [sflag:s20], $0x4000  }
0x41: {  	[sflag:s20] =	ssyncset.done $0x0  }
0x42: {  	[sflag:s20] =	ssyncadd.s32 $0xFFFFC000  }
0x43: {  	[tilespmem:s21], [sflag:$0x5] =	stream.linear.gather [hbm4b:s8+s2], $0x100, $0x38;
	[tilespmem:$0xA200] =	vst v63  }
0x44: {  	_ =	swait.ge [sflag:s11], $0x100  }
0x45: {  	[sflag:s11] =	ssyncset.done $0x0  }
0x46: {  	[sflag:s11] =	ssyncadd.s32 $0xFFFFFF00  }
0x47: {  	v52 =	vld [tilespmem:$0xA100]  }
0x48: {  	v1 =	vld [tilespmem:$0xA110]  }
0x49: {  	v2 =	vld [tilespmem:$0xA120]  }
0x4a: {  	v3 =	vld [tilespmem:$0xA130]  }
0x4b: {  	v4 =	vld [tilespmem:$0xA140]  }
0x4c: {  	v53 =	vld [tilespmem:$0xA150];
	[tilespmem:$0x2000] =	vst v52  }
0x4d: {  	v54 =	vld [tilespmem:$0xA160];
	[tilespmem:$0x2010] =	vst v1  }
0x4e: {  	v55 =	vld [tilespmem:$0xA170];
	[tilespmem:$0x2020] =	vst v2  }
0x4f: {  	[tilespmem:$0x2030] =	vst v3  }
0x50: {  	[tilespmem:$0x2040] =	vst v4  }
0x51: {  	[tilespmem:$0x2050] =	vst v53  }
0x52: {  	[tilespmem:$0x2060] =	vst v54  }
0x53: {  	[tilespmem:$0x2070] =	vst v55  }
0x54: {  	[tilespmem:s12], [sflag:$0x1] =	stream.indirect.gather [hbm4b:s6+s15], $0x80, s16, s15, $0xb8;
	[tilespmem:$0xA200] =	vst v63  }
0x55: {  	_ =	swait.ge [sflag:s14], $0x4000  }
0x56: {  	[sflag:s14] =	ssyncset.done $0x0  }
0x57: {  	[sflag:s14] =	ssyncadd.s32 $0xFFFFC000  }
0x58: {  	[hbm4b:s9+s2] =	stream.linear.scatter [tilespmem:s12], [sflag:$0x5], $0x4000, $0x38;
	[tilespmem:$0xA200] =	vst v63  }
0x59: {  	_ =	swait.ge [sflag:s11], $0x4000  }
0x5a: {  	[sflag:s11] =	ssyncset.done $0x0  }
0x5b: {  	[sflag:s11] =	ssyncadd.s32 $0xFFFFC000  }
0x5c: {  	v56 =	vld [tilespmem:$0xA180]  }
0x5d: {  	v57 =	vld [tilespmem:$0xA190]  }
0x5e: {  	v58 =	vld [tilespmem:$0xA1A0]  }
0x5f: {  	v59 =	vld [tilespmem:$0xA1B0]  }
0x60: {  	v60 =	vld [tilespmem:$0xA1C0]  }
0x61: {  	v61 =	vld [tilespmem:$0xA1D0];
	[tilespmem:$0x2000] =	vst v56  }
0x62: {  	v62 =	vld [tilespmem:$0xA1E0];
	[tilespmem:$0x2010] =	vst v57  }
0x63: {  	v63 =	vld [tilespmem:$0xA1F0];
	[tilespmem:$0x2020] =	vst v58  }
0x64: {  	[tilespmem:$0x2030] =	vst v59  }
0x65: {  	[tilespmem:$0x2040] =	vst v60  }
0x66: {  	[tilespmem:$0x2050] =	vst v61  }
0x67: {  	[tilespmem:$0x2060] =	vst v62  }
0x68: {  	[tilespmem:$0x2070] =	vst v63  }
0x69: {  	[tilespmem:s12], [sflag:$0x1] =	stream.indirect.gather [hbm4b:s6+s15], $0x80, s16, s15, $0xb8;
	[tilespmem:$0xA200] =	vst v63  }
0x6a: {  	_ =	swait.ge [sflag:s14], $0x4000  }
0x6b: {  	[sflag:s14] =	ssyncset.done $0x0  }
0x6c: {  	s31 =	sadd.s32 $0x800, s9;
	[sflag:s14] =	ssyncadd.s32 $0xFFFFC000  }
0x6d: {  	[hbm4b:s31+s2] =	stream.linear.scatter [tilespmem:s12], [sflag:$0x5], $0x4000, $0x38;
	[tilespmem:$0xA200] =	vst v63  }
0x6e: {  	_ =	swait.ge [sflag:s11], $0x4000  }
0x6f: {  	[sflag:s11] =	ssyncset.done $0x0  }
0x70: {  	[sflag:s11] =	ssyncadd.s32 $0xFFFFC000  }
.LBB2_8:
0x71: {  	s22 =	sadd.s32 $0x1, s22  }
0x72: {  	p1 =	sne.s32 s22, s10  }
.Ltmp1:
0x73: {  	_ = 	snop;
	(pc) =	sbr.rel @!p1 .LBB2_9-.Ltmp1, $1  }
0x74: {  	_ =	sdelay $0x3  }
.LBB2_1:
.Ltmp2:
0x75: {  	(pc) =	sbr.rel @p0 .LBB2_5-.Ltmp2, $4  }
0x76: {  	[tilespmem:s2], [sflag:$0x5] =	stream.linear.gather [hbm4b:s3+s2], $0x2000, $0x38;
	[tilespmem:$0xA200] =	vst v63  }
0x77: {  	_ =	swait.ge [sflag:s11], $0x2000  }
0x78: {  	[sflag:s11] =	ssyncset.done $0x0  }
0x79: {  	[sflag:s11] =	ssyncadd.s32 $0xFFFFE000  }
0x7a: {  	s23 =	sadd.s32 $0x0, s7  }
0x7b: {  	[tilespmem:s12], [sflag:$0x1] =	stream.linear.gather [hbm4b:s23+s2], $0x4000, $0x38;
	[tilespmem:$0xA200] =	vst v63  }
0x7c: {  	s24 =	simm.s32 $0x80;
	s23 =	sadd.s32 $0x800, s23  }
0x7d: {  	[tilespmem:s13], [sflag:$0x2] =	stream.linear.gather [hbm4b:s23+s2], $0x4000, $0x38;
	[tilespmem:$0xA200] =	vst v63  }
0x7e: {  	v0 =	vld [tilespmem:s24+$0xFFFFFF80];
	_ =	sdelay $0x4  }
0x7f: {  	[tilespmem:$0x2000] =	vst v0  }
0x80: {  	v0 =	vld [tilespmem:s24+$0x0];
	_ =	sdelay $0x4  }
0x81: {  	[tilespmem:$0x2080] =	vst v0  }
0x82: {  	v0 =	vld [tilespmem:s24+$0xFFFFFF90];
	_ =	sdelay $0x4  }
0x83: {  	[tilespmem:$0x2010] =	vst v0  }
0x84: {  	v0 =	vld [tilespmem:s24+$0x10];
	_ =	sdelay $0x4  }
0x85: {  	[tilespmem:$0x2090] =	vst v0  }
0x86: {  	v0 =	vld [tilespmem:s24+$0xFFFFFFA0];
	_ =	sdelay $0x4  }
0x87: {  	[tilespmem:$0x2020] =	vst v0  }
0x88: {  	v0 =	vld [tilespmem:s24+$0x20];
	_ =	sdelay $0x4  }
0x89: {  	[tilespmem:$0x20A0] =	vst v0  }
0x8a: {  	v0 =	vld [tilespmem:s24+$0xFFFFFFB0];
	_ =	sdelay $0x4  }
0x8b: {  	[tilespmem:$0x2030] =	vst v0  }
0x8c: {  	v0 =	vld [tilespmem:s24+$0x30];
	_ =	sdelay $0x4  }
0x8d: {  	[tilespmem:$0x20B0] =	vst v0  }
0x8e: {  	v0 =	vld [tilespmem:s24+$0xFFFFFFC0];
	_ =	sdelay $0x4  }
0x8f: {  	[tilespmem:$0x2040] =	vst v0  }
0x90: {  	v0 =	vld [tilespmem:s24+$0x40];
	_ =	sdelay $0x4  }
0x91: {  	[tilespmem:$0x20C0] =	vst v0  }
0x92: {  	v0 =	vld [tilespmem:s24+$0xFFFFFFD0];
	_ =	sdelay $0x4  }
0x93: {  	[tilespmem:$0x2050] =	vst v0  }
0x94: {  	v0 =	vld [tilespmem:s24+$0x50];
	_ =	sdelay $0x4  }
0x95: {  	[tilespmem:$0x20D0] =	vst v0  }
0x96: {  	v0 =	vld [tilespmem:s24+$0xFFFFFFE0];
	_ =	sdelay $0x4  }
0x97: {  	[tilespmem:$0x2060] =	vst v0  }
0x98: {  	v0 =	vld [tilespmem:s24+$0x60];
	_ =	sdelay $0x4  }
0x99: {  	[tilespmem:$0x20E0] =	vst v0  }
0x9a: {  	v0 =	vld [tilespmem:s24+$0xFFFFFFF0];
	_ =	sdelay $0x4  }
0x9b: {  	[tilespmem:$0x2070] =	vst v0  }
0x9c: {  	v0 =	vld [tilespmem:s24+$0x70];
	_ =	sdelay $0x4  }
0x9d: {  	[tilespmem:$0x20F0] =	vst v0  }
0x9e: {  	_ =	swait.ge [sflag:s14], $0x4000  }
0x9f: {  	[sflag:s14] =	ssyncset.done $0x0  }
0xa0: {  	[sflag:s14] =	ssyncadd.s32 $0xFFFFC000  }
0xa1: {  	[hbm4b:s4+s15] =	stream.indirect.scatter [tilespmem:s12], [sflag:$0x3], $0x80, s16, s15, $0xb8;
	[tilespmem:$0xA200] =	vst v63  }
0xa2: {  	_ =	swait.ge [sflag:s17], $0x4000  }
0xa3: {  	[sflag:s17] =	ssyncset.done $0x0  }
0xa4: {  	[sflag:s17] =	ssyncadd.s32 $0xFFFFC000  }
0xa5: {  	[hbm4b:s4+s15] =	stream.indirect.scatter [tilespmem:s13], [sflag:$0x4], $0x80, s18, s15, $0xb8;
	[tilespmem:$0xA200] =	vst v63  }
0xa6: {  	_ =	swait.ge [sflag:s19], $0x4000  }
0xa7: {  	[sflag:s19] =	ssyncset.done $0x0  }
0xa8: {  	[sflag:s19] =	ssyncadd.s32 $0xFFFFC000  }
0xa9: {  	s26 =	simm.s32 $0x2000;
	_ =	swait.ge [sflag:s20], $0x4000  }
0xaa: {  	s23 =	simm.s32 $0x180;
	s24 =	simm.s32 $0x1000;
	[sflag:s20] =	ssyncset.done $0x0  }
.LBB2_3:
0xab: {  	s28 =	sadd.s32 s24, s7  }
0xac: {  	[sflag:s20] =	ssyncadd.s32 $0xFFFFC000;
	s24 =	smov.u32 s26;
	s25 =	sadd.s32 $0x1000, s26  }
0xad: {  	[tilespmem:s12], [sflag:$0x1] =	stream.linear.gather [hbm4b:s28+s2], $0x4000, $0x38;
	[tilespmem:$0xA200] =	vst v63  }
0xae: {  	p1 =	seq.s32 s26, $0x1F000;
	s26 =	sadd.s32 $0x800, s28  }
0xaf: {  	[tilespmem:s13], [sflag:$0x2] =	stream.linear.gather [hbm4b:s26+s2], $0x4000, $0x38;
	[tilespmem:$0xA200] =	vst v63  }
0xb0: {  	v0 =	vld [tilespmem:s23+$0xFFFFFF80];
	_ =	sdelay $0x4  }
0xb1: {  	[tilespmem:$0x2000] =	vst v0  }
0xb2: {  	v0 =	vld [tilespmem:s23+$0x0];
	_ =	sdelay $0x4  }
0xb3: {  	[tilespmem:$0x2080] =	vst v0  }
0xb4: {  	v0 =	vld [tilespmem:s23+$0xFFFFFF90];
	_ =	sdelay $0x4  }
0xb5: {  	[tilespmem:$0x2010] =	vst v0  }
0xb6: {  	v0 =	vld [tilespmem:s23+$0x10];
	_ =	sdelay $0x4  }
0xb7: {  	[tilespmem:$0x2090] =	vst v0  }
0xb8: {  	v0 =	vld [tilespmem:s23+$0xFFFFFFA0];
	_ =	sdelay $0x4  }
0xb9: {  	[tilespmem:$0x2020] =	vst v0  }
0xba: {  	v0 =	vld [tilespmem:s23+$0x20];
	_ =	sdelay $0x4  }
0xbb: {  	[tilespmem:$0x20A0] =	vst v0  }
0xbc: {  	v0 =	vld [tilespmem:s23+$0xFFFFFFB0];
	_ =	sdelay $0x4  }
0xbd: {  	[tilespmem:$0x2030] =	vst v0  }
0xbe: {  	v0 =	vld [tilespmem:s23+$0x30];
	_ =	sdelay $0x4  }
0xbf: {  	[tilespmem:$0x20B0] =	vst v0  }
0xc0: {  	v0 =	vld [tilespmem:s23+$0xFFFFFFC0];
	_ =	sdelay $0x4  }
0xc1: {  	[tilespmem:$0x2040] =	vst v0  }
0xc2: {  	v0 =	vld [tilespmem:s23+$0x40];
	_ =	sdelay $0x4  }
0xc3: {  	[tilespmem:$0x20C0] =	vst v0  }
0xc4: {  	v0 =	vld [tilespmem:s23+$0xFFFFFFD0];
	_ =	sdelay $0x4  }
0xc5: {  	[tilespmem:$0x2050] =	vst v0  }
0xc6: {  	v0 =	vld [tilespmem:s23+$0x50];
	_ =	sdelay $0x4  }
0xc7: {  	[tilespmem:$0x20D0] =	vst v0  }
0xc8: {  	v0 =	vld [tilespmem:s23+$0xFFFFFFE0];
	_ =	sdelay $0x4  }
0xc9: {  	[tilespmem:$0x2060] =	vst v0  }
0xca: {  	v0 =	vld [tilespmem:s23+$0x60];
	_ =	sdelay $0x4  }
0xcb: {  	[tilespmem:$0x20E0] =	vst v0  }
0xcc: {  	v0 =	vld [tilespmem:s23+$0xFFFFFFF0];
	_ =	sdelay $0x4  }
0xcd: {  	[tilespmem:$0x2070] =	vst v0  }
0xce: {  	v0 =	vld [tilespmem:s23+$0x70];
	_ =	sdelay $0x4  }
0xcf: {  	[tilespmem:$0x20F0] =	vst v0  }
0xd0: {  	_ =	swait.ge [sflag:s14], $0x4000  }
0xd1: {  	[sflag:s14] =	ssyncset.done $0x0  }
0xd2: {  	[sflag:s14] =	ssyncadd.s32 $0xFFFFC000  }
0xd3: {  	[hbm4b:s4+s15] =	stream.indirect.scatter [tilespmem:s12], [sflag:$0x3], $0x80, s16, s15, $0xb8;
	[tilespmem:$0xA200] =	vst v63  }
0xd4: {  	_ =	swait.ge [sflag:s17], $0x4000  }
0xd5: {  	[sflag:s17] =	ssyncset.done $0x0  }
0xd6: {  	[sflag:s17] =	ssyncadd.s32 $0xFFFFC000  }
0xd7: {  	[hbm4b:s4+s15] =	stream.indirect.scatter [tilespmem:s13], [sflag:$0x4], $0x80, s18, s15, $0xb8;
	[tilespmem:$0xA200] =	vst v63  }
.Ltmp3:
0xd8: {  	_ =	swait.ge [sflag:s19], $0x4000;
	(pc) =	sbr.rel @!p1 .LBB2_3-.Ltmp3, $4  }
0xd9: {  	[sflag:s19] =	ssyncset.done $0x0  }
0xda: {  	[sflag:s19] =	ssyncadd.s32 $0xFFFFC000  }
0xdb: {  	_ =	swait.ge [sflag:s20], $0x4000  }
0xdc: {  	s26 =	smov.u32 s25;
	s23 =	sadd.s32 $0x100, s23;
	[sflag:s20] =	ssyncset.done $0x0  }
0xdd: {  	s24 =	sadd.s32 s24, s7;
	[sflag:s20] =	ssyncadd.s32 $0xFFFFC000  }
0xde: {  	[tilespmem:s12], [sflag:$0x1] =	stream.linear.gather [hbm4b:s24+s2], $0x4000, $0x38;
	[tilespmem:$0xA200] =	vst v63  }
0xdf: {  	s24 =	sadd.s32 $0x800, s24  }
0xe0: {  	[tilespmem:s13], [sflag:$0x2] =	stream.linear.gather [hbm4b:s24+s2], $0x4000, $0x38;
	[tilespmem:$0xA200] =	vst v63  }
0xe1: {  	v0 =	vld [tilespmem:s23+$0xFFFFFF80];
	_ =	sdelay $0x4  }
0xe2: {  	[tilespmem:$0x2000] =	vst v0  }
0xe3: {  	v0 =	vld [tilespmem:s23+$0x0];
	_ =	sdelay $0x4  }
0xe4: {  	[tilespmem:$0x2080] =	vst v0  }
0xe5: {  	v0 =	vld [tilespmem:s23+$0xFFFFFF90];
	_ =	sdelay $0x4  }
0xe6: {  	[tilespmem:$0x2010] =	vst v0  }
0xe7: {  	v0 =	vld [tilespmem:s23+$0x10];
	_ =	sdelay $0x4  }
0xe8: {  	[tilespmem:$0x2090] =	vst v0  }
0xe9: {  	v0 =	vld [tilespmem:s23+$0xFFFFFFA0];
	_ =	sdelay $0x4  }
0xea: {  	[tilespmem:$0x2020] =	vst v0  }
0xeb: {  	v0 =	vld [tilespmem:s23+$0x20];
	_ =	sdelay $0x4  }
0xec: {  	[tilespmem:$0x20A0] =	vst v0  }
0xed: {  	v0 =	vld [tilespmem:s23+$0xFFFFFFB0];
	_ =	sdelay $0x4  }
0xee: {  	[tilespmem:$0x2030] =	vst v0  }
0xef: {  	v0 =	vld [tilespmem:s23+$0x30];
	_ =	sdelay $0x4  }
0xf0: {  	[tilespmem:$0x20B0] =	vst v0  }
0xf1: {  	v0 =	vld [tilespmem:s23+$0xFFFFFFC0];
	_ =	sdelay $0x4  }
0xf2: {  	[tilespmem:$0x2040] =	vst v0  }
0xf3: {  	v0 =	vld [tilespmem:s23+$0x40];
	_ =	sdelay $0x4  }
0xf4: {  	[tilespmem:$0x20C0] =	vst v0  }
0xf5: {  	v0 =	vld [tilespmem:s23+$0xFFFFFFD0];
	_ =	sdelay $0x4  }
0xf6: {  	[tilespmem:$0x2050] =	vst v0  }
0xf7: {  	v0 =	vld [tilespmem:s23+$0x50];
	_ =	sdelay $0x4  }
0xf8: {  	[tilespmem:$0x20D0] =	vst v0  }
0xf9: {  	v0 =	vld [tilespmem:s23+$0xFFFFFFE0];
	_ =	sdelay $0x4  }
0xfa: {  	[tilespmem:$0x2060] =	vst v0  }
0xfb: {  	v0 =	vld [tilespmem:s23+$0x60];
	_ =	sdelay $0x4  }
0xfc: {  	[tilespmem:$0x20E0] =	vst v0  }
0xfd: {  	v0 =	vld [tilespmem:s23+$0xFFFFFFF0];
	_ =	sdelay $0x4  }
0xfe: {  	[tilespmem:$0x2070] =	vst v0  }
0xff: {  	v0 =	vld [tilespmem:s23+$0x70];
	_ =	sdelay $0x4  }
0x100: {  	[tilespmem:$0x20F0] =	vst v0  }
0x101: {  	_ =	swait.ge [sflag:s14], $0x4000  }
0x102: {  	[sflag:s14] =	ssyncset.done $0x0  }
0x103: {  	[sflag:s14] =	ssyncadd.s32 $0xFFFFC000  }
0x104: {  	[hbm4b:s4+s15] =	stream.indirect.scatter [tilespmem:s12], [sflag:$0x3], $0x80, s16, s15, $0xb8;
	[tilespmem:$0xA200] =	vst v63  }
0x105: {  	_ =	swait.ge [sflag:s17], $0x4000  }
0x106: {  	[sflag:s17] =	ssyncset.done $0x0  }
0x107: {  	[sflag:s17] =	ssyncadd.s32 $0xFFFFC000  }
0x108: {  	[hbm4b:s4+s15] =	stream.indirect.scatter [tilespmem:s13], [sflag:$0x4], $0x80, s18, s15, $0xb8;
	[tilespmem:$0xA200] =	vst v63  }
0x109: {  	_ =	swait.ge [sflag:s19], $0x4000  }
.Ltmp4:
0x10a: {  	[sflag:s19] =	ssyncset.done $0x0;
	(pc) =	sbr.rel .LBB2_8-.Ltmp4, $4  }
0x10b: {  	[sflag:s19] =	ssyncadd.s32 $0xFFFFC000  }
0x10c: {  	_ =	swait.ge [sflag:s20], $0x4000  }
0x10d: {  	[sflag:s20] =	ssyncset.done $0x0  }
0x10e: {  	[sflag:s20] =	ssyncadd.s32 $0xFFFFC000  }
.LBB2_5:
0x10f: {  	s23 =	sadd.s32 $0x0, s5  }
0x110: {  	[tilespmem:s12], [sflag:$0x1] =	stream.linear.gather [hbm4b:s23+s2], $0x4000, $0x38;
	[tilespmem:$0xA200] =	vst v63  }
0x111: {  	s24 =	simm.s32 $0x80;
	s23 =	sadd.s32 $0x800, s23  }
0x112: {  	[tilespmem:s13], [sflag:$0x2] =	stream.linear.gather [hbm4b:s23+s2], $0x4000, $0x38;
	[tilespmem:$0xA200] =	vst v63  }
0x113: {  	v0 =	vld [tilespmem:s24+$0xFFFFFF80];
	_ =	sdelay $0x4  }
0x114: {  	[tilespmem:$0x2000] =	vst v0  }
0x115: {  	v0 =	vld [tilespmem:s24+$0x0];
	_ =	sdelay $0x4  }
0x116: {  	[tilespmem:$0x2080] =	vst v0  }
0x117: {  	v0 =	vld [tilespmem:s24+$0xFFFFFF90];
	_ =	sdelay $0x4  }
0x118: {  	[tilespmem:$0x2010] =	vst v0  }
0x119: {  	v0 =	vld [tilespmem:s24+$0x10];
	_ =	sdelay $0x4  }
0x11a: {  	[tilespmem:$0x2090] =	vst v0  }
0x11b: {  	v0 =	vld [tilespmem:s24+$0xFFFFFFA0];
	_ =	sdelay $0x4  }
0x11c: {  	[tilespmem:$0x2020] =	vst v0  }
0x11d: {  	v0 =	vld [tilespmem:s24+$0x20];
	_ =	sdelay $0x4  }
0x11e: {  	[tilespmem:$0x20A0] =	vst v0  }
0x11f: {  	v0 =	vld [tilespmem:s24+$0xFFFFFFB0];
	_ =	sdelay $0x4  }
0x120: {  	[tilespmem:$0x2030] =	vst v0  }
0x121: {  	v0 =	vld [tilespmem:s24+$0x30];
	_ =	sdelay $0x4  }
0x122: {  	[tilespmem:$0x20B0] =	vst v0  }
0x123: {  	v0 =	vld [tilespmem:s24+$0xFFFFFFC0];
	_ =	sdelay $0x4  }
0x124: {  	[tilespmem:$0x2040] =	vst v0  }
0x125: {  	v0 =	vld [tilespmem:s24+$0x40];
	_ =	sdelay $0x4  }
0x126: {  	[tilespmem:$0x20C0] =	vst v0  }
0x127: {  	v0 =	vld [tilespmem:s24+$0xFFFFFFD0];
	_ =	sdelay $0x4  }
0x128: {  	[tilespmem:$0x2050] =	vst v0  }
0x129: {  	v0 =	vld [tilespmem:s24+$0x50];
	_ =	sdelay $0x4  }
0x12a: {  	[tilespmem:$0x20D0] =	vst v0  }
0x12b: {  	v0 =	vld [tilespmem:s24+$0xFFFFFFE0];
	_ =	sdelay $0x4  }
0x12c: {  	[tilespmem:$0x2060] =	vst v0  }
0x12d: {  	v0 =	vld [tilespmem:s24+$0x60];
	_ =	sdelay $0x4  }
0x12e: {  	[tilespmem:$0x20E0] =	vst v0  }
0x12f: {  	v0 =	vld [tilespmem:s24+$0xFFFFFFF0];
	_ =	sdelay $0x4  }
0x130: {  	[tilespmem:$0x2070] =	vst v0  }
0x131: {  	v0 =	vld [tilespmem:s24+$0x70];
	_ =	sdelay $0x4  }
0x132: {  	[tilespmem:$0x20F0] =	vst v0  }
0x133: {  	_ =	swait.ge [sflag:s14], $0x4000  }
0x134: {  	[sflag:s14] =	ssyncset.done $0x0  }
0x135: {  	[sflag:s14] =	ssyncadd.s32 $0xFFFFC000  }
0x136: {  	[hbm4b:s6+s15] =	stream.indirect.scatter [tilespmem:s12], [sflag:$0x3], $0x80, s16, s15, $0xb8;
	[tilespmem:$0xA200] =	vst v63  }
0x137: {  	_ =	swait.ge [sflag:s17], $0x4000  }
0x138: {  	[sflag:s17] =	ssyncset.done $0x0  }
0x139: {  	[sflag:s17] =	ssyncadd.s32 $0xFFFFC000  }
0x13a: {  	[hbm4b:s6+s15] =	stream.indirect.scatter [tilespmem:s13], [sflag:$0x4], $0x80, s18, s15, $0xb8;
	[tilespmem:$0xA200] =	vst v63  }
0x13b: {  	_ =	swait.ge [sflag:s19], $0x4000  }
0x13c: {  	[sflag:s19] =	ssyncset.done $0x0  }
0x13d: {  	[sflag:s19] =	ssyncadd.s32 $0xFFFFC000  }
0x13e: {  	s26 =	simm.s32 $0x2000;
	_ =	swait.ge [sflag:s20], $0x4000  }
0x13f: {  	s23 =	simm.s32 $0x180;
	s24 =	simm.s32 $0x1000;
	[sflag:s20] =	ssyncset.done $0x0  }
.LBB2_6:
0x140: {  	s28 =	sadd.s32 s24, s5  }
0x141: {  	[sflag:s20] =	ssyncadd.s32 $0xFFFFC000;
	s24 =	smov.u32 s26;
	s25 =	sadd.s32 $0x1000, s26  }
0x142: {  	[tilespmem:s12], [sflag:$0x1] =	stream.linear.gather [hbm4b:s28+s2], $0x4000, $0x38;
	[tilespmem:$0xA200] =	vst v63  }
0x143: {  	p1 =	sne.s32 s26, $0x1F000;
	s26 =	sadd.s32 $0x800, s28  }
0x144: {  	[tilespmem:s13], [sflag:$0x2] =	stream.linear.gather [hbm4b:s26+s2], $0x4000, $0x38;
	[tilespmem:$0xA200] =	vst v63  }
0x145: {  	v0 =	vld [tilespmem:s23+$0xFFFFFF80];
	_ =	sdelay $0x4  }
0x146: {  	[tilespmem:$0x2000] =	vst v0  }
0x147: {  	v0 =	vld [tilespmem:s23+$0x0];
	_ =	sdelay $0x4  }
0x148: {  	[tilespmem:$0x2080] =	vst v0  }
0x149: {  	v0 =	vld [tilespmem:s23+$0xFFFFFF90];
	_ =	sdelay $0x4  }
0x14a: {  	[tilespmem:$0x2010] =	vst v0  }
0x14b: {  	v0 =	vld [tilespmem:s23+$0x10];
	_ =	sdelay $0x4  }
0x14c: {  	[tilespmem:$0x2090] =	vst v0  }
0x14d: {  	v0 =	vld [tilespmem:s23+$0xFFFFFFA0];
	_ =	sdelay $0x4  }
0x14e: {  	[tilespmem:$0x2020] =	vst v0  }
0x14f: {  	v0 =	vld [tilespmem:s23+$0x20];
	_ =	sdelay $0x4  }
0x150: {  	[tilespmem:$0x20A0] =	vst v0  }
0x151: {  	v0 =	vld [tilespmem:s23+$0xFFFFFFB0];
	_ =	sdelay $0x4  }
0x152: {  	[tilespmem:$0x2030] =	vst v0  }
0x153: {  	v0 =	vld [tilespmem:s23+$0x30];
	_ =	sdelay $0x4  }
0x154: {  	[tilespmem:$0x20B0] =	vst v0  }
0x155: {  	v0 =	vld [tilespmem:s23+$0xFFFFFFC0];
	_ =	sdelay $0x4  }
0x156: {  	[tilespmem:$0x2040] =	vst v0  }
0x157: {  	v0 =	vld [tilespmem:s23+$0x40];
	_ =	sdelay $0x4  }
0x158: {  	[tilespmem:$0x20C0] =	vst v0  }
0x159: {  	v0 =	vld [tilespmem:s23+$0xFFFFFFD0];
	_ =	sdelay $0x4  }
0x15a: {  	[tilespmem:$0x2050] =	vst v0  }
0x15b: {  	v0 =	vld [tilespmem:s23+$0x50];
	_ =	sdelay $0x4  }
0x15c: {  	[tilespmem:$0x20D0] =	vst v0  }
0x15d: {  	v0 =	vld [tilespmem:s23+$0xFFFFFFE0];
	_ =	sdelay $0x4  }
0x15e: {  	[tilespmem:$0x2060] =	vst v0  }
0x15f: {  	v0 =	vld [tilespmem:s23+$0x60];
	_ =	sdelay $0x4  }
0x160: {  	[tilespmem:$0x20E0] =	vst v0  }
0x161: {  	v0 =	vld [tilespmem:s23+$0xFFFFFFF0];
	_ =	sdelay $0x4  }
0x162: {  	[tilespmem:$0x2070] =	vst v0  }
0x163: {  	v0 =	vld [tilespmem:s23+$0x70];
	_ =	sdelay $0x4  }
0x164: {  	[tilespmem:$0x20F0] =	vst v0  }
0x165: {  	_ =	swait.ge [sflag:s14], $0x4000  }
0x166: {  	[sflag:s14] =	ssyncset.done $0x0  }
0x167: {  	[sflag:s14] =	ssyncadd.s32 $0xFFFFC000  }
0x168: {  	[hbm4b:s6+s15] =	stream.indirect.scatter [tilespmem:s12], [sflag:$0x3], $0x80, s16, s15, $0xb8;
	[tilespmem:$0xA200] =	vst v63  }
0x169: {  	_ =	swait.ge [sflag:s17], $0x4000  }
0x16a: {  	[sflag:s17] =	ssyncset.done $0x0  }
0x16b: {  	[sflag:s17] =	ssyncadd.s32 $0xFFFFC000  }
0x16c: {  	[hbm4b:s6+s15] =	stream.indirect.scatter [tilespmem:s13], [sflag:$0x4], $0x80, s18, s15, $0xb8;
	[tilespmem:$0xA200] =	vst v63  }
.Ltmp5:
0x16d: {  	_ =	swait.ge [sflag:s19], $0x4000;
	(pc) =	sbr.rel @p1 .LBB2_6-.Ltmp5, $4  }
0x16e: {  	[sflag:s19] =	ssyncset.done $0x0  }
0x16f: {  	[sflag:s19] =	ssyncadd.s32 $0xFFFFC000  }
0x170: {  	_ =	swait.ge [sflag:s20], $0x4000  }
0x171: {  	s26 =	smov.u32 s25;
	s23 =	sadd.s32 $0x100, s23;
	[sflag:s20] =	ssyncset.done $0x0  }
.Ltmp6:
0x172: {  	_ = 	snop;
	(pc) =	sbr.rel .LBB2_7-.Ltmp6, $1  }
0x173: {  	_ =	sdelay $0x3  }
.LBB2_9:
0x174: {  	_ =	sfence.sel $0x180000  }
0x175: {  	[bflag:$0x0] =	sbarrier.arrive $0xFFFF  }
0x176: {  	p0 =	sne.s32 s0, $0x0;
	_ =	strace $0x90000047  }
0x177: {  	s0 =	sadd.s32 @!p0 $0x100000, s1;
	[bflag:$0x2] =	sbarrier.arrive $0xFFFF  }
0x178: {  	[sflag:s0] =	ssyncadd.tile.s32 @!p0 $0x1;
	_ =	shalt  }
.Lfunc_end2:
_tile_overlayer_lowered:
.L_overlay_start_2:
0x179: {  	(tag) =	ssettag $0x2  }
0x17a: {  	s0 =	rddreg [dreg:$0x0];
	s2 =	stileid.u32  }
0x17b: {  	s1 =	rddreg [dreg:$0x1];
	p0 =	sne.s32 s2, $0x0  }
0x17c: {  	s3 =	rddreg [dreg:$0x2];
	[bflag:$0x3] =	sbarrier.arrive $0xFFFF;
	s2 =	simm.s32 @!p0 $0x1C05  }
0x17d: {  	[timem:s3], [sflag:s2] =	dma.local @!p0 [hbm:s0], s1  }
0x17e: {  	s0 =	simm.s32 @!p0 $0x5  }
0x17f: {  	_ =	swait.ge @!p0 [sflag:s0], s1  }
0x180: {  	s1 =	ssub.s32 @!p0 $0x0, s1;
	[sflag:s0] =	ssyncset.done @!p0 $0x0  }
0x181: {  	[sflag:s0] =	ssyncadd.s32 @!p0 s1  }
0x182: {  	[bflag:$0x3] =	sbarrier.arrive $0xFFFF  }
0x183: {  	_ =	shalt  }

</sc_bundles>
